<compile_context>
chip_gen: v7x
topology: tpu7x:2x2x1
jax: 0.10.2.dev20260603
libtpu: 0.0.44.dev20260713+nightly
codegen_flags: <defaults>
</compile_context>

<pallas_src>
import functools

import jax
import jax.numpy as jnp
from jax import lax
from jax.experimental import pallas as pl
from jax.experimental.pallas import tpu as pltpu
from jax.experimental.pallas import tpu_sc as plsc

N = 10000
E = 320000
D = 128

NC = 2
NS = 16
NW = NC * NS

EPW = E // NW
CB = 64
NCHUNK = 160
GC = 8
NG = NCHUNK // GC
EPW_PAD = NCHUNK * CB

NA = N + 8

ROWS_PT = N // 10
CNT_PT = N // 10


def _matmul_body(x_ref, wa_ref, wb_ref, b_ref, t_out):
    xb = x_ref[...]
    t_out[:NA] = jnp.dot(xb, wa_ref[...], preferred_element_type=jnp.float32) + b_ref[...]
    t_out[NA:] = jnp.dot(xb, wb_ref[...], preferred_element_type=jnp.float32)


def _node_features(x_pad, wa, wb, b2d):
    return pl.pallas_call(
        _matmul_body,
        out_shape=jax.ShapeDtypeStruct((2 * NA, D), jnp.float32),
    )(x_pad, wa, wb, b2d)


def _edge_body(t_hbm, comb_hbm, dst_hbm, p_hbm, cnt0_hbm, cnt1_hbm,
               acc, cnt_s, comb_v, dst_v, g, m0, m1, ones_v, zcnt,
               sem_g, sem_s0, sem_s1, sem_c0, sem_c1):
    cid = lax.axis_index("c")
    sid = lax.axis_index("s")

    def _zero_m0(r, _):
        for k in range(8):
            m0[r, pl.ds(k * 16, 16)] = jnp.zeros((16,), jnp.float32)
        return ()
    lax.fori_loop(0, CB, _zero_m0, (), unroll=False)

    def _zero_zcnt(i, _):
        zcnt[pl.ds(i * 16, 16)] = jnp.zeros((16,), jnp.float32)
        return ()
    lax.fori_loop(0, 63, _zero_zcnt, (), unroll=False)

    @pl.when(sid < 10)
    def _():
        for j in range(ROWS_PT // CB):
            base = sid * ROWS_PT + j * CB
            pltpu.sync_copy(m0, acc.at[pl.ds(base, CB)])
        pltpu.sync_copy(m0.at[pl.ds(0, 40)],
                        acc.at[pl.ds(sid * ROWS_PT + (ROWS_PT // CB) * CB, 40)])
        pltpu.sync_copy(zcnt.at[pl.ds(0, CNT_PT)],
                        cnt_s.at[pl.ds(sid * CNT_PT, CNT_PT)])

    @pl.when(sid == 10)
    def _():
        pltpu.sync_copy(m0.at[pl.ds(0, 8)], acc.at[pl.ds(N, 8)])
        pltpu.sync_copy(zcnt.at[pl.ds(0, 8)], cnt_s.at[pl.ds(N, 8)])

    for k in range(CB // 16):
        ones_v[pl.ds(k * 16, 16)] = jnp.ones((16,), jnp.float32)

    plsc.subcore_barrier()

    wid = cid * NS + sid

    mbuf = (m0, m1)
    ssem = (sem_s0, sem_s1)
    csem = (sem_c0, sem_c1)

    def _drain(k):
        i = k % 2
        idx = dst_v.at[k]
        pltpu.make_async_copy(mbuf[i], acc.at[idx], ssem[i]).wait()
        pltpu.make_async_copy(ones_v, cnt_s.at[idx], csem[i]).wait()

    def _chunk(k):
        i = k % 2
        cp_g = pltpu.async_copy(t_hbm.at[comb_v.at[k]], g, sem_g)
        if k >= 2:
            _drain(k - 2)
        cp_g.wait()

        def _row(e, _):
            for kk in range(8):
                sl = pl.ds(kk * 16, 16)
                v = g[e, sl] + g[e + CB, sl]
                mbuf[i][e, sl] = jnp.maximum(v, 0.0)
            return ()
        lax.fori_loop(0, CB, _row, (), unroll=False)

        idx_d = dst_v.at[k]
        pltpu.async_copy(mbuf[i], acc.at[idx_d], ssem[i], add=True)
        pltpu.async_copy(ones_v, cnt_s.at[idx_d], csem[i], add=True)

    def _group(gi, _):
        pltpu.sync_copy(comb_hbm.at[wid, pl.ds(gi * GC, GC)], comb_v)
        pltpu.sync_copy(dst_hbm.at[wid, pl.ds(gi * GC, GC)], dst_v)
        for k in range(GC):
            _chunk(k)
        _drain(GC - 2)
        _drain(GC - 1)
        return ()
    lax.fori_loop(0, NG, _group, (), unroll=False)

    plsc.subcore_barrier()

    @pl.when(sid < 10)
    def _():
        for j in range(ROWS_PT // (2 * CB)):
            base = sid * ROWS_PT + j * 2 * CB
            pltpu.sync_copy(acc.at[pl.ds(base, 2 * CB)], g)
            pltpu.sync_copy(g, p_hbm.at[cid, pl.ds(base, 2 * CB)])
        tail = sid * ROWS_PT + (ROWS_PT // (2 * CB)) * 2 * CB
        pltpu.sync_copy(acc.at[pl.ds(tail, 104)], g.at[pl.ds(0, 104)])
        pltpu.sync_copy(g.at[pl.ds(0, 104)],
                        p_hbm.at[cid, pl.ds(tail, 104)])

        pltpu.sync_copy(cnt_s.at[pl.ds(sid * CNT_PT, CNT_PT)],
                        zcnt.at[pl.ds(0, CNT_PT)])

        @pl.when(cid == 0)
        def _():
            pltpu.sync_copy(zcnt.at[pl.ds(0, CNT_PT)],
                            cnt0_hbm.at[pl.ds(sid * CNT_PT, CNT_PT)])

        @pl.when(cid == 1)
        def _():
            pltpu.sync_copy(zcnt.at[pl.ds(0, CNT_PT)],
                            cnt1_hbm.at[pl.ds(sid * CNT_PT, CNT_PT)])


@functools.partial(
    pl.kernel,
    out_type=(
        jax.ShapeDtypeStruct((NC, N, D), jnp.float32),
        jax.ShapeDtypeStruct((N,), jnp.float32),
        jax.ShapeDtypeStruct((N,), jnp.float32),
    ),
    mesh=plsc.VectorSubcoreMesh(
        core_axis_name="c", subcore_axis_name="s", num_cores=NC, num_subcores=NS
    ),
    scratch_types=[
        pltpu.VMEM_SHARED((NA, D), jnp.float32),
        pltpu.VMEM_SHARED((NA,), jnp.float32),
        pltpu.VMEM((GC, 2 * CB), jnp.int32),
        pltpu.VMEM((GC, CB), jnp.int32),
        pltpu.VMEM((2 * CB, D), jnp.float32),
        pltpu.VMEM((CB, D), jnp.float32),
        pltpu.VMEM((CB, D), jnp.float32),
        pltpu.VMEM((CB,), jnp.float32),
        pltpu.VMEM((1008,), jnp.float32),
        pltpu.SemaphoreType.DMA,
        pltpu.SemaphoreType.DMA,
        pltpu.SemaphoreType.DMA,
        pltpu.SemaphoreType.DMA,
        pltpu.SemaphoreType.DMA,
    ],
)
def _edge_kernel(t_hbm, comb_hbm, dst_hbm, p_hbm, cnt0_hbm, cnt1_hbm,
                 *scratch):
    _edge_body(t_hbm, comb_hbm, dst_hbm, p_hbm, cnt0_hbm, cnt1_hbm,
               *scratch)


def _finalize_body(p_ref, c0_ref, c1_ref, o_ref):
    cnt = c0_ref[...] + c1_ref[...]
    inv = 1.0 / jnp.maximum(cnt, 1.0)
    o_ref[...] = (p_ref[0] + p_ref[1]) * inv[:, None]


def _finalize(p, cnt0, cnt1):
    return pl.pallas_call(
        _finalize_body,
        out_shape=jax.ShapeDtypeStruct((N, D), jnp.float32),
    )(p, cnt0, cnt1)


def _pad_edges(idx, pad_value):
    per_w = idx.reshape(NW, EPW)
    padded = jnp.pad(per_w, ((0, 0), (0, EPW_PAD - EPW)),
                     constant_values=pad_value)
    return padded.reshape(NW, NCHUNK, CB)


def kernel(x, edge_index, W, b):
    w1 = W[:, :D]
    w2 = W[:, D:]
    wa = (w1 - w2).T
    wb = w2.T
    b2d = b[None, :]
    x_pad = jnp.pad(x, ((0, NA - N), (0, 0)))
    table = _node_features(x_pad, wa, wb, b2d)
    dst_idx = _pad_edges(edge_index[1], N)
    src_idx = _pad_edges(edge_index[0], N)
    comb = jnp.concatenate([dst_idx, src_idx + NA], axis=-1)
    p, cnt0, cnt1 = _edge_kernel(table, comb, dst_idx)
    return _finalize(p, cnt0, cnt1)

# --- scband reference (transcript-rebuilt; emitter-appended) ---
"""Pipeline reference for scband-graph-conv-7937099563613 (READ-ONLY COPY).

The authoritative reference and input builder live on the scoring server;
editing this copy changes nothing except your own understanding.
"""

import jax, jax.numpy as jnp
import numpy as np

N = 10000
E = 320000
D = 128


def setup_inputs(seed: int = 0) -> dict:
    key = jax.random.key(seed)
    k1, k2, k3 = jax.random.split(key, 3)
    x = jax.random.normal(k1, (N, D), dtype=jnp.float32)
    edge_index = jax.random.randint(k2, (2, E), 0, N, dtype=jnp.int32)
    # EdgeConv MLP: single Linear(2*D -> D) followed by ReLU (act='relu', norm=None)
    W = jax.random.normal(k3, (D, 2 * D), dtype=jnp.float32) * (1.0 / np.sqrt(2 * D))
    b = jnp.zeros((D,), dtype=jnp.float32)
    return {"x": x, "edge_index": edge_index, "W": W, "b": b}


def reference(x, edge_index, W, b):
    # PyG EdgeConv (flow=source_to_target): x_i = x[dst], x_j = x[src]
    src = edge_index[0]
    dst = edge_index[1]
    x_i = jnp.take(x, dst, axis=0)
    x_j = jnp.take(x, src, axis=0)
    msg_in = jnp.concatenate([x_i, x_j - x_i], axis=-1)
    msg = jax.nn.relu(msg_in @ W.T + b)
    # aggr='mean' over incoming edges at dst
    summed = jax.ops.segment_sum(msg, dst, num_segments=x.shape[0])
    counts = jax.ops.segment_sum(
        jnp.ones((dst.shape[0],), dtype=msg.dtype), dst, num_segments=x.shape[0]
    )
    out = summed / jnp.clip(counts, 1.0)[:, None]
    return out

if __name__ == "__main__":
    import jax
    _d = setup_inputs()
    print(jax.jit(kernel)(*tuple(_d.values())))

</pallas_src>

<mosaic_0001>
#map = affine_map<(d0, d1) -> (0, 0)>
#map1 = affine_map<(d0, d1) -> (0, 0, 0)>
#map2 = affine_map<(d0, d1) -> (0)>
module attributes {stable_mosaic.version = 14 : i64} {
  func.func @_edge_kernel(%arg0: i32, %arg1: i32, %arg2: memref<20016x128xf32, #tpu.memory_space<hbm>>, %arg3: memref<32x160x128xi32, #tpu.memory_space<hbm>>, %arg4: memref<32x160x64xi32, #tpu.memory_space<hbm>>, %arg5: memref<2x10000x128xf32, #tpu.memory_space<hbm>>, %arg6: memref<10000xf32, #tpu.memory_space<hbm>>, %arg7: memref<10000xf32, #tpu.memory_space<hbm>>, %arg8: memref<10008x128xf32, #tpu.memory_space<vmem_shared>>, %arg9: memref<10008xf32, #tpu.memory_space<vmem_shared>>, %arg10: memref<8x128xi32, #tpu.memory_space<vmem>>, %arg11: memref<8x64xi32, #tpu.memory_space<vmem>>, %arg12: memref<128x128xf32, #tpu.memory_space<vmem>>, %arg13: memref<64x128xf32, #tpu.memory_space<vmem>>, %arg14: memref<64x128xf32, #tpu.memory_space<vmem>>, %arg15: memref<64xf32, #tpu.memory_space<vmem>>, %arg16: memref<1008xf32, #tpu.memory_space<vmem>>, %arg17: memref<!tpu.dma_semaphore, #tpu.memory_space<semaphore_mem>>, %arg18: memref<!tpu.dma_semaphore, #tpu.memory_space<semaphore_mem>>, %arg19: memref<!tpu.dma_semaphore, #tpu.memory_space<semaphore_mem>>, %arg20: memref<!tpu.dma_semaphore, #tpu.memory_space<semaphore_mem>>, %arg21: memref<!tpu.dma_semaphore, #tpu.memory_space<semaphore_mem>>) attributes {dimension_semantics = [#tpu.dimension_semantics<core_parallel>, #tpu.dimension_semantics<subcore_parallel>], iteration_bounds = array<i64: 2, 16>, scalar_prefetch = 0 : i64, scratch_operands = 14 : i64, tpu.core_type = #tpu.core_type<sc_vector_subcore>, window_params = [{transform_indices = #map}, {transform_indices = #map1}, {transform_indices = #map1}, {transform_indices = #map1}, {transform_indices = #map2}, {transform_indices = #map2}]} {
    %scan3A = arith.constant 0 : i32
    %scan3A_0 = arith.constant 64 : i32
    %scan3A_1 = arith.addi %scan3A, %scan3A_0 : i32
    %scan3A_2 = arith.constant 1 : i32
    scf.for %scan3A_49 = %scan3A to %scan3A_1 step %scan3A_2  : i32 {
      %broadcast_in_dim3A_50 = arith.constant 0.000000e+00 : f32
      %broadcast_in_dim3A_51 = vector.broadcast %broadcast_in_dim3A_50 : f32 to vector<16xf32>
      %swap3A_52 = arith.index_cast %scan3A_49 : i32 to index
      %swap3A_53 = arith.constant 0 : index
      %swap3A_54 = tpu.vector_load %arg13[%swap3A_52, %swap3A_53] {strides = array<i32>} : memref<64x128xf32, #tpu.memory_space<vmem>>, vector<1x16xf32>,
      %swap3A_55 = vector.shape_cast %swap3A_54 : vector<1x16xf32> to vector<16xf32>
      %swap3A_56 = vector.shape_cast %broadcast_in_dim3A_51 : vector<16xf32> to vector<1x16xf32>
      tpu.vector_store %arg13[%swap3A_52, %swap3A_53], %swap3A_56 {strides = array<i32>} : memref<64x128xf32, #tpu.memory_space<vmem>>, vector<1x16xf32>,
      %broadcast_in_dim3A_57 = arith.constant 0.000000e+00 : f32
      %broadcast_in_dim3A_58 = vector.broadcast %broadcast_in_dim3A_57 : f32 to vector<16xf32>
      %swap3A_59 = arith.index_cast %scan3A_49 : i32 to index
      %swap3A_60 = arith.constant 16 : index
      %swap3A_61 = tpu.vector_load %arg13[%swap3A_59, %swap3A_60] {strides = array<i32>} : memref<64x128xf32, #tpu.memory_space<vmem>>, vector<1x16xf32>,
      %swap3A_62 = vector.shape_cast %swap3A_61 : vector<1x16xf32> to vector<16xf32>
      %swap3A_63 = vector.shape_cast %broadcast_in_dim3A_58 : vector<16xf32> to vector<1x16xf32>
      tpu.vector_store %arg13[%swap3A_59, %swap3A_60], %swap3A_63 {strides = array<i32>} : memref<64x128xf32, #tpu.memory_space<vmem>>, vector<1x16xf32>,
      %broadcast_in_dim3A_64 = arith.constant 0.000000e+00 : f32
      %broadcast_in_dim3A_65 = vector.broadcast %broadcast_in_dim3A_64 : f32 to vector<16xf32>
      %swap3A_66 = arith.index_cast %scan3A_49 : i32 to index
      %swap3A_67 = arith.constant 32 : index
      %swap3A_68 = tpu.vector_load %arg13[%swap3A_66, %swap3A_67] {strides = array<i32>} : memref<64x128xf32, #tpu.memory_space<vmem>>, vector<1x16xf32>,
      %swap3A_69 = vector.shape_cast %swap3A_68 : vector<1x16xf32> to vector<16xf32>
      %swap3A_70 = vector.shape_cast %broadcast_in_dim3A_65 : vector<16xf32> to vector<1x16xf32>
      tpu.vector_store %arg13[%swap3A_66, %swap3A_67], %swap3A_70 {strides = array<i32>} : memref<64x128xf32, #tpu.memory_space<vmem>>, vector<1x16xf32>,
      %broadcast_in_dim3A_71 = arith.constant 0.000000e+00 : f32
      %broadcast_in_dim3A_72 = vector.broadcast %broadcast_in_dim3A_71 : f32 to vector<16xf32>
      %swap3A_73 = arith.index_cast %scan3A_49 : i32 to index
      %swap3A_74 = arith.constant 48 : index
      %swap3A_75 = tpu.vector_load %arg13[%swap3A_73, %swap3A_74] {strides = array<i32>} : memref<64x128xf32, #tpu.memory_space<vmem>>, vector<1x16xf32>,
      %swap3A_76 = vector.shape_cast %swap3A_75 : vector<1x16xf32> to vector<16xf32>
      %swap3A_77 = vector.shape_cast %broadcast_in_dim3A_72 : vector<16xf32> to vector<1x16xf32>
      tpu.vector_store %arg13[%swap3A_73, %swap3A_74], %swap3A_77 {strides = array<i32>} : memref<64x128xf32, #tpu.memory_space<vmem>>, vector<1x16xf32>,
      %broadcast_in_dim3A_78 = arith.constant 0.000000e+00 : f32
      %broadcast_in_dim3A_79 = vector.broadcast %broadcast_in_dim3A_78 : f32 to vector<16xf32>
      %swap3A_80 = arith.index_cast %scan3A_49 : i32 to index
      %swap3A_81 = arith.constant 64 : index
      %swap3A_82 = tpu.vector_load %arg13[%swap3A_80, %swap3A_81] {strides = array<i32>} : memref<64x128xf32, #tpu.memory_space<vmem>>, vector<1x16xf32>,
      %swap3A_83 = vector.shape_cast %swap3A_82 : vector<1x16xf32> to vector<16xf32>
      %swap3A_84 = vector.shape_cast %broadcast_in_dim3A_79 : vector<16xf32> to vector<1x16xf32>
      tpu.vector_store %arg13[%swap3A_80, %swap3A_81], %swap3A_84 {strides = array<i32>} : memref<64x128xf32, #tpu.memory_space<vmem>>, vector<1x16xf32>,
      %broadcast_in_dim3A_85 = arith.constant 0.000000e+00 : f32
      %broadcast_in_dim3A_86 = vector.broadcast %broadcast_in_dim3A_85 : f32 to vector<16xf32>
      %swap3A_87 = arith.index_cast %scan3A_49 : i32 to index
      %swap3A_88 = arith.constant 80 : index
      %swap3A_89 = tpu.vector_load %arg13[%swap3A_87, %swap3A_88] {strides = array<i32>} : memref<64x128xf32, #tpu.memory_space<vmem>>, vector<1x16xf32>,
      %swap3A_90 = vector.shape_cast %swap3A_89 : vector<1x16xf32> to vector<16xf32>
      %swap3A_91 = vector.shape_cast %broadcast_in_dim3A_86 : vector<16xf32> to vector<1x16xf32>
      tpu.vector_store %arg13[%swap3A_87, %swap3A_88], %swap3A_91 {strides = array<i32>} : memref<64x128xf32, #tpu.memory_space<vmem>>, vector<1x16xf32>,
      %broadcast_in_dim3A_92 = arith.constant 0.000000e+00 : f32
      %broadcast_in_dim3A_93 = vector.broadcast %broadcast_in_dim3A_92 : f32 to vector<16xf32>
      %swap3A_94 = arith.index_cast %scan3A_49 : i32 to index
      %swap3A_95 = arith.constant 96 : index
      %swap3A_96 = tpu.vector_load %arg13[%swap3A_94, %swap3A_95] {strides = array<i32>} : memref<64x128xf32, #tpu.memory_space<vmem>>, vector<1x16xf32>,
      %swap3A_97 = vector.shape_cast %swap3A_96 : vector<1x16xf32> to vector<16xf32>
      %swap3A_98 = vector.shape_cast %broadcast_in_dim3A_93 : vector<16xf32> to vector<1x16xf32>
      tpu.vector_store %arg13[%swap3A_94, %swap3A_95], %swap3A_98 {strides = array<i32>} : memref<64x128xf32, #tpu.memory_space<vmem>>, vector<1x16xf32>,
      %broadcast_in_dim3A_99 = arith.constant 0.000000e+00 : f32
      %broadcast_in_dim3A_100 = vector.broadcast %broadcast_in_dim3A_99 : f32 to vector<16xf32>
      %swap3A_101 = arith.index_cast %scan3A_49 : i32 to index
      %swap3A_102 = arith.constant 112 : index
      %swap3A_103 = tpu.vector_load %arg13[%swap3A_101, %swap3A_102] {strides = array<i32>} : memref<64x128xf32, #tpu.memory_space<vmem>>, vector<1x16xf32>,
      %swap3A_104 = vector.shape_cast %swap3A_103 : vector<1x16xf32> to vector<16xf32>
      %swap3A_105 = vector.shape_cast %broadcast_in_dim3A_100 : vector<16xf32> to vector<1x16xf32>
      tpu.vector_store %arg13[%swap3A_101, %swap3A_102], %swap3A_105 {strides = array<i32>} : memref<64x128xf32, #tpu.memory_space<vmem>>, vector<1x16xf32>,
    }
    %scan3A_3 = arith.constant 64 : i32
    %scan3A_4 = arith.constant 0 : i32
    %scan3A_5 = arith.constant 63 : i32
    %scan3A_6 = arith.addi %scan3A_4, %scan3A_5 : i32
    %scan3A_7 = arith.constant 1 : i32
    scf.for %scan3A_49 = %scan3A_4 to %scan3A_6 step %scan3A_7  : i32 {
      %broadcast_in_dim3A_50 = arith.constant 0.000000e+00 : f32
      %broadcast_in_dim3A_51 = vector.broadcast %broadcast_in_dim3A_50 : f32 to vector<16xf32>
      %mul3A_52 = arith.constant 16 : i32
      %mul3A_53 = arith.muli %scan3A_49, %mul3A_52 : i32
      %swap3A_54 = arith.index_cast %mul3A_53 : i32 to index
      %swap3A_55 = tpu.vector_load %arg16[%swap3A_54] {strides = array<i32>} : memref<1008xf32, #tpu.memory_space<vmem>>, vector<16xf32>,
      %swap3A_56 = vector.shape_cast %swap3A_55 : vector<16xf32> to vector<16xf32>
      %swap3A_57 = vector.shape_cast %broadcast_in_dim3A_51 : vector<16xf32> to vector<16xf32>
      tpu.vector_store %arg16[%swap3A_54], %swap3A_57 {strides = array<i32>} : memref<1008xf32, #tpu.memory_space<vmem>>, vector<16xf32>,
    }
    %scan3A_8 = arith.constant 63 : i32
    %lt3A = arith.constant 10 : i32
    %lt3A_9 = arith.cmpi slt, %arg1, %lt3A : i32
    %convert_element_type3A = arith.extui %lt3A_9 : i1 to i32
    %cond3A = arith.constant 0 : i32
    %cond3A_10 = arith.cmpi ne, %convert_element_type3A, %cond3A : i32
    scf.if %cond3A_10 {
      %mul3A_49 = arith.constant 1000 : i32
      %mul3A_50 = arith.muli %arg1, %mul3A_49 : i32
      %add3A_51 = arith.constant 0 : i32
      %add3A_52 = arith.addi %mul3A_50, %add3A_51 : i32
      "tpu.region"() ({
        %run_scoped3A = tpu.sem_alloc : memref<!tpu.dma_semaphore, #tpu.memory_space<semaphore_mem>>
        %dma_start3A = arith.constant 0 : i32
        %dma_start3A_115 = tpu.memref_slice %arg8[%add3A_52, %dma_start3A] : memref<10008x128xf32, #tpu.memory_space<vmem_shared>> -> memref<64x128xf32, #tpu.memory_space<vmem_shared>>
        %dma_start3A_116 = arith.constant 0 : i32
        %dma_start3A_117 = tpu.memref_slice %arg8[%add3A_52, %dma_start3A_116] : memref<10008x128xf32, #tpu.memory_space<vmem_shared>> -> memref<64x128xf32, #tpu.memory_space<vmem_shared>>
        tpu.enqueue_dma source(%arg13 : memref<64x128xf32, #tpu.memory_space<vmem>>) target(%dma_start3A_117 : memref<64x128xf32, #tpu.memory_space<vmem_shared>>) target_semaphore(%run_scoped3A : memref<!tpu.dma_semaphore, #tpu.memory_space<semaphore_mem>>)
        %dma_wait3A = arith.constant 0 : i32
        %dma_wait3A_118 = tpu.memref_slice %arg8[%add3A_52, %dma_wait3A] : memref<10008x128xf32, #tpu.memory_space<vmem_shared>> -> memref<64x128xf32, #tpu.memory_space<vmem_shared>>
        %dma_wait3A_119 = arith.constant 0 : i32
        %dma_wait3A_120 = tpu.memref_slice %arg8[%add3A_52, %dma_wait3A_119] : memref<10008x128xf32, #tpu.memory_space<vmem_shared>> -> memref<64x128xf32, #tpu.memory_space<vmem_shared>>
        tpu.wait_dma2 semaphore(%run_scoped3A : memref<!tpu.dma_semaphore, #tpu.memory_space<semaphore_mem>>) src(%arg13 : memref<64x128xf32, #tpu.memory_space<vmem>>) dst(%dma_wait3A_120 : memref<64x128xf32, #tpu.memory_space<vmem_shared>>)
        tpu.yield
      }) : () -> ()
      %mul3A_53 = arith.constant 1000 : i32
      %mul3A_54 = arith.muli %arg1, %mul3A_53 : i32
      %add3A_55 = arith.constant 64 : i32
      %add3A_56 = arith.addi %mul3A_54, %add3A_55 : i32
      "tpu.region"() ({
        %run_scoped3A = tpu.sem_alloc : memref<!tpu.dma_semaphore, #tpu.memory_space<semaphore_mem>>
        %dma_start3A = arith.constant 0 : i32
        %dma_start3A_115 = tpu.memref_slice %arg8[%add3A_56, %dma_start3A] : memref<10008x128xf32, #tpu.memory_space<vmem_shared>> -> memref<64x128xf32, #tpu.memory_space<vmem_shared>>
        %dma_start3A_116 = arith.constant 0 : i32
        %dma_start3A_117 = tpu.memref_slice %arg8[%add3A_56, %dma_start3A_116] : memref<10008x128xf32, #tpu.memory_space<vmem_shared>> -> memref<64x128xf32, #tpu.memory_space<vmem_shared>>
        tpu.enqueue_dma source(%arg13 : memref<64x128xf32, #tpu.memory_space<vmem>>) target(%dma_start3A_117 : memref<64x128xf32, #tpu.memory_space<vmem_shared>>) target_semaphore(%run_scoped3A : memref<!tpu.dma_semaphore, #tpu.memory_space<semaphore_mem>>)
        %dma_wait3A = arith.constant 0 : i32
        %dma_wait3A_118 = tpu.memref_slice %arg8[%add3A_56, %dma_wait3A] : memref<10008x128xf32, #tpu.memory_space<vmem_shared>> -> memref<64x128xf32, #tpu.memory_space<vmem_shared>>
        %dma_wait3A_119 = arith.constant 0 : i32
        %dma_wait3A_120 = tpu.memref_slice %arg8[%add3A_56, %dma_wait3A_119] : memref<10008x128xf32, #tpu.memory_space<vmem_shared>> -> memref<64x128xf32, #tpu.memory_space<vmem_shared>>
        tpu.wait_dma2 semaphore(%run_scoped3A : memref<!tpu.dma_semaphore, #tpu.memory_space<semaphore_mem>>) src(%arg13 : memref<64x128xf32, #tpu.memory_space<vmem>>) dst(%dma_wait3A_120 : memref<64x128xf32, #tpu.memory_space<vmem_shared>>)
        tpu.yield
      }) : () -> ()
      %mul3A_57 = arith.constant 1000 : i32
      %mul3A_58 = arith.muli %arg1, %mul3A_57 : i32
      %add3A_59 = arith.constant 128 : i32
      %add3A_60 = arith.addi %mul3A_58, %add3A_59 : i32
      "tpu.region"() ({
        %run_scoped3A = tpu.sem_alloc : memref<!tpu.dma_semaphore, #tpu.memory_space<semaphore_mem>>
        %dma_start3A = arith.constant 0 : i32
        %dma_start3A_115 = tpu.memref_slice %arg8[%add3A_60, %dma_start3A] : memref<10008x128xf32, #tpu.memory_space<vmem_shared>> -> memref<64x128xf32, #tpu.memory_space<vmem_shared>>
        %dma_start3A_116 = arith.constant 0 : i32
        %dma_start3A_117 = tpu.memref_slice %arg8[%add3A_60, %dma_start3A_116] : memref<10008x128xf32, #tpu.memory_space<vmem_shared>> -> memref<64x128xf32, #tpu.memory_space<vmem_shared>>
        tpu.enqueue_dma source(%arg13 : memref<64x128xf32, #tpu.memory_space<vmem>>) target(%dma_start3A_117 : memref<64x128xf32, #tpu.memory_space<vmem_shared>>) target_semaphore(%run_scoped3A : memref<!tpu.dma_semaphore, #tpu.memory_space<semaphore_mem>>)
        %dma_wait3A = arith.constant 0 : i32
        %dma_wait3A_118 = tpu.memref_slice %arg8[%add3A_60, %dma_wait3A] : memref<10008x128xf32, #tpu.memory_space<vmem_shared>> -> memref<64x128xf32, #tpu.memory_space<vmem_shared>>
        %dma_wait3A_119 = arith.constant 0 : i32
        %dma_wait3A_120 = tpu.memref_slice %arg8[%add3A_60, %dma_wait3A_119] : memref<10008x128xf32, #tpu.memory_space<vmem_shared>> -> memref<64x128xf32, #tpu.memory_space<vmem_shared>>
        tpu.wait_dma2 semaphore(%run_scoped3A : memref<!tpu.dma_semaphore, #tpu.memory_space<semaphore_mem>>) src(%arg13 : memref<64x128xf32, #tpu.memory_space<vmem>>) dst(%dma_wait3A_120 : memref<64x128xf32, #tpu.memory_space<vmem_shared>>)
        tpu.yield
      }) : () -> ()
      %mul3A_61 = arith.constant 1000 : i32
      %mul3A_62 = arith.muli %arg1, %mul3A_61 : i32
      %add3A_63 = arith.constant 192 : i32
      %add3A_64 = arith.addi %mul3A_62, %add3A_63 : i32
      "tpu.region"() ({
        %run_scoped3A = tpu.sem_alloc : memref<!tpu.dma_semaphore, #tpu.memory_space<semaphore_mem>>
        %dma_start3A = arith.constant 0 : i32
        %dma_start3A_115 = tpu.memref_slice %arg8[%add3A_64, %dma_start3A] : memref<10008x128xf32, #tpu.memory_space<vmem_shared>> -> memref<64x128xf32, #tpu.memory_space<vmem_shared>>
        %dma_start3A_116 = arith.constant 0 : i32
        %dma_start3A_117 = tpu.memref_slice %arg8[%add3A_64, %dma_start3A_116] : memref<10008x128xf32, #tpu.memory_space<vmem_shared>> -> memref<64x128xf32, #tpu.memory_space<vmem_shared>>
        tpu.enqueue_dma source(%arg13 : memref<64x128xf32, #tpu.memory_space<vmem>>) target(%dma_start3A_117 : memref<64x128xf32, #tpu.memory_space<vmem_shared>>) target_semaphore(%run_scoped3A : memref<!tpu.dma_semaphore, #tpu.memory_space<semaphore_mem>>)
        %dma_wait3A = arith.constant 0 : i32
        %dma_wait3A_118 = tpu.memref_slice %arg8[%add3A_64, %dma_wait3A] : memref<10008x128xf32, #tpu.memory_space<vmem_shared>> -> memref<64x128xf32, #tpu.memory_space<vmem_shared>>
        %dma_wait3A_119 = arith.constant 0 : i32
        %dma_wait3A_120 = tpu.memref_slice %arg8[%add3A_64, %dma_wait3A_119] : memref<10008x128xf32, #tpu.memory_space<vmem_shared>> -> memref<64x128xf32, #tpu.memory_space<vmem_shared>>
        tpu.wait_dma2 semaphore(%run_scoped3A : memref<!tpu.dma_semaphore, #tpu.memory_space<semaphore_mem>>) src(%arg13 : memref<64x128xf32, #tpu.memory_space<vmem>>) dst(%dma_wait3A_120 : memref<64x128xf32, #tpu.memory_space<vmem_shared>>)
        tpu.yield
      }) : () -> ()
      %mul3A_65 = arith.constant 1000 : i32
      %mul3A_66 = arith.muli %arg1, %mul3A_65 : i32
      %add3A_67 = arith.constant 256 : i32
      %add3A_68 = arith.addi %mul3A_66, %add3A_67 : i32
      "tpu.region"() ({
        %run_scoped3A = tpu.sem_alloc : memref<!tpu.dma_semaphore, #tpu.memory_space<semaphore_mem>>
        %dma_start3A = arith.constant 0 : i32
        %dma_start3A_115 = tpu.memref_slice %arg8[%add3A_68, %dma_start3A] : memref<10008x128xf32, #tpu.memory_space<vmem_shared>> -> memref<64x128xf32, #tpu.memory_space<vmem_shared>>
        %dma_start3A_116 = arith.constant 0 : i32
        %dma_start3A_117 = tpu.memref_slice %arg8[%add3A_68, %dma_start3A_116] : memref<10008x128xf32, #tpu.memory_space<vmem_shared>> -> memref<64x128xf32, #tpu.memory_space<vmem_shared>>
        tpu.enqueue_dma source(%arg13 : memref<64x128xf32, #tpu.memory_space<vmem>>) target(%dma_start3A_117 : memref<64x128xf32, #tpu.memory_space<vmem_shared>>) target_semaphore(%run_scoped3A : memref<!tpu.dma_semaphore, #tpu.memory_space<semaphore_mem>>)
        %dma_wait3A = arith.constant 0 : i32
        %dma_wait3A_118 = tpu.memref_slice %arg8[%add3A_68, %dma_wait3A] : memref<10008x128xf32, #tpu.memory_space<vmem_shared>> -> memref<64x128xf32, #tpu.memory_space<vmem_shared>>
        %dma_wait3A_119 = arith.constant 0 : i32
        %dma_wait3A_120 = tpu.memref_slice %arg8[%add3A_68, %dma_wait3A_119] : memref<10008x128xf32, #tpu.memory_space<vmem_shared>> -> memref<64x128xf32, #tpu.memory_space<vmem_shared>>
        tpu.wait_dma2 semaphore(%run_scoped3A : memref<!tpu.dma_semaphore, #tpu.memory_space<semaphore_mem>>) src(%arg13 : memref<64x128xf32, #tpu.memory_space<vmem>>) dst(%dma_wait3A_120 : memref<64x128xf32, #tpu.memory_space<vmem_shared>>)
        tpu.yield
      }) : () -> ()
      %mul3A_69 = arith.constant 1000 : i32
      %mul3A_70 = arith.muli %arg1, %mul3A_69 : i32
      %add3A_71 = arith.constant 320 : i32
      %add3A_72 = arith.addi %mul3A_70, %add3A_71 : i32
      "tpu.region"() ({
        %run_scoped3A = tpu.sem_alloc : memref<!tpu.dma_semaphore, #tpu.memory_space<semaphore_mem>>
        %dma_start3A = arith.constant 0 : i32
        %dma_start3A_115 = tpu.memref_slice %arg8[%add3A_72, %dma_start3A] : memref<10008x128xf32, #tpu.memory_space<vmem_shared>> -> memref<64x128xf32, #tpu.memory_space<vmem_shared>>
        %dma_start3A_116 = arith.constant 0 : i32
        %dma_start3A_117 = tpu.memref_slice %arg8[%add3A_72, %dma_start3A_116] : memref<10008x128xf32, #tpu.memory_space<vmem_shared>> -> memref<64x128xf32, #tpu.memory_space<vmem_shared>>
        tpu.enqueue_dma source(%arg13 : memref<64x128xf32, #tpu.memory_space<vmem>>) target(%dma_start3A_117 : memref<64x128xf32, #tpu.memory_space<vmem_shared>>) target_semaphore(%run_scoped3A : memref<!tpu.dma_semaphore, #tpu.memory_space<semaphore_mem>>)
        %dma_wait3A = arith.constant 0 : i32
        %dma_wait3A_118 = tpu.memref_slice %arg8[%add3A_72, %dma_wait3A] : memref<10008x128xf32, #tpu.memory_space<vmem_shared>> -> memref<64x128xf32, #tpu.memory_space<vmem_shared>>
        %dma_wait3A_119 = arith.constant 0 : i32
        %dma_wait3A_120 = tpu.memref_slice %arg8[%add3A_72, %dma_wait3A_119] : memref<10008x128xf32, #tpu.memory_space<vmem_shared>> -> memref<64x128xf32, #tpu.memory_space<vmem_shared>>
        tpu.wait_dma2 semaphore(%run_scoped3A : memref<!tpu.dma_semaphore, #tpu.memory_space<semaphore_mem>>) src(%arg13 : memref<64x128xf32, #tpu.memory_space<vmem>>) dst(%dma_wait3A_120 : memref<64x128xf32, #tpu.memory_space<vmem_shared>>)
        tpu.yield
      }) : () -> ()
      %mul3A_73 = arith.constant 1000 : i32
      %mul3A_74 = arith.muli %arg1, %mul3A_73 : i32
      %add3A_75 = arith.constant 384 : i32
      %add3A_76 = arith.addi %mul3A_74, %add3A_75 : i32
      "tpu.region"() ({
        %run_scoped3A = tpu.sem_alloc : memref<!tpu.dma_semaphore, #tpu.memory_space<semaphore_mem>>
        %dma_start3A = arith.constant 0 : i32
        %dma_start3A_115 = tpu.memref_slice %arg8[%add3A_76, %dma_start3A] : memref<10008x128xf32, #tpu.memory_space<vmem_shared>> -> memref<64x128xf32, #tpu.memory_space<vmem_shared>>
        %dma_start3A_116 = arith.constant 0 : i32
        %dma_start3A_117 = tpu.memref_slice %arg8[%add3A_76, %dma_start3A_116] : memref<10008x128xf32, #tpu.memory_space<vmem_shared>> -> memref<64x128xf32, #tpu.memory_space<vmem_shared>>
        tpu.enqueue_dma source(%arg13 : memref<64x128xf32, #tpu.memory_space<vmem>>) target(%dma_start3A_117 : memref<64x128xf32, #tpu.memory_space<vmem_shared>>) target_semaphore(%run_scoped3A : memref<!tpu.dma_semaphore, #tpu.memory_space<semaphore_mem>>)
        %dma_wait3A = arith.constant 0 : i32
        %dma_wait3A_118 = tpu.memref_slice %arg8[%add3A_76, %dma_wait3A] : memref<10008x128xf32, #tpu.memory_space<vmem_shared>> -> memref<64x128xf32, #tpu.memory_space<vmem_shared>>
        %dma_wait3A_119 = arith.constant 0 : i32
        %dma_wait3A_120 = tpu.memref_slice %arg8[%add3A_76, %dma_wait3A_119] : memref<10008x128xf32, #tpu.memory_space<vmem_shared>> -> memref<64x128xf32, #tpu.memory_space<vmem_shared>>
        tpu.wait_dma2 semaphore(%run_scoped3A : memref<!tpu.dma_semaphore, #tpu.memory_space<semaphore_mem>>) src(%arg13 : memref<64x128xf32, #tpu.memory_space<vmem>>) dst(%dma_wait3A_120 : memref<64x128xf32, #tpu.memory_space<vmem_shared>>)
        tpu.yield
      }) : () -> ()
      %mul3A_77 = arith.constant 1000 : i32
      %mul3A_78 = arith.muli %arg1, %mul3A_77 : i32
      %add3A_79 = arith.constant 448 : i32
      %add3A_80 = arith.addi %mul3A_78, %add3A_79 : i32
      "tpu.region"() ({
        %run_scoped3A = tpu.sem_alloc : memref<!tpu.dma_semaphore, #tpu.memory_space<semaphore_mem>>
        %dma_start3A = arith.constant 0 : i32
        %dma_start3A_115 = tpu.memref_slice %arg8[%add3A_80, %dma_start3A] : memref<10008x128xf32, #tpu.memory_space<vmem_shared>> -> memref<64x128xf32, #tpu.memory_space<vmem_shared>>
        %dma_start3A_116 = arith.constant 0 : i32
        %dma_start3A_117 = tpu.memref_slice %arg8[%add3A_80, %dma_start3A_116] : memref<10008x128xf32, #tpu.memory_space<vmem_shared>> -> memref<64x128xf32, #tpu.memory_space<vmem_shared>>
        tpu.enqueue_dma source(%arg13 : memref<64x128xf32, #tpu.memory_space<vmem>>) target(%dma_start3A_117 : memref<64x128xf32, #tpu.memory_space<vmem_shared>>) target_semaphore(%run_scoped3A : memref<!tpu.dma_semaphore, #tpu.memory_space<semaphore_mem>>)
        %dma_wait3A = arith.constant 0 : i32
        %dma_wait3A_118 = tpu.memref_slice %arg8[%add3A_80, %dma_wait3A] : memref<10008x128xf32, #tpu.memory_space<vmem_shared>> -> memref<64x128xf32, #tpu.memory_space<vmem_shared>>
        %dma_wait3A_119 = arith.constant 0 : i32
        %dma_wait3A_120 = tpu.memref_slice %arg8[%add3A_80, %dma_wait3A_119] : memref<10008x128xf32, #tpu.memory_space<vmem_shared>> -> memref<64x128xf32, #tpu.memory_space<vmem_shared>>
        tpu.wait_dma2 semaphore(%run_scoped3A : memref<!tpu.dma_semaphore, #tpu.memory_space<semaphore_mem>>) src(%arg13 : memref<64x128xf32, #tpu.memory_space<vmem>>) dst(%dma_wait3A_120 : memref<64x128xf32, #tpu.memory_space<vmem_shared>>)
        tpu.yield
      }) : () -> ()
      %mul3A_81 = arith.constant 1000 : i32
      %mul3A_82 = arith.muli %arg1, %mul3A_81 : i32
      %add3A_83 = arith.constant 512 : i32
      %add3A_84 = arith.addi %mul3A_82, %add3A_83 : i32
      "tpu.region"() ({
        %run_scoped3A = tpu.sem_alloc : memref<!tpu.dma_semaphore, #tpu.memory_space<semaphore_mem>>
        %dma_start3A = arith.constant 0 : i32
        %dma_start3A_115 = tpu.memref_slice %arg8[%add3A_84, %dma_start3A] : memref<10008x128xf32, #tpu.memory_space<vmem_shared>> -> memref<64x128xf32, #tpu.memory_space<vmem_shared>>
        %dma_start3A_116 = arith.constant 0 : i32
        %dma_start3A_117 = tpu.memref_slice %arg8[%add3A_84, %dma_start3A_116] : memref<10008x128xf32, #tpu.memory_space<vmem_shared>> -> memref<64x128xf32, #tpu.memory_space<vmem_shared>>
        tpu.enqueue_dma source(%arg13 : memref<64x128xf32, #tpu.memory_space<vmem>>) target(%dma_start3A_117 : memref<64x128xf32, #tpu.memory_space<vmem_shared>>) target_semaphore(%run_scoped3A : memref<!tpu.dma_semaphore, #tpu.memory_space<semaphore_mem>>)
        %dma_wait3A = arith.constant 0 : i32
        %dma_wait3A_118 = tpu.memref_slice %arg8[%add3A_84, %dma_wait3A] : memref<10008x128xf32, #tpu.memory_space<vmem_shared>> -> memref<64x128xf32, #tpu.memory_space<vmem_shared>>
        %dma_wait3A_119 = arith.constant 0 : i32
        %dma_wait3A_120 = tpu.memref_slice %arg8[%add3A_84, %dma_wait3A_119] : memref<10008x128xf32, #tpu.memory_space<vmem_shared>> -> memref<64x128xf32, #tpu.memory_space<vmem_shared>>
        tpu.wait_dma2 semaphore(%run_scoped3A : memref<!tpu.dma_semaphore, #tpu.memory_space<semaphore_mem>>) src(%arg13 : memref<64x128xf32, #tpu.memory_space<vmem>>) dst(%dma_wait3A_120 : memref<64x128xf32, #tpu.memory_space<vmem_shared>>)
        tpu.yield
      }) : () -> ()
      %mul3A_85 = arith.constant 1000 : i32
      %mul3A_86 = arith.muli %arg1, %mul3A_85 : i32
      %add3A_87 = arith.constant 576 : i32
      %add3A_88 = arith.addi %mul3A_86, %add3A_87 : i32
      "tpu.region"() ({
        %run_scoped3A = tpu.sem_alloc : memref<!tpu.dma_semaphore, #tpu.memory_space<semaphore_mem>>
        %dma_start3A = arith.constant 0 : i32
        %dma_start3A_115 = tpu.memref_slice %arg8[%add3A_88, %dma_start3A] : memref<10008x128xf32, #tpu.memory_space<vmem_shared>> -> memref<64x128xf32, #tpu.memory_space<vmem_shared>>
        %dma_start3A_116 = arith.constant 0 : i32
        %dma_start3A_117 = tpu.memref_slice %arg8[%add3A_88, %dma_start3A_116] : memref<10008x128xf32, #tpu.memory_space<vmem_shared>> -> memref<64x128xf32, #tpu.memory_space<vmem_shared>>
        tpu.enqueue_dma source(%arg13 : memref<64x128xf32, #tpu.memory_space<vmem>>) target(%dma_start3A_117 : memref<64x128xf32, #tpu.memory_space<vmem_shared>>) target_semaphore(%run_scoped3A : memref<!tpu.dma_semaphore, #tpu.memory_space<semaphore_mem>>)
        %dma_wait3A = arith.constant 0 : i32
        %dma_wait3A_118 = tpu.memref_slice %arg8[%add3A_88, %dma_wait3A] : memref<10008x128xf32, #tpu.memory_space<vmem_shared>> -> memref<64x128xf32, #tpu.memory_space<vmem_shared>>
        %dma_wait3A_119 = arith.constant 0 : i32
        %dma_wait3A_120 = tpu.memref_slice %arg8[%add3A_88, %dma_wait3A_119] : memref<10008x128xf32, #tpu.memory_space<vmem_shared>> -> memref<64x128xf32, #tpu.memory_space<vmem_shared>>
        tpu.wait_dma2 semaphore(%run_scoped3A : memref<!tpu.dma_semaphore, #tpu.memory_space<semaphore_mem>>) src(%arg13 : memref<64x128xf32, #tpu.memory_space<vmem>>) dst(%dma_wait3A_120 : memref<64x128xf32, #tpu.memory_space<vmem_shared>>)
        tpu.yield
      }) : () -> ()
      %mul3A_89 = arith.constant 1000 : i32
      %mul3A_90 = arith.muli %arg1, %mul3A_89 : i32
      %add3A_91 = arith.constant 640 : i32
      %add3A_92 = arith.addi %mul3A_90, %add3A_91 : i32
      "tpu.region"() ({
        %run_scoped3A = tpu.sem_alloc : memref<!tpu.dma_semaphore, #tpu.memory_space<semaphore_mem>>
        %dma_start3A = arith.constant 0 : i32
        %dma_start3A_115 = tpu.memref_slice %arg8[%add3A_92, %dma_start3A] : memref<10008x128xf32, #tpu.memory_space<vmem_shared>> -> memref<64x128xf32, #tpu.memory_space<vmem_shared>>
        %dma_start3A_116 = arith.constant 0 : i32
        %dma_start3A_117 = tpu.memref_slice %arg8[%add3A_92, %dma_start3A_116] : memref<10008x128xf32, #tpu.memory_space<vmem_shared>> -> memref<64x128xf32, #tpu.memory_space<vmem_shared>>
        tpu.enqueue_dma source(%arg13 : memref<64x128xf32, #tpu.memory_space<vmem>>) target(%dma_start3A_117 : memref<64x128xf32, #tpu.memory_space<vmem_shared>>) target_semaphore(%run_scoped3A : memref<!tpu.dma_semaphore, #tpu.memory_space<semaphore_mem>>)
        %dma_wait3A = arith.constant 0 : i32
        %dma_wait3A_118 = tpu.memref_slice %arg8[%add3A_92, %dma_wait3A] : memref<10008x128xf32, #tpu.memory_space<vmem_shared>> -> memref<64x128xf32, #tpu.memory_space<vmem_shared>>
        %dma_wait3A_119 = arith.constant 0 : i32
        %dma_wait3A_120 = tpu.memref_slice %arg8[%add3A_92, %dma_wait3A_119] : memref<10008x128xf32, #tpu.memory_space<vmem_shared>> -> memref<64x128xf32, #tpu.memory_space<vmem_shared>>
        tpu.wait_dma2 semaphore(%run_scoped3A : memref<!tpu.dma_semaphore, #tpu.memory_space<semaphore_mem>>) src(%arg13 : memref<64x128xf32, #tpu.memory_space<vmem>>) dst(%dma_wait3A_120 : memref<64x128xf32, #tpu.memory_space<vmem_shared>>)
        tpu.yield
      }) : () -> ()
      %mul3A_93 = arith.constant 1000 : i32
      %mul3A_94 = arith.muli %arg1, %mul3A_93 : i32
      %add3A_95 = arith.constant 704 : i32
      %add3A_96 = arith.addi %mul3A_94, %add3A_95 : i32
      "tpu.region"() ({
        %run_scoped3A = tpu.sem_alloc : memref<!tpu.dma_semaphore, #tpu.memory_space<semaphore_mem>>
        %dma_start3A = arith.constant 0 : i32
        %dma_start3A_115 = tpu.memref_slice %arg8[%add3A_96, %dma_start3A] : memref<10008x128xf32, #tpu.memory_space<vmem_shared>> -> memref<64x128xf32, #tpu.memory_space<vmem_shared>>
        %dma_start3A_116 = arith.constant 0 : i32
        %dma_start3A_117 = tpu.memref_slice %arg8[%add3A_96, %dma_start3A_116] : memref<10008x128xf32, #tpu.memory_space<vmem_shared>> -> memref<64x128xf32, #tpu.memory_space<vmem_shared>>
        tpu.enqueue_dma source(%arg13 : memref<64x128xf32, #tpu.memory_space<vmem>>) target(%dma_start3A_117 : memref<64x128xf32, #tpu.memory_space<vmem_shared>>) target_semaphore(%run_scoped3A : memref<!tpu.dma_semaphore, #tpu.memory_space<semaphore_mem>>)
        %dma_wait3A = arith.constant 0 : i32
        %dma_wait3A_118 = tpu.memref_slice %arg8[%add3A_96, %dma_wait3A] : memref<10008x128xf32, #tpu.memory_space<vmem_shared>> -> memref<64x128xf32, #tpu.memory_space<vmem_shared>>
        %dma_wait3A_119 = arith.constant 0 : i32
        %dma_wait3A_120 = tpu.memref_slice %arg8[%add3A_96, %dma_wait3A_119] : memref<10008x128xf32, #tpu.memory_space<vmem_shared>> -> memref<64x128xf32, #tpu.memory_space<vmem_shared>>
        tpu.wait_dma2 semaphore(%run_scoped3A : memref<!tpu.dma_semaphore, #tpu.memory_space<semaphore_mem>>) src(%arg13 : memref<64x128xf32, #tpu.memory_space<vmem>>) dst(%dma_wait3A_120 : memref<64x128xf32, #tpu.memory_space<vmem_shared>>)
        tpu.yield
      }) : () -> ()
      %mul3A_97 = arith.constant 1000 : i32
      %mul3A_98 = arith.muli %arg1, %mul3A_97 : i32
      %add3A_99 = arith.constant 768 : i32
      %add3A_100 = arith.addi %mul3A_98, %add3A_99 : i32
      "tpu.region"() ({
        %run_scoped3A = tpu.sem_alloc : memref<!tpu.dma_semaphore, #tpu.memory_space<semaphore_mem>>
        %dma_start3A = arith.constant 0 : i32
        %dma_start3A_115 = tpu.memref_slice %arg8[%add3A_100, %dma_start3A] : memref<10008x128xf32, #tpu.memory_space<vmem_shared>> -> memref<64x128xf32, #tpu.memory_space<vmem_shared>>
        %dma_start3A_116 = arith.constant 0 : i32
        %dma_start3A_117 = tpu.memref_slice %arg8[%add3A_100, %dma_start3A_116] : memref<10008x128xf32, #tpu.memory_space<vmem_shared>> -> memref<64x128xf32, #tpu.memory_space<vmem_shared>>
        tpu.enqueue_dma source(%arg13 : memref<64x128xf32, #tpu.memory_space<vmem>>) target(%dma_start3A_117 : memref<64x128xf32, #tpu.memory_space<vmem_shared>>) target_semaphore(%run_scoped3A : memref<!tpu.dma_semaphore, #tpu.memory_space<semaphore_mem>>)
        %dma_wait3A = arith.constant 0 : i32
        %dma_wait3A_118 = tpu.memref_slice %arg8[%add3A_100, %dma_wait3A] : memref<10008x128xf32, #tpu.memory_space<vmem_shared>> -> memref<64x128xf32, #tpu.memory_space<vmem_shared>>
        %dma_wait3A_119 = arith.constant 0 : i32
        %dma_wait3A_120 = tpu.memref_slice %arg8[%add3A_100, %dma_wait3A_119] : memref<10008x128xf32, #tpu.memory_space<vmem_shared>> -> memref<64x128xf32, #tpu.memory_space<vmem_shared>>
        tpu.wait_dma2 semaphore(%run_scoped3A : memref<!tpu.dma_semaphore, #tpu.memory_space<semaphore_mem>>) src(%arg13 : memref<64x128xf32, #tpu.memory_space<vmem>>) dst(%dma_wait3A_120 : memref<64x128xf32, #tpu.memory_space<vmem_shared>>)
        tpu.yield
      }) : () -> ()
      %mul3A_101 = arith.constant 1000 : i32
      %mul3A_102 = arith.muli %arg1, %mul3A_101 : i32
      %add3A_103 = arith.constant 832 : i32
      %add3A_104 = arith.addi %mul3A_102, %add3A_103 : i32
      "tpu.region"() ({
        %run_scoped3A = tpu.sem_alloc : memref<!tpu.dma_semaphore, #tpu.memory_space<semaphore_mem>>
        %dma_start3A = arith.constant 0 : i32
        %dma_start3A_115 = tpu.memref_slice %arg8[%add3A_104, %dma_start3A] : memref<10008x128xf32, #tpu.memory_space<vmem_shared>> -> memref<64x128xf32, #tpu.memory_space<vmem_shared>>
        %dma_start3A_116 = arith.constant 0 : i32
        %dma_start3A_117 = tpu.memref_slice %arg8[%add3A_104, %dma_start3A_116] : memref<10008x128xf32, #tpu.memory_space<vmem_shared>> -> memref<64x128xf32, #tpu.memory_space<vmem_shared>>
        tpu.enqueue_dma source(%arg13 : memref<64x128xf32, #tpu.memory_space<vmem>>) target(%dma_start3A_117 : memref<64x128xf32, #tpu.memory_space<vmem_shared>>) target_semaphore(%run_scoped3A : memref<!tpu.dma_semaphore, #tpu.memory_space<semaphore_mem>>)
        %dma_wait3A = arith.constant 0 : i32
        %dma_wait3A_118 = tpu.memref_slice %arg8[%add3A_104, %dma_wait3A] : memref<10008x128xf32, #tpu.memory_space<vmem_shared>> -> memref<64x128xf32, #tpu.memory_space<vmem_shared>>
        %dma_wait3A_119 = arith.constant 0 : i32
        %dma_wait3A_120 = tpu.memref_slice %arg8[%add3A_104, %dma_wait3A_119] : memref<10008x128xf32, #tpu.memory_space<vmem_shared>> -> memref<64x128xf32, #tpu.memory_space<vmem_shared>>
        tpu.wait_dma2 semaphore(%run_scoped3A : memref<!tpu.dma_semaphore, #tpu.memory_space<semaphore_mem>>) src(%arg13 : memref<64x128xf32, #tpu.memory_space<vmem>>) dst(%dma_wait3A_120 : memref<64x128xf32, #tpu.memory_space<vmem_shared>>)
        tpu.yield
      }) : () -> ()
      %mul3A_105 = arith.constant 1000 : i32
      %mul3A_106 = arith.muli %arg1, %mul3A_105 : i32
      %add3A_107 = arith.constant 896 : i32
      %add3A_108 = arith.addi %mul3A_106, %add3A_107 : i32
      "tpu.region"() ({
        %run_scoped3A = tpu.sem_alloc : memref<!tpu.dma_semaphore, #tpu.memory_space<semaphore_mem>>
        %dma_start3A = arith.constant 0 : i32
        %dma_start3A_115 = tpu.memref_slice %arg8[%add3A_108, %dma_start3A] : memref<10008x128xf32, #tpu.memory_space<vmem_shared>> -> memref<64x128xf32, #tpu.memory_space<vmem_shared>>
        %dma_start3A_116 = arith.constant 0 : i32
        %dma_start3A_117 = tpu.memref_slice %arg8[%add3A_108, %dma_start3A_116] : memref<10008x128xf32, #tpu.memory_space<vmem_shared>> -> memref<64x128xf32, #tpu.memory_space<vmem_shared>>
        tpu.enqueue_dma source(%arg13 : memref<64x128xf32, #tpu.memory_space<vmem>>) target(%dma_start3A_117 : memref<64x128xf32, #tpu.memory_space<vmem_shared>>) target_semaphore(%run_scoped3A : memref<!tpu.dma_semaphore, #tpu.memory_space<semaphore_mem>>)
        %dma_wait3A = arith.constant 0 : i32
        %dma_wait3A_118 = tpu.memref_slice %arg8[%add3A_108, %dma_wait3A] : memref<10008x128xf32, #tpu.memory_space<vmem_shared>> -> memref<64x128xf32, #tpu.memory_space<vmem_shared>>
        %dma_wait3A_119 = arith.constant 0 : i32
        %dma_wait3A_120 = tpu.memref_slice %arg8[%add3A_108, %dma_wait3A_119] : memref<10008x128xf32, #tpu.memory_space<vmem_shared>> -> memref<64x128xf32, #tpu.memory_space<vmem_shared>>
        tpu.wait_dma2 semaphore(%run_scoped3A : memref<!tpu.dma_semaphore, #tpu.memory_space<semaphore_mem>>) src(%arg13 : memref<64x128xf32, #tpu.memory_space<vmem>>) dst(%dma_wait3A_120 : memref<64x128xf32, #tpu.memory_space<vmem_shared>>)
        tpu.yield
      }) : () -> ()
      %mul3A_109 = arith.constant 1000 : i32
      %mul3A_110 = arith.muli %arg1, %mul3A_109 : i32
      %add3A_111 = arith.constant 960 : i32
      %add3A_112 = arith.addi %mul3A_110, %add3A_111 : i32
      "tpu.region"() ({
        %run_scoped3A = tpu.sem_alloc : memref<!tpu.dma_semaphore, #tpu.memory_space<semaphore_mem>>
        %dma_start3A = arith.constant 0 : i32
        %dma_start3A_115 = arith.constant 0 : i32
        %dma_start3A_116 = tpu.memref_slice %arg13[%dma_start3A, %dma_start3A_115] : memref<64x128xf32, #tpu.memory_space<vmem>> -> memref<40x128xf32, #tpu.memory_space<vmem>>
        %dma_start3A_117 = arith.constant 0 : i32
        %dma_start3A_118 = tpu.memref_slice %arg8[%add3A_112, %dma_start3A_117] : memref<10008x128xf32, #tpu.memory_space<vmem_shared>> -> memref<40x128xf32, #tpu.memory_space<vmem_shared>>
        %dma_start3A_119 = arith.constant 0 : i32
        %dma_start3A_120 = tpu.memref_slice %arg8[%add3A_112, %dma_start3A_119] : memref<10008x128xf32, #tpu.memory_space<vmem_shared>> -> memref<40x128xf32, #tpu.memory_space<vmem_shared>>
        %dma_start3A_121 = arith.constant 0 : i32
        %dma_start3A_122 = arith.constant 0 : i32
        %dma_start3A_123 = tpu.memref_slice %arg13[%dma_start3A_121, %dma_start3A_122] : memref<64x128xf32, #tpu.memory_space<vmem>> -> memref<40x128xf32, #tpu.memory_space<vmem>>
        tpu.enqueue_dma source(%dma_start3A_123 : memref<40x128xf32, #tpu.memory_space<vmem>>) target(%dma_start3A_120 : memref<40x128xf32, #tpu.memory_space<vmem_shared>>) target_semaphore(%run_scoped3A : memref<!tpu.dma_semaphore, #tpu.memory_space<semaphore_mem>>)
        %dma_wait3A = arith.constant 0 : i32
        %dma_wait3A_124 = arith.constant 0 : i32
        %dma_wait3A_125 = tpu.memref_slice %arg13[%dma_wait3A, %dma_wait3A_124] : memref<64x128xf32, #tpu.memory_space<vmem>> -> memref<40x128xf32, #tpu.memory_space<vmem>>
        %dma_wait3A_126 = arith.constant 0 : i32
        %dma_wait3A_127 = tpu.memref_slice %arg8[%add3A_112, %dma_wait3A_126] : memref<10008x128xf32, #tpu.memory_space<vmem_shared>> -> memref<40x128xf32, #tpu.memory_space<vmem_shared>>
        %dma_wait3A_128 = arith.constant 0 : i32
        %dma_wait3A_129 = tpu.memref_slice %arg8[%add3A_112, %dma_wait3A_128] : memref<10008x128xf32, #tpu.memory_space<vmem_shared>> -> memref<40x128xf32, #tpu.memory_space<vmem_shared>>
        %dma_wait3A_130 = arith.constant 0 : i32
        %dma_wait3A_131 = arith.constant 0 : i32
        %dma_wait3A_132 = tpu.memref_slice %arg13[%dma_wait3A_130, %dma_wait3A_131] : memref<64x128xf32, #tpu.memory_space<vmem>> -> memref<40x128xf32, #tpu.memory_space<vmem>>
        tpu.wait_dma2 semaphore(%run_scoped3A : memref<!tpu.dma_semaphore, #tpu.memory_space<semaphore_mem>>) src(%dma_wait3A_132 : memref<40x128xf32, #tpu.memory_space<vmem>>) dst(%dma_wait3A_129 : memref<40x128xf32, #tpu.memory_space<vmem_shared>>)
        tpu.yield
      }) : () -> ()
      %mul3A_113 = arith.constant 1000 : i32
      %mul3A_114 = arith.muli %arg1, %mul3A_113 : i32
      "tpu.region"() ({
        %run_scoped3A = tpu.sem_alloc : memref<!tpu.dma_semaphore, #tpu.memory_space<semaphore_mem>>
        %dma_start3A = arith.constant 0 : i32
        %dma_start3A_115 = tpu.memref_slice %arg16[%dma_start3A] : memref<1008xf32, #tpu.memory_space<vmem>> -> memref<1000xf32, #tpu.memory_space<vmem>>
        %dma_start3A_116 = tpu.memref_slice %arg9[%mul3A_114] : memref<10008xf32, #tpu.memory_space<vmem_shared>> -> memref<1000xf32, #tpu.memory_space<vmem_shared>>
        %dma_start3A_117 = tpu.memref_slice %arg9[%mul3A_114] : memref<10008xf32, #tpu.memory_space<vmem_shared>> -> memref<1000xf32, #tpu.memory_space<vmem_shared>>
        %dma_start3A_118 = arith.constant 0 : i32
        %dma_start3A_119 = tpu.memref_slice %arg16[%dma_start3A_118] : memref<1008xf32, #tpu.memory_space<vmem>> -> memref<1000xf32, #tpu.memory_space<vmem>>
        tpu.enqueue_dma source(%dma_start3A_119 : memref<1000xf32, #tpu.memory_space<vmem>>) target(%dma_start3A_117 : memref<1000xf32, #tpu.memory_space<vmem_shared>>) target_semaphore(%run_scoped3A : memref<!tpu.dma_semaphore, #tpu.memory_space<semaphore_mem>>)
        %dma_wait3A = arith.constant 0 : i32
        %dma_wait3A_120 = tpu.memref_slice %arg16[%dma_wait3A] : memref<1008xf32, #tpu.memory_space<vmem>> -> memref<1000xf32, #tpu.memory_space<vmem>>
        %dma_wait3A_121 = tpu.memref_slice %arg9[%mul3A_114] : memref<10008xf32, #tpu.memory_space<vmem_shared>> -> memref<1000xf32, #tpu.memory_space<vmem_shared>>
        %dma_wait3A_122 = tpu.memref_slice %arg9[%mul3A_114] : memref<10008xf32, #tpu.memory_space<vmem_shared>> -> memref<1000xf32, #tpu.memory_space<vmem_shared>>
        %dma_wait3A_123 = arith.constant 0 : i32
        %dma_wait3A_124 = tpu.memref_slice %arg16[%dma_wait3A_123] : memref<1008xf32, #tpu.memory_space<vmem>> -> memref<1000xf32, #tpu.memory_space<vmem>>
        tpu.wait_dma2 semaphore(%run_scoped3A : memref<!tpu.dma_semaphore, #tpu.memory_space<semaphore_mem>>) src(%dma_wait3A_124 : memref<1000xf32, #tpu.memory_space<vmem>>) dst(%dma_wait3A_122 : memref<1000xf32, #tpu.memory_space<vmem_shared>>)
        tpu.yield
      }) : () -> ()
    } else {
    }
    %eq3A = arith.constant 10 : i32
    %eq3A_11 = arith.cmpi eq, %arg1, %eq3A : i32
    %convert_element_type3A_12 = arith.extui %eq3A_11 : i1 to i32
    %cond3A_13 = arith.constant 0 : i32
    %cond3A_14 = arith.cmpi ne, %convert_element_type3A_12, %cond3A_13 : i32
    scf.if %cond3A_14 {
      "tpu.region"() ({
        %run_scoped3A = tpu.sem_alloc : memref<!tpu.dma_semaphore, #tpu.memory_space<semaphore_mem>>
        %dma_start3A = arith.constant 0 : i32
        %dma_start3A_49 = arith.constant 0 : i32
        %dma_start3A_50 = tpu.memref_slice %arg13[%dma_start3A, %dma_start3A_49] : memref<64x128xf32, #tpu.memory_space<vmem>> -> memref<8x128xf32, #tpu.memory_space<vmem>>
        %dma_start3A_51 = arith.constant 10000 : i32
        %dma_start3A_52 = arith.constant 0 : i32
        %dma_start3A_53 = tpu.memref_slice %arg8[%dma_start3A_51, %dma_start3A_52] : memref<10008x128xf32, #tpu.memory_space<vmem_shared>> -> memref<8x128xf32, #tpu.memory_space<vmem_shared>>
        %dma_start3A_54 = arith.constant 10000 : i32
        %dma_start3A_55 = arith.constant 0 : i32
        %dma_start3A_56 = tpu.memref_slice %arg8[%dma_start3A_54, %dma_start3A_55] : memref<10008x128xf32, #tpu.memory_space<vmem_shared>> -> memref<8x128xf32, #tpu.memory_space<vmem_shared>>
        %dma_start3A_57 = arith.constant 0 : i32
        %dma_start3A_58 = arith.constant 0 : i32
        %dma_start3A_59 = tpu.memref_slice %arg13[%dma_start3A_57, %dma_start3A_58] : memref<64x128xf32, #tpu.memory_space<vmem>> -> memref<8x128xf32, #tpu.memory_space<vmem>>
        tpu.enqueue_dma source(%dma_start3A_59 : memref<8x128xf32, #tpu.memory_space<vmem>>) target(%dma_start3A_56 : memref<8x128xf32, #tpu.memory_space<vmem_shared>>) target_semaphore(%run_scoped3A : memref<!tpu.dma_semaphore, #tpu.memory_space<semaphore_mem>>)
        %dma_wait3A = arith.constant 0 : i32
        %dma_wait3A_60 = arith.constant 0 : i32
        %dma_wait3A_61 = tpu.memref_slice %arg13[%dma_wait3A, %dma_wait3A_60] : memref<64x128xf32, #tpu.memory_space<vmem>> -> memref<8x128xf32, #tpu.memory_space<vmem>>
        %dma_wait3A_62 = arith.constant 10000 : i32
        %dma_wait3A_63 = arith.constant 0 : i32
        %dma_wait3A_64 = tpu.memref_slice %arg8[%dma_wait3A_62, %dma_wait3A_63] : memref<10008x128xf32, #tpu.memory_space<vmem_shared>> -> memref<8x128xf32, #tpu.memory_space<vmem_shared>>
        %dma_wait3A_65 = arith.constant 10000 : i32
        %dma_wait3A_66 = arith.constant 0 : i32
        %dma_wait3A_67 = tpu.memref_slice %arg8[%dma_wait3A_65, %dma_wait3A_66] : memref<10008x128xf32, #tpu.memory_space<vmem_shared>> -> memref<8x128xf32, #tpu.memory_space<vmem_shared>>
        %dma_wait3A_68 = arith.constant 0 : i32
        %dma_wait3A_69 = arith.constant 0 : i32
        %dma_wait3A_70 = tpu.memref_slice %arg13[%dma_wait3A_68, %dma_wait3A_69] : memref<64x128xf32, #tpu.memory_space<vmem>> -> memref<8x128xf32, #tpu.memory_space<vmem>>
        tpu.wait_dma2 semaphore(%run_scoped3A : memref<!tpu.dma_semaphore, #tpu.memory_space<semaphore_mem>>) src(%dma_wait3A_70 : memref<8x128xf32, #tpu.memory_space<vmem>>) dst(%dma_wait3A_67 : memref<8x128xf32, #tpu.memory_space<vmem_shared>>)
        tpu.yield
      }) : () -> ()
      "tpu.region"() ({
        %run_scoped3A = tpu.sem_alloc : memref<!tpu.dma_semaphore, #tpu.memory_space<semaphore_mem>>
        %dma_start3A = arith.constant 0 : i32
        %dma_start3A_49 = tpu.memref_slice %arg16[%dma_start3A] : memref<1008xf32, #tpu.memory_space<vmem>> -> memref<8xf32, #tpu.memory_space<vmem>>
        %dma_start3A_50 = arith.constant 10000 : i32
        %dma_start3A_51 = tpu.memref_slice %arg9[%dma_start3A_50] : memref<10008xf32, #tpu.memory_space<vmem_shared>> -> memref<8xf32, #tpu.memory_space<vmem_shared>>
        %dma_start3A_52 = arith.constant 10000 : i32
        %dma_start3A_53 = tpu.memref_slice %arg9[%dma_start3A_52] : memref<10008xf32, #tpu.memory_space<vmem_shared>> -> memref<8xf32, #tpu.memory_space<vmem_shared>>
        %dma_start3A_54 = arith.constant 0 : i32
        %dma_start3A_55 = tpu.memref_slice %arg16[%dma_start3A_54] : memref<1008xf32, #tpu.memory_space<vmem>> -> memref<8xf32, #tpu.memory_space<vmem>>
        tpu.enqueue_dma source(%dma_start3A_55 : memref<8xf32, #tpu.memory_space<vmem>>) target(%dma_start3A_53 : memref<8xf32, #tpu.memory_space<vmem_shared>>) target_semaphore(%run_scoped3A : memref<!tpu.dma_semaphore, #tpu.memory_space<semaphore_mem>>)
        %dma_wait3A = arith.constant 0 : i32
        %dma_wait3A_56 = tpu.memref_slice %arg16[%dma_wait3A] : memref<1008xf32, #tpu.memory_space<vmem>> -> memref<8xf32, #tpu.memory_space<vmem>>
        %dma_wait3A_57 = arith.constant 10000 : i32
        %dma_wait3A_58 = tpu.memref_slice %arg9[%dma_wait3A_57] : memref<10008xf32, #tpu.memory_space<vmem_shared>> -> memref<8xf32, #tpu.memory_space<vmem_shared>>
        %dma_wait3A_59 = arith.constant 10000 : i32
        %dma_wait3A_60 = tpu.memref_slice %arg9[%dma_wait3A_59] : memref<10008xf32, #tpu.memory_space<vmem_shared>> -> memref<8xf32, #tpu.memory_space<vmem_shared>>
        %dma_wait3A_61 = arith.constant 0 : i32
        %dma_wait3A_62 = tpu.memref_slice %arg16[%dma_wait3A_61] : memref<1008xf32, #tpu.memory_space<vmem>> -> memref<8xf32, #tpu.memory_space<vmem>>
        tpu.wait_dma2 semaphore(%run_scoped3A : memref<!tpu.dma_semaphore, #tpu.memory_space<semaphore_mem>>) src(%dma_wait3A_62 : memref<8xf32, #tpu.memory_space<vmem>>) dst(%dma_wait3A_60 : memref<8xf32, #tpu.memory_space<vmem_shared>>)
        tpu.yield
      }) : () -> ()
    } else {
    }
    %broadcast_in_dim3A = arith.constant 1.000000e+00 : f32
    %broadcast_in_dim3A_15 = vector.broadcast %broadcast_in_dim3A : f32 to vector<16xf32>
    %swap3A = arith.constant 0 : index
    %swap3A_16 = tpu.vector_load %arg15[%swap3A] {strides = array<i32>} : memref<64xf32, #tpu.memory_space<vmem>>, vector<16xf32>,
    %swap3A_17 = vector.shape_cast %swap3A_16 : vector<16xf32> to vector<16xf32>
    %swap3A_18 = vector.shape_cast %broadcast_in_dim3A_15 : vector<16xf32> to vector<16xf32>
    tpu.vector_store %arg15[%swap3A], %swap3A_18 {strides = array<i32>} : memref<64xf32, #tpu.memory_space<vmem>>, vector<16xf32>,
    %broadcast_in_dim3A_19 = arith.constant 1.000000e+00 : f32
    %broadcast_in_dim3A_20 = vector.broadcast %broadcast_in_dim3A_19 : f32 to vector<16xf32>
    %swap3A_21 = arith.constant 16 : index
    %swap3A_22 = tpu.vector_load %arg15[%swap3A_21] {strides = array<i32>} : memref<64xf32, #tpu.memory_space<vmem>>, vector<16xf32>,
    %swap3A_23 = vector.shape_cast %swap3A_22 : vector<16xf32> to vector<16xf32>
    %swap3A_24 = vector.shape_cast %broadcast_in_dim3A_20 : vector<16xf32> to vector<16xf32>
    tpu.vector_store %arg15[%swap3A_21], %swap3A_24 {strides = array<i32>} : memref<64xf32, #tpu.memory_space<vmem>>, vector<16xf32>,
    %broadcast_in_dim3A_25 = arith.constant 1.000000e+00 : f32
    %broadcast_in_dim3A_26 = vector.broadcast %broadcast_in_dim3A_25 : f32 to vector<16xf32>
    %swap3A_27 = arith.constant 32 : index
    %swap3A_28 = tpu.vector_load %arg15[%swap3A_27] {strides = array<i32>} : memref<64xf32, #tpu.memory_space<vmem>>, vector<16xf32>,
    %swap3A_29 = vector.shape_cast %swap3A_28 : vector<16xf32> to vector<16xf32>
    %swap3A_30 = vector.shape_cast %broadcast_in_dim3A_26 : vector<16xf32> to vector<16xf32>
    tpu.vector_store %arg15[%swap3A_27], %swap3A_30 {strides = array<i32>} : memref<64xf32, #tpu.memory_space<vmem>>, vector<16xf32>,
    %broadcast_in_dim3A_31 = arith.constant 1.000000e+00 : f32
    %broadcast_in_dim3A_32 = vector.broadcast %broadcast_in_dim3A_31 : f32 to vector<16xf32>
    %swap3A_33 = arith.constant 48 : index
    %swap3A_34 = tpu.vector_load %arg15[%swap3A_33] {strides = array<i32>} : memref<64xf32, #tpu.memory_space<vmem>>, vector<16xf32>,
    %swap3A_35 = vector.shape_cast %swap3A_34 : vector<16xf32> to vector<16xf32>
    %swap3A_36 = vector.shape_cast %broadcast_in_dim3A_32 : vector<16xf32> to vector<16xf32>
    tpu.vector_store %arg15[%swap3A_33], %swap3A_36 {strides = array<i32>} : memref<64xf32, #tpu.memory_space<vmem>>, vector<16xf32>,
    %barrier3A = arith.constant 0 : index
    tpu.barrier barrier_id(%barrier3A)
    %mul3A = arith.constant 16 : i32
    %mul3A_37 = arith.muli %arg0, %mul3A : i32
    %add3A = arith.addi %mul3A_37, %arg1 : i32
    %scan3A_38 = arith.constant 0 : i32
    %scan3A_39 = arith.constant 20 : i32
    %scan3A_40 = arith.addi %scan3A_38, %scan3A_39 : i32
    %scan3A_41 = arith.constant 1 : i32
    scf.for %scan3A_49 = %scan3A_38 to %scan3A_40 step %scan3A_41  : i32 {
      %mul3A_50 = arith.constant 8 : i32
      %mul3A_51 = arith.muli %scan3A_49, %mul3A_50 : i32
      "tpu.region"() ({
        %run_scoped3A = tpu.sem_alloc : memref<!tpu.dma_semaphore, #tpu.memory_space<semaphore_mem>>
        %dma_start3A_412 = arith.constant 0 : i32
        %dma_start3A_413 = tpu.memref_slice %arg3[%add3A, %mul3A_51, %dma_start3A_412] : memref<32x160x128xi32, #tpu.memory_space<hbm>> -> memref<1x8x128xi32, #tpu.memory_space<hbm>>
        %dma_start3A_414 = tpu.memref_squeeze %dma_start3A_413 : memref<1x8x128xi32, #tpu.memory_space<hbm>> -> memref<8x128xi32, #tpu.memory_space<hbm>>
        %dma_start3A_415 = arith.constant 0 : i32
        %dma_start3A_416 = tpu.memref_slice %arg3[%add3A, %mul3A_51, %dma_start3A_415] : memref<32x160x128xi32, #tpu.memory_space<hbm>> -> memref<1x8x128xi32, #tpu.memory_space<hbm>>
        %dma_start3A_417 = tpu.memref_squeeze %dma_start3A_416 : memref<1x8x128xi32, #tpu.memory_space<hbm>> -> memref<8x128xi32, #tpu.memory_space<hbm>>
        tpu.enqueue_dma source(%dma_start3A_417 : memref<8x128xi32, #tpu.memory_space<hbm>>) target(%arg10 : memref<8x128xi32, #tpu.memory_space<vmem>>) target_semaphore(%run_scoped3A : memref<!tpu.dma_semaphore, #tpu.memory_space<semaphore_mem>>)
        %dma_wait3A_418 = arith.constant 0 : i32
        %dma_wait3A_419 = tpu.memref_slice %arg3[%add3A, %mul3A_51, %dma_wait3A_418] : memref<32x160x128xi32, #tpu.memory_space<hbm>> -> memref<1x8x128xi32, #tpu.memory_space<hbm>>
        %dma_wait3A_420 = tpu.memref_squeeze %dma_wait3A_419 : memref<1x8x128xi32, #tpu.memory_space<hbm>> -> memref<8x128xi32, #tpu.memory_space<hbm>>
        %dma_wait3A_421 = arith.constant 0 : i32
        %dma_wait3A_422 = tpu.memref_slice %arg3[%add3A, %mul3A_51, %dma_wait3A_421] : memref<32x160x128xi32, #tpu.memory_space<hbm>> -> memref<1x8x128xi32, #tpu.memory_space<hbm>>
        %dma_wait3A_423 = tpu.memref_squeeze %dma_wait3A_422 : memref<1x8x128xi32, #tpu.memory_space<hbm>> -> memref<8x128xi32, #tpu.memory_space<hbm>>
        tpu.wait_dma2 semaphore(%run_scoped3A : memref<!tpu.dma_semaphore, #tpu.memory_space<semaphore_mem>>) src(%dma_wait3A_423 : memref<8x128xi32, #tpu.memory_space<hbm>>) dst(%arg10 : memref<8x128xi32, #tpu.memory_space<vmem>>)
        tpu.yield
      }) : () -> ()
      %mul3A_52 = arith.constant 8 : i32
      %mul3A_53 = arith.muli %scan3A_49, %mul3A_52 : i32
      "tpu.region"() ({
        %run_scoped3A = tpu.sem_alloc : memref<!tpu.dma_semaphore, #tpu.memory_space<semaphore_mem>>
        %dma_start3A_412 = arith.constant 0 : i32
        %dma_start3A_413 = tpu.memref_slice %arg4[%add3A, %mul3A_53, %dma_start3A_412] : memref<32x160x64xi32, #tpu.memory_space<hbm>> -> memref<1x8x64xi32, #tpu.memory_space<hbm>>
        %dma_start3A_414 = tpu.memref_squeeze %dma_start3A_413 : memref<1x8x64xi32, #tpu.memory_space<hbm>> -> memref<8x64xi32, #tpu.memory_space<hbm>>
        %dma_start3A_415 = arith.constant 0 : i32
        %dma_start3A_416 = tpu.memref_slice %arg4[%add3A, %mul3A_53, %dma_start3A_415] : memref<32x160x64xi32, #tpu.memory_space<hbm>> -> memref<1x8x64xi32, #tpu.memory_space<hbm>>
        %dma_start3A_417 = tpu.memref_squeeze %dma_start3A_416 : memref<1x8x64xi32, #tpu.memory_space<hbm>> -> memref<8x64xi32, #tpu.memory_space<hbm>>
        tpu.enqueue_dma source(%dma_start3A_417 : memref<8x64xi32, #tpu.memory_space<hbm>>) target(%arg11 : memref<8x64xi32, #tpu.memory_space<vmem>>) target_semaphore(%run_scoped3A : memref<!tpu.dma_semaphore, #tpu.memory_space<semaphore_mem>>)
        %dma_wait3A_418 = arith.constant 0 : i32
        %dma_wait3A_419 = tpu.memref_slice %arg4[%add3A, %mul3A_53, %dma_wait3A_418] : memref<32x160x64xi32, #tpu.memory_space<hbm>> -> memref<1x8x64xi32, #tpu.memory_space<hbm>>
        %dma_wait3A_420 = tpu.memref_squeeze %dma_wait3A_419 : memref<1x8x64xi32, #tpu.memory_space<hbm>> -> memref<8x64xi32, #tpu.memory_space<hbm>>
        %dma_wait3A_421 = arith.constant 0 : i32
        %dma_wait3A_422 = tpu.memref_slice %arg4[%add3A, %mul3A_53, %dma_wait3A_421] : memref<32x160x64xi32, #tpu.memory_space<hbm>> -> memref<1x8x64xi32, #tpu.memory_space<hbm>>
        %dma_wait3A_423 = tpu.memref_squeeze %dma_wait3A_422 : memref<1x8x64xi32, #tpu.memory_space<hbm>> -> memref<8x64xi32, #tpu.memory_space<hbm>>
        tpu.wait_dma2 semaphore(%run_scoped3A : memref<!tpu.dma_semaphore, #tpu.memory_space<semaphore_mem>>) src(%dma_wait3A_423 : memref<8x64xi32, #tpu.memory_space<hbm>>) dst(%arg11 : memref<8x64xi32, #tpu.memory_space<vmem>>)
        tpu.yield
      }) : () -> ()
      %dma_start3A = arith.constant 0 : i32
      %dma_start3A_54 = arith.constant 0 : i32
      %dma_start3A_55 = tpu.memref_slice %arg10[%dma_start3A, %dma_start3A_54] : memref<8x128xi32, #tpu.memory_space<vmem>> -> memref<1x128xi32, #tpu.memory_space<vmem>>
      %dma_start3A_56 = tpu.memref_squeeze %dma_start3A_55 : memref<1x128xi32, #tpu.memory_space<vmem>> -> memref<128xi32, #tpu.memory_space<vmem>>
      %dma_start3A_57 = arith.constant 0 : i32
      %dma_start3A_58 = arith.constant 0 : i32
      %dma_start3A_59 = tpu.memref_slice %arg2[%dma_start3A_57, %dma_start3A_58] : memref<20016x128xf32, #tpu.memory_space<hbm>> -> memref<20016x128xf32, #tpu.memory_space<hbm>>
      tpu.enqueue_indirect_dma source(%dma_start3A_59 : memref<20016x128xf32, #tpu.memory_space<hbm>>) target(%arg12 : memref<128x128xf32, #tpu.memory_space<vmem>>) offsets(%dma_start3A_56 : memref<128xi32, #tpu.memory_space<vmem>>) semaphore(%arg17 : memref<!tpu.dma_semaphore, #tpu.memory_space<semaphore_mem>>)
      %dma_wait3A = arith.constant 0 : i32
      %dma_wait3A_60 = arith.constant 0 : i32
      %dma_wait3A_61 = tpu.memref_slice %arg10[%dma_wait3A, %dma_wait3A_60] : memref<8x128xi32, #tpu.memory_space<vmem>> -> memref<1x128xi32, #tpu.memory_space<vmem>>
      %dma_wait3A_62 = tpu.memref_squeeze %dma_wait3A_61 : memref<1x128xi32, #tpu.memory_space<vmem>> -> memref<128xi32, #tpu.memory_space<vmem>>
      %dma_wait3A_63 = arith.constant 0 : i32
      %dma_wait3A_64 = arith.constant 0 : i32
      %dma_wait3A_65 = tpu.memref_slice %arg2[%dma_wait3A_63, %dma_wait3A_64] : memref<20016x128xf32, #tpu.memory_space<hbm>> -> memref<20016x128xf32, #tpu.memory_space<hbm>>
      tpu.wait_indirect_dma semaphore(%arg17 : memref<!tpu.dma_semaphore, #tpu.memory_space<semaphore_mem>>) src(%dma_wait3A_65 : memref<20016x128xf32, #tpu.memory_space<hbm>>) dst(%arg12 : memref<128x128xf32, #tpu.memory_space<vmem>>)
      %scan3A_66 = arith.constant 0 : i32
      %scan3A_67 = arith.constant 64 : i32
      %scan3A_68 = arith.addi %scan3A_66, %scan3A_67 : i32
      %scan3A_69 = arith.constant 1 : i32
      scf.for %scan3A_412 = %scan3A_66 to %scan3A_68 step %scan3A_69  : i32 {
        %get3A = arith.index_cast %scan3A_412 : i32 to index
        %get3A_413 = arith.constant 0 : index
        %get3A_414 = tpu.vector_load %arg12[%get3A, %get3A_413] {strides = array<i32>} : memref<128x128xf32, #tpu.memory_space<vmem>>, vector<1x16xf32>,
        %get3A_415 = vector.shape_cast %get3A_414 : vector<1x16xf32> to vector<16xf32>
        %add3A_416 = arith.constant 64 : i32
        %add3A_417 = arith.addi %scan3A_412, %add3A_416 : i32
        %get3A_418 = arith.index_cast %add3A_417 : i32 to index
        %get3A_419 = arith.constant 0 : index
        %get3A_420 = tpu.vector_load %arg12[%get3A_418, %get3A_419] {strides = array<i32>} : memref<128x128xf32, #tpu.memory_space<vmem>>, vector<1x16xf32>,
        %get3A_421 = vector.shape_cast %get3A_420 : vector<1x16xf32> to vector<16xf32>
        %add3A_422 = arith.addf %get3A_415, %get3A_421 : vector<16xf32>
        %max3A = arith.constant 0.000000e+00 : f32
        %max3A_423 = vector.broadcast %max3A : f32 to vector<16xf32>
        %max3A_424 = arith.maximumf %add3A_422, %max3A_423 : vector<16xf32>
        %swap3A_425 = arith.index_cast %scan3A_412 : i32 to index
        %swap3A_426 = arith.constant 0 : index
        %swap3A_427 = tpu.vector_load %arg13[%swap3A_425, %swap3A_426] {strides = array<i32>} : memref<64x128xf32, #tpu.memory_space<vmem>>, vector<1x16xf32>,
        %swap3A_428 = vector.shape_cast %swap3A_427 : vector<1x16xf32> to vector<16xf32>
        %swap3A_429 = vector.shape_cast %max3A_424 : vector<16xf32> to vector<1x16xf32>
        tpu.vector_store %arg13[%swap3A_425, %swap3A_426], %swap3A_429 {strides = array<i32>} : memref<64x128xf32, #tpu.memory_space<vmem>>, vector<1x16xf32>,
        %get3A_430 = arith.index_cast %scan3A_412 : i32 to index
        %get3A_431 = arith.constant 16 : index
        %get3A_432 = tpu.vector_load %arg12[%get3A_430, %get3A_431] {strides = array<i32>} : memref<128x128xf32, #tpu.memory_space<vmem>>, vector<1x16xf32>,
        %get3A_433 = vector.shape_cast %get3A_432 : vector<1x16xf32> to vector<16xf32>
        %add3A_434 = arith.constant 64 : i32
        %add3A_435 = arith.addi %scan3A_412, %add3A_434 : i32
        %get3A_436 = arith.index_cast %add3A_435 : i32 to index
        %get3A_437 = arith.constant 16 : index
        %get3A_438 = tpu.vector_load %arg12[%get3A_436, %get3A_437] {strides = array<i32>} : memref<128x128xf32, #tpu.memory_space<vmem>>, vector<1x16xf32>,
        %get3A_439 = vector.shape_cast %get3A_438 : vector<1x16xf32> to vector<16xf32>
        %add3A_440 = arith.addf %get3A_433, %get3A_439 : vector<16xf32>
        %max3A_441 = arith.constant 0.000000e+00 : f32
        %max3A_442 = vector.broadcast %max3A_441 : f32 to vector<16xf32>
        %max3A_443 = arith.maximumf %add3A_440, %max3A_442 : vector<16xf32>
        %swap3A_444 = arith.index_cast %scan3A_412 : i32 to index
        %swap3A_445 = arith.constant 16 : index
        %swap3A_446 = tpu.vector_load %arg13[%swap3A_444, %swap3A_445] {strides = array<i32>} : memref<64x128xf32, #tpu.memory_space<vmem>>, vector<1x16xf32>,
        %swap3A_447 = vector.shape_cast %swap3A_446 : vector<1x16xf32> to vector<16xf32>
        %swap3A_448 = vector.shape_cast %max3A_443 : vector<16xf32> to vector<1x16xf32>
        tpu.vector_store %arg13[%swap3A_444, %swap3A_445], %swap3A_448 {strides = array<i32>} : memref<64x128xf32, #tpu.memory_space<vmem>>, vector<1x16xf32>,
        %get3A_449 = arith.index_cast %scan3A_412 : i32 to index
        %get3A_450 = arith.constant 32 : index
        %get3A_451 = tpu.vector_load %arg12[%get3A_449, %get3A_450] {strides = array<i32>} : memref<128x128xf32, #tpu.memory_space<vmem>>, vector<1x16xf32>,
        %get3A_452 = vector.shape_cast %get3A_451 : vector<1x16xf32> to vector<16xf32>
        %add3A_453 = arith.constant 64 : i32
        %add3A_454 = arith.addi %scan3A_412, %add3A_453 : i32
        %get3A_455 = arith.index_cast %add3A_454 : i32 to index
        %get3A_456 = arith.constant 32 : index
        %get3A_457 = tpu.vector_load %arg12[%get3A_455, %get3A_456] {strides = array<i32>} : memref<128x128xf32, #tpu.memory_space<vmem>>, vector<1x16xf32>,
        %get3A_458 = vector.shape_cast %get3A_457 : vector<1x16xf32> to vector<16xf32>
        %add3A_459 = arith.addf %get3A_452, %get3A_458 : vector<16xf32>
        %max3A_460 = arith.constant 0.000000e+00 : f32
        %max3A_461 = vector.broadcast %max3A_460 : f32 to vector<16xf32>
        %max3A_462 = arith.maximumf %add3A_459, %max3A_461 : vector<16xf32>
        %swap3A_463 = arith.index_cast %scan3A_412 : i32 to index
        %swap3A_464 = arith.constant 32 : index
        %swap3A_465 = tpu.vector_load %arg13[%swap3A_463, %swap3A_464] {strides = array<i32>} : memref<64x128xf32, #tpu.memory_space<vmem>>, vector<1x16xf32>,
        %swap3A_466 = vector.shape_cast %swap3A_465 : vector<1x16xf32> to vector<16xf32>
        %swap3A_467 = vector.shape_cast %max3A_462 : vector<16xf32> to vector<1x16xf32>
        tpu.vector_store %arg13[%swap3A_463, %swap3A_464], %swap3A_467 {strides = array<i32>} : memref<64x128xf32, #tpu.memory_space<vmem>>, vector<1x16xf32>,
        %get3A_468 = arith.index_cast %scan3A_412 : i32 to index
        %get3A_469 = arith.constant 48 : index
        %get3A_470 = tpu.vector_load %arg12[%get3A_468, %get3A_469] {strides = array<i32>} : memref<128x128xf32, #tpu.memory_space<vmem>>, vector<1x16xf32>,
        %get3A_471 = vector.shape_cast %get3A_470 : vector<1x16xf32> to vector<16xf32>
        %add3A_472 = arith.constant 64 : i32
        %add3A_473 = arith.addi %scan3A_412, %add3A_472 : i32
        %get3A_474 = arith.index_cast %add3A_473 : i32 to index
        %get3A_475 = arith.constant 48 : index
        %get3A_476 = tpu.vector_load %arg12[%get3A_474, %get3A_475] {strides = array<i32>} : memref<128x128xf32, #tpu.memory_space<vmem>>, vector<1x16xf32>,
        %get3A_477 = vector.shape_cast %get3A_476 : vector<1x16xf32> to vector<16xf32>
        %add3A_478 = arith.addf %get3A_471, %get3A_477 : vector<16xf32>
        %max3A_479 = arith.constant 0.000000e+00 : f32
        %max3A_480 = vector.broadcast %max3A_479 : f32 to vector<16xf32>
        %max3A_481 = arith.maximumf %add3A_478, %max3A_480 : vector<16xf32>
        %swap3A_482 = arith.index_cast %scan3A_412 : i32 to index
        %swap3A_483 = arith.constant 48 : index
        %swap3A_484 = tpu.vector_load %arg13[%swap3A_482, %swap3A_483] {strides = array<i32>} : memref<64x128xf32, #tpu.memory_space<vmem>>, vector<1x16xf32>,
        %swap3A_485 = vector.shape_cast %swap3A_484 : vector<1x16xf32> to vector<16xf32>
        %swap3A_486 = vector.shape_cast %max3A_481 : vector<16xf32> to vector<1x16xf32>
        tpu.vector_store %arg13[%swap3A_482, %swap3A_483], %swap3A_486 {strides = array<i32>} : memref<64x128xf32, #tpu.memory_space<vmem>>, vector<1x16xf32>,
        %get3A_487 = arith.index_cast %scan3A_412 : i32 to index
        %get3A_488 = arith.constant 64 : index
        %get3A_489 = tpu.vector_load %arg12[%get3A_487, %get3A_488] {strides = array<i32>} : memref<128x128xf32, #tpu.memory_space<vmem>>, vector<1x16xf32>,
        %get3A_490 = vector.shape_cast %get3A_489 : vector<1x16xf32> to vector<16xf32>
        %add3A_491 = arith.constant 64 : i32
        %add3A_492 = arith.addi %scan3A_412, %add3A_491 : i32
        %get3A_493 = arith.index_cast %add3A_492 : i32 to index
        %get3A_494 = arith.constant 64 : index
        %get3A_495 = tpu.vector_load %arg12[%get3A_493, %get3A_494] {strides = array<i32>} : memref<128x128xf32, #tpu.memory_space<vmem>>, vector<1x16xf32>,
        %get3A_496 = vector.shape_cast %get3A_495 : vector<1x16xf32> to vector<16xf32>
        %add3A_497 = arith.addf %get3A_490, %get3A_496 : vector<16xf32>
        %max3A_498 = arith.constant 0.000000e+00 : f32
        %max3A_499 = vector.broadcast %max3A_498 : f32 to vector<16xf32>
        %max3A_500 = arith.maximumf %add3A_497, %max3A_499 : vector<16xf32>
        %swap3A_501 = arith.index_cast %scan3A_412 : i32 to index
        %swap3A_502 = arith.constant 64 : index
        %swap3A_503 = tpu.vector_load %arg13[%swap3A_501, %swap3A_502] {strides = array<i32>} : memref<64x128xf32, #tpu.memory_space<vmem>>, vector<1x16xf32>,
        %swap3A_504 = vector.shape_cast %swap3A_503 : vector<1x16xf32> to vector<16xf32>
        %swap3A_505 = vector.shape_cast %max3A_500 : vector<16xf32> to vector<1x16xf32>
        tpu.vector_store %arg13[%swap3A_501, %swap3A_502], %swap3A_505 {strides = array<i32>} : memref<64x128xf32, #tpu.memory_space<vmem>>, vector<1x16xf32>,
        %get3A_506 = arith.index_cast %scan3A_412 : i32 to index
        %get3A_507 = arith.constant 80 : index
        %get3A_508 = tpu.vector_load %arg12[%get3A_506, %get3A_507] {strides = array<i32>} : memref<128x128xf32, #tpu.memory_space<vmem>>, vector<1x16xf32>,
        %get3A_509 = vector.shape_cast %get3A_508 : vector<1x16xf32> to vector<16xf32>
        %add3A_510 = arith.constant 64 : i32
        %add3A_511 = arith.addi %scan3A_412, %add3A_510 : i32
        %get3A_512 = arith.index_cast %add3A_511 : i32 to index
        %get3A_513 = arith.constant 80 : index
        %get3A_514 = tpu.vector_load %arg12[%get3A_512, %get3A_513] {strides = array<i32>} : memref<128x128xf32, #tpu.memory_space<vmem>>, vector<1x16xf32>,
        %get3A_515 = vector.shape_cast %get3A_514 : vector<1x16xf32> to vector<16xf32>
        %add3A_516 = arith.addf %get3A_509, %get3A_515 : vector<16xf32>
        %max3A_517 = arith.constant 0.000000e+00 : f32
        %max3A_518 = vector.broadcast %max3A_517 : f32 to vector<16xf32>
        %max3A_519 = arith.maximumf %add3A_516, %max3A_518 : vector<16xf32>
        %swap3A_520 = arith.index_cast %scan3A_412 : i32 to index
        %swap3A_521 = arith.constant 80 : index
        %swap3A_522 = tpu.vector_load %arg13[%swap3A_520, %swap3A_521] {strides = array<i32>} : memref<64x128xf32, #tpu.memory_space<vmem>>, vector<1x16xf32>,
        %swap3A_523 = vector.shape_cast %swap3A_522 : vector<1x16xf32> to vector<16xf32>
        %swap3A_524 = vector.shape_cast %max3A_519 : vector<16xf32> to vector<1x16xf32>
        tpu.vector_store %arg13[%swap3A_520, %swap3A_521], %swap3A_524 {strides = array<i32>} : memref<64x128xf32, #tpu.memory_space<vmem>>, vector<1x16xf32>,
        %get3A_525 = arith.index_cast %scan3A_412 : i32 to index
        %get3A_526 = arith.constant 96 : index
        %get3A_527 = tpu.vector_load %arg12[%get3A_525, %get3A_526] {strides = array<i32>} : memref<128x128xf32, #tpu.memory_space<vmem>>, vector<1x16xf32>,
        %get3A_528 = vector.shape_cast %get3A_527 : vector<1x16xf32> to vector<16xf32>
        %add3A_529 = arith.constant 64 : i32
        %add3A_530 = arith.addi %scan3A_412, %add3A_529 : i32
        %get3A_531 = arith.index_cast %add3A_530 : i32 to index
        %get3A_532 = arith.constant 96 : index
        %get3A_533 = tpu.vector_load %arg12[%get3A_531, %get3A_532] {strides = array<i32>} : memref<128x128xf32, #tpu.memory_space<vmem>>, vector<1x16xf32>,
        %get3A_534 = vector.shape_cast %get3A_533 : vector<1x16xf32> to vector<16xf32>
        %add3A_535 = arith.addf %get3A_528, %get3A_534 : vector<16xf32>
        %max3A_536 = arith.constant 0.000000e+00 : f32
        %max3A_537 = vector.broadcast %max3A_536 : f32 to vector<16xf32>
        %max3A_538 = arith.maximumf %add3A_535, %max3A_537 : vector<16xf32>
        %swap3A_539 = arith.index_cast %scan3A_412 : i32 to index
        %swap3A_540 = arith.constant 96 : index
        %swap3A_541 = tpu.vector_load %arg13[%swap3A_539, %swap3A_540] {strides = array<i32>} : memref<64x128xf32, #tpu.memory_space<vmem>>, vector<1x16xf32>,
        %swap3A_542 = vector.shape_cast %swap3A_541 : vector<1x16xf32> to vector<16xf32>
        %swap3A_543 = vector.shape_cast %max3A_538 : vector<16xf32> to vector<1x16xf32>
        tpu.vector_store %arg13[%swap3A_539, %swap3A_540], %swap3A_543 {strides = array<i32>} : memref<64x128xf32, #tpu.memory_space<vmem>>, vector<1x16xf32>,
        %get3A_544 = arith.index_cast %scan3A_412 : i32 to index
        %get3A_545 = arith.constant 112 : index
        %get3A_546 = tpu.vector_load %arg12[%get3A_544, %get3A_545] {strides = array<i32>} : memref<128x128xf32, #tpu.memory_space<vmem>>, vector<1x16xf32>,
        %get3A_547 = vector.shape_cast %get3A_546 : vector<1x16xf32> to vector<16xf32>
        %add3A_548 = arith.constant 64 : i32
        %add3A_549 = arith.addi %scan3A_412, %add3A_548 : i32
        %get3A_550 = arith.index_cast %add3A_549 : i32 to index
        %get3A_551 = arith.constant 112 : index
        %get3A_552 = tpu.vector_load %arg12[%get3A_550, %get3A_551] {strides = array<i32>} : memref<128x128xf32, #tpu.memory_space<vmem>>, vector<1x16xf32>,
        %get3A_553 = vector.shape_cast %get3A_552 : vector<1x16xf32> to vector<16xf32>
        %add3A_554 = arith.addf %get3A_547, %get3A_553 : vector<16xf32>
        %max3A_555 = arith.constant 0.000000e+00 : f32
        %max3A_556 = vector.broadcast %max3A_555 : f32 to vector<16xf32>
        %max3A_557 = arith.maximumf %add3A_554, %max3A_556 : vector<16xf32>
        %swap3A_558 = arith.index_cast %scan3A_412 : i32 to index
        %swap3A_559 = arith.constant 112 : index
        %swap3A_560 = tpu.vector_load %arg13[%swap3A_558, %swap3A_559] {strides = array<i32>} : memref<64x128xf32, #tpu.memory_space<vmem>>, vector<1x16xf32>,
        %swap3A_561 = vector.shape_cast %swap3A_560 : vector<1x16xf32> to vector<16xf32>
        %swap3A_562 = vector.shape_cast %max3A_557 : vector<16xf32> to vector<1x16xf32>
        tpu.vector_store %arg13[%swap3A_558, %swap3A_559], %swap3A_562 {strides = array<i32>} : memref<64x128xf32, #tpu.memory_space<vmem>>, vector<1x16xf32>,
      }
      %scan3A_70 = arith.constant 64 : i32
      %dma_start3A_71 = arith.constant 0 : i32
      %dma_start3A_72 = arith.constant 0 : i32
      %dma_start3A_73 = tpu.memref_slice %arg11[%dma_start3A_71, %dma_start3A_72] : memref<8x64xi32, #tpu.memory_space<vmem>> -> memref<1x64xi32, #tpu.memory_space<vmem>>
      %dma_start3A_74 = tpu.memref_squeeze %dma_start3A_73 : memref<1x64xi32, #tpu.memory_space<vmem>> -> memref<64xi32, #tpu.memory_space<vmem>>
      %dma_start3A_75 = arith.constant 0 : i32
      %dma_start3A_76 = arith.constant 0 : i32
      %dma_start3A_77 = tpu.memref_slice %arg8[%dma_start3A_75, %dma_start3A_76] : memref<10008x128xf32, #tpu.memory_space<vmem_shared>> -> memref<10008x128xf32, #tpu.memory_space<vmem_shared>>
      tpu.enqueue_indirect_dma source(%arg13 : memref<64x128xf32, #tpu.memory_space<vmem>>) target(%dma_start3A_77 : memref<10008x128xf32, #tpu.memory_space<vmem_shared>>) offsets(%dma_start3A_74 : memref<64xi32, #tpu.memory_space<vmem>>) semaphore(%arg18 : memref<!tpu.dma_semaphore, #tpu.memory_space<semaphore_mem>>) {add = true}
      %dma_start3A_78 = arith.constant 0 : i32
      %dma_start3A_79 = arith.constant 0 : i32
      %dma_start3A_80 = tpu.memref_slice %arg11[%dma_start3A_78, %dma_start3A_79] : memref<8x64xi32, #tpu.memory_space<vmem>> -> memref<1x64xi32, #tpu.memory_space<vmem>>
      %dma_start3A_81 = tpu.memref_squeeze %dma_start3A_80 : memref<1x64xi32, #tpu.memory_space<vmem>> -> memref<64xi32, #tpu.memory_space<vmem>>
      %dma_start3A_82 = arith.constant 0 : i32
      %dma_start3A_83 = tpu.memref_slice %arg9[%dma_start3A_82] : memref<10008xf32, #tpu.memory_space<vmem_shared>> -> memref<10008xf32, #tpu.memory_space<vmem_shared>>
      tpu.enqueue_indirect_dma source(%arg15 : memref<64xf32, #tpu.memory_space<vmem>>) target(%dma_start3A_83 : memref<10008xf32, #tpu.memory_space<vmem_shared>>) offsets(%dma_start3A_81 : memref<64xi32, #tpu.memory_space<vmem>>) semaphore(%arg20 : memref<!tpu.dma_semaphore, #tpu.memory_space<semaphore_mem>>) {add = true}
      %dma_start3A_84 = arith.constant 1 : i32
      %dma_start3A_85 = arith.constant 0 : i32
      %dma_start3A_86 = tpu.memref_slice %arg10[%dma_start3A_84, %dma_start3A_85] : memref<8x128xi32, #tpu.memory_space<vmem>> -> memref<1x128xi32, #tpu.memory_space<vmem>>
      %dma_start3A_87 = tpu.memref_squeeze %dma_start3A_86 : memref<1x128xi32, #tpu.memory_space<vmem>> -> memref<128xi32, #tpu.memory_space<vmem>>
      %dma_start3A_88 = arith.constant 0 : i32
      %dma_start3A_89 = arith.constant 0 : i32
      %dma_start3A_90 = tpu.memref_slice %arg2[%dma_start3A_88, %dma_start3A_89] : memref<20016x128xf32, #tpu.memory_space<hbm>> -> memref<20016x128xf32, #tpu.memory_space<hbm>>
      tpu.enqueue_indirect_dma source(%dma_start3A_90 : memref<20016x128xf32, #tpu.memory_space<hbm>>) target(%arg12 : memref<128x128xf32, #tpu.memory_space<vmem>>) offsets(%dma_start3A_87 : memref<128xi32, #tpu.memory_space<vmem>>) semaphore(%arg17 : memref<!tpu.dma_semaphore, #tpu.memory_space<semaphore_mem>>)
      %dma_wait3A_91 = arith.constant 1 : i32
      %dma_wait3A_92 = arith.constant 0 : i32
      %dma_wait3A_93 = tpu.memref_slice %arg10[%dma_wait3A_91, %dma_wait3A_92] : memref<8x128xi32, #tpu.memory_space<vmem>> -> memref<1x128xi32, #tpu.memory_space<vmem>>
      %dma_wait3A_94 = tpu.memref_squeeze %dma_wait3A_93 : memref<1x128xi32, #tpu.memory_space<vmem>> -> memref<128xi32, #tpu.memory_space<vmem>>
      %dma_wait3A_95 = arith.constant 0 : i32
      %dma_wait3A_96 = arith.constant 0 : i32
      %dma_wait3A_97 = tpu.memref_slice %arg2[%dma_wait3A_95, %dma_wait3A_96] : memref<20016x128xf32, #tpu.memory_space<hbm>> -> memref<20016x128xf32, #tpu.memory_space<hbm>>
      tpu.wait_indirect_dma semaphore(%arg17 : memref<!tpu.dma_semaphore, #tpu.memory_space<semaphore_mem>>) src(%dma_wait3A_97 : memref<20016x128xf32, #tpu.memory_space<hbm>>) dst(%arg12 : memref<128x128xf32, #tpu.memory_space<vmem>>)
      %scan3A_98 = arith.constant 0 : i32
      %scan3A_99 = arith.constant 64 : i32
      %scan3A_100 = arith.addi %scan3A_98, %scan3A_99 : i32
      %scan3A_101 = arith.constant 1 : i32
      scf.for %scan3A_412 = %scan3A_98 to %scan3A_100 step %scan3A_101  : i32 {
        %get3A = arith.index_cast %scan3A_412 : i32 to index
        %get3A_413 = arith.constant 0 : index
        %get3A_414 = tpu.vector_load %arg12[%get3A, %get3A_413] {strides = array<i32>} : memref<128x128xf32, #tpu.memory_space<vmem>>, vector<1x16xf32>,
        %get3A_415 = vector.shape_cast %get3A_414 : vector<1x16xf32> to vector<16xf32>
        %add3A_416 = arith.constant 64 : i32
        %add3A_417 = arith.addi %scan3A_412, %add3A_416 : i32
        %get3A_418 = arith.index_cast %add3A_417 : i32 to index
        %get3A_419 = arith.constant 0 : index
        %get3A_420 = tpu.vector_load %arg12[%get3A_418, %get3A_419] {strides = array<i32>} : memref<128x128xf32, #tpu.memory_space<vmem>>, vector<1x16xf32>,
        %get3A_421 = vector.shape_cast %get3A_420 : vector<1x16xf32> to vector<16xf32>
        %add3A_422 = arith.addf %get3A_415, %get3A_421 : vector<16xf32>
        %max3A = arith.constant 0.000000e+00 : f32
        %max3A_423 = vector.broadcast %max3A : f32 to vector<16xf32>
        %max3A_424 = arith.maximumf %add3A_422, %max3A_423 : vector<16xf32>
        %swap3A_425 = arith.index_cast %scan3A_412 : i32 to index
        %swap3A_426 = arith.constant 0 : index
        %swap3A_427 = tpu.vector_load %arg14[%swap3A_425, %swap3A_426] {strides = array<i32>} : memref<64x128xf32, #tpu.memory_space<vmem>>, vector<1x16xf32>,
        %swap3A_428 = vector.shape_cast %swap3A_427 : vector<1x16xf32> to vector<16xf32>
        %swap3A_429 = vector.shape_cast %max3A_424 : vector<16xf32> to vector<1x16xf32>
        tpu.vector_store %arg14[%swap3A_425, %swap3A_426], %swap3A_429 {strides = array<i32>} : memref<64x128xf32, #tpu.memory_space<vmem>>, vector<1x16xf32>,
        %get3A_430 = arith.index_cast %scan3A_412 : i32 to index
        %get3A_431 = arith.constant 16 : index
        %get3A_432 = tpu.vector_load %arg12[%get3A_430, %get3A_431] {strides = array<i32>} : memref<128x128xf32, #tpu.memory_space<vmem>>, vector<1x16xf32>,
        %get3A_433 = vector.shape_cast %get3A_432 : vector<1x16xf32> to vector<16xf32>
        %add3A_434 = arith.constant 64 : i32
        %add3A_435 = arith.addi %scan3A_412, %add3A_434 : i32
        %get3A_436 = arith.index_cast %add3A_435 : i32 to index
        %get3A_437 = arith.constant 16 : index
        %get3A_438 = tpu.vector_load %arg12[%get3A_436, %get3A_437] {strides = array<i32>} : memref<128x128xf32, #tpu.memory_space<vmem>>, vector<1x16xf32>,
        %get3A_439 = vector.shape_cast %get3A_438 : vector<1x16xf32> to vector<16xf32>
        %add3A_440 = arith.addf %get3A_433, %get3A_439 : vector<16xf32>
        %max3A_441 = arith.constant 0.000000e+00 : f32
        %max3A_442 = vector.broadcast %max3A_441 : f32 to vector<16xf32>
        %max3A_443 = arith.maximumf %add3A_440, %max3A_442 : vector<16xf32>
        %swap3A_444 = arith.index_cast %scan3A_412 : i32 to index
        %swap3A_445 = arith.constant 16 : index
        %swap3A_446 = tpu.vector_load %arg14[%swap3A_444, %swap3A_445] {strides = array<i32>} : memref<64x128xf32, #tpu.memory_space<vmem>>, vector<1x16xf32>,
        %swap3A_447 = vector.shape_cast %swap3A_446 : vector<1x16xf32> to vector<16xf32>
        %swap3A_448 = vector.shape_cast %max3A_443 : vector<16xf32> to vector<1x16xf32>
        tpu.vector_store %arg14[%swap3A_444, %swap3A_445], %swap3A_448 {strides = array<i32>} : memref<64x128xf32, #tpu.memory_space<vmem>>, vector<1x16xf32>,
        %get3A_449 = arith.index_cast %scan3A_412 : i32 to index
        %get3A_450 = arith.constant 32 : index
        %get3A_451 = tpu.vector_load %arg12[%get3A_449, %get3A_450] {strides = array<i32>} : memref<128x128xf32, #tpu.memory_space<vmem>>, vector<1x16xf32>,
        %get3A_452 = vector.shape_cast %get3A_451 : vector<1x16xf32> to vector<16xf32>
        %add3A_453 = arith.constant 64 : i32
        %add3A_454 = arith.addi %scan3A_412, %add3A_453 : i32
        %get3A_455 = arith.index_cast %add3A_454 : i32 to index
        %get3A_456 = arith.constant 32 : index
        %get3A_457 = tpu.vector_load %arg12[%get3A_455, %get3A_456] {strides = array<i32>} : memref<128x128xf32, #tpu.memory_space<vmem>>, vector<1x16xf32>,
        %get3A_458 = vector.shape_cast %get3A_457 : vector<1x16xf32> to vector<16xf32>
        %add3A_459 = arith.addf %get3A_452, %get3A_458 : vector<16xf32>
        %max3A_460 = arith.constant 0.000000e+00 : f32
        %max3A_461 = vector.broadcast %max3A_460 : f32 to vector<16xf32>
        %max3A_462 = arith.maximumf %add3A_459, %max3A_461 : vector<16xf32>
        %swap3A_463 = arith.index_cast %scan3A_412 : i32 to index
        %swap3A_464 = arith.constant 32 : index
        %swap3A_465 = tpu.vector_load %arg14[%swap3A_463, %swap3A_464] {strides = array<i32>} : memref<64x128xf32, #tpu.memory_space<vmem>>, vector<1x16xf32>,
        %swap3A_466 = vector.shape_cast %swap3A_465 : vector<1x16xf32> to vector<16xf32>
        %swap3A_467 = vector.shape_cast %max3A_462 : vector<16xf32> to vector<1x16xf32>
        tpu.vector_store %arg14[%swap3A_463, %swap3A_464], %swap3A_467 {strides = array<i32>} : memref<64x128xf32, #tpu.memory_space<vmem>>, vector<1x16xf32>,
        %get3A_468 = arith.index_cast %scan3A_412 : i32 to index
        %get3A_469 = arith.constant 48 : index
        %get3A_470 = tpu.vector_load %arg12[%get3A_468, %get3A_469] {strides = array<i32>} : memref<128x128xf32, #tpu.memory_space<vmem>>, vector<1x16xf32>,
        %get3A_471 = vector.shape_cast %get3A_470 : vector<1x16xf32> to vector<16xf32>
        %add3A_472 = arith.constant 64 : i32
        %add3A_473 = arith.addi %scan3A_412, %add3A_472 : i32
        %get3A_474 = arith.index_cast %add3A_473 : i32 to index
        %get3A_475 = arith.constant 48 : index
        %get3A_476 = tpu.vector_load %arg12[%get3A_474, %get3A_475] {strides = array<i32>} : memref<128x128xf32, #tpu.memory_space<vmem>>, vector<1x16xf32>,
        %get3A_477 = vector.shape_cast %get3A_476 : vector<1x16xf32> to vector<16xf32>
        %add3A_478 = arith.addf %get3A_471, %get3A_477 : vector<16xf32>
        %max3A_479 = arith.constant 0.000000e+00 : f32
        %max3A_480 = vector.broadcast %max3A_479 : f32 to vector<16xf32>
        %max3A_481 = arith.maximumf %add3A_478, %max3A_480 : vector<16xf32>
        %swap3A_482 = arith.index_cast %scan3A_412 : i32 to index
        %swap3A_483 = arith.constant 48 : index
        %swap3A_484 = tpu.vector_load %arg14[%swap3A_482, %swap3A_483] {strides = array<i32>} : memref<64x128xf32, #tpu.memory_space<vmem>>, vector<1x16xf32>,
        %swap3A_485 = vector.shape_cast %swap3A_484 : vector<1x16xf32> to vector<16xf32>
        %swap3A_486 = vector.shape_cast %max3A_481 : vector<16xf32> to vector<1x16xf32>
        tpu.vector_store %arg14[%swap3A_482, %swap3A_483], %swap3A_486 {strides = array<i32>} : memref<64x128xf32, #tpu.memory_space<vmem>>, vector<1x16xf32>,
        %get3A_487 = arith.index_cast %scan3A_412 : i32 to index
        %get3A_488 = arith.constant 64 : index
        %get3A_489 = tpu.vector_load %arg12[%get3A_487, %get3A_488] {strides = array<i32>} : memref<128x128xf32, #tpu.memory_space<vmem>>, vector<1x16xf32>,
        %get3A_490 = vector.shape_cast %get3A_489 : vector<1x16xf32> to vector<16xf32>
        %add3A_491 = arith.constant 64 : i32
        %add3A_492 = arith.addi %scan3A_412, %add3A_491 : i32
        %get3A_493 = arith.index_cast %add3A_492 : i32 to index
        %get3A_494 = arith.constant 64 : index
        %get3A_495 = tpu.vector_load %arg12[%get3A_493, %get3A_494] {strides = array<i32>} : memref<128x128xf32, #tpu.memory_space<vmem>>, vector<1x16xf32>,
        %get3A_496 = vector.shape_cast %get3A_495 : vector<1x16xf32> to vector<16xf32>
        %add3A_497 = arith.addf %get3A_490, %get3A_496 : vector<16xf32>
        %max3A_498 = arith.constant 0.000000e+00 : f32
        %max3A_499 = vector.broadcast %max3A_498 : f32 to vector<16xf32>
        %max3A_500 = arith.maximumf %add3A_497, %max3A_499 : vector<16xf32>
        %swap3A_501 = arith.index_cast %scan3A_412 : i32 to index
        %swap3A_502 = arith.constant 64 : index
        %swap3A_503 = tpu.vector_load %arg14[%swap3A_501, %swap3A_502] {strides = array<i32>} : memref<64x128xf32, #tpu.memory_space<vmem>>, vector<1x16xf32>,
        %swap3A_504 = vector.shape_cast %swap3A_503 : vector<1x16xf32> to vector<16xf32>
        %swap3A_505 = vector.shape_cast %max3A_500 : vector<16xf32> to vector<1x16xf32>
        tpu.vector_store %arg14[%swap3A_501, %swap3A_502], %swap3A_505 {strides = array<i32>} : memref<64x128xf32, #tpu.memory_space<vmem>>, vector<1x16xf32>,
        %get3A_506 = arith.index_cast %scan3A_412 : i32 to index
        %get3A_507 = arith.constant 80 : index
        %get3A_508 = tpu.vector_load %arg12[%get3A_506, %get3A_507] {strides = array<i32>} : memref<128x128xf32, #tpu.memory_space<vmem>>, vector<1x16xf32>,
        %get3A_509 = vector.shape_cast %get3A_508 : vector<1x16xf32> to vector<16xf32>
        %add3A_510 = arith.constant 64 : i32
        %add3A_511 = arith.addi %scan3A_412, %add3A_510 : i32
        %get3A_512 = arith.index_cast %add3A_511 : i32 to index
        %get3A_513 = arith.constant 80 : index
        %get3A_514 = tpu.vector_load %arg12[%get3A_512, %get3A_513] {strides = array<i32>} : memref<128x128xf32, #tpu.memory_space<vmem>>, vector<1x16xf32>,
        %get3A_515 = vector.shape_cast %get3A_514 : vector<1x16xf32> to vector<16xf32>
        %add3A_516 = arith.addf %get3A_509, %get3A_515 : vector<16xf32>
        %max3A_517 = arith.constant 0.000000e+00 : f32
        %max3A_518 = vector.broadcast %max3A_517 : f32 to vector<16xf32>
        %max3A_519 = arith.maximumf %add3A_516, %max3A_518 : vector<16xf32>
        %swap3A_520 = arith.index_cast %scan3A_412 : i32 to index
        %swap3A_521 = arith.constant 80 : index
        %swap3A_522 = tpu.vector_load %arg14[%swap3A_520, %swap3A_521] {strides = array<i32>} : memref<64x128xf32, #tpu.memory_space<vmem>>, vector<1x16xf32>,
        %swap3A_523 = vector.shape_cast %swap3A_522 : vector<1x16xf32> to vector<16xf32>
        %swap3A_524 = vector.shape_cast %max3A_519 : vector<16xf32> to vector<1x16xf32>
        tpu.vector_store %arg14[%swap3A_520, %swap3A_521], %swap3A_524 {strides = array<i32>} : memref<64x128xf32, #tpu.memory_space<vmem>>, vector<1x16xf32>,
        %get3A_525 = arith.index_cast %scan3A_412 : i32 to index
        %get3A_526 = arith.constant 96 : index
        %get3A_527 = tpu.vector_load %arg12[%get3A_525, %get3A_526] {strides = array<i32>} : memref<128x128xf32, #tpu.memory_space<vmem>>, vector<1x16xf32>,
        %get3A_528 = vector.shape_cast %get3A_527 : vector<1x16xf32> to vector<16xf32>
        %add3A_529 = arith.constant 64 : i32
        %add3A_530 = arith.addi %scan3A_412, %add3A_529 : i32
        %get3A_531 = arith.index_cast %add3A_530 : i32 to index
        %get3A_532 = arith.constant 96 : index
        %get3A_533 = tpu.vector_load %arg12[%get3A_531, %get3A_532] {strides = array<i32>} : memref<128x128xf32, #tpu.memory_space<vmem>>, vector<1x16xf32>,
        %get3A_534 = vector.shape_cast %get3A_533 : vector<1x16xf32> to vector<16xf32>
        %add3A_535 = arith.addf %get3A_528, %get3A_534 : vector<16xf32>
        %max3A_536 = arith.constant 0.000000e+00 : f32
        %max3A_537 = vector.broadcast %max3A_536 : f32 to vector<16xf32>
        %max3A_538 = arith.maximumf %add3A_535, %max3A_537 : vector<16xf32>
        %swap3A_539 = arith.index_cast %scan3A_412 : i32 to index
        %swap3A_540 = arith.constant 96 : index
        %swap3A_541 = tpu.vector_load %arg14[%swap3A_539, %swap3A_540] {strides = array<i32>} : memref<64x128xf32, #tpu.memory_space<vmem>>, vector<1x16xf32>,
        %swap3A_542 = vector.shape_cast %swap3A_541 : vector<1x16xf32> to vector<16xf32>
        %swap3A_543 = vector.shape_cast %max3A_538 : vector<16xf32> to vector<1x16xf32>
        tpu.vector_store %arg14[%swap3A_539, %swap3A_540], %swap3A_543 {strides = array<i32>} : memref<64x128xf32, #tpu.memory_space<vmem>>, vector<1x16xf32>,
        %get3A_544 = arith.index_cast %scan3A_412 : i32 to index
        %get3A_545 = arith.constant 112 : index
        %get3A_546 = tpu.vector_load %arg12[%get3A_544, %get3A_545] {strides = array<i32>} : memref<128x128xf32, #tpu.memory_space<vmem>>, vector<1x16xf32>,
        %get3A_547 = vector.shape_cast %get3A_546 : vector<1x16xf32> to vector<16xf32>
        %add3A_548 = arith.constant 64 : i32
        %add3A_549 = arith.addi %scan3A_412, %add3A_548 : i32
        %get3A_550 = arith.index_cast %add3A_549 : i32 to index
        %get3A_551 = arith.constant 112 : index
        %get3A_552 = tpu.vector_load %arg12[%get3A_550, %get3A_551] {strides = array<i32>} : memref<128x128xf32, #tpu.memory_space<vmem>>, vector<1x16xf32>,
        %get3A_553 = vector.shape_cast %get3A_552 : vector<1x16xf32> to vector<16xf32>
        %add3A_554 = arith.addf %get3A_547, %get3A_553 : vector<16xf32>
        %max3A_555 = arith.constant 0.000000e+00 : f32
        %max3A_556 = vector.broadcast %max3A_555 : f32 to vector<16xf32>
        %max3A_557 = arith.maximumf %add3A_554, %max3A_556 : vector<16xf32>
        %swap3A_558 = arith.index_cast %scan3A_412 : i32 to index
        %swap3A_559 = arith.constant 112 : index
        %swap3A_560 = tpu.vector_load %arg14[%swap3A_558, %swap3A_559] {strides = array<i32>} : memref<64x128xf32, #tpu.memory_space<vmem>>, vector<1x16xf32>,
        %swap3A_561 = vector.shape_cast %swap3A_560 : vector<1x16xf32> to vector<16xf32>
        %swap3A_562 = vector.shape_cast %max3A_557 : vector<16xf32> to vector<1x16xf32>
        tpu.vector_store %arg14[%swap3A_558, %swap3A_559], %swap3A_562 {strides = array<i32>} : memref<64x128xf32, #tpu.memory_space<vmem>>, vector<1x16xf32>,
      }
      %scan3A_102 = arith.constant 64 : i32
      %dma_start3A_103 = arith.constant 1 : i32
      %dma_start3A_104 = arith.constant 0 : i32
      %dma_start3A_105 = tpu.memref_slice %arg11[%dma_start3A_103, %dma_start3A_104] : memref<8x64xi32, #tpu.memory_space<vmem>> -> memref<1x64xi32, #tpu.memory_space<vmem>>
      %dma_start3A_106 = tpu.memref_squeeze %dma_start3A_105 : memref<1x64xi32, #tpu.memory_space<vmem>> -> memref<64xi32, #tpu.memory_space<vmem>>
      %dma_start3A_107 = arith.constant 0 : i32
      %dma_start3A_108 = arith.constant 0 : i32
      %dma_start3A_109 = tpu.memref_slice %arg8[%dma_start3A_107, %dma_start3A_108] : memref<10008x128xf32, #tpu.memory_space<vmem_shared>> -> memref<10008x128xf32, #tpu.memory_space<vmem_shared>>
      tpu.enqueue_indirect_dma source(%arg14 : memref<64x128xf32, #tpu.memory_space<vmem>>) target(%dma_start3A_109 : memref<10008x128xf32, #tpu.memory_space<vmem_shared>>) offsets(%dma_start3A_106 : memref<64xi32, #tpu.memory_space<vmem>>) semaphore(%arg19 : memref<!tpu.dma_semaphore, #tpu.memory_space<semaphore_mem>>) {add = true}
      %dma_start3A_110 = arith.constant 1 : i32
      %dma_start3A_111 = arith.constant 0 : i32
      %dma_start3A_112 = tpu.memref_slice %arg11[%dma_start3A_110, %dma_start3A_111] : memref<8x64xi32, #tpu.memory_space<vmem>> -> memref<1x64xi32, #tpu.memory_space<vmem>>
      %dma_start3A_113 = tpu.memref_squeeze %dma_start3A_112 : memref<1x64xi32, #tpu.memory_space<vmem>> -> memref<64xi32, #tpu.memory_space<vmem>>
      %dma_start3A_114 = arith.constant 0 : i32
      %dma_start3A_115 = tpu.memref_slice %arg9[%dma_start3A_114] : memref<10008xf32, #tpu.memory_space<vmem_shared>> -> memref<10008xf32, #tpu.memory_space<vmem_shared>>
      tpu.enqueue_indirect_dma source(%arg15 : memref<64xf32, #tpu.memory_space<vmem>>) target(%dma_start3A_115 : memref<10008xf32, #tpu.memory_space<vmem_shared>>) offsets(%dma_start3A_113 : memref<64xi32, #tpu.memory_space<vmem>>) semaphore(%arg21 : memref<!tpu.dma_semaphore, #tpu.memory_space<semaphore_mem>>) {add = true}
      %dma_start3A_116 = arith.constant 2 : i32
      %dma_start3A_117 = arith.constant 0 : i32
      %dma_start3A_118 = tpu.memref_slice %arg10[%dma_start3A_116, %dma_start3A_117] : memref<8x128xi32, #tpu.memory_space<vmem>> -> memref<1x128xi32, #tpu.memory_space<vmem>>
      %dma_start3A_119 = tpu.memref_squeeze %dma_start3A_118 : memref<1x128xi32, #tpu.memory_space<vmem>> -> memref<128xi32, #tpu.memory_space<vmem>>
      %dma_start3A_120 = arith.constant 0 : i32
      %dma_start3A_121 = arith.constant 0 : i32
      %dma_start3A_122 = tpu.memref_slice %arg2[%dma_start3A_120, %dma_start3A_121] : memref<20016x128xf32, #tpu.memory_space<hbm>> -> memref<20016x128xf32, #tpu.memory_space<hbm>>
      tpu.enqueue_indirect_dma source(%dma_start3A_122 : memref<20016x128xf32, #tpu.memory_space<hbm>>) target(%arg12 : memref<128x128xf32, #tpu.memory_space<vmem>>) offsets(%dma_start3A_119 : memref<128xi32, #tpu.memory_space<vmem>>) semaphore(%arg17 : memref<!tpu.dma_semaphore, #tpu.memory_space<semaphore_mem>>)
      %dma_wait3A_123 = arith.constant 0 : i32
      %dma_wait3A_124 = arith.constant 0 : i32
      %dma_wait3A_125 = tpu.memref_slice %arg11[%dma_wait3A_123, %dma_wait3A_124] : memref<8x64xi32, #tpu.memory_space<vmem>> -> memref<1x64xi32, #tpu.memory_space<vmem>>
      %dma_wait3A_126 = tpu.memref_squeeze %dma_wait3A_125 : memref<1x64xi32, #tpu.memory_space<vmem>> -> memref<64xi32, #tpu.memory_space<vmem>>
      %dma_wait3A_127 = arith.constant 0 : i32
      %dma_wait3A_128 = arith.constant 0 : i32
      %dma_wait3A_129 = tpu.memref_slice %arg8[%dma_wait3A_127, %dma_wait3A_128] : memref<10008x128xf32, #tpu.memory_space<vmem_shared>> -> memref<10008x128xf32, #tpu.memory_space<vmem_shared>>
      tpu.wait_indirect_dma semaphore(%arg18 : memref<!tpu.dma_semaphore, #tpu.memory_space<semaphore_mem>>) src(%arg13 : memref<64x128xf32, #tpu.memory_space<vmem>>) dst(%dma_wait3A_129 : memref<10008x128xf32, #tpu.memory_space<vmem_shared>>)
      %dma_wait3A_130 = arith.constant 0 : i32
      %dma_wait3A_131 = arith.constant 0 : i32
      %dma_wait3A_132 = tpu.memref_slice %arg11[%dma_wait3A_130, %dma_wait3A_131] : memref<8x64xi32, #tpu.memory_space<vmem>> -> memref<1x64xi32, #tpu.memory_space<vmem>>
      %dma_wait3A_133 = tpu.memref_squeeze %dma_wait3A_132 : memref<1x64xi32, #tpu.memory_space<vmem>> -> memref<64xi32, #tpu.memory_space<vmem>>
      %dma_wait3A_134 = arith.constant 0 : i32
      %dma_wait3A_135 = tpu.memref_slice %arg9[%dma_wait3A_134] : memref<10008xf32, #tpu.memory_space<vmem_shared>> -> memref<10008xf32, #tpu.memory_space<vmem_shared>>
      tpu.wait_indirect_dma semaphore(%arg20 : memref<!tpu.dma_semaphore, #tpu.memory_space<semaphore_mem>>) src(%arg15 : memref<64xf32, #tpu.memory_space<vmem>>) dst(%dma_wait3A_135 : memref<10008xf32, #tpu.memory_space<vmem_shared>>)
      %dma_wait3A_136 = arith.constant 2 : i32
      %dma_wait3A_137 = arith.constant 0 : i32
      %dma_wait3A_138 = tpu.memref_slice %arg10[%dma_wait3A_136, %dma_wait3A_137] : memref<8x128xi32, #tpu.memory_space<vmem>> -> memref<1x128xi32, #tpu.memory_space<vmem>>
      %dma_wait3A_139 = tpu.memref_squeeze %dma_wait3A_138 : memref<1x128xi32, #tpu.memory_space<vmem>> -> memref<128xi32, #tpu.memory_space<vmem>>
      %dma_wait3A_140 = arith.constant 0 : i32
      %dma_wait3A_141 = arith.constant 0 : i32
      %dma_wait3A_142 = tpu.memref_slice %arg2[%dma_wait3A_140, %dma_wait3A_141] : memref<20016x128xf32, #tpu.memory_space<hbm>> -> memref<20016x128xf32, #tpu.memory_space<hbm>>
      tpu.wait_indirect_dma semaphore(%arg17 : memref<!tpu.dma_semaphore, #tpu.memory_space<semaphore_mem>>) src(%dma_wait3A_142 : memref<20016x128xf32, #tpu.memory_space<hbm>>) dst(%arg12 : memref<128x128xf32, #tpu.memory_space<vmem>>)
      %scan3A_143 = arith.constant 0 : i32
      %scan3A_144 = arith.constant 64 : i32
      %scan3A_145 = arith.addi %scan3A_143, %scan3A_144 : i32
      %scan3A_146 = arith.constant 1 : i32
      scf.for %scan3A_412 = %scan3A_143 to %scan3A_145 step %scan3A_146  : i32 {
        %get3A = arith.index_cast %scan3A_412 : i32 to index
        %get3A_413 = arith.constant 0 : index
        %get3A_414 = tpu.vector_load %arg12[%get3A, %get3A_413] {strides = array<i32>} : memref<128x128xf32, #tpu.memory_space<vmem>>, vector<1x16xf32>,
        %get3A_415 = vector.shape_cast %get3A_414 : vector<1x16xf32> to vector<16xf32>
        %add3A_416 = arith.constant 64 : i32
        %add3A_417 = arith.addi %scan3A_412, %add3A_416 : i32
        %get3A_418 = arith.index_cast %add3A_417 : i32 to index
        %get3A_419 = arith.constant 0 : index
        %get3A_420 = tpu.vector_load %arg12[%get3A_418, %get3A_419] {strides = array<i32>} : memref<128x128xf32, #tpu.memory_space<vmem>>, vector<1x16xf32>,
        %get3A_421 = vector.shape_cast %get3A_420 : vector<1x16xf32> to vector<16xf32>
        %add3A_422 = arith.addf %get3A_415, %get3A_421 : vector<16xf32>
        %max3A = arith.constant 0.000000e+00 : f32
        %max3A_423 = vector.broadcast %max3A : f32 to vector<16xf32>
        %max3A_424 = arith.maximumf %add3A_422, %max3A_423 : vector<16xf32>
        %swap3A_425 = arith.index_cast %scan3A_412 : i32 to index
        %swap3A_426 = arith.constant 0 : index
        %swap3A_427 = tpu.vector_load %arg13[%swap3A_425, %swap3A_426] {strides = array<i32>} : memref<64x128xf32, #tpu.memory_space<vmem>>, vector<1x16xf32>,
        %swap3A_428 = vector.shape_cast %swap3A_427 : vector<1x16xf32> to vector<16xf32>
        %swap3A_429 = vector.shape_cast %max3A_424 : vector<16xf32> to vector<1x16xf32>
        tpu.vector_store %arg13[%swap3A_425, %swap3A_426], %swap3A_429 {strides = array<i32>} : memref<64x128xf32, #tpu.memory_space<vmem>>, vector<1x16xf32>,
        %get3A_430 = arith.index_cast %scan3A_412 : i32 to index
        %get3A_431 = arith.constant 16 : index
        %get3A_432 = tpu.vector_load %arg12[%get3A_430, %get3A_431] {strides = array<i32>} : memref<128x128xf32, #tpu.memory_space<vmem>>, vector<1x16xf32>,
        %get3A_433 = vector.shape_cast %get3A_432 : vector<1x16xf32> to vector<16xf32>
        %add3A_434 = arith.constant 64 : i32
        %add3A_435 = arith.addi %scan3A_412, %add3A_434 : i32
        %get3A_436 = arith.index_cast %add3A_435 : i32 to index
        %get3A_437 = arith.constant 16 : index
        %get3A_438 = tpu.vector_load %arg12[%get3A_436, %get3A_437] {strides = array<i32>} : memref<128x128xf32, #tpu.memory_space<vmem>>, vector<1x16xf32>,
        %get3A_439 = vector.shape_cast %get3A_438 : vector<1x16xf32> to vector<16xf32>
        %add3A_440 = arith.addf %get3A_433, %get3A_439 : vector<16xf32>
        %max3A_441 = arith.constant 0.000000e+00 : f32
        %max3A_442 = vector.broadcast %max3A_441 : f32 to vector<16xf32>
        %max3A_443 = arith.maximumf %add3A_440, %max3A_442 : vector<16xf32>
        %swap3A_444 = arith.index_cast %scan3A_412 : i32 to index
        %swap3A_445 = arith.constant 16 : index
        %swap3A_446 = tpu.vector_load %arg13[%swap3A_444, %swap3A_445] {strides = array<i32>} : memref<64x128xf32, #tpu.memory_space<vmem>>, vector<1x16xf32>,
        %swap3A_447 = vector.shape_cast %swap3A_446 : vector<1x16xf32> to vector<16xf32>
        %swap3A_448 = vector.shape_cast %max3A_443 : vector<16xf32> to vector<1x16xf32>
        tpu.vector_store %arg13[%swap3A_444, %swap3A_445], %swap3A_448 {strides = array<i32>} : memref<64x128xf32, #tpu.memory_space<vmem>>, vector<1x16xf32>,
        %get3A_449 = arith.index_cast %scan3A_412 : i32 to index
        %get3A_450 = arith.constant 32 : index
        %get3A_451 = tpu.vector_load %arg12[%get3A_449, %get3A_450] {strides = array<i32>} : memref<128x128xf32, #tpu.memory_space<vmem>>, vector<1x16xf32>,
        %get3A_452 = vector.shape_cast %get3A_451 : vector<1x16xf32> to vector<16xf32>
        %add3A_453 = arith.constant 64 : i32
        %add3A_454 = arith.addi %scan3A_412, %add3A_453 : i32
        %get3A_455 = arith.index_cast %add3A_454 : i32 to index
        %get3A_456 = arith.constant 32 : index
        %get3A_457 = tpu.vector_load %arg12[%get3A_455, %get3A_456] {strides = array<i32>} : memref<128x128xf32, #tpu.memory_space<vmem>>, vector<1x16xf32>,
        %get3A_458 = vector.shape_cast %get3A_457 : vector<1x16xf32> to vector<16xf32>
        %add3A_459 = arith.addf %get3A_452, %get3A_458 : vector<16xf32>
        %max3A_460 = arith.constant 0.000000e+00 : f32
        %max3A_461 = vector.broadcast %max3A_460 : f32 to vector<16xf32>
        %max3A_462 = arith.maximumf %add3A_459, %max3A_461 : vector<16xf32>
        %swap3A_463 = arith.index_cast %scan3A_412 : i32 to index
        %swap3A_464 = arith.constant 32 : index
        %swap3A_465 = tpu.vector_load %arg13[%swap3A_463, %swap3A_464] {strides = array<i32>} : memref<64x128xf32, #tpu.memory_space<vmem>>, vector<1x16xf32>,
        %swap3A_466 = vector.shape_cast %swap3A_465 : vector<1x16xf32> to vector<16xf32>
        %swap3A_467 = vector.shape_cast %max3A_462 : vector<16xf32> to vector<1x16xf32>
        tpu.vector_store %arg13[%swap3A_463, %swap3A_464], %swap3A_467 {strides = array<i32>} : memref<64x128xf32, #tpu.memory_space<vmem>>, vector<1x16xf32>,
        %get3A_468 = arith.index_cast %scan3A_412 : i32 to index
        %get3A_469 = arith.constant 48 : index
        %get3A_470 = tpu.vector_load %arg12[%get3A_468, %get3A_469] {strides = array<i32>} : memref<128x128xf32, #tpu.memory_space<vmem>>, vector<1x16xf32>,
        %get3A_471 = vector.shape_cast %get3A_470 : vector<1x16xf32> to vector<16xf32>
        %add3A_472 = arith.constant 64 : i32
        %add3A_473 = arith.addi %scan3A_412, %add3A_472 : i32
        %get3A_474 = arith.index_cast %add3A_473 : i32 to index
        %get3A_475 = arith.constant 48 : index
        %get3A_476 = tpu.vector_load %arg12[%get3A_474, %get3A_475] {strides = array<i32>} : memref<128x128xf32, #tpu.memory_space<vmem>>, vector<1x16xf32>,
        %get3A_477 = vector.shape_cast %get3A_476 : vector<1x16xf32> to vector<16xf32>
        %add3A_478 = arith.addf %get3A_471, %get3A_477 : vector<16xf32>
        %max3A_479 = arith.constant 0.000000e+00 : f32
        %max3A_480 = vector.broadcast %max3A_479 : f32 to vector<16xf32>
        %max3A_481 = arith.maximumf %add3A_478, %max3A_480 : vector<16xf32>
        %swap3A_482 = arith.index_cast %scan3A_412 : i32 to index
        %swap3A_483 = arith.constant 48 : index
        %swap3A_484 = tpu.vector_load %arg13[%swap3A_482, %swap3A_483] {strides = array<i32>} : memref<64x128xf32, #tpu.memory_space<vmem>>, vector<1x16xf32>,
        %swap3A_485 = vector.shape_cast %swap3A_484 : vector<1x16xf32> to vector<16xf32>
        %swap3A_486 = vector.shape_cast %max3A_481 : vector<16xf32> to vector<1x16xf32>
        tpu.vector_store %arg13[%swap3A_482, %swap3A_483], %swap3A_486 {strides = array<i32>} : memref<64x128xf32, #tpu.memory_space<vmem>>, vector<1x16xf32>,
        %get3A_487 = arith.index_cast %scan3A_412 : i32 to index
        %get3A_488 = arith.constant 64 : index
        %get3A_489 = tpu.vector_load %arg12[%get3A_487, %get3A_488] {strides = array<i32>} : memref<128x128xf32, #tpu.memory_space<vmem>>, vector<1x16xf32>,
        %get3A_490 = vector.shape_cast %get3A_489 : vector<1x16xf32> to vector<16xf32>
        %add3A_491 = arith.constant 64 : i32
        %add3A_492 = arith.addi %scan3A_412, %add3A_491 : i32
        %get3A_493 = arith.index_cast %add3A_492 : i32 to index
        %get3A_494 = arith.constant 64 : index
        %get3A_495 = tpu.vector_load %arg12[%get3A_493, %get3A_494] {strides = array<i32>} : memref<128x128xf32, #tpu.memory_space<vmem>>, vector<1x16xf32>,
        %get3A_496 = vector.shape_cast %get3A_495 : vector<1x16xf32> to vector<16xf32>
        %add3A_497 = arith.addf %get3A_490, %get3A_496 : vector<16xf32>
        %max3A_498 = arith.constant 0.000000e+00 : f32
        %max3A_499 = vector.broadcast %max3A_498 : f32 to vector<16xf32>
        %max3A_500 = arith.maximumf %add3A_497, %max3A_499 : vector<16xf32>
        %swap3A_501 = arith.index_cast %scan3A_412 : i32 to index
        %swap3A_502 = arith.constant 64 : index
        %swap3A_503 = tpu.vector_load %arg13[%swap3A_501, %swap3A_502] {strides = array<i32>} : memref<64x128xf32, #tpu.memory_space<vmem>>, vector<1x16xf32>,
        %swap3A_504 = vector.shape_cast %swap3A_503 : vector<1x16xf32> to vector<16xf32>
        %swap3A_505 = vector.shape_cast %max3A_500 : vector<16xf32> to vector<1x16xf32>
        tpu.vector_store %arg13[%swap3A_501, %swap3A_502], %swap3A_505 {strides = array<i32>} : memref<64x128xf32, #tpu.memory_space<vmem>>, vector<1x16xf32>,
        %get3A_506 = arith.index_cast %scan3A_412 : i32 to index
        %get3A_507 = arith.constant 80 : index
        %get3A_508 = tpu.vector_load %arg12[%get3A_506, %get3A_507] {strides = array<i32>} : memref<128x128xf32, #tpu.memory_space<vmem>>, vector<1x16xf32>,
        %get3A_509 = vector.shape_cast %get3A_508 : vector<1x16xf32> to vector<16xf32>
        %add3A_510 = arith.constant 64 : i32
        %add3A_511 = arith.addi %scan3A_412, %add3A_510 : i32
        %get3A_512 = arith.index_cast %add3A_511 : i32 to index
        %get3A_513 = arith.constant 80 : index
        %get3A_514 = tpu.vector_load %arg12[%get3A_512, %get3A_513] {strides = array<i32>} : memref<128x128xf32, #tpu.memory_space<vmem>>, vector<1x16xf32>,
        %get3A_515 = vector.shape_cast %get3A_514 : vector<1x16xf32> to vector<16xf32>
        %add3A_516 = arith.addf %get3A_509, %get3A_515 : vector<16xf32>
        %max3A_517 = arith.constant 0.000000e+00 : f32
        %max3A_518 = vector.broadcast %max3A_517 : f32 to vector<16xf32>
        %max3A_519 = arith.maximumf %add3A_516, %max3A_518 : vector<16xf32>
        %swap3A_520 = arith.index_cast %scan3A_412 : i32 to index
        %swap3A_521 = arith.constant 80 : index
        %swap3A_522 = tpu.vector_load %arg13[%swap3A_520, %swap3A_521] {strides = array<i32>} : memref<64x128xf32, #tpu.memory_space<vmem>>, vector<1x16xf32>,
        %swap3A_523 = vector.shape_cast %swap3A_522 : vector<1x16xf32> to vector<16xf32>
        %swap3A_524 = vector.shape_cast %max3A_519 : vector<16xf32> to vector<1x16xf32>
        tpu.vector_store %arg13[%swap3A_520, %swap3A_521], %swap3A_524 {strides = array<i32>} : memref<64x128xf32, #tpu.memory_space<vmem>>, vector<1x16xf32>,
        %get3A_525 = arith.index_cast %scan3A_412 : i32 to index
        %get3A_526 = arith.constant 96 : index
        %get3A_527 = tpu.vector_load %arg12[%get3A_525, %get3A_526] {strides = array<i32>} : memref<128x128xf32, #tpu.memory_space<vmem>>, vector<1x16xf32>,
        %get3A_528 = vector.shape_cast %get3A_527 : vector<1x16xf32> to vector<16xf32>
        %add3A_529 = arith.constant 64 : i32
        %add3A_530 = arith.addi %scan3A_412, %add3A_529 : i32
        %get3A_531 = arith.index_cast %add3A_530 : i32 to index
        %get3A_532 = arith.constant 96 : index
        %get3A_533 = tpu.vector_load %arg12[%get3A_531, %get3A_532] {strides = array<i32>} : memref<128x128xf32, #tpu.memory_space<vmem>>, vector<1x16xf32>,
        %get3A_534 = vector.shape_cast %get3A_533 : vector<1x16xf32> to vector<16xf32>
        %add3A_535 = arith.addf %get3A_528, %get3A_534 : vector<16xf32>
        %max3A_536 = arith.constant 0.000000e+00 : f32
        %max3A_537 = vector.broadcast %max3A_536 : f32 to vector<16xf32>
        %max3A_538 = arith.maximumf %add3A_535, %max3A_537 : vector<16xf32>
        %swap3A_539 = arith.index_cast %scan3A_412 : i32 to index
        %swap3A_540 = arith.constant 96 : index
        %swap3A_541 = tpu.vector_load %arg13[%swap3A_539, %swap3A_540] {strides = array<i32>} : memref<64x128xf32, #tpu.memory_space<vmem>>, vector<1x16xf32>,
        %swap3A_542 = vector.shape_cast %swap3A_541 : vector<1x16xf32> to vector<16xf32>
        %swap3A_543 = vector.shape_cast %max3A_538 : vector<16xf32> to vector<1x16xf32>
        tpu.vector_store %arg13[%swap3A_539, %swap3A_540], %swap3A_543 {strides = array<i32>} : memref<64x128xf32, #tpu.memory_space<vmem>>, vector<1x16xf32>,
        %get3A_544 = arith.index_cast %scan3A_412 : i32 to index
        %get3A_545 = arith.constant 112 : index
        %get3A_546 = tpu.vector_load %arg12[%get3A_544, %get3A_545] {strides = array<i32>} : memref<128x128xf32, #tpu.memory_space<vmem>>, vector<1x16xf32>,
        %get3A_547 = vector.shape_cast %get3A_546 : vector<1x16xf32> to vector<16xf32>
        %add3A_548 = arith.constant 64 : i32
        %add3A_549 = arith.addi %scan3A_412, %add3A_548 : i32
        %get3A_550 = arith.index_cast %add3A_549 : i32 to index
        %get3A_551 = arith.constant 112 : index
        %get3A_552 = tpu.vector_load %arg12[%get3A_550, %get3A_551] {strides = array<i32>} : memref<128x128xf32, #tpu.memory_space<vmem>>, vector<1x16xf32>,
        %get3A_553 = vector.shape_cast %get3A_552 : vector<1x16xf32> to vector<16xf32>
        %add3A_554 = arith.addf %get3A_547, %get3A_553 : vector<16xf32>
        %max3A_555 = arith.constant 0.000000e+00 : f32
        %max3A_556 = vector.broadcast %max3A_555 : f32 to vector<16xf32>
        %max3A_557 = arith.maximumf %add3A_554, %max3A_556 : vector<16xf32>
        %swap3A_558 = arith.index_cast %scan3A_412 : i32 to index
        %swap3A_559 = arith.constant 112 : index
        %swap3A_560 = tpu.vector_load %arg13[%swap3A_558, %swap3A_559] {strides = array<i32>} : memref<64x128xf32, #tpu.memory_space<vmem>>, vector<1x16xf32>,
        %swap3A_561 = vector.shape_cast %swap3A_560 : vector<1x16xf32> to vector<16xf32>
        %swap3A_562 = vector.shape_cast %max3A_557 : vector<16xf32> to vector<1x16xf32>
        tpu.vector_store %arg13[%swap3A_558, %swap3A_559], %swap3A_562 {strides = array<i32>} : memref<64x128xf32, #tpu.memory_space<vmem>>, vector<1x16xf32>,
      }
      %scan3A_147 = arith.constant 64 : i32
      %dma_start3A_148 = arith.constant 2 : i32
      %dma_start3A_149 = arith.constant 0 : i32
      %dma_start3A_150 = tpu.memref_slice %arg11[%dma_start3A_148, %dma_start3A_149] : memref<8x64xi32, #tpu.memory_space<vmem>> -> memref<1x64xi32, #tpu.memory_space<vmem>>
      %dma_start3A_151 = tpu.memref_squeeze %dma_start3A_150 : memref<1x64xi32, #tpu.memory_space<vmem>> -> memref<64xi32, #tpu.memory_space<vmem>>
      %dma_start3A_152 = arith.constant 0 : i32
      %dma_start3A_153 = arith.constant 0 : i32
      %dma_start3A_154 = tpu.memref_slice %arg8[%dma_start3A_152, %dma_start3A_153] : memref<10008x128xf32, #tpu.memory_space<vmem_shared>> -> memref<10008x128xf32, #tpu.memory_space<vmem_shared>>
      tpu.enqueue_indirect_dma source(%arg13 : memref<64x128xf32, #tpu.memory_space<vmem>>) target(%dma_start3A_154 : memref<10008x128xf32, #tpu.memory_space<vmem_shared>>) offsets(%dma_start3A_151 : memref<64xi32, #tpu.memory_space<vmem>>) semaphore(%arg18 : memref<!tpu.dma_semaphore, #tpu.memory_space<semaphore_mem>>) {add = true}
      %dma_start3A_155 = arith.constant 2 : i32
      %dma_start3A_156 = arith.constant 0 : i32
      %dma_start3A_157 = tpu.memref_slice %arg11[%dma_start3A_155, %dma_start3A_156] : memref<8x64xi32, #tpu.memory_space<vmem>> -> memref<1x64xi32, #tpu.memory_space<vmem>>
      %dma_start3A_158 = tpu.memref_squeeze %dma_start3A_157 : memref<1x64xi32, #tpu.memory_space<vmem>> -> memref<64xi32, #tpu.memory_space<vmem>>
      %dma_start3A_159 = arith.constant 0 : i32
      %dma_start3A_160 = tpu.memref_slice %arg9[%dma_start3A_159] : memref<10008xf32, #tpu.memory_space<vmem_shared>> -> memref<10008xf32, #tpu.memory_space<vmem_shared>>
      tpu.enqueue_indirect_dma source(%arg15 : memref<64xf32, #tpu.memory_space<vmem>>) target(%dma_start3A_160 : memref<10008xf32, #tpu.memory_space<vmem_shared>>) offsets(%dma_start3A_158 : memref<64xi32, #tpu.memory_space<vmem>>) semaphore(%arg20 : memref<!tpu.dma_semaphore, #tpu.memory_space<semaphore_mem>>) {add = true}
      %dma_start3A_161 = arith.constant 3 : i32
      %dma_start3A_162 = arith.constant 0 : i32
      %dma_start3A_163 = tpu.memref_slice %arg10[%dma_start3A_161, %dma_start3A_162] : memref<8x128xi32, #tpu.memory_space<vmem>> -> memref<1x128xi32, #tpu.memory_space<vmem>>
      %dma_start3A_164 = tpu.memref_squeeze %dma_start3A_163 : memref<1x128xi32, #tpu.memory_space<vmem>> -> memref<128xi32, #tpu.memory_space<vmem>>
      %dma_start3A_165 = arith.constant 0 : i32
      %dma_start3A_166 = arith.constant 0 : i32
      %dma_start3A_167 = tpu.memref_slice %arg2[%dma_start3A_165, %dma_start3A_166] : memref<20016x128xf32, #tpu.memory_space<hbm>> -> memref<20016x128xf32, #tpu.memory_space<hbm>>
      tpu.enqueue_indirect_dma source(%dma_start3A_167 : memref<20016x128xf32, #tpu.memory_space<hbm>>) target(%arg12 : memref<128x128xf32, #tpu.memory_space<vmem>>) offsets(%dma_start3A_164 : memref<128xi32, #tpu.memory_space<vmem>>) semaphore(%arg17 : memref<!tpu.dma_semaphore, #tpu.memory_space<semaphore_mem>>)
      %dma_wait3A_168 = arith.constant 1 : i32
      %dma_wait3A_169 = arith.constant 0 : i32
      %dma_wait3A_170 = tpu.memref_slice %arg11[%dma_wait3A_168, %dma_wait3A_169] : memref<8x64xi32, #tpu.memory_space<vmem>> -> memref<1x64xi32, #tpu.memory_space<vmem>>
      %dma_wait3A_171 = tpu.memref_squeeze %dma_wait3A_170 : memref<1x64xi32, #tpu.memory_space<vmem>> -> memref<64xi32, #tpu.memory_space<vmem>>
      %dma_wait3A_172 = arith.constant 0 : i32
      %dma_wait3A_173 = arith.constant 0 : i32
      %dma_wait3A_174 = tpu.memref_slice %arg8[%dma_wait3A_172, %dma_wait3A_173] : memref<10008x128xf32, #tpu.memory_space<vmem_shared>> -> memref<10008x128xf32, #tpu.memory_space<vmem_shared>>
      tpu.wait_indirect_dma semaphore(%arg19 : memref<!tpu.dma_semaphore, #tpu.memory_space<semaphore_mem>>) src(%arg14 : memref<64x128xf32, #tpu.memory_space<vmem>>) dst(%dma_wait3A_174 : memref<10008x128xf32, #tpu.memory_space<vmem_shared>>)
      %dma_wait3A_175 = arith.constant 1 : i32
      %dma_wait3A_176 = arith.constant 0 : i32
      %dma_wait3A_177 = tpu.memref_slice %arg11[%dma_wait3A_175, %dma_wait3A_176] : memref<8x64xi32, #tpu.memory_space<vmem>> -> memref<1x64xi32, #tpu.memory_space<vmem>>
      %dma_wait3A_178 = tpu.memref_squeeze %dma_wait3A_177 : memref<1x64xi32, #tpu.memory_space<vmem>> -> memref<64xi32, #tpu.memory_space<vmem>>
      %dma_wait3A_179 = arith.constant 0 : i32
      %dma_wait3A_180 = tpu.memref_slice %arg9[%dma_wait3A_179] : memref<10008xf32, #tpu.memory_space<vmem_shared>> -> memref<10008xf32, #tpu.memory_space<vmem_shared>>
      tpu.wait_indirect_dma semaphore(%arg21 : memref<!tpu.dma_semaphore, #tpu.memory_space<semaphore_mem>>) src(%arg15 : memref<64xf32, #tpu.memory_space<vmem>>) dst(%dma_wait3A_180 : memref<10008xf32, #tpu.memory_space<vmem_shared>>)
      %dma_wait3A_181 = arith.constant 3 : i32
      %dma_wait3A_182 = arith.constant 0 : i32
      %dma_wait3A_183 = tpu.memref_slice %arg10[%dma_wait3A_181, %dma_wait3A_182] : memref<8x128xi32, #tpu.memory_space<vmem>> -> memref<1x128xi32, #tpu.memory_space<vmem>>
      %dma_wait3A_184 = tpu.memref_squeeze %dma_wait3A_183 : memref<1x128xi32, #tpu.memory_space<vmem>> -> memref<128xi32, #tpu.memory_space<vmem>>
      %dma_wait3A_185 = arith.constant 0 : i32
      %dma_wait3A_186 = arith.constant 0 : i32
      %dma_wait3A_187 = tpu.memref_slice %arg2[%dma_wait3A_185, %dma_wait3A_186] : memref<20016x128xf32, #tpu.memory_space<hbm>> -> memref<20016x128xf32, #tpu.memory_space<hbm>>
      tpu.wait_indirect_dma semaphore(%arg17 : memref<!tpu.dma_semaphore, #tpu.memory_space<semaphore_mem>>) src(%dma_wait3A_187 : memref<20016x128xf32, #tpu.memory_space<hbm>>) dst(%arg12 : memref<128x128xf32, #tpu.memory_space<vmem>>)
      %scan3A_188 = arith.constant 0 : i32
      %scan3A_189 = arith.constant 64 : i32
      %scan3A_190 = arith.addi %scan3A_188, %scan3A_189 : i32
      %scan3A_191 = arith.constant 1 : i32
      scf.for %scan3A_412 = %scan3A_188 to %scan3A_190 step %scan3A_191  : i32 {
        %get3A = arith.index_cast %scan3A_412 : i32 to index
        %get3A_413 = arith.constant 0 : index
        %get3A_414 = tpu.vector_load %arg12[%get3A, %get3A_413] {strides = array<i32>} : memref<128x128xf32, #tpu.memory_space<vmem>>, vector<1x16xf32>,
        %get3A_415 = vector.shape_cast %get3A_414 : vector<1x16xf32> to vector<16xf32>
        %add3A_416 = arith.constant 64 : i32
        %add3A_417 = arith.addi %scan3A_412, %add3A_416 : i32
        %get3A_418 = arith.index_cast %add3A_417 : i32 to index
        %get3A_419 = arith.constant 0 : index
        %get3A_420 = tpu.vector_load %arg12[%get3A_418, %get3A_419] {strides = array<i32>} : memref<128x128xf32, #tpu.memory_space<vmem>>, vector<1x16xf32>,
        %get3A_421 = vector.shape_cast %get3A_420 : vector<1x16xf32> to vector<16xf32>
        %add3A_422 = arith.addf %get3A_415, %get3A_421 : vector<16xf32>
        %max3A = arith.constant 0.000000e+00 : f32
        %max3A_423 = vector.broadcast %max3A : f32 to vector<16xf32>
        %max3A_424 = arith.maximumf %add3A_422, %max3A_423 : vector<16xf32>
        %swap3A_425 = arith.index_cast %scan3A_412 : i32 to index
        %swap3A_426 = arith.constant 0 : index
        %swap3A_427 = tpu.vector_load %arg14[%swap3A_425, %swap3A_426] {strides = array<i32>} : memref<64x128xf32, #tpu.memory_space<vmem>>, vector<1x16xf32>,
        %swap3A_428 = vector.shape_cast %swap3A_427 : vector<1x16xf32> to vector<16xf32>
        %swap3A_429 = vector.shape_cast %max3A_424 : vector<16xf32> to vector<1x16xf32>
        tpu.vector_store %arg14[%swap3A_425, %swap3A_426], %swap3A_429 {strides = array<i32>} : memref<64x128xf32, #tpu.memory_space<vmem>>, vector<1x16xf32>,
        %get3A_430 = arith.index_cast %scan3A_412 : i32 to index
        %get3A_431 = arith.constant 16 : index
        %get3A_432 = tpu.vector_load %arg12[%get3A_430, %get3A_431] {strides = array<i32>} : memref<128x128xf32, #tpu.memory_space<vmem>>, vector<1x16xf32>,
        %get3A_433 = vector.shape_cast %get3A_432 : vector<1x16xf32> to vector<16xf32>
        %add3A_434 = arith.constant 64 : i32
        %add3A_435 = arith.addi %scan3A_412, %add3A_434 : i32
        %get3A_436 = arith.index_cast %add3A_435 : i32 to index
        %get3A_437 = arith.constant 16 : index
        %get3A_438 = tpu.vector_load %arg12[%get3A_436, %get3A_437] {strides = array<i32>} : memref<128x128xf32, #tpu.memory_space<vmem>>, vector<1x16xf32>,
        %get3A_439 = vector.shape_cast %get3A_438 : vector<1x16xf32> to vector<16xf32>
        %add3A_440 = arith.addf %get3A_433, %get3A_439 : vector<16xf32>
        %max3A_441 = arith.constant 0.000000e+00 : f32
        %max3A_442 = vector.broadcast %max3A_441 : f32 to vector<16xf32>
        %max3A_443 = arith.maximumf %add3A_440, %max3A_442 : vector<16xf32>
        %swap3A_444 = arith.index_cast %scan3A_412 : i32 to index
        %swap3A_445 = arith.constant 16 : index
        %swap3A_446 = tpu.vector_load %arg14[%swap3A_444, %swap3A_445] {strides = array<i32>} : memref<64x128xf32, #tpu.memory_space<vmem>>, vector<1x16xf32>,
        %swap3A_447 = vector.shape_cast %swap3A_446 : vector<1x16xf32> to vector<16xf32>
        %swap3A_448 = vector.shape_cast %max3A_443 : vector<16xf32> to vector<1x16xf32>
        tpu.vector_store %arg14[%swap3A_444, %swap3A_445], %swap3A_448 {strides = array<i32>} : memref<64x128xf32, #tpu.memory_space<vmem>>, vector<1x16xf32>,
        %get3A_449 = arith.index_cast %scan3A_412 : i32 to index
        %get3A_450 = arith.constant 32 : index
        %get3A_451 = tpu.vector_load %arg12[%get3A_449, %get3A_450] {strides = array<i32>} : memref<128x128xf32, #tpu.memory_space<vmem>>, vector<1x16xf32>,
        %get3A_452 = vector.shape_cast %get3A_451 : vector<1x16xf32> to vector<16xf32>
        %add3A_453 = arith.constant 64 : i32
        %add3A_454 = arith.addi %scan3A_412, %add3A_453 : i32
        %get3A_455 = arith.index_cast %add3A_454 : i32 to index
        %get3A_456 = arith.constant 32 : index
        %get3A_457 = tpu.vector_load %arg12[%get3A_455, %get3A_456] {strides = array<i32>} : memref<128x128xf32, #tpu.memory_space<vmem>>, vector<1x16xf32>,
        %get3A_458 = vector.shape_cast %get3A_457 : vector<1x16xf32> to vector<16xf32>
        %add3A_459 = arith.addf %get3A_452, %get3A_458 : vector<16xf32>
        %max3A_460 = arith.constant 0.000000e+00 : f32
        %max3A_461 = vector.broadcast %max3A_460 : f32 to vector<16xf32>
        %max3A_462 = arith.maximumf %add3A_459, %max3A_461 : vector<16xf32>
        %swap3A_463 = arith.index_cast %scan3A_412 : i32 to index
        %swap3A_464 = arith.constant 32 : index
        %swap3A_465 = tpu.vector_load %arg14[%swap3A_463, %swap3A_464] {strides = array<i32>} : memref<64x128xf32, #tpu.memory_space<vmem>>, vector<1x16xf32>,
        %swap3A_466 = vector.shape_cast %swap3A_465 : vector<1x16xf32> to vector<16xf32>
        %swap3A_467 = vector.shape_cast %max3A_462 : vector<16xf32> to vector<1x16xf32>
        tpu.vector_store %arg14[%swap3A_463, %swap3A_464], %swap3A_467 {strides = array<i32>} : memref<64x128xf32, #tpu.memory_space<vmem>>, vector<1x16xf32>,
        %get3A_468 = arith.index_cast %scan3A_412 : i32 to index
        %get3A_469 = arith.constant 48 : index
        %get3A_470 = tpu.vector_load %arg12[%get3A_468, %get3A_469] {strides = array<i32>} : memref<128x128xf32, #tpu.memory_space<vmem>>, vector<1x16xf32>,
        %get3A_471 = vector.shape_cast %get3A_470 : vector<1x16xf32> to vector<16xf32>
        %add3A_472 = arith.constant 64 : i32
        %add3A_473 = arith.addi %scan3A_412, %add3A_472 : i32
        %get3A_474 = arith.index_cast %add3A_473 : i32 to index
        %get3A_475 = arith.constant 48 : index
        %get3A_476 = tpu.vector_load %arg12[%get3A_474, %get3A_475] {strides = array<i32>} : memref<128x128xf32, #tpu.memory_space<vmem>>, vector<1x16xf32>,
        %get3A_477 = vector.shape_cast %get3A_476 : vector<1x16xf32> to vector<16xf32>
        %add3A_478 = arith.addf %get3A_471, %get3A_477 : vector<16xf32>
        %max3A_479 = arith.constant 0.000000e+00 : f32
        %max3A_480 = vector.broadcast %max3A_479 : f32 to vector<16xf32>
        %max3A_481 = arith.maximumf %add3A_478, %max3A_480 : vector<16xf32>
        %swap3A_482 = arith.index_cast %scan3A_412 : i32 to index
        %swap3A_483 = arith.constant 48 : index
        %swap3A_484 = tpu.vector_load %arg14[%swap3A_482, %swap3A_483] {strides = array<i32>} : memref<64x128xf32, #tpu.memory_space<vmem>>, vector<1x16xf32>,
        %swap3A_485 = vector.shape_cast %swap3A_484 : vector<1x16xf32> to vector<16xf32>
        %swap3A_486 = vector.shape_cast %max3A_481 : vector<16xf32> to vector<1x16xf32>
        tpu.vector_store %arg14[%swap3A_482, %swap3A_483], %swap3A_486 {strides = array<i32>} : memref<64x128xf32, #tpu.memory_space<vmem>>, vector<1x16xf32>,
        %get3A_487 = arith.index_cast %scan3A_412 : i32 to index
        %get3A_488 = arith.constant 64 : index
        %get3A_489 = tpu.vector_load %arg12[%get3A_487, %get3A_488] {strides = array<i32>} : memref<128x128xf32, #tpu.memory_space<vmem>>, vector<1x16xf32>,
        %get3A_490 = vector.shape_cast %get3A_489 : vector<1x16xf32> to vector<16xf32>
        %add3A_491 = arith.constant 64 : i32
        %add3A_492 = arith.addi %scan3A_412, %add3A_491 : i32
        %get3A_493 = arith.index_cast %add3A_492 : i32 to index
        %get3A_494 = arith.constant 64 : index
        %get3A_495 = tpu.vector_load %arg12[%get3A_493, %get3A_494] {strides = array<i32>} : memref<128x128xf32, #tpu.memory_space<vmem>>, vector<1x16xf32>,
        %get3A_496 = vector.shape_cast %get3A_495 : vector<1x16xf32> to vector<16xf32>
        %add3A_497 = arith.addf %get3A_490, %get3A_496 : vector<16xf32>
        %max3A_498 = arith.constant 0.000000e+00 : f32
        %max3A_499 = vector.broadcast %max3A_498 : f32 to vector<16xf32>
        %max3A_500 = arith.maximumf %add3A_497, %max3A_499 : vector<16xf32>
        %swap3A_501 = arith.index_cast %scan3A_412 : i32 to index
        %swap3A_502 = arith.constant 64 : index
        %swap3A_503 = tpu.vector_load %arg14[%swap3A_501, %swap3A_502] {strides = array<i32>} : memref<64x128xf32, #tpu.memory_space<vmem>>, vector<1x16xf32>,
        %swap3A_504 = vector.shape_cast %swap3A_503 : vector<1x16xf32> to vector<16xf32>
        %swap3A_505 = vector.shape_cast %max3A_500 : vector<16xf32> to vector<1x16xf32>
        tpu.vector_store %arg14[%swap3A_501, %swap3A_502], %swap3A_505 {strides = array<i32>} : memref<64x128xf32, #tpu.memory_space<vmem>>, vector<1x16xf32>,
        %get3A_506 = arith.index_cast %scan3A_412 : i32 to index
        %get3A_507 = arith.constant 80 : index
        %get3A_508 = tpu.vector_load %arg12[%get3A_506, %get3A_507] {strides = array<i32>} : memref<128x128xf32, #tpu.memory_space<vmem>>, vector<1x16xf32>,
        %get3A_509 = vector.shape_cast %get3A_508 : vector<1x16xf32> to vector<16xf32>
        %add3A_510 = arith.constant 64 : i32
        %add3A_511 = arith.addi %scan3A_412, %add3A_510 : i32
        %get3A_512 = arith.index_cast %add3A_511 : i32 to index
        %get3A_513 = arith.constant 80 : index
        %get3A_514 = tpu.vector_load %arg12[%get3A_512, %get3A_513] {strides = array<i32>} : memref<128x128xf32, #tpu.memory_space<vmem>>, vector<1x16xf32>,
        %get3A_515 = vector.shape_cast %get3A_514 : vector<1x16xf32> to vector<16xf32>
        %add3A_516 = arith.addf %get3A_509, %get3A_515 : vector<16xf32>
        %max3A_517 = arith.constant 0.000000e+00 : f32
        %max3A_518 = vector.broadcast %max3A_517 : f32 to vector<16xf32>
        %max3A_519 = arith.maximumf %add3A_516, %max3A_518 : vector<16xf32>
        %swap3A_520 = arith.index_cast %scan3A_412 : i32 to index
        %swap3A_521 = arith.constant 80 : index
        %swap3A_522 = tpu.vector_load %arg14[%swap3A_520, %swap3A_521] {strides = array<i32>} : memref<64x128xf32, #tpu.memory_space<vmem>>, vector<1x16xf32>,
        %swap3A_523 = vector.shape_cast %swap3A_522 : vector<1x16xf32> to vector<16xf32>
        %swap3A_524 = vector.shape_cast %max3A_519 : vector<16xf32> to vector<1x16xf32>
        tpu.vector_store %arg14[%swap3A_520, %swap3A_521], %swap3A_524 {strides = array<i32>} : memref<64x128xf32, #tpu.memory_space<vmem>>, vector<1x16xf32>,
        %get3A_525 = arith.index_cast %scan3A_412 : i32 to index
        %get3A_526 = arith.constant 96 : index
        %get3A_527 = tpu.vector_load %arg12[%get3A_525, %get3A_526] {strides = array<i32>} : memref<128x128xf32, #tpu.memory_space<vmem>>, vector<1x16xf32>,
        %get3A_528 = vector.shape_cast %get3A_527 : vector<1x16xf32> to vector<16xf32>
        %add3A_529 = arith.constant 64 : i32
        %add3A_530 = arith.addi %scan3A_412, %add3A_529 : i32
        %get3A_531 = arith.index_cast %add3A_530 : i32 to index
        %get3A_532 = arith.constant 96 : index
        %get3A_533 = tpu.vector_load %arg12[%get3A_531, %get3A_532] {strides = array<i32>} : memref<128x128xf32, #tpu.memory_space<vmem>>, vector<1x16xf32>,
        %get3A_534 = vector.shape_cast %get3A_533 : vector<1x16xf32> to vector<16xf32>
        %add3A_535 = arith.addf %get3A_528, %get3A_534 : vector<16xf32>
        %max3A_536 = arith.constant 0.000000e+00 : f32
        %max3A_537 = vector.broadcast %max3A_536 : f32 to vector<16xf32>
        %max3A_538 = arith.maximumf %add3A_535, %max3A_537 : vector<16xf32>
        %swap3A_539 = arith.index_cast %scan3A_412 : i32 to index
        %swap3A_540 = arith.constant 96 : index
        %swap3A_541 = tpu.vector_load %arg14[%swap3A_539, %swap3A_540] {strides = array<i32>} : memref<64x128xf32, #tpu.memory_space<vmem>>, vector<1x16xf32>,
        %swap3A_542 = vector.shape_cast %swap3A_541 : vector<1x16xf32> to vector<16xf32>
        %swap3A_543 = vector.shape_cast %max3A_538 : vector<16xf32> to vector<1x16xf32>
        tpu.vector_store %arg14[%swap3A_539, %swap3A_540], %swap3A_543 {strides = array<i32>} : memref<64x128xf32, #tpu.memory_space<vmem>>, vector<1x16xf32>,
        %get3A_544 = arith.index_cast %scan3A_412 : i32 to index
        %get3A_545 = arith.constant 112 : index
        %get3A_546 = tpu.vector_load %arg12[%get3A_544, %get3A_545] {strides = array<i32>} : memref<128x128xf32, #tpu.memory_space<vmem>>, vector<1x16xf32>,
        %get3A_547 = vector.shape_cast %get3A_546 : vector<1x16xf32> to vector<16xf32>
        %add3A_548 = arith.constant 64 : i32
        %add3A_549 = arith.addi %scan3A_412, %add3A_548 : i32
        %get3A_550 = arith.index_cast %add3A_549 : i32 to index
        %get3A_551 = arith.constant 112 : index
        %get3A_552 = tpu.vector_load %arg12[%get3A_550, %get3A_551] {strides = array<i32>} : memref<128x128xf32, #tpu.memory_space<vmem>>, vector<1x16xf32>,
        %get3A_553 = vector.shape_cast %get3A_552 : vector<1x16xf32> to vector<16xf32>
        %add3A_554 = arith.addf %get3A_547, %get3A_553 : vector<16xf32>
        %max3A_555 = arith.constant 0.000000e+00 : f32
        %max3A_556 = vector.broadcast %max3A_555 : f32 to vector<16xf32>
        %max3A_557 = arith.maximumf %add3A_554, %max3A_556 : vector<16xf32>
        %swap3A_558 = arith.index_cast %scan3A_412 : i32 to index
        %swap3A_559 = arith.constant 112 : index
        %swap3A_560 = tpu.vector_load %arg14[%swap3A_558, %swap3A_559] {strides = array<i32>} : memref<64x128xf32, #tpu.memory_space<vmem>>, vector<1x16xf32>,
        %swap3A_561 = vector.shape_cast %swap3A_560 : vector<1x16xf32> to vector<16xf32>
        %swap3A_562 = vector.shape_cast %max3A_557 : vector<16xf32> to vector<1x16xf32>
        tpu.vector_store %arg14[%swap3A_558, %swap3A_559], %swap3A_562 {strides = array<i32>} : memref<64x128xf32, #tpu.memory_space<vmem>>, vector<1x16xf32>,
      }
      %scan3A_192 = arith.constant 64 : i32
      %dma_start3A_193 = arith.constant 3 : i32
      %dma_start3A_194 = arith.constant 0 : i32
      %dma_start3A_195 = tpu.memref_slice %arg11[%dma_start3A_193, %dma_start3A_194] : memref<8x64xi32, #tpu.memory_space<vmem>> -> memref<1x64xi32, #tpu.memory_space<vmem>>
      %dma_start3A_196 = tpu.memref_squeeze %dma_start3A_195 : memref<1x64xi32, #tpu.memory_space<vmem>> -> memref<64xi32, #tpu.memory_space<vmem>>
      %dma_start3A_197 = arith.constant 0 : i32
      %dma_start3A_198 = arith.constant 0 : i32
      %dma_start3A_199 = tpu.memref_slice %arg8[%dma_start3A_197, %dma_start3A_198] : memref<10008x128xf32, #tpu.memory_space<vmem_shared>> -> memref<10008x128xf32, #tpu.memory_space<vmem_shared>>
      tpu.enqueue_indirect_dma source(%arg14 : memref<64x128xf32, #tpu.memory_space<vmem>>) target(%dma_start3A_199 : memref<10008x128xf32, #tpu.memory_space<vmem_shared>>) offsets(%dma_start3A_196 : memref<64xi32, #tpu.memory_space<vmem>>) semaphore(%arg19 : memref<!tpu.dma_semaphore, #tpu.memory_space<semaphore_mem>>) {add = true}
      %dma_start3A_200 = arith.constant 3 : i32
      %dma_start3A_201 = arith.constant 0 : i32
      %dma_start3A_202 = tpu.memref_slice %arg11[%dma_start3A_200, %dma_start3A_201] : memref<8x64xi32, #tpu.memory_space<vmem>> -> memref<1x64xi32, #tpu.memory_space<vmem>>
      %dma_start3A_203 = tpu.memref_squeeze %dma_start3A_202 : memref<1x64xi32, #tpu.memory_space<vmem>> -> memref<64xi32, #tpu.memory_space<vmem>>
      %dma_start3A_204 = arith.constant 0 : i32
      %dma_start3A_205 = tpu.memref_slice %arg9[%dma_start3A_204] : memref<10008xf32, #tpu.memory_space<vmem_shared>> -> memref<10008xf32, #tpu.memory_space<vmem_shared>>
      tpu.enqueue_indirect_dma source(%arg15 : memref<64xf32, #tpu.memory_space<vmem>>) target(%dma_start3A_205 : memref<10008xf32, #tpu.memory_space<vmem_shared>>) offsets(%dma_start3A_203 : memref<64xi32, #tpu.memory_space<vmem>>) semaphore(%arg21 : memref<!tpu.dma_semaphore, #tpu.memory_space<semaphore_mem>>) {add = true}
      %dma_start3A_206 = arith.constant 4 : i32
      %dma_start3A_207 = arith.constant 0 : i32
      %dma_start3A_208 = tpu.memref_slice %arg10[%dma_start3A_206, %dma_start3A_207] : memref<8x128xi32, #tpu.memory_space<vmem>> -> memref<1x128xi32, #tpu.memory_space<vmem>>
      %dma_start3A_209 = tpu.memref_squeeze %dma_start3A_208 : memref<1x128xi32, #tpu.memory_space<vmem>> -> memref<128xi32, #tpu.memory_space<vmem>>
      %dma_start3A_210 = arith.constant 0 : i32
      %dma_start3A_211 = arith.constant 0 : i32
      %dma_start3A_212 = tpu.memref_slice %arg2[%dma_start3A_210, %dma_start3A_211] : memref<20016x128xf32, #tpu.memory_space<hbm>> -> memref<20016x128xf32, #tpu.memory_space<hbm>>
      tpu.enqueue_indirect_dma source(%dma_start3A_212 : memref<20016x128xf32, #tpu.memory_space<hbm>>) target(%arg12 : memref<128x128xf32, #tpu.memory_space<vmem>>) offsets(%dma_start3A_209 : memref<128xi32, #tpu.memory_space<vmem>>) semaphore(%arg17 : memref<!tpu.dma_semaphore, #tpu.memory_space<semaphore_mem>>)
      %dma_wait3A_213 = arith.constant 2 : i32
      %dma_wait3A_214 = arith.constant 0 : i32
      %dma_wait3A_215 = tpu.memref_slice %arg11[%dma_wait3A_213, %dma_wait3A_214] : memref<8x64xi32, #tpu.memory_space<vmem>> -> memref<1x64xi32, #tpu.memory_space<vmem>>
      %dma_wait3A_216 = tpu.memref_squeeze %dma_wait3A_215 : memref<1x64xi32, #tpu.memory_space<vmem>> -> memref<64xi32, #tpu.memory_space<vmem>>
      %dma_wait3A_217 = arith.constant 0 : i32
      %dma_wait3A_218 = arith.constant 0 : i32
      %dma_wait3A_219 = tpu.memref_slice %arg8[%dma_wait3A_217, %dma_wait3A_218] : memref<10008x128xf32, #tpu.memory_space<vmem_shared>> -> memref<10008x128xf32, #tpu.memory_space<vmem_shared>>
      tpu.wait_indirect_dma semaphore(%arg18 : memref<!tpu.dma_semaphore, #tpu.memory_space<semaphore_mem>>) src(%arg13 : memref<64x128xf32, #tpu.memory_space<vmem>>) dst(%dma_wait3A_219 : memref<10008x128xf32, #tpu.memory_space<vmem_shared>>)
      %dma_wait3A_220 = arith.constant 2 : i32
      %dma_wait3A_221 = arith.constant 0 : i32
      %dma_wait3A_222 = tpu.memref_slice %arg11[%dma_wait3A_220, %dma_wait3A_221] : memref<8x64xi32, #tpu.memory_space<vmem>> -> memref<1x64xi32, #tpu.memory_space<vmem>>
      %dma_wait3A_223 = tpu.memref_squeeze %dma_wait3A_222 : memref<1x64xi32, #tpu.memory_space<vmem>> -> memref<64xi32, #tpu.memory_space<vmem>>
      %dma_wait3A_224 = arith.constant 0 : i32
      %dma_wait3A_225 = tpu.memref_slice %arg9[%dma_wait3A_224] : memref<10008xf32, #tpu.memory_space<vmem_shared>> -> memref<10008xf32, #tpu.memory_space<vmem_shared>>
      tpu.wait_indirect_dma semaphore(%arg20 : memref<!tpu.dma_semaphore, #tpu.memory_space<semaphore_mem>>) src(%arg15 : memref<64xf32, #tpu.memory_space<vmem>>) dst(%dma_wait3A_225 : memref<10008xf32, #tpu.memory_space<vmem_shared>>)
      %dma_wait3A_226 = arith.constant 4 : i32
      %dma_wait3A_227 = arith.constant 0 : i32
      %dma_wait3A_228 = tpu.memref_slice %arg10[%dma_wait3A_226, %dma_wait3A_227] : memref<8x128xi32, #tpu.memory_space<vmem>> -> memref<1x128xi32, #tpu.memory_space<vmem>>
      %dma_wait3A_229 = tpu.memref_squeeze %dma_wait3A_228 : memref<1x128xi32, #tpu.memory_space<vmem>> -> memref<128xi32, #tpu.memory_space<vmem>>
      %dma_wait3A_230 = arith.constant 0 : i32
      %dma_wait3A_231 = arith.constant 0 : i32
      %dma_wait3A_232 = tpu.memref_slice %arg2[%dma_wait3A_230, %dma_wait3A_231] : memref<20016x128xf32, #tpu.memory_space<hbm>> -> memref<20016x128xf32, #tpu.memory_space<hbm>>
      tpu.wait_indirect_dma semaphore(%arg17 : memref<!tpu.dma_semaphore, #tpu.memory_space<semaphore_mem>>) src(%dma_wait3A_232 : memref<20016x128xf32, #tpu.memory_space<hbm>>) dst(%arg12 : memref<128x128xf32, #tpu.memory_space<vmem>>)
      %scan3A_233 = arith.constant 0 : i32
      %scan3A_234 = arith.constant 64 : i32
      %scan3A_235 = arith.addi %scan3A_233, %scan3A_234 : i32
      %scan3A_236 = arith.constant 1 : i32
      scf.for %scan3A_412 = %scan3A_233 to %scan3A_235 step %scan3A_236  : i32 {
        %get3A = arith.index_cast %scan3A_412 : i32 to index
        %get3A_413 = arith.constant 0 : index
        %get3A_414 = tpu.vector_load %arg12[%get3A, %get3A_413] {strides = array<i32>} : memref<128x128xf32, #tpu.memory_space<vmem>>, vector<1x16xf32>,
        %get3A_415 = vector.shape_cast %get3A_414 : vector<1x16xf32> to vector<16xf32>
        %add3A_416 = arith.constant 64 : i32
        %add3A_417 = arith.addi %scan3A_412, %add3A_416 : i32
        %get3A_418 = arith.index_cast %add3A_417 : i32 to index
        %get3A_419 = arith.constant 0 : index
        %get3A_420 = tpu.vector_load %arg12[%get3A_418, %get3A_419] {strides = array<i32>} : memref<128x128xf32, #tpu.memory_space<vmem>>, vector<1x16xf32>,
        %get3A_421 = vector.shape_cast %get3A_420 : vector<1x16xf32> to vector<16xf32>
        %add3A_422 = arith.addf %get3A_415, %get3A_421 : vector<16xf32>
        %max3A = arith.constant 0.000000e+00 : f32
        %max3A_423 = vector.broadcast %max3A : f32 to vector<16xf32>
        %max3A_424 = arith.maximumf %add3A_422, %max3A_423 : vector<16xf32>
        %swap3A_425 = arith.index_cast %scan3A_412 : i32 to index
        %swap3A_426 = arith.constant 0 : index
        %swap3A_427 = tpu.vector_load %arg13[%swap3A_425, %swap3A_426] {strides = array<i32>} : memref<64x128xf32, #tpu.memory_space<vmem>>, vector<1x16xf32>,
        %swap3A_428 = vector.shape_cast %swap3A_427 : vector<1x16xf32> to vector<16xf32>
        %swap3A_429 = vector.shape_cast %max3A_424 : vector<16xf32> to vector<1x16xf32>
        tpu.vector_store %arg13[%swap3A_425, %swap3A_426], %swap3A_429 {strides = array<i32>} : memref<64x128xf32, #tpu.memory_space<vmem>>, vector<1x16xf32>,
        %get3A_430 = arith.index_cast %scan3A_412 : i32 to index
        %get3A_431 = arith.constant 16 : index
        %get3A_432 = tpu.vector_load %arg12[%get3A_430, %get3A_431] {strides = array<i32>} : memref<128x128xf32, #tpu.memory_space<vmem>>, vector<1x16xf32>,
        %get3A_433 = vector.shape_cast %get3A_432 : vector<1x16xf32> to vector<16xf32>
        %add3A_434 = arith.constant 64 : i32
        %add3A_435 = arith.addi %scan3A_412, %add3A_434 : i32
        %get3A_436 = arith.index_cast %add3A_435 : i32 to index
        %get3A_437 = arith.constant 16 : index
        %get3A_438 = tpu.vector_load %arg12[%get3A_436, %get3A_437] {strides = array<i32>} : memref<128x128xf32, #tpu.memory_space<vmem>>, vector<1x16xf32>,
        %get3A_439 = vector.shape_cast %get3A_438 : vector<1x16xf32> to vector<16xf32>
        %add3A_440 = arith.addf %get3A_433, %get3A_439 : vector<16xf32>
        %max3A_441 = arith.constant 0.000000e+00 : f32
        %max3A_442 = vector.broadcast %max3A_441 : f32 to vector<16xf32>
        %max3A_443 = arith.maximumf %add3A_440, %max3A_442 : vector<16xf32>
        %swap3A_444 = arith.index_cast %scan3A_412 : i32 to index
        %swap3A_445 = arith.constant 16 : index
        %swap3A_446 = tpu.vector_load %arg13[%swap3A_444, %swap3A_445] {strides = array<i32>} : memref<64x128xf32, #tpu.memory_space<vmem>>, vector<1x16xf32>,
        %swap3A_447 = vector.shape_cast %swap3A_446 : vector<1x16xf32> to vector<16xf32>
        %swap3A_448 = vector.shape_cast %max3A_443 : vector<16xf32> to vector<1x16xf32>
        tpu.vector_store %arg13[%swap3A_444, %swap3A_445], %swap3A_448 {strides = array<i32>} : memref<64x128xf32, #tpu.memory_space<vmem>>, vector<1x16xf32>,
        %get3A_449 = arith.index_cast %scan3A_412 : i32 to index
        %get3A_450 = arith.constant 32 : index
        %get3A_451 = tpu.vector_load %arg12[%get3A_449, %get3A_450] {strides = array<i32>} : memref<128x128xf32, #tpu.memory_space<vmem>>, vector<1x16xf32>,
        %get3A_452 = vector.shape_cast %get3A_451 : vector<1x16xf32> to vector<16xf32>
        %add3A_453 = arith.constant 64 : i32
        %add3A_454 = arith.addi %scan3A_412, %add3A_453 : i32
        %get3A_455 = arith.index_cast %add3A_454 : i32 to index
        %get3A_456 = arith.constant 32 : index
        %get3A_457 = tpu.vector_load %arg12[%get3A_455, %get3A_456] {strides = array<i32>} : memref<128x128xf32, #tpu.memory_space<vmem>>, vector<1x16xf32>,
        %get3A_458 = vector.shape_cast %get3A_457 : vector<1x16xf32> to vector<16xf32>
        %add3A_459 = arith.addf %get3A_452, %get3A_458 : vector<16xf32>
        %max3A_460 = arith.constant 0.000000e+00 : f32
        %max3A_461 = vector.broadcast %max3A_460 : f32 to vector<16xf32>
        %max3A_462 = arith.maximumf %add3A_459, %max3A_461 : vector<16xf32>
        %swap3A_463 = arith.index_cast %scan3A_412 : i32 to index
        %swap3A_464 = arith.constant 32 : index
        %swap3A_465 = tpu.vector_load %arg13[%swap3A_463, %swap3A_464] {strides = array<i32>} : memref<64x128xf32, #tpu.memory_space<vmem>>, vector<1x16xf32>,
        %swap3A_466 = vector.shape_cast %swap3A_465 : vector<1x16xf32> to vector<16xf32>
        %swap3A_467 = vector.shape_cast %max3A_462 : vector<16xf32> to vector<1x16xf32>
        tpu.vector_store %arg13[%swap3A_463, %swap3A_464], %swap3A_467 {strides = array<i32>} : memref<64x128xf32, #tpu.memory_space<vmem>>, vector<1x16xf32>,
        %get3A_468 = arith.index_cast %scan3A_412 : i32 to index
        %get3A_469 = arith.constant 48 : index
        %get3A_470 = tpu.vector_load %arg12[%get3A_468, %get3A_469] {strides = array<i32>} : memref<128x128xf32, #tpu.memory_space<vmem>>, vector<1x16xf32>,
        %get3A_471 = vector.shape_cast %get3A_470 : vector<1x16xf32> to vector<16xf32>
        %add3A_472 = arith.constant 64 : i32
        %add3A_473 = arith.addi %scan3A_412, %add3A_472 : i32
        %get3A_474 = arith.index_cast %add3A_473 : i32 to index
        %get3A_475 = arith.constant 48 : index
        %get3A_476 = tpu.vector_load %arg12[%get3A_474, %get3A_475] {strides = array<i32>} : memref<128x128xf32, #tpu.memory_space<vmem>>, vector<1x16xf32>,
        %get3A_477 = vector.shape_cast %get3A_476 : vector<1x16xf32> to vector<16xf32>
        %add3A_478 = arith.addf %get3A_471, %get3A_477 : vector<16xf32>
        %max3A_479 = arith.constant 0.000000e+00 : f32
        %max3A_480 = vector.broadcast %max3A_479 : f32 to vector<16xf32>
        %max3A_481 = arith.maximumf %add3A_478, %max3A_480 : vector<16xf32>
        %swap3A_482 = arith.index_cast %scan3A_412 : i32 to index
        %swap3A_483 = arith.constant 48 : index
        %swap3A_484 = tpu.vector_load %arg13[%swap3A_482, %swap3A_483] {strides = array<i32>} : memref<64x128xf32, #tpu.memory_space<vmem>>, vector<1x16xf32>,
        %swap3A_485 = vector.shape_cast %swap3A_484 : vector<1x16xf32> to vector<16xf32>
        %swap3A_486 = vector.shape_cast %max3A_481 : vector<16xf32> to vector<1x16xf32>
        tpu.vector_store %arg13[%swap3A_482, %swap3A_483], %swap3A_486 {strides = array<i32>} : memref<64x128xf32, #tpu.memory_space<vmem>>, vector<1x16xf32>,
        %get3A_487 = arith.index_cast %scan3A_412 : i32 to index
        %get3A_488 = arith.constant 64 : index
        %get3A_489 = tpu.vector_load %arg12[%get3A_487, %get3A_488] {strides = array<i32>} : memref<128x128xf32, #tpu.memory_space<vmem>>, vector<1x16xf32>,
        %get3A_490 = vector.shape_cast %get3A_489 : vector<1x16xf32> to vector<16xf32>
        %add3A_491 = arith.constant 64 : i32
        %add3A_492 = arith.addi %scan3A_412, %add3A_491 : i32
        %get3A_493 = arith.index_cast %add3A_492 : i32 to index
        %get3A_494 = arith.constant 64 : index
        %get3A_495 = tpu.vector_load %arg12[%get3A_493, %get3A_494] {strides = array<i32>} : memref<128x128xf32, #tpu.memory_space<vmem>>, vector<1x16xf32>,
        %get3A_496 = vector.shape_cast %get3A_495 : vector<1x16xf32> to vector<16xf32>
        %add3A_497 = arith.addf %get3A_490, %get3A_496 : vector<16xf32>
        %max3A_498 = arith.constant 0.000000e+00 : f32
        %max3A_499 = vector.broadcast %max3A_498 : f32 to vector<16xf32>
        %max3A_500 = arith.maximumf %add3A_497, %max3A_499 : vector<16xf32>
        %swap3A_501 = arith.index_cast %scan3A_412 : i32 to index
        %swap3A_502 = arith.constant 64 : index
        %swap3A_503 = tpu.vector_load %arg13[%swap3A_501, %swap3A_502] {strides = array<i32>} : memref<64x128xf32, #tpu.memory_space<vmem>>, vector<1x16xf32>,
        %swap3A_504 = vector.shape_cast %swap3A_503 : vector<1x16xf32> to vector<16xf32>
        %swap3A_505 = vector.shape_cast %max3A_500 : vector<16xf32> to vector<1x16xf32>
        tpu.vector_store %arg13[%swap3A_501, %swap3A_502], %swap3A_505 {strides = array<i32>} : memref<64x128xf32, #tpu.memory_space<vmem>>, vector<1x16xf32>,
        %get3A_506 = arith.index_cast %scan3A_412 : i32 to index
        %get3A_507 = arith.constant 80 : index
        %get3A_508 = tpu.vector_load %arg12[%get3A_506, %get3A_507] {strides = array<i32>} : memref<128x128xf32, #tpu.memory_space<vmem>>, vector<1x16xf32>,
        %get3A_509 = vector.shape_cast %get3A_508 : vector<1x16xf32> to vector<16xf32>
        %add3A_510 = arith.constant 64 : i32
        %add3A_511 = arith.addi %scan3A_412, %add3A_510 : i32
        %get3A_512 = arith.index_cast %add3A_511 : i32 to index
        %get3A_513 = arith.constant 80 : index
        %get3A_514 = tpu.vector_load %arg12[%get3A_512, %get3A_513] {strides = array<i32>} : memref<128x128xf32, #tpu.memory_space<vmem>>, vector<1x16xf32>,
        %get3A_515 = vector.shape_cast %get3A_514 : vector<1x16xf32> to vector<16xf32>
        %add3A_516 = arith.addf %get3A_509, %get3A_515 : vector<16xf32>
        %max3A_517 = arith.constant 0.000000e+00 : f32
        %max3A_518 = vector.broadcast %max3A_517 : f32 to vector<16xf32>
        %max3A_519 = arith.maximumf %add3A_516, %max3A_518 : vector<16xf32>
        %swap3A_520 = arith.index_cast %scan3A_412 : i32 to index
        %swap3A_521 = arith.constant 80 : index
        %swap3A_522 = tpu.vector_load %arg13[%swap3A_520, %swap3A_521] {strides = array<i32>} : memref<64x128xf32, #tpu.memory_space<vmem>>, vector<1x16xf32>,
        %swap3A_523 = vector.shape_cast %swap3A_522 : vector<1x16xf32> to vector<16xf32>
        %swap3A_524 = vector.shape_cast %max3A_519 : vector<16xf32> to vector<1x16xf32>
        tpu.vector_store %arg13[%swap3A_520, %swap3A_521], %swap3A_524 {strides = array<i32>} : memref<64x128xf32, #tpu.memory_space<vmem>>, vector<1x16xf32>,
        %get3A_525 = arith.index_cast %scan3A_412 : i32 to index
        %get3A_526 = arith.constant 96 : index
        %get3A_527 = tpu.vector_load %arg12[%get3A_525, %get3A_526] {strides = array<i32>} : memref<128x128xf32, #tpu.memory_space<vmem>>, vector<1x16xf32>,
        %get3A_528 = vector.shape_cast %get3A_527 : vector<1x16xf32> to vector<16xf32>
        %add3A_529 = arith.constant 64 : i32
        %add3A_530 = arith.addi %scan3A_412, %add3A_529 : i32
        %get3A_531 = arith.index_cast %add3A_530 : i32 to index
        %get3A_532 = arith.constant 96 : index
        %get3A_533 = tpu.vector_load %arg12[%get3A_531, %get3A_532] {strides = array<i32>} : memref<128x128xf32, #tpu.memory_space<vmem>>, vector<1x16xf32>,
        %get3A_534 = vector.shape_cast %get3A_533 : vector<1x16xf32> to vector<16xf32>
        %add3A_535 = arith.addf %get3A_528, %get3A_534 : vector<16xf32>
        %max3A_536 = arith.constant 0.000000e+00 : f32
        %max3A_537 = vector.broadcast %max3A_536 : f32 to vector<16xf32>
        %max3A_538 = arith.maximumf %add3A_535, %max3A_537 : vector<16xf32>
        %swap3A_539 = arith.index_cast %scan3A_412 : i32 to index
        %swap3A_540 = arith.constant 96 : index
        %swap3A_541 = tpu.vector_load %arg13[%swap3A_539, %swap3A_540] {strides = array<i32>} : memref<64x128xf32, #tpu.memory_space<vmem>>, vector<1x16xf32>,
        %swap3A_542 = vector.shape_cast %swap3A_541 : vector<1x16xf32> to vector<16xf32>
        %swap3A_543 = vector.shape_cast %max3A_538 : vector<16xf32> to vector<1x16xf32>
        tpu.vector_store %arg13[%swap3A_539, %swap3A_540], %swap3A_543 {strides = array<i32>} : memref<64x128xf32, #tpu.memory_space<vmem>>, vector<1x16xf32>,
        %get3A_544 = arith.index_cast %scan3A_412 : i32 to index
        %get3A_545 = arith.constant 112 : index
        %get3A_546 = tpu.vector_load %arg12[%get3A_544, %get3A_545] {strides = array<i32>} : memref<128x128xf32, #tpu.memory_space<vmem>>, vector<1x16xf32>,
        %get3A_547 = vector.shape_cast %get3A_546 : vector<1x16xf32> to vector<16xf32>
        %add3A_548 = arith.constant 64 : i32
        %add3A_549 = arith.addi %scan3A_412, %add3A_548 : i32
        %get3A_550 = arith.index_cast %add3A_549 : i32 to index
        %get3A_551 = arith.constant 112 : index
        %get3A_552 = tpu.vector_load %arg12[%get3A_550, %get3A_551] {strides = array<i32>} : memref<128x128xf32, #tpu.memory_space<vmem>>, vector<1x16xf32>,
        %get3A_553 = vector.shape_cast %get3A_552 : vector<1x16xf32> to vector<16xf32>
        %add3A_554 = arith.addf %get3A_547, %get3A_553 : vector<16xf32>
        %max3A_555 = arith.constant 0.000000e+00 : f32
        %max3A_556 = vector.broadcast %max3A_555 : f32 to vector<16xf32>
        %max3A_557 = arith.maximumf %add3A_554, %max3A_556 : vector<16xf32>
        %swap3A_558 = arith.index_cast %scan3A_412 : i32 to index
        %swap3A_559 = arith.constant 112 : index
        %swap3A_560 = tpu.vector_load %arg13[%swap3A_558, %swap3A_559] {strides = array<i32>} : memref<64x128xf32, #tpu.memory_space<vmem>>, vector<1x16xf32>,
        %swap3A_561 = vector.shape_cast %swap3A_560 : vector<1x16xf32> to vector<16xf32>
        %swap3A_562 = vector.shape_cast %max3A_557 : vector<16xf32> to vector<1x16xf32>
        tpu.vector_store %arg13[%swap3A_558, %swap3A_559], %swap3A_562 {strides = array<i32>} : memref<64x128xf32, #tpu.memory_space<vmem>>, vector<1x16xf32>,
      }
      %scan3A_237 = arith.constant 64 : i32
      %dma_start3A_238 = arith.constant 4 : i32
      %dma_start3A_239 = arith.constant 0 : i32
      %dma_start3A_240 = tpu.memref_slice %arg11[%dma_start3A_238, %dma_start3A_239] : memref<8x64xi32, #tpu.memory_space<vmem>> -> memref<1x64xi32, #tpu.memory_space<vmem>>
      %dma_start3A_241 = tpu.memref_squeeze %dma_start3A_240 : memref<1x64xi32, #tpu.memory_space<vmem>> -> memref<64xi32, #tpu.memory_space<vmem>>
      %dma_start3A_242 = arith.constant 0 : i32
      %dma_start3A_243 = arith.constant 0 : i32
      %dma_start3A_244 = tpu.memref_slice %arg8[%dma_start3A_242, %dma_start3A_243] : memref<10008x128xf32, #tpu.memory_space<vmem_shared>> -> memref<10008x128xf32, #tpu.memory_space<vmem_shared>>
      tpu.enqueue_indirect_dma source(%arg13 : memref<64x128xf32, #tpu.memory_space<vmem>>) target(%dma_start3A_244 : memref<10008x128xf32, #tpu.memory_space<vmem_shared>>) offsets(%dma_start3A_241 : memref<64xi32, #tpu.memory_space<vmem>>) semaphore(%arg18 : memref<!tpu.dma_semaphore, #tpu.memory_space<semaphore_mem>>) {add = true}
      %dma_start3A_245 = arith.constant 4 : i32
      %dma_start3A_246 = arith.constant 0 : i32
      %dma_start3A_247 = tpu.memref_slice %arg11[%dma_start3A_245, %dma_start3A_246] : memref<8x64xi32, #tpu.memory_space<vmem>> -> memref<1x64xi32, #tpu.memory_space<vmem>>
      %dma_start3A_248 = tpu.memref_squeeze %dma_start3A_247 : memref<1x64xi32, #tpu.memory_space<vmem>> -> memref<64xi32, #tpu.memory_space<vmem>>
      %dma_start3A_249 = arith.constant 0 : i32
      %dma_start3A_250 = tpu.memref_slice %arg9[%dma_start3A_249] : memref<10008xf32, #tpu.memory_space<vmem_shared>> -> memref<10008xf32, #tpu.memory_space<vmem_shared>>
      tpu.enqueue_indirect_dma source(%arg15 : memref<64xf32, #tpu.memory_space<vmem>>) target(%dma_start3A_250 : memref<10008xf32, #tpu.memory_space<vmem_shared>>) offsets(%dma_start3A_248 : memref<64xi32, #tpu.memory_space<vmem>>) semaphore(%arg20 : memref<!tpu.dma_semaphore, #tpu.memory_space<semaphore_mem>>) {add = true}
      %dma_start3A_251 = arith.constant 5 : i32
      %dma_start3A_252 = arith.constant 0 : i32
      %dma_start3A_253 = tpu.memref_slice %arg10[%dma_start3A_251, %dma_start3A_252] : memref<8x128xi32, #tpu.memory_space<vmem>> -> memref<1x128xi32, #tpu.memory_space<vmem>>
      %dma_start3A_254 = tpu.memref_squeeze %dma_start3A_253 : memref<1x128xi32, #tpu.memory_space<vmem>> -> memref<128xi32, #tpu.memory_space<vmem>>
      %dma_start3A_255 = arith.constant 0 : i32
      %dma_start3A_256 = arith.constant 0 : i32
      %dma_start3A_257 = tpu.memref_slice %arg2[%dma_start3A_255, %dma_start3A_256] : memref<20016x128xf32, #tpu.memory_space<hbm>> -> memref<20016x128xf32, #tpu.memory_space<hbm>>
      tpu.enqueue_indirect_dma source(%dma_start3A_257 : memref<20016x128xf32, #tpu.memory_space<hbm>>) target(%arg12 : memref<128x128xf32, #tpu.memory_space<vmem>>) offsets(%dma_start3A_254 : memref<128xi32, #tpu.memory_space<vmem>>) semaphore(%arg17 : memref<!tpu.dma_semaphore, #tpu.memory_space<semaphore_mem>>)
      %dma_wait3A_258 = arith.constant 3 : i32
      %dma_wait3A_259 = arith.constant 0 : i32
      %dma_wait3A_260 = tpu.memref_slice %arg11[%dma_wait3A_258, %dma_wait3A_259] : memref<8x64xi32, #tpu.memory_space<vmem>> -> memref<1x64xi32, #tpu.memory_space<vmem>>
      %dma_wait3A_261 = tpu.memref_squeeze %dma_wait3A_260 : memref<1x64xi32, #tpu.memory_space<vmem>> -> memref<64xi32, #tpu.memory_space<vmem>>
      %dma_wait3A_262 = arith.constant 0 : i32
      %dma_wait3A_263 = arith.constant 0 : i32
      %dma_wait3A_264 = tpu.memref_slice %arg8[%dma_wait3A_262, %dma_wait3A_263] : memref<10008x128xf32, #tpu.memory_space<vmem_shared>> -> memref<10008x128xf32, #tpu.memory_space<vmem_shared>>
      tpu.wait_indirect_dma semaphore(%arg19 : memref<!tpu.dma_semaphore, #tpu.memory_space<semaphore_mem>>) src(%arg14 : memref<64x128xf32, #tpu.memory_space<vmem>>) dst(%dma_wait3A_264 : memref<10008x128xf32, #tpu.memory_space<vmem_shared>>)
      %dma_wait3A_265 = arith.constant 3 : i32
      %dma_wait3A_266 = arith.constant 0 : i32
      %dma_wait3A_267 = tpu.memref_slice %arg11[%dma_wait3A_265, %dma_wait3A_266] : memref<8x64xi32, #tpu.memory_space<vmem>> -> memref<1x64xi32, #tpu.memory_space<vmem>>
      %dma_wait3A_268 = tpu.memref_squeeze %dma_wait3A_267 : memref<1x64xi32, #tpu.memory_space<vmem>> -> memref<64xi32, #tpu.memory_space<vmem>>
      %dma_wait3A_269 = arith.constant 0 : i32
      %dma_wait3A_270 = tpu.memref_slice %arg9[%dma_wait3A_269] : memref<10008xf32, #tpu.memory_space<vmem_shared>> -> memref<10008xf32, #tpu.memory_space<vmem_shared>>
      tpu.wait_indirect_dma semaphore(%arg21 : memref<!tpu.dma_semaphore, #tpu.memory_space<semaphore_mem>>) src(%arg15 : memref<64xf32, #tpu.memory_space<vmem>>) dst(%dma_wait3A_270 : memref<10008xf32, #tpu.memory_space<vmem_shared>>)
      %dma_wait3A_271 = arith.constant 5 : i32
      %dma_wait3A_272 = arith.constant 0 : i32
      %dma_wait3A_273 = tpu.memref_slice %arg10[%dma_wait3A_271, %dma_wait3A_272] : memref<8x128xi32, #tpu.memory_space<vmem>> -> memref<1x128xi32, #tpu.memory_space<vmem>>
      %dma_wait3A_274 = tpu.memref_squeeze %dma_wait3A_273 : memref<1x128xi32, #tpu.memory_space<vmem>> -> memref<128xi32, #tpu.memory_space<vmem>>
      %dma_wait3A_275 = arith.constant 0 : i32
      %dma_wait3A_276 = arith.constant 0 : i32
      %dma_wait3A_277 = tpu.memref_slice %arg2[%dma_wait3A_275, %dma_wait3A_276] : memref<20016x128xf32, #tpu.memory_space<hbm>> -> memref<20016x128xf32, #tpu.memory_space<hbm>>
      tpu.wait_indirect_dma semaphore(%arg17 : memref<!tpu.dma_semaphore, #tpu.memory_space<semaphore_mem>>) src(%dma_wait3A_277 : memref<20016x128xf32, #tpu.memory_space<hbm>>) dst(%arg12 : memref<128x128xf32, #tpu.memory_space<vmem>>)
      %scan3A_278 = arith.constant 0 : i32
      %scan3A_279 = arith.constant 64 : i32
      %scan3A_280 = arith.addi %scan3A_278, %scan3A_279 : i32
      %scan3A_281 = arith.constant 1 : i32
      scf.for %scan3A_412 = %scan3A_278 to %scan3A_280 step %scan3A_281  : i32 {
        %get3A = arith.index_cast %scan3A_412 : i32 to index
        %get3A_413 = arith.constant 0 : index
        %get3A_414 = tpu.vector_load %arg12[%get3A, %get3A_413] {strides = array<i32>} : memref<128x128xf32, #tpu.memory_space<vmem>>, vector<1x16xf32>,
        %get3A_415 = vector.shape_cast %get3A_414 : vector<1x16xf32> to vector<16xf32>
        %add3A_416 = arith.constant 64 : i32
        %add3A_417 = arith.addi %scan3A_412, %add3A_416 : i32
        %get3A_418 = arith.index_cast %add3A_417 : i32 to index
        %get3A_419 = arith.constant 0 : index
        %get3A_420 = tpu.vector_load %arg12[%get3A_418, %get3A_419] {strides = array<i32>} : memref<128x128xf32, #tpu.memory_space<vmem>>, vector<1x16xf32>,
        %get3A_421 = vector.shape_cast %get3A_420 : vector<1x16xf32> to vector<16xf32>
        %add3A_422 = arith.addf %get3A_415, %get3A_421 : vector<16xf32>
        %max3A = arith.constant 0.000000e+00 : f32
        %max3A_423 = vector.broadcast %max3A : f32 to vector<16xf32>
        %max3A_424 = arith.maximumf %add3A_422, %max3A_423 : vector<16xf32>
        %swap3A_425 = arith.index_cast %scan3A_412 : i32 to index
        %swap3A_426 = arith.constant 0 : index
        %swap3A_427 = tpu.vector_load %arg14[%swap3A_425, %swap3A_426] {strides = array<i32>} : memref<64x128xf32, #tpu.memory_space<vmem>>, vector<1x16xf32>,
        %swap3A_428 = vector.shape_cast %swap3A_427 : vector<1x16xf32> to vector<16xf32>
        %swap3A_429 = vector.shape_cast %max3A_424 : vector<16xf32> to vector<1x16xf32>
        tpu.vector_store %arg14[%swap3A_425, %swap3A_426], %swap3A_429 {strides = array<i32>} : memref<64x128xf32, #tpu.memory_space<vmem>>, vector<1x16xf32>,
        %get3A_430 = arith.index_cast %scan3A_412 : i32 to index
        %get3A_431 = arith.constant 16 : index
        %get3A_432 = tpu.vector_load %arg12[%get3A_430, %get3A_431] {strides = array<i32>} : memref<128x128xf32, #tpu.memory_space<vmem>>, vector<1x16xf32>,
        %get3A_433 = vector.shape_cast %get3A_432 : vector<1x16xf32> to vector<16xf32>
        %add3A_434 = arith.constant 64 : i32
        %add3A_435 = arith.addi %scan3A_412, %add3A_434 : i32
        %get3A_436 = arith.index_cast %add3A_435 : i32 to index
        %get3A_437 = arith.constant 16 : index
        %get3A_438 = tpu.vector_load %arg12[%get3A_436, %get3A_437] {strides = array<i32>} : memref<128x128xf32, #tpu.memory_space<vmem>>, vector<1x16xf32>,
        %get3A_439 = vector.shape_cast %get3A_438 : vector<1x16xf32> to vector<16xf32>
        %add3A_440 = arith.addf %get3A_433, %get3A_439 : vector<16xf32>
        %max3A_441 = arith.constant 0.000000e+00 : f32
        %max3A_442 = vector.broadcast %max3A_441 : f32 to vector<16xf32>
        %max3A_443 = arith.maximumf %add3A_440, %max3A_442 : vector<16xf32>
        %swap3A_444 = arith.index_cast %scan3A_412 : i32 to index
        %swap3A_445 = arith.constant 16 : index
        %swap3A_446 = tpu.vector_load %arg14[%swap3A_444, %swap3A_445] {strides = array<i32>} : memref<64x128xf32, #tpu.memory_space<vmem>>, vector<1x16xf32>,
        %swap3A_447 = vector.shape_cast %swap3A_446 : vector<1x16xf32> to vector<16xf32>
        %swap3A_448 = vector.shape_cast %max3A_443 : vector<16xf32> to vector<1x16xf32>
        tpu.vector_store %arg14[%swap3A_444, %swap3A_445], %swap3A_448 {strides = array<i32>} : memref<64x128xf32, #tpu.memory_space<vmem>>, vector<1x16xf32>,
        %get3A_449 = arith.index_cast %scan3A_412 : i32 to index
        %get3A_450 = arith.constant 32 : index
        %get3A_451 = tpu.vector_load %arg12[%get3A_449, %get3A_450] {strides = array<i32>} : memref<128x128xf32, #tpu.memory_space<vmem>>, vector<1x16xf32>,
        %get3A_452 = vector.shape_cast %get3A_451 : vector<1x16xf32> to vector<16xf32>
        %add3A_453 = arith.constant 64 : i32
        %add3A_454 = arith.addi %scan3A_412, %add3A_453 : i32
        %get3A_455 = arith.index_cast %add3A_454 : i32 to index
        %get3A_456 = arith.constant 32 : index
        %get3A_457 = tpu.vector_load %arg12[%get3A_455, %get3A_456] {strides = array<i32>} : memref<128x128xf32, #tpu.memory_space<vmem>>, vector<1x16xf32>,
        %get3A_458 = vector.shape_cast %get3A_457 : vector<1x16xf32> to vector<16xf32>
        %add3A_459 = arith.addf %get3A_452, %get3A_458 : vector<16xf32>
        %max3A_460 = arith.constant 0.000000e+00 : f32
        %max3A_461 = vector.broadcast %max3A_460 : f32 to vector<16xf32>
        %max3A_462 = arith.maximumf %add3A_459, %max3A_461 : vector<16xf32>
        %swap3A_463 = arith.index_cast %scan3A_412 : i32 to index
        %swap3A_464 = arith.constant 32 : index
        %swap3A_465 = tpu.vector_load %arg14[%swap3A_463, %swap3A_464] {strides = array<i32>} : memref<64x128xf32, #tpu.memory_space<vmem>>, vector<1x16xf32>,
        %swap3A_466 = vector.shape_cast %swap3A_465 : vector<1x16xf32> to vector<16xf32>
        %swap3A_467 = vector.shape_cast %max3A_462 : vector<16xf32> to vector<1x16xf32>
        tpu.vector_store %arg14[%swap3A_463, %swap3A_464], %swap3A_467 {strides = array<i32>} : memref<64x128xf32, #tpu.memory_space<vmem>>, vector<1x16xf32>,
        %get3A_468 = arith.index_cast %scan3A_412 : i32 to index
        %get3A_469 = arith.constant 48 : index
        %get3A_470 = tpu.vector_load %arg12[%get3A_468, %get3A_469] {strides = array<i32>} : memref<128x128xf32, #tpu.memory_space<vmem>>, vector<1x16xf32>,
        %get3A_471 = vector.shape_cast %get3A_470 : vector<1x16xf32> to vector<16xf32>
        %add3A_472 = arith.constant 64 : i32
        %add3A_473 = arith.addi %scan3A_412, %add3A_472 : i32
        %get3A_474 = arith.index_cast %add3A_473 : i32 to index
        %get3A_475 = arith.constant 48 : index
        %get3A_476 = tpu.vector_load %arg12[%get3A_474, %get3A_475] {strides = array<i32>} : memref<128x128xf32, #tpu.memory_space<vmem>>, vector<1x16xf32>,
        %get3A_477 = vector.shape_cast %get3A_476 : vector<1x16xf32> to vector<16xf32>
        %add3A_478 = arith.addf %get3A_471, %get3A_477 : vector<16xf32>
        %max3A_479 = arith.constant 0.000000e+00 : f32
        %max3A_480 = vector.broadcast %max3A_479 : f32 to vector<16xf32>
        %max3A_481 = arith.maximumf %add3A_478, %max3A_480 : vector<16xf32>
        %swap3A_482 = arith.index_cast %scan3A_412 : i32 to index
        %swap3A_483 = arith.constant 48 : index
        %swap3A_484 = tpu.vector_load %arg14[%swap3A_482, %swap3A_483] {strides = array<i32>} : memref<64x128xf32, #tpu.memory_space<vmem>>, vector<1x16xf32>,
        %swap3A_485 = vector.shape_cast %swap3A_484 : vector<1x16xf32> to vector<16xf32>
        %swap3A_486 = vector.shape_cast %max3A_481 : vector<16xf32> to vector<1x16xf32>
        tpu.vector_store %arg14[%swap3A_482, %swap3A_483], %swap3A_486 {strides = array<i32>} : memref<64x128xf32, #tpu.memory_space<vmem>>, vector<1x16xf32>,
        %get3A_487 = arith.index_cast %scan3A_412 : i32 to index
        %get3A_488 = arith.constant 64 : index
        %get3A_489 = tpu.vector_load %arg12[%get3A_487, %get3A_488] {strides = array<i32>} : memref<128x128xf32, #tpu.memory_space<vmem>>, vector<1x16xf32>,
        %get3A_490 = vector.shape_cast %get3A_489 : vector<1x16xf32> to vector<16xf32>
        %add3A_491 = arith.constant 64 : i32
        %add3A_492 = arith.addi %scan3A_412, %add3A_491 : i32
        %get3A_493 = arith.index_cast %add3A_492 : i32 to index
        %get3A_494 = arith.constant 64 : index
        %get3A_495 = tpu.vector_load %arg12[%get3A_493, %get3A_494] {strides = array<i32>} : memref<128x128xf32, #tpu.memory_space<vmem>>, vector<1x16xf32>,
        %get3A_496 = vector.shape_cast %get3A_495 : vector<1x16xf32> to vector<16xf32>
        %add3A_497 = arith.addf %get3A_490, %get3A_496 : vector<16xf32>
        %max3A_498 = arith.constant 0.000000e+00 : f32
        %max3A_499 = vector.broadcast %max3A_498 : f32 to vector<16xf32>
        %max3A_500 = arith.maximumf %add3A_497, %max3A_499 : vector<16xf32>
        %swap3A_501 = arith.index_cast %scan3A_412 : i32 to index
        %swap3A_502 = arith.constant 64 : index
        %swap3A_503 = tpu.vector_load %arg14[%swap3A_501, %swap3A_502] {strides = array<i32>} : memref<64x128xf32, #tpu.memory_space<vmem>>, vector<1x16xf32>,
        %swap3A_504 = vector.shape_cast %swap3A_503 : vector<1x16xf32> to vector<16xf32>
        %swap3A_505 = vector.shape_cast %max3A_500 : vector<16xf32> to vector<1x16xf32>
        tpu.vector_store %arg14[%swap3A_501, %swap3A_502], %swap3A_505 {strides = array<i32>} : memref<64x128xf32, #tpu.memory_space<vmem>>, vector<1x16xf32>,
        %get3A_506 = arith.index_cast %scan3A_412 : i32 to index
        %get3A_507 = arith.constant 80 : index
        %get3A_508 = tpu.vector_load %arg12[%get3A_506, %get3A_507] {strides = array<i32>} : memref<128x128xf32, #tpu.memory_space<vmem>>, vector<1x16xf32>,
        %get3A_509 = vector.shape_cast %get3A_508 : vector<1x16xf32> to vector<16xf32>
        %add3A_510 = arith.constant 64 : i32
        %add3A_511 = arith.addi %scan3A_412, %add3A_510 : i32
        %get3A_512 = arith.index_cast %add3A_511 : i32 to index
        %get3A_513 = arith.constant 80 : index
        %get3A_514 = tpu.vector_load %arg12[%get3A_512, %get3A_513] {strides = array<i32>} : memref<128x128xf32, #tpu.memory_space<vmem>>, vector<1x16xf32>,
        %get3A_515 = vector.shape_cast %get3A_514 : vector<1x16xf32> to vector<16xf32>
        %add3A_516 = arith.addf %get3A_509, %get3A_515 : vector<16xf32>
        %max3A_517 = arith.constant 0.000000e+00 : f32
        %max3A_518 = vector.broadcast %max3A_517 : f32 to vector<16xf32>
        %max3A_519 = arith.maximumf %add3A_516, %max3A_518 : vector<16xf32>
        %swap3A_520 = arith.index_cast %scan3A_412 : i32 to index
        %swap3A_521 = arith.constant 80 : index
        %swap3A_522 = tpu.vector_load %arg14[%swap3A_520, %swap3A_521] {strides = array<i32>} : memref<64x128xf32, #tpu.memory_space<vmem>>, vector<1x16xf32>,
        %swap3A_523 = vector.shape_cast %swap3A_522 : vector<1x16xf32> to vector<16xf32>
        %swap3A_524 = vector.shape_cast %max3A_519 : vector<16xf32> to vector<1x16xf32>
        tpu.vector_store %arg14[%swap3A_520, %swap3A_521], %swap3A_524 {strides = array<i32>} : memref<64x128xf32, #tpu.memory_space<vmem>>, vector<1x16xf32>,
        %get3A_525 = arith.index_cast %scan3A_412 : i32 to index
        %get3A_526 = arith.constant 96 : index
        %get3A_527 = tpu.vector_load %arg12[%get3A_525, %get3A_526] {strides = array<i32>} : memref<128x128xf32, #tpu.memory_space<vmem>>, vector<1x16xf32>,
        %get3A_528 = vector.shape_cast %get3A_527 : vector<1x16xf32> to vector<16xf32>
        %add3A_529 = arith.constant 64 : i32
        %add3A_530 = arith.addi %scan3A_412, %add3A_529 : i32
        %get3A_531 = arith.index_cast %add3A_530 : i32 to index
        %get3A_532 = arith.constant 96 : index
        %get3A_533 = tpu.vector_load %arg12[%get3A_531, %get3A_532] {strides = array<i32>} : memref<128x128xf32, #tpu.memory_space<vmem>>, vector<1x16xf32>,
        %get3A_534 = vector.shape_cast %get3A_533 : vector<1x16xf32> to vector<16xf32>
        %add3A_535 = arith.addf %get3A_528, %get3A_534 : vector<16xf32>
        %max3A_536 = arith.constant 0.000000e+00 : f32
        %max3A_537 = vector.broadcast %max3A_536 : f32 to vector<16xf32>
        %max3A_538 = arith.maximumf %add3A_535, %max3A_537 : vector<16xf32>
        %swap3A_539 = arith.index_cast %scan3A_412 : i32 to index
        %swap3A_540 = arith.constant 96 : index
        %swap3A_541 = tpu.vector_load %arg14[%swap3A_539, %swap3A_540] {strides = array<i32>} : memref<64x128xf32, #tpu.memory_space<vmem>>, vector<1x16xf32>,
        %swap3A_542 = vector.shape_cast %swap3A_541 : vector<1x16xf32> to vector<16xf32>
        %swap3A_543 = vector.shape_cast %max3A_538 : vector<16xf32> to vector<1x16xf32>
        tpu.vector_store %arg14[%swap3A_539, %swap3A_540], %swap3A_543 {strides = array<i32>} : memref<64x128xf32, #tpu.memory_space<vmem>>, vector<1x16xf32>,
        %get3A_544 = arith.index_cast %scan3A_412 : i32 to index
        %get3A_545 = arith.constant 112 : index
        %get3A_546 = tpu.vector_load %arg12[%get3A_544, %get3A_545] {strides = array<i32>} : memref<128x128xf32, #tpu.memory_space<vmem>>, vector<1x16xf32>,
        %get3A_547 = vector.shape_cast %get3A_546 : vector<1x16xf32> to vector<16xf32>
        %add3A_548 = arith.constant 64 : i32
        %add3A_549 = arith.addi %scan3A_412, %add3A_548 : i32
        %get3A_550 = arith.index_cast %add3A_549 : i32 to index
        %get3A_551 = arith.constant 112 : index
        %get3A_552 = tpu.vector_load %arg12[%get3A_550, %get3A_551] {strides = array<i32>} : memref<128x128xf32, #tpu.memory_space<vmem>>, vector<1x16xf32>,
        %get3A_553 = vector.shape_cast %get3A_552 : vector<1x16xf32> to vector<16xf32>
        %add3A_554 = arith.addf %get3A_547, %get3A_553 : vector<16xf32>
        %max3A_555 = arith.constant 0.000000e+00 : f32
        %max3A_556 = vector.broadcast %max3A_555 : f32 to vector<16xf32>
        %max3A_557 = arith.maximumf %add3A_554, %max3A_556 : vector<16xf32>
        %swap3A_558 = arith.index_cast %scan3A_412 : i32 to index
        %swap3A_559 = arith.constant 112 : index
        %swap3A_560 = tpu.vector_load %arg14[%swap3A_558, %swap3A_559] {strides = array<i32>} : memref<64x128xf32, #tpu.memory_space<vmem>>, vector<1x16xf32>,
        %swap3A_561 = vector.shape_cast %swap3A_560 : vector<1x16xf32> to vector<16xf32>
        %swap3A_562 = vector.shape_cast %max3A_557 : vector<16xf32> to vector<1x16xf32>
        tpu.vector_store %arg14[%swap3A_558, %swap3A_559], %swap3A_562 {strides = array<i32>} : memref<64x128xf32, #tpu.memory_space<vmem>>, vector<1x16xf32>,
      }
      %scan3A_282 = arith.constant 64 : i32
      %dma_start3A_283 = arith.constant 5 : i32
      %dma_start3A_284 = arith.constant 0 : i32
      %dma_start3A_285 = tpu.memref_slice %arg11[%dma_start3A_283, %dma_start3A_284] : memref<8x64xi32, #tpu.memory_space<vmem>> -> memref<1x64xi32, #tpu.memory_space<vmem>>
      %dma_start3A_286 = tpu.memref_squeeze %dma_start3A_285 : memref<1x64xi32, #tpu.memory_space<vmem>> -> memref<64xi32, #tpu.memory_space<vmem>>
      %dma_start3A_287 = arith.constant 0 : i32
      %dma_start3A_288 = arith.constant 0 : i32
      %dma_start3A_289 = tpu.memref_slice %arg8[%dma_start3A_287, %dma_start3A_288] : memref<10008x128xf32, #tpu.memory_space<vmem_shared>> -> memref<10008x128xf32, #tpu.memory_space<vmem_shared>>
      tpu.enqueue_indirect_dma source(%arg14 : memref<64x128xf32, #tpu.memory_space<vmem>>) target(%dma_start3A_289 : memref<10008x128xf32, #tpu.memory_space<vmem_shared>>) offsets(%dma_start3A_286 : memref<64xi32, #tpu.memory_space<vmem>>) semaphore(%arg19 : memref<!tpu.dma_semaphore, #tpu.memory_space<semaphore_mem>>) {add = true}
      %dma_start3A_290 = arith.constant 5 : i32
      %dma_start3A_291 = arith.constant 0 : i32
      %dma_start3A_292 = tpu.memref_slice %arg11[%dma_start3A_290, %dma_start3A_291] : memref<8x64xi32, #tpu.memory_space<vmem>> -> memref<1x64xi32, #tpu.memory_space<vmem>>
      %dma_start3A_293 = tpu.memref_squeeze %dma_start3A_292 : memref<1x64xi32, #tpu.memory_space<vmem>> -> memref<64xi32, #tpu.memory_space<vmem>>
      %dma_start3A_294 = arith.constant 0 : i32
      %dma_start3A_295 = tpu.memref_slice %arg9[%dma_start3A_294] : memref<10008xf32, #tpu.memory_space<vmem_shared>> -> memref<10008xf32, #tpu.memory_space<vmem_shared>>
      tpu.enqueue_indirect_dma source(%arg15 : memref<64xf32, #tpu.memory_space<vmem>>) target(%dma_start3A_295 : memref<10008xf32, #tpu.memory_space<vmem_shared>>) offsets(%dma_start3A_293 : memref<64xi32, #tpu.memory_space<vmem>>) semaphore(%arg21 : memref<!tpu.dma_semaphore, #tpu.memory_space<semaphore_mem>>) {add = true}
      %dma_start3A_296 = arith.constant 6 : i32
      %dma_start3A_297 = arith.constant 0 : i32
      %dma_start3A_298 = tpu.memref_slice %arg10[%dma_start3A_296, %dma_start3A_297] : memref<8x128xi32, #tpu.memory_space<vmem>> -> memref<1x128xi32, #tpu.memory_space<vmem>>
      %dma_start3A_299 = tpu.memref_squeeze %dma_start3A_298 : memref<1x128xi32, #tpu.memory_space<vmem>> -> memref<128xi32, #tpu.memory_space<vmem>>
      %dma_start3A_300 = arith.constant 0 : i32
      %dma_start3A_301 = arith.constant 0 : i32
      %dma_start3A_302 = tpu.memref_slice %arg2[%dma_start3A_300, %dma_start3A_301] : memref<20016x128xf32, #tpu.memory_space<hbm>> -> memref<20016x128xf32, #tpu.memory_space<hbm>>
      tpu.enqueue_indirect_dma source(%dma_start3A_302 : memref<20016x128xf32, #tpu.memory_space<hbm>>) target(%arg12 : memref<128x128xf32, #tpu.memory_space<vmem>>) offsets(%dma_start3A_299 : memref<128xi32, #tpu.memory_space<vmem>>) semaphore(%arg17 : memref<!tpu.dma_semaphore, #tpu.memory_space<semaphore_mem>>)
      %dma_wait3A_303 = arith.constant 4 : i32
      %dma_wait3A_304 = arith.constant 0 : i32
      %dma_wait3A_305 = tpu.memref_slice %arg11[%dma_wait3A_303, %dma_wait3A_304] : memref<8x64xi32, #tpu.memory_space<vmem>> -> memref<1x64xi32, #tpu.memory_space<vmem>>
      %dma_wait3A_306 = tpu.memref_squeeze %dma_wait3A_305 : memref<1x64xi32, #tpu.memory_space<vmem>> -> memref<64xi32, #tpu.memory_space<vmem>>
      %dma_wait3A_307 = arith.constant 0 : i32
      %dma_wait3A_308 = arith.constant 0 : i32
      %dma_wait3A_309 = tpu.memref_slice %arg8[%dma_wait3A_307, %dma_wait3A_308] : memref<10008x128xf32, #tpu.memory_space<vmem_shared>> -> memref<10008x128xf32, #tpu.memory_space<vmem_shared>>
      tpu.wait_indirect_dma semaphore(%arg18 : memref<!tpu.dma_semaphore, #tpu.memory_space<semaphore_mem>>) src(%arg13 : memref<64x128xf32, #tpu.memory_space<vmem>>) dst(%dma_wait3A_309 : memref<10008x128xf32, #tpu.memory_space<vmem_shared>>)
      %dma_wait3A_310 = arith.constant 4 : i32
      %dma_wait3A_311 = arith.constant 0 : i32
      %dma_wait3A_312 = tpu.memref_slice %arg11[%dma_wait3A_310, %dma_wait3A_311] : memref<8x64xi32, #tpu.memory_space<vmem>> -> memref<1x64xi32, #tpu.memory_space<vmem>>
      %dma_wait3A_313 = tpu.memref_squeeze %dma_wait3A_312 : memref<1x64xi32, #tpu.memory_space<vmem>> -> memref<64xi32, #tpu.memory_space<vmem>>
      %dma_wait3A_314 = arith.constant 0 : i32
      %dma_wait3A_315 = tpu.memref_slice %arg9[%dma_wait3A_314] : memref<10008xf32, #tpu.memory_space<vmem_shared>> -> memref<10008xf32, #tpu.memory_space<vmem_shared>>
      tpu.wait_indirect_dma semaphore(%arg20 : memref<!tpu.dma_semaphore, #tpu.memory_space<semaphore_mem>>) src(%arg15 : memref<64xf32, #tpu.memory_space<vmem>>) dst(%dma_wait3A_315 : memref<10008xf32, #tpu.memory_space<vmem_shared>>)
      %dma_wait3A_316 = arith.constant 6 : i32
      %dma_wait3A_317 = arith.constant 0 : i32
      %dma_wait3A_318 = tpu.memref_slice %arg10[%dma_wait3A_316, %dma_wait3A_317] : memref<8x128xi32, #tpu.memory_space<vmem>> -> memref<1x128xi32, #tpu.memory_space<vmem>>
      %dma_wait3A_319 = tpu.memref_squeeze %dma_wait3A_318 : memref<1x128xi32, #tpu.memory_space<vmem>> -> memref<128xi32, #tpu.memory_space<vmem>>
      %dma_wait3A_320 = arith.constant 0 : i32
      %dma_wait3A_321 = arith.constant 0 : i32
      %dma_wait3A_322 = tpu.memref_slice %arg2[%dma_wait3A_320, %dma_wait3A_321] : memref<20016x128xf32, #tpu.memory_space<hbm>> -> memref<20016x128xf32, #tpu.memory_space<hbm>>
      tpu.wait_indirect_dma semaphore(%arg17 : memref<!tpu.dma_semaphore, #tpu.memory_space<semaphore_mem>>) src(%dma_wait3A_322 : memref<20016x128xf32, #tpu.memory_space<hbm>>) dst(%arg12 : memref<128x128xf32, #tpu.memory_space<vmem>>)
      %scan3A_323 = arith.constant 0 : i32
      %scan3A_324 = arith.constant 64 : i32
      %scan3A_325 = arith.addi %scan3A_323, %scan3A_324 : i32
      %scan3A_326 = arith.constant 1 : i32
      scf.for %scan3A_412 = %scan3A_323 to %scan3A_325 step %scan3A_326  : i32 {
        %get3A = arith.index_cast %scan3A_412 : i32 to index
        %get3A_413 = arith.constant 0 : index
        %get3A_414 = tpu.vector_load %arg12[%get3A, %get3A_413] {strides = array<i32>} : memref<128x128xf32, #tpu.memory_space<vmem>>, vector<1x16xf32>,
        %get3A_415 = vector.shape_cast %get3A_414 : vector<1x16xf32> to vector<16xf32>
        %add3A_416 = arith.constant 64 : i32
        %add3A_417 = arith.addi %scan3A_412, %add3A_416 : i32
        %get3A_418 = arith.index_cast %add3A_417 : i32 to index
        %get3A_419 = arith.constant 0 : index
        %get3A_420 = tpu.vector_load %arg12[%get3A_418, %get3A_419] {strides = array<i32>} : memref<128x128xf32, #tpu.memory_space<vmem>>, vector<1x16xf32>,
        %get3A_421 = vector.shape_cast %get3A_420 : vector<1x16xf32> to vector<16xf32>
        %add3A_422 = arith.addf %get3A_415, %get3A_421 : vector<16xf32>
        %max3A = arith.constant 0.000000e+00 : f32
        %max3A_423 = vector.broadcast %max3A : f32 to vector<16xf32>
        %max3A_424 = arith.maximumf %add3A_422, %max3A_423 : vector<16xf32>
        %swap3A_425 = arith.index_cast %scan3A_412 : i32 to index
        %swap3A_426 = arith.constant 0 : index
        %swap3A_427 = tpu.vector_load %arg13[%swap3A_425, %swap3A_426] {strides = array<i32>} : memref<64x128xf32, #tpu.memory_space<vmem>>, vector<1x16xf32>,
        %swap3A_428 = vector.shape_cast %swap3A_427 : vector<1x16xf32> to vector<16xf32>
        %swap3A_429 = vector.shape_cast %max3A_424 : vector<16xf32> to vector<1x16xf32>
        tpu.vector_store %arg13[%swap3A_425, %swap3A_426], %swap3A_429 {strides = array<i32>} : memref<64x128xf32, #tpu.memory_space<vmem>>, vector<1x16xf32>,
        %get3A_430 = arith.index_cast %scan3A_412 : i32 to index
        %get3A_431 = arith.constant 16 : index
        %get3A_432 = tpu.vector_load %arg12[%get3A_430, %get3A_431] {strides = array<i32>} : memref<128x128xf32, #tpu.memory_space<vmem>>, vector<1x16xf32>,
        %get3A_433 = vector.shape_cast %get3A_432 : vector<1x16xf32> to vector<16xf32>
        %add3A_434 = arith.constant 64 : i32
        %add3A_435 = arith.addi %scan3A_412, %add3A_434 : i32
        %get3A_436 = arith.index_cast %add3A_435 : i32 to index
        %get3A_437 = arith.constant 16 : index
        %get3A_438 = tpu.vector_load %arg12[%get3A_436, %get3A_437] {strides = array<i32>} : memref<128x128xf32, #tpu.memory_space<vmem>>, vector<1x16xf32>,
        %get3A_439 = vector.shape_cast %get3A_438 : vector<1x16xf32> to vector<16xf32>
        %add3A_440 = arith.addf %get3A_433, %get3A_439 : vector<16xf32>
        %max3A_441 = arith.constant 0.000000e+00 : f32
        %max3A_442 = vector.broadcast %max3A_441 : f32 to vector<16xf32>
        %max3A_443 = arith.maximumf %add3A_440, %max3A_442 : vector<16xf32>
        %swap3A_444 = arith.index_cast %scan3A_412 : i32 to index
        %swap3A_445 = arith.constant 16 : index
        %swap3A_446 = tpu.vector_load %arg13[%swap3A_444, %swap3A_445] {strides = array<i32>} : memref<64x128xf32, #tpu.memory_space<vmem>>, vector<1x16xf32>,
        %swap3A_447 = vector.shape_cast %swap3A_446 : vector<1x16xf32> to vector<16xf32>
        %swap3A_448 = vector.shape_cast %max3A_443 : vector<16xf32> to vector<1x16xf32>
        tpu.vector_store %arg13[%swap3A_444, %swap3A_445], %swap3A_448 {strides = array<i32>} : memref<64x128xf32, #tpu.memory_space<vmem>>, vector<1x16xf32>,
        %get3A_449 = arith.index_cast %scan3A_412 : i32 to index
        %get3A_450 = arith.constant 32 : index
        %get3A_451 = tpu.vector_load %arg12[%get3A_449, %get3A_450] {strides = array<i32>} : memref<128x128xf32, #tpu.memory_space<vmem>>, vector<1x16xf32>,
        %get3A_452 = vector.shape_cast %get3A_451 : vector<1x16xf32> to vector<16xf32>
        %add3A_453 = arith.constant 64 : i32
        %add3A_454 = arith.addi %scan3A_412, %add3A_453 : i32
        %get3A_455 = arith.index_cast %add3A_454 : i32 to index
        %get3A_456 = arith.constant 32 : index
        %get3A_457 = tpu.vector_load %arg12[%get3A_455, %get3A_456] {strides = array<i32>} : memref<128x128xf32, #tpu.memory_space<vmem>>, vector<1x16xf32>,
        %get3A_458 = vector.shape_cast %get3A_457 : vector<1x16xf32> to vector<16xf32>
        %add3A_459 = arith.addf %get3A_452, %get3A_458 : vector<16xf32>
        %max3A_460 = arith.constant 0.000000e+00 : f32
        %max3A_461 = vector.broadcast %max3A_460 : f32 to vector<16xf32>
        %max3A_462 = arith.maximumf %add3A_459, %max3A_461 : vector<16xf32>
        %swap3A_463 = arith.index_cast %scan3A_412 : i32 to index
        %swap3A_464 = arith.constant 32 : index
        %swap3A_465 = tpu.vector_load %arg13[%swap3A_463, %swap3A_464] {strides = array<i32>} : memref<64x128xf32, #tpu.memory_space<vmem>>, vector<1x16xf32>,
        %swap3A_466 = vector.shape_cast %swap3A_465 : vector<1x16xf32> to vector<16xf32>
        %swap3A_467 = vector.shape_cast %max3A_462 : vector<16xf32> to vector<1x16xf32>
        tpu.vector_store %arg13[%swap3A_463, %swap3A_464], %swap3A_467 {strides = array<i32>} : memref<64x128xf32, #tpu.memory_space<vmem>>, vector<1x16xf32>,
        %get3A_468 = arith.index_cast %scan3A_412 : i32 to index
        %get3A_469 = arith.constant 48 : index
        %get3A_470 = tpu.vector_load %arg12[%get3A_468, %get3A_469] {strides = array<i32>} : memref<128x128xf32, #tpu.memory_space<vmem>>, vector<1x16xf32>,
        %get3A_471 = vector.shape_cast %get3A_470 : vector<1x16xf32> to vector<16xf32>
        %add3A_472 = arith.constant 64 : i32
        %add3A_473 = arith.addi %scan3A_412, %add3A_472 : i32
        %get3A_474 = arith.index_cast %add3A_473 : i32 to index
        %get3A_475 = arith.constant 48 : index
        %get3A_476 = tpu.vector_load %arg12[%get3A_474, %get3A_475] {strides = array<i32>} : memref<128x128xf32, #tpu.memory_space<vmem>>, vector<1x16xf32>,
        %get3A_477 = vector.shape_cast %get3A_476 : vector<1x16xf32> to vector<16xf32>
        %add3A_478 = arith.addf %get3A_471, %get3A_477 : vector<16xf32>
        %max3A_479 = arith.constant 0.000000e+00 : f32
        %max3A_480 = vector.broadcast %max3A_479 : f32 to vector<16xf32>
        %max3A_481 = arith.maximumf %add3A_478, %max3A_480 : vector<16xf32>
        %swap3A_482 = arith.index_cast %scan3A_412 : i32 to index
        %swap3A_483 = arith.constant 48 : index
        %swap3A_484 = tpu.vector_load %arg13[%swap3A_482, %swap3A_483] {strides = array<i32>} : memref<64x128xf32, #tpu.memory_space<vmem>>, vector<1x16xf32>,
        %swap3A_485 = vector.shape_cast %swap3A_484 : vector<1x16xf32> to vector<16xf32>
        %swap3A_486 = vector.shape_cast %max3A_481 : vector<16xf32> to vector<1x16xf32>
        tpu.vector_store %arg13[%swap3A_482, %swap3A_483], %swap3A_486 {strides = array<i32>} : memref<64x128xf32, #tpu.memory_space<vmem>>, vector<1x16xf32>,
        %get3A_487 = arith.index_cast %scan3A_412 : i32 to index
        %get3A_488 = arith.constant 64 : index
        %get3A_489 = tpu.vector_load %arg12[%get3A_487, %get3A_488] {strides = array<i32>} : memref<128x128xf32, #tpu.memory_space<vmem>>, vector<1x16xf32>,
        %get3A_490 = vector.shape_cast %get3A_489 : vector<1x16xf32> to vector<16xf32>
        %add3A_491 = arith.constant 64 : i32
        %add3A_492 = arith.addi %scan3A_412, %add3A_491 : i32
        %get3A_493 = arith.index_cast %add3A_492 : i32 to index
        %get3A_494 = arith.constant 64 : index
        %get3A_495 = tpu.vector_load %arg12[%get3A_493, %get3A_494] {strides = array<i32>} : memref<128x128xf32, #tpu.memory_space<vmem>>, vector<1x16xf32>,
        %get3A_496 = vector.shape_cast %get3A_495 : vector<1x16xf32> to vector<16xf32>
        %add3A_497 = arith.addf %get3A_490, %get3A_496 : vector<16xf32>
        %max3A_498 = arith.constant 0.000000e+00 : f32
        %max3A_499 = vector.broadcast %max3A_498 : f32 to vector<16xf32>
        %max3A_500 = arith.maximumf %add3A_497, %max3A_499 : vector<16xf32>
        %swap3A_501 = arith.index_cast %scan3A_412 : i32 to index
        %swap3A_502 = arith.constant 64 : index
        %swap3A_503 = tpu.vector_load %arg13[%swap3A_501, %swap3A_502] {strides = array<i32>} : memref<64x128xf32, #tpu.memory_space<vmem>>, vector<1x16xf32>,
        %swap3A_504 = vector.shape_cast %swap3A_503 : vector<1x16xf32> to vector<16xf32>
        %swap3A_505 = vector.shape_cast %max3A_500 : vector<16xf32> to vector<1x16xf32>
        tpu.vector_store %arg13[%swap3A_501, %swap3A_502], %swap3A_505 {strides = array<i32>} : memref<64x128xf32, #tpu.memory_space<vmem>>, vector<1x16xf32>,
        %get3A_506 = arith.index_cast %scan3A_412 : i32 to index
        %get3A_507 = arith.constant 80 : index
        %get3A_508 = tpu.vector_load %arg12[%get3A_506, %get3A_507] {strides = array<i32>} : memref<128x128xf32, #tpu.memory_space<vmem>>, vector<1x16xf32>,
        %get3A_509 = vector.shape_cast %get3A_508 : vector<1x16xf32> to vector<16xf32>
        %add3A_510 = arith.constant 64 : i32
        %add3A_511 = arith.addi %scan3A_412, %add3A_510 : i32
        %get3A_512 = arith.index_cast %add3A_511 : i32 to index
        %get3A_513 = arith.constant 80 : index
        %get3A_514 = tpu.vector_load %arg12[%get3A_512, %get3A_513] {strides = array<i32>} : memref<128x128xf32, #tpu.memory_space<vmem>>, vector<1x16xf32>,
        %get3A_515 = vector.shape_cast %get3A_514 : vector<1x16xf32> to vector<16xf32>
        %add3A_516 = arith.addf %get3A_509, %get3A_515 : vector<16xf32>
        %max3A_517 = arith.constant 0.000000e+00 : f32
        %max3A_518 = vector.broadcast %max3A_517 : f32 to vector<16xf32>
        %max3A_519 = arith.maximumf %add3A_516, %max3A_518 : vector<16xf32>
        %swap3A_520 = arith.index_cast %scan3A_412 : i32 to index
        %swap3A_521 = arith.constant 80 : index
        %swap3A_522 = tpu.vector_load %arg13[%swap3A_520, %swap3A_521] {strides = array<i32>} : memref<64x128xf32, #tpu.memory_space<vmem>>, vector<1x16xf32>,
        %swap3A_523 = vector.shape_cast %swap3A_522 : vector<1x16xf32> to vector<16xf32>
        %swap3A_524 = vector.shape_cast %max3A_519 : vector<16xf32> to vector<1x16xf32>
        tpu.vector_store %arg13[%swap3A_520, %swap3A_521], %swap3A_524 {strides = array<i32>} : memref<64x128xf32, #tpu.memory_space<vmem>>, vector<1x16xf32>,
        %get3A_525 = arith.index_cast %scan3A_412 : i32 to index
        %get3A_526 = arith.constant 96 : index
        %get3A_527 = tpu.vector_load %arg12[%get3A_525, %get3A_526] {strides = array<i32>} : memref<128x128xf32, #tpu.memory_space<vmem>>, vector<1x16xf32>,
        %get3A_528 = vector.shape_cast %get3A_527 : vector<1x16xf32> to vector<16xf32>
        %add3A_529 = arith.constant 64 : i32
        %add3A_530 = arith.addi %scan3A_412, %add3A_529 : i32
        %get3A_531 = arith.index_cast %add3A_530 : i32 to index
        %get3A_532 = arith.constant 96 : index
        %get3A_533 = tpu.vector_load %arg12[%get3A_531, %get3A_532] {strides = array<i32>} : memref<128x128xf32, #tpu.memory_space<vmem>>, vector<1x16xf32>,
        %get3A_534 = vector.shape_cast %get3A_533 : vector<1x16xf32> to vector<16xf32>
        %add3A_535 = arith.addf %get3A_528, %get3A_534 : vector<16xf32>
        %max3A_536 = arith.constant 0.000000e+00 : f32
        %max3A_537 = vector.broadcast %max3A_536 : f32 to vector<16xf32>
        %max3A_538 = arith.maximumf %add3A_535, %max3A_537 : vector<16xf32>
        %swap3A_539 = arith.index_cast %scan3A_412 : i32 to index
        %swap3A_540 = arith.constant 96 : index
        %swap3A_541 = tpu.vector_load %arg13[%swap3A_539, %swap3A_540] {strides = array<i32>} : memref<64x128xf32, #tpu.memory_space<vmem>>, vector<1x16xf32>,
        %swap3A_542 = vector.shape_cast %swap3A_541 : vector<1x16xf32> to vector<16xf32>
        %swap3A_543 = vector.shape_cast %max3A_538 : vector<16xf32> to vector<1x16xf32>
        tpu.vector_store %arg13[%swap3A_539, %swap3A_540], %swap3A_543 {strides = array<i32>} : memref<64x128xf32, #tpu.memory_space<vmem>>, vector<1x16xf32>,
        %get3A_544 = arith.index_cast %scan3A_412 : i32 to index
        %get3A_545 = arith.constant 112 : index
        %get3A_546 = tpu.vector_load %arg12[%get3A_544, %get3A_545] {strides = array<i32>} : memref<128x128xf32, #tpu.memory_space<vmem>>, vector<1x16xf32>,
        %get3A_547 = vector.shape_cast %get3A_546 : vector<1x16xf32> to vector<16xf32>
        %add3A_548 = arith.constant 64 : i32
        %add3A_549 = arith.addi %scan3A_412, %add3A_548 : i32
        %get3A_550 = arith.index_cast %add3A_549 : i32 to index
        %get3A_551 = arith.constant 112 : index
        %get3A_552 = tpu.vector_load %arg12[%get3A_550, %get3A_551] {strides = array<i32>} : memref<128x128xf32, #tpu.memory_space<vmem>>, vector<1x16xf32>,
        %get3A_553 = vector.shape_cast %get3A_552 : vector<1x16xf32> to vector<16xf32>
        %add3A_554 = arith.addf %get3A_547, %get3A_553 : vector<16xf32>
        %max3A_555 = arith.constant 0.000000e+00 : f32
        %max3A_556 = vector.broadcast %max3A_555 : f32 to vector<16xf32>
        %max3A_557 = arith.maximumf %add3A_554, %max3A_556 : vector<16xf32>
        %swap3A_558 = arith.index_cast %scan3A_412 : i32 to index
        %swap3A_559 = arith.constant 112 : index
        %swap3A_560 = tpu.vector_load %arg13[%swap3A_558, %swap3A_559] {strides = array<i32>} : memref<64x128xf32, #tpu.memory_space<vmem>>, vector<1x16xf32>,
        %swap3A_561 = vector.shape_cast %swap3A_560 : vector<1x16xf32> to vector<16xf32>
        %swap3A_562 = vector.shape_cast %max3A_557 : vector<16xf32> to vector<1x16xf32>
        tpu.vector_store %arg13[%swap3A_558, %swap3A_559], %swap3A_562 {strides = array<i32>} : memref<64x128xf32, #tpu.memory_space<vmem>>, vector<1x16xf32>,
      }
      %scan3A_327 = arith.constant 64 : i32
      %dma_start3A_328 = arith.constant 6 : i32
      %dma_start3A_329 = arith.constant 0 : i32
      %dma_start3A_330 = tpu.memref_slice %arg11[%dma_start3A_328, %dma_start3A_329] : memref<8x64xi32, #tpu.memory_space<vmem>> -> memref<1x64xi32, #tpu.memory_space<vmem>>
      %dma_start3A_331 = tpu.memref_squeeze %dma_start3A_330 : memref<1x64xi32, #tpu.memory_space<vmem>> -> memref<64xi32, #tpu.memory_space<vmem>>
      %dma_start3A_332 = arith.constant 0 : i32
      %dma_start3A_333 = arith.constant 0 : i32
      %dma_start3A_334 = tpu.memref_slice %arg8[%dma_start3A_332, %dma_start3A_333] : memref<10008x128xf32, #tpu.memory_space<vmem_shared>> -> memref<10008x128xf32, #tpu.memory_space<vmem_shared>>
      tpu.enqueue_indirect_dma source(%arg13 : memref<64x128xf32, #tpu.memory_space<vmem>>) target(%dma_start3A_334 : memref<10008x128xf32, #tpu.memory_space<vmem_shared>>) offsets(%dma_start3A_331 : memref<64xi32, #tpu.memory_space<vmem>>) semaphore(%arg18 : memref<!tpu.dma_semaphore, #tpu.memory_space<semaphore_mem>>) {add = true}
      %dma_start3A_335 = arith.constant 6 : i32
      %dma_start3A_336 = arith.constant 0 : i32
      %dma_start3A_337 = tpu.memref_slice %arg11[%dma_start3A_335, %dma_start3A_336] : memref<8x64xi32, #tpu.memory_space<vmem>> -> memref<1x64xi32, #tpu.memory_space<vmem>>
      %dma_start3A_338 = tpu.memref_squeeze %dma_start3A_337 : memref<1x64xi32, #tpu.memory_space<vmem>> -> memref<64xi32, #tpu.memory_space<vmem>>
      %dma_start3A_339 = arith.constant 0 : i32
      %dma_start3A_340 = tpu.memref_slice %arg9[%dma_start3A_339] : memref<10008xf32, #tpu.memory_space<vmem_shared>> -> memref<10008xf32, #tpu.memory_space<vmem_shared>>
      tpu.enqueue_indirect_dma source(%arg15 : memref<64xf32, #tpu.memory_space<vmem>>) target(%dma_start3A_340 : memref<10008xf32, #tpu.memory_space<vmem_shared>>) offsets(%dma_start3A_338 : memref<64xi32, #tpu.memory_space<vmem>>) semaphore(%arg20 : memref<!tpu.dma_semaphore, #tpu.memory_space<semaphore_mem>>) {add = true}
      %dma_start3A_341 = arith.constant 7 : i32
      %dma_start3A_342 = arith.constant 0 : i32
      %dma_start3A_343 = tpu.memref_slice %arg10[%dma_start3A_341, %dma_start3A_342] : memref<8x128xi32, #tpu.memory_space<vmem>> -> memref<1x128xi32, #tpu.memory_space<vmem>>
      %dma_start3A_344 = tpu.memref_squeeze %dma_start3A_343 : memref<1x128xi32, #tpu.memory_space<vmem>> -> memref<128xi32, #tpu.memory_space<vmem>>
      %dma_start3A_345 = arith.constant 0 : i32
      %dma_start3A_346 = arith.constant 0 : i32
      %dma_start3A_347 = tpu.memref_slice %arg2[%dma_start3A_345, %dma_start3A_346] : memref<20016x128xf32, #tpu.memory_space<hbm>> -> memref<20016x128xf32, #tpu.memory_space<hbm>>
      tpu.enqueue_indirect_dma source(%dma_start3A_347 : memref<20016x128xf32, #tpu.memory_space<hbm>>) target(%arg12 : memref<128x128xf32, #tpu.memory_space<vmem>>) offsets(%dma_start3A_344 : memref<128xi32, #tpu.memory_space<vmem>>) semaphore(%arg17 : memref<!tpu.dma_semaphore, #tpu.memory_space<semaphore_mem>>)
      %dma_wait3A_348 = arith.constant 5 : i32
      %dma_wait3A_349 = arith.constant 0 : i32
      %dma_wait3A_350 = tpu.memref_slice %arg11[%dma_wait3A_348, %dma_wait3A_349] : memref<8x64xi32, #tpu.memory_space<vmem>> -> memref<1x64xi32, #tpu.memory_space<vmem>>
      %dma_wait3A_351 = tpu.memref_squeeze %dma_wait3A_350 : memref<1x64xi32, #tpu.memory_space<vmem>> -> memref<64xi32, #tpu.memory_space<vmem>>
      %dma_wait3A_352 = arith.constant 0 : i32
      %dma_wait3A_353 = arith.constant 0 : i32
      %dma_wait3A_354 = tpu.memref_slice %arg8[%dma_wait3A_352, %dma_wait3A_353] : memref<10008x128xf32, #tpu.memory_space<vmem_shared>> -> memref<10008x128xf32, #tpu.memory_space<vmem_shared>>
      tpu.wait_indirect_dma semaphore(%arg19 : memref<!tpu.dma_semaphore, #tpu.memory_space<semaphore_mem>>) src(%arg14 : memref<64x128xf32, #tpu.memory_space<vmem>>) dst(%dma_wait3A_354 : memref<10008x128xf32, #tpu.memory_space<vmem_shared>>)
      %dma_wait3A_355 = arith.constant 5 : i32
      %dma_wait3A_356 = arith.constant 0 : i32
      %dma_wait3A_357 = tpu.memref_slice %arg11[%dma_wait3A_355, %dma_wait3A_356] : memref<8x64xi32, #tpu.memory_space<vmem>> -> memref<1x64xi32, #tpu.memory_space<vmem>>
      %dma_wait3A_358 = tpu.memref_squeeze %dma_wait3A_357 : memref<1x64xi32, #tpu.memory_space<vmem>> -> memref<64xi32, #tpu.memory_space<vmem>>
      %dma_wait3A_359 = arith.constant 0 : i32
      %dma_wait3A_360 = tpu.memref_slice %arg9[%dma_wait3A_359] : memref<10008xf32, #tpu.memory_space<vmem_shared>> -> memref<10008xf32, #tpu.memory_space<vmem_shared>>
      tpu.wait_indirect_dma semaphore(%arg21 : memref<!tpu.dma_semaphore, #tpu.memory_space<semaphore_mem>>) src(%arg15 : memref<64xf32, #tpu.memory_space<vmem>>) dst(%dma_wait3A_360 : memref<10008xf32, #tpu.memory_space<vmem_shared>>)
      %dma_wait3A_361 = arith.constant 7 : i32
      %dma_wait3A_362 = arith.constant 0 : i32
      %dma_wait3A_363 = tpu.memref_slice %arg10[%dma_wait3A_361, %dma_wait3A_362] : memref<8x128xi32, #tpu.memory_space<vmem>> -> memref<1x128xi32, #tpu.memory_space<vmem>>
      %dma_wait3A_364 = tpu.memref_squeeze %dma_wait3A_363 : memref<1x128xi32, #tpu.memory_space<vmem>> -> memref<128xi32, #tpu.memory_space<vmem>>
      %dma_wait3A_365 = arith.constant 0 : i32
      %dma_wait3A_366 = arith.constant 0 : i32
      %dma_wait3A_367 = tpu.memref_slice %arg2[%dma_wait3A_365, %dma_wait3A_366] : memref<20016x128xf32, #tpu.memory_space<hbm>> -> memref<20016x128xf32, #tpu.memory_space<hbm>>
      tpu.wait_indirect_dma semaphore(%arg17 : memref<!tpu.dma_semaphore, #tpu.memory_space<semaphore_mem>>) src(%dma_wait3A_367 : memref<20016x128xf32, #tpu.memory_space<hbm>>) dst(%arg12 : memref<128x128xf32, #tpu.memory_space<vmem>>)
      %scan3A_368 = arith.constant 0 : i32
      %scan3A_369 = arith.constant 64 : i32
      %scan3A_370 = arith.addi %scan3A_368, %scan3A_369 : i32
      %scan3A_371 = arith.constant 1 : i32
      scf.for %scan3A_412 = %scan3A_368 to %scan3A_370 step %scan3A_371  : i32 {
        %get3A = arith.index_cast %scan3A_412 : i32 to index
        %get3A_413 = arith.constant 0 : index
        %get3A_414 = tpu.vector_load %arg12[%get3A, %get3A_413] {strides = array<i32>} : memref<128x128xf32, #tpu.memory_space<vmem>>, vector<1x16xf32>,
        %get3A_415 = vector.shape_cast %get3A_414 : vector<1x16xf32> to vector<16xf32>
        %add3A_416 = arith.constant 64 : i32
        %add3A_417 = arith.addi %scan3A_412, %add3A_416 : i32
        %get3A_418 = arith.index_cast %add3A_417 : i32 to index
        %get3A_419 = arith.constant 0 : index
        %get3A_420 = tpu.vector_load %arg12[%get3A_418, %get3A_419] {strides = array<i32>} : memref<128x128xf32, #tpu.memory_space<vmem>>, vector<1x16xf32>,
        %get3A_421 = vector.shape_cast %get3A_420 : vector<1x16xf32> to vector<16xf32>
        %add3A_422 = arith.addf %get3A_415, %get3A_421 : vector<16xf32>
        %max3A = arith.constant 0.000000e+00 : f32
        %max3A_423 = vector.broadcast %max3A : f32 to vector<16xf32>
        %max3A_424 = arith.maximumf %add3A_422, %max3A_423 : vector<16xf32>
        %swap3A_425 = arith.index_cast %scan3A_412 : i32 to index
        %swap3A_426 = arith.constant 0 : index
        %swap3A_427 = tpu.vector_load %arg14[%swap3A_425, %swap3A_426] {strides = array<i32>} : memref<64x128xf32, #tpu.memory_space<vmem>>, vector<1x16xf32>,
        %swap3A_428 = vector.shape_cast %swap3A_427 : vector<1x16xf32> to vector<16xf32>
        %swap3A_429 = vector.shape_cast %max3A_424 : vector<16xf32> to vector<1x16xf32>
        tpu.vector_store %arg14[%swap3A_425, %swap3A_426], %swap3A_429 {strides = array<i32>} : memref<64x128xf32, #tpu.memory_space<vmem>>, vector<1x16xf32>,
        %get3A_430 = arith.index_cast %scan3A_412 : i32 to index
        %get3A_431 = arith.constant 16 : index
        %get3A_432 = tpu.vector_load %arg12[%get3A_430, %get3A_431] {strides = array<i32>} : memref<128x128xf32, #tpu.memory_space<vmem>>, vector<1x16xf32>,
        %get3A_433 = vector.shape_cast %get3A_432 : vector<1x16xf32> to vector<16xf32>
        %add3A_434 = arith.constant 64 : i32
        %add3A_435 = arith.addi %scan3A_412, %add3A_434 : i32
        %get3A_436 = arith.index_cast %add3A_435 : i32 to index
        %get3A_437 = arith.constant 16 : index
        %get3A_438 = tpu.vector_load %arg12[%get3A_436, %get3A_437] {strides = array<i32>} : memref<128x128xf32, #tpu.memory_space<vmem>>, vector<1x16xf32>,
        %get3A_439 = vector.shape_cast %get3A_438 : vector<1x16xf32> to vector<16xf32>
        %add3A_440 = arith.addf %get3A_433, %get3A_439 : vector<16xf32>
        %max3A_441 = arith.constant 0.000000e+00 : f32
        %max3A_442 = vector.broadcast %max3A_441 : f32 to vector<16xf32>
        %max3A_443 = arith.maximumf %add3A_440, %max3A_442 : vector<16xf32>
        %swap3A_444 = arith.index_cast %scan3A_412 : i32 to index
        %swap3A_445 = arith.constant 16 : index
        %swap3A_446 = tpu.vector_load %arg14[%swap3A_444, %swap3A_445] {strides = array<i32>} : memref<64x128xf32, #tpu.memory_space<vmem>>, vector<1x16xf32>,
        %swap3A_447 = vector.shape_cast %swap3A_446 : vector<1x16xf32> to vector<16xf32>
        %swap3A_448 = vector.shape_cast %max3A_443 : vector<16xf32> to vector<1x16xf32>
        tpu.vector_store %arg14[%swap3A_444, %swap3A_445], %swap3A_448 {strides = array<i32>} : memref<64x128xf32, #tpu.memory_space<vmem>>, vector<1x16xf32>,
        %get3A_449 = arith.index_cast %scan3A_412 : i32 to index
        %get3A_450 = arith.constant 32 : index
        %get3A_451 = tpu.vector_load %arg12[%get3A_449, %get3A_450] {strides = array<i32>} : memref<128x128xf32, #tpu.memory_space<vmem>>, vector<1x16xf32>,
        %get3A_452 = vector.shape_cast %get3A_451 : vector<1x16xf32> to vector<16xf32>
        %add3A_453 = arith.constant 64 : i32
        %add3A_454 = arith.addi %scan3A_412, %add3A_453 : i32
        %get3A_455 = arith.index_cast %add3A_454 : i32 to index
        %get3A_456 = arith.constant 32 : index
        %get3A_457 = tpu.vector_load %arg12[%get3A_455, %get3A_456] {strides = array<i32>} : memref<128x128xf32, #tpu.memory_space<vmem>>, vector<1x16xf32>,
        %get3A_458 = vector.shape_cast %get3A_457 : vector<1x16xf32> to vector<16xf32>
        %add3A_459 = arith.addf %get3A_452, %get3A_458 : vector<16xf32>
        %max3A_460 = arith.constant 0.000000e+00 : f32
        %max3A_461 = vector.broadcast %max3A_460 : f32 to vector<16xf32>
        %max3A_462 = arith.maximumf %add3A_459, %max3A_461 : vector<16xf32>
        %swap3A_463 = arith.index_cast %scan3A_412 : i32 to index
        %swap3A_464 = arith.constant 32 : index
        %swap3A_465 = tpu.vector_load %arg14[%swap3A_463, %swap3A_464] {strides = array<i32>} : memref<64x128xf32, #tpu.memory_space<vmem>>, vector<1x16xf32>,
        %swap3A_466 = vector.shape_cast %swap3A_465 : vector<1x16xf32> to vector<16xf32>
        %swap3A_467 = vector.shape_cast %max3A_462 : vector<16xf32> to vector<1x16xf32>
        tpu.vector_store %arg14[%swap3A_463, %swap3A_464], %swap3A_467 {strides = array<i32>} : memref<64x128xf32, #tpu.memory_space<vmem>>, vector<1x16xf32>,
        %get3A_468 = arith.index_cast %scan3A_412 : i32 to index
        %get3A_469 = arith.constant 48 : index
        %get3A_470 = tpu.vector_load %arg12[%get3A_468, %get3A_469] {strides = array<i32>} : memref<128x128xf32, #tpu.memory_space<vmem>>, vector<1x16xf32>,
        %get3A_471 = vector.shape_cast %get3A_470 : vector<1x16xf32> to vector<16xf32>
        %add3A_472 = arith.constant 64 : i32
        %add3A_473 = arith.addi %scan3A_412, %add3A_472 : i32
        %get3A_474 = arith.index_cast %add3A_473 : i32 to index
        %get3A_475 = arith.constant 48 : index
        %get3A_476 = tpu.vector_load %arg12[%get3A_474, %get3A_475] {strides = array<i32>} : memref<128x128xf32, #tpu.memory_space<vmem>>, vector<1x16xf32>,
        %get3A_477 = vector.shape_cast %get3A_476 : vector<1x16xf32> to vector<16xf32>
        %add3A_478 = arith.addf %get3A_471, %get3A_477 : vector<16xf32>
        %max3A_479 = arith.constant 0.000000e+00 : f32
        %max3A_480 = vector.broadcast %max3A_479 : f32 to vector<16xf32>
        %max3A_481 = arith.maximumf %add3A_478, %max3A_480 : vector<16xf32>
        %swap3A_482 = arith.index_cast %scan3A_412 : i32 to index
        %swap3A_483 = arith.constant 48 : index
        %swap3A_484 = tpu.vector_load %arg14[%swap3A_482, %swap3A_483] {strides = array<i32>} : memref<64x128xf32, #tpu.memory_space<vmem>>, vector<1x16xf32>,
        %swap3A_485 = vector.shape_cast %swap3A_484 : vector<1x16xf32> to vector<16xf32>
        %swap3A_486 = vector.shape_cast %max3A_481 : vector<16xf32> to vector<1x16xf32>
        tpu.vector_store %arg14[%swap3A_482, %swap3A_483], %swap3A_486 {strides = array<i32>} : memref<64x128xf32, #tpu.memory_space<vmem>>, vector<1x16xf32>,
        %get3A_487 = arith.index_cast %scan3A_412 : i32 to index
        %get3A_488 = arith.constant 64 : index
        %get3A_489 = tpu.vector_load %arg12[%get3A_487, %get3A_488] {strides = array<i32>} : memref<128x128xf32, #tpu.memory_space<vmem>>, vector<1x16xf32>,
        %get3A_490 = vector.shape_cast %get3A_489 : vector<1x16xf32> to vector<16xf32>
        %add3A_491 = arith.constant 64 : i32
        %add3A_492 = arith.addi %scan3A_412, %add3A_491 : i32
        %get3A_493 = arith.index_cast %add3A_492 : i32 to index
        %get3A_494 = arith.constant 64 : index
        %get3A_495 = tpu.vector_load %arg12[%get3A_493, %get3A_494] {strides = array<i32>} : memref<128x128xf32, #tpu.memory_space<vmem>>, vector<1x16xf32>,
        %get3A_496 = vector.shape_cast %get3A_495 : vector<1x16xf32> to vector<16xf32>
        %add3A_497 = arith.addf %get3A_490, %get3A_496 : vector<16xf32>
        %max3A_498 = arith.constant 0.000000e+00 : f32
        %max3A_499 = vector.broadcast %max3A_498 : f32 to vector<16xf32>
        %max3A_500 = arith.maximumf %add3A_497, %max3A_499 : vector<16xf32>
        %swap3A_501 = arith.index_cast %scan3A_412 : i32 to index
        %swap3A_502 = arith.constant 64 : index
        %swap3A_503 = tpu.vector_load %arg14[%swap3A_501, %swap3A_502] {strides = array<i32>} : memref<64x128xf32, #tpu.memory_space<vmem>>, vector<1x16xf32>,
        %swap3A_504 = vector.shape_cast %swap3A_503 : vector<1x16xf32> to vector<16xf32>
        %swap3A_505 = vector.shape_cast %max3A_500 : vector<16xf32> to vector<1x16xf32>
        tpu.vector_store %arg14[%swap3A_501, %swap3A_502], %swap3A_505 {strides = array<i32>} : memref<64x128xf32, #tpu.memory_space<vmem>>, vector<1x16xf32>,
        %get3A_506 = arith.index_cast %scan3A_412 : i32 to index
        %get3A_507 = arith.constant 80 : index
        %get3A_508 = tpu.vector_load %arg12[%get3A_506, %get3A_507] {strides = array<i32>} : memref<128x128xf32, #tpu.memory_space<vmem>>, vector<1x16xf32>,
        %get3A_509 = vector.shape_cast %get3A_508 : vector<1x16xf32> to vector<16xf32>
        %add3A_510 = arith.constant 64 : i32
        %add3A_511 = arith.addi %scan3A_412, %add3A_510 : i32
        %get3A_512 = arith.index_cast %add3A_511 : i32 to index
        %get3A_513 = arith.constant 80 : index
        %get3A_514 = tpu.vector_load %arg12[%get3A_512, %get3A_513] {strides = array<i32>} : memref<128x128xf32, #tpu.memory_space<vmem>>, vector<1x16xf32>,
        %get3A_515 = vector.shape_cast %get3A_514 : vector<1x16xf32> to vector<16xf32>
        %add3A_516 = arith.addf %get3A_509, %get3A_515 : vector<16xf32>
        %max3A_517 = arith.constant 0.000000e+00 : f32
        %max3A_518 = vector.broadcast %max3A_517 : f32 to vector<16xf32>
        %max3A_519 = arith.maximumf %add3A_516, %max3A_518 : vector<16xf32>
        %swap3A_520 = arith.index_cast %scan3A_412 : i32 to index
        %swap3A_521 = arith.constant 80 : index
        %swap3A_522 = tpu.vector_load %arg14[%swap3A_520, %swap3A_521] {strides = array<i32>} : memref<64x128xf32, #tpu.memory_space<vmem>>, vector<1x16xf32>,
        %swap3A_523 = vector.shape_cast %swap3A_522 : vector<1x16xf32> to vector<16xf32>
        %swap3A_524 = vector.shape_cast %max3A_519 : vector<16xf32> to vector<1x16xf32>
        tpu.vector_store %arg14[%swap3A_520, %swap3A_521], %swap3A_524 {strides = array<i32>} : memref<64x128xf32, #tpu.memory_space<vmem>>, vector<1x16xf32>,
        %get3A_525 = arith.index_cast %scan3A_412 : i32 to index
        %get3A_526 = arith.constant 96 : index
        %get3A_527 = tpu.vector_load %arg12[%get3A_525, %get3A_526] {strides = array<i32>} : memref<128x128xf32, #tpu.memory_space<vmem>>, vector<1x16xf32>,
        %get3A_528 = vector.shape_cast %get3A_527 : vector<1x16xf32> to vector<16xf32>
        %add3A_529 = arith.constant 64 : i32
        %add3A_530 = arith.addi %scan3A_412, %add3A_529 : i32
        %get3A_531 = arith.index_cast %add3A_530 : i32 to index
        %get3A_532 = arith.constant 96 : index
        %get3A_533 = tpu.vector_load %arg12[%get3A_531, %get3A_532] {strides = array<i32>} : memref<128x128xf32, #tpu.memory_space<vmem>>, vector<1x16xf32>,
        %get3A_534 = vector.shape_cast %get3A_533 : vector<1x16xf32> to vector<16xf32>
        %add3A_535 = arith.addf %get3A_528, %get3A_534 : vector<16xf32>
        %max3A_536 = arith.constant 0.000000e+00 : f32
        %max3A_537 = vector.broadcast %max3A_536 : f32 to vector<16xf32>
        %max3A_538 = arith.maximumf %add3A_535, %max3A_537 : vector<16xf32>
        %swap3A_539 = arith.index_cast %scan3A_412 : i32 to index
        %swap3A_540 = arith.constant 96 : index
        %swap3A_541 = tpu.vector_load %arg14[%swap3A_539, %swap3A_540] {strides = array<i32>} : memref<64x128xf32, #tpu.memory_space<vmem>>, vector<1x16xf32>,
        %swap3A_542 = vector.shape_cast %swap3A_541 : vector<1x16xf32> to vector<16xf32>
        %swap3A_543 = vector.shape_cast %max3A_538 : vector<16xf32> to vector<1x16xf32>
        tpu.vector_store %arg14[%swap3A_539, %swap3A_540], %swap3A_543 {strides = array<i32>} : memref<64x128xf32, #tpu.memory_space<vmem>>, vector<1x16xf32>,
        %get3A_544 = arith.index_cast %scan3A_412 : i32 to index
        %get3A_545 = arith.constant 112 : index
        %get3A_546 = tpu.vector_load %arg12[%get3A_544, %get3A_545] {strides = array<i32>} : memref<128x128xf32, #tpu.memory_space<vmem>>, vector<1x16xf32>,
        %get3A_547 = vector.shape_cast %get3A_546 : vector<1x16xf32> to vector<16xf32>
        %add3A_548 = arith.constant 64 : i32
        %add3A_549 = arith.addi %scan3A_412, %add3A_548 : i32
        %get3A_550 = arith.index_cast %add3A_549 : i32 to index
        %get3A_551 = arith.constant 112 : index
        %get3A_552 = tpu.vector_load %arg12[%get3A_550, %get3A_551] {strides = array<i32>} : memref<128x128xf32, #tpu.memory_space<vmem>>, vector<1x16xf32>,
        %get3A_553 = vector.shape_cast %get3A_552 : vector<1x16xf32> to vector<16xf32>
        %add3A_554 = arith.addf %get3A_547, %get3A_553 : vector<16xf32>
        %max3A_555 = arith.constant 0.000000e+00 : f32
        %max3A_556 = vector.broadcast %max3A_555 : f32 to vector<16xf32>
        %max3A_557 = arith.maximumf %add3A_554, %max3A_556 : vector<16xf32>
        %swap3A_558 = arith.index_cast %scan3A_412 : i32 to index
        %swap3A_559 = arith.constant 112 : index
        %swap3A_560 = tpu.vector_load %arg14[%swap3A_558, %swap3A_559] {strides = array<i32>} : memref<64x128xf32, #tpu.memory_space<vmem>>, vector<1x16xf32>,
        %swap3A_561 = vector.shape_cast %swap3A_560 : vector<1x16xf32> to vector<16xf32>
        %swap3A_562 = vector.shape_cast %max3A_557 : vector<16xf32> to vector<1x16xf32>
        tpu.vector_store %arg14[%swap3A_558, %swap3A_559], %swap3A_562 {strides = array<i32>} : memref<64x128xf32, #tpu.memory_space<vmem>>, vector<1x16xf32>,
      }
      %scan3A_372 = arith.constant 64 : i32
      %dma_start3A_373 = arith.constant 7 : i32
      %dma_start3A_374 = arith.constant 0 : i32
      %dma_start3A_375 = tpu.memref_slice %arg11[%dma_start3A_373, %dma_start3A_374] : memref<8x64xi32, #tpu.memory_space<vmem>> -> memref<1x64xi32, #tpu.memory_space<vmem>>
      %dma_start3A_376 = tpu.memref_squeeze %dma_start3A_375 : memref<1x64xi32, #tpu.memory_space<vmem>> -> memref<64xi32, #tpu.memory_space<vmem>>
      %dma_start3A_377 = arith.constant 0 : i32
      %dma_start3A_378 = arith.constant 0 : i32
      %dma_start3A_379 = tpu.memref_slice %arg8[%dma_start3A_377, %dma_start3A_378] : memref<10008x128xf32, #tpu.memory_space<vmem_shared>> -> memref<10008x128xf32, #tpu.memory_space<vmem_shared>>
      tpu.enqueue_indirect_dma source(%arg14 : memref<64x128xf32, #tpu.memory_space<vmem>>) target(%dma_start3A_379 : memref<10008x128xf32, #tpu.memory_space<vmem_shared>>) offsets(%dma_start3A_376 : memref<64xi32, #tpu.memory_space<vmem>>) semaphore(%arg19 : memref<!tpu.dma_semaphore, #tpu.memory_space<semaphore_mem>>) {add = true}
      %dma_start3A_380 = arith.constant 7 : i32
      %dma_start3A_381 = arith.constant 0 : i32
      %dma_start3A_382 = tpu.memref_slice %arg11[%dma_start3A_380, %dma_start3A_381] : memref<8x64xi32, #tpu.memory_space<vmem>> -> memref<1x64xi32, #tpu.memory_space<vmem>>
      %dma_start3A_383 = tpu.memref_squeeze %dma_start3A_382 : memref<1x64xi32, #tpu.memory_space<vmem>> -> memref<64xi32, #tpu.memory_space<vmem>>
      %dma_start3A_384 = arith.constant 0 : i32
      %dma_start3A_385 = tpu.memref_slice %arg9[%dma_start3A_384] : memref<10008xf32, #tpu.memory_space<vmem_shared>> -> memref<10008xf32, #tpu.memory_space<vmem_shared>>
      tpu.enqueue_indirect_dma source(%arg15 : memref<64xf32, #tpu.memory_space<vmem>>) target(%dma_start3A_385 : memref<10008xf32, #tpu.memory_space<vmem_shared>>) offsets(%dma_start3A_383 : memref<64xi32, #tpu.memory_space<vmem>>) semaphore(%arg21 : memref<!tpu.dma_semaphore, #tpu.memory_space<semaphore_mem>>) {add = true}
      %dma_wait3A_386 = arith.constant 6 : i32
      %dma_wait3A_387 = arith.constant 0 : i32
      %dma_wait3A_388 = tpu.memref_slice %arg11[%dma_wait3A_386, %dma_wait3A_387] : memref<8x64xi32, #tpu.memory_space<vmem>> -> memref<1x64xi32, #tpu.memory_space<vmem>>
      %dma_wait3A_389 = tpu.memref_squeeze %dma_wait3A_388 : memref<1x64xi32, #tpu.memory_space<vmem>> -> memref<64xi32, #tpu.memory_space<vmem>>
      %dma_wait3A_390 = arith.constant 0 : i32
      %dma_wait3A_391 = arith.constant 0 : i32
      %dma_wait3A_392 = tpu.memref_slice %arg8[%dma_wait3A_390, %dma_wait3A_391] : memref<10008x128xf32, #tpu.memory_space<vmem_shared>> -> memref<10008x128xf32, #tpu.memory_space<vmem_shared>>
      tpu.wait_indirect_dma semaphore(%arg18 : memref<!tpu.dma_semaphore, #tpu.memory_space<semaphore_mem>>) src(%arg13 : memref<64x128xf32, #tpu.memory_space<vmem>>) dst(%dma_wait3A_392 : memref<10008x128xf32, #tpu.memory_space<vmem_shared>>)
      %dma_wait3A_393 = arith.constant 6 : i32
      %dma_wait3A_394 = arith.constant 0 : i32
      %dma_wait3A_395 = tpu.memref_slice %arg11[%dma_wait3A_393, %dma_wait3A_394] : memref<8x64xi32, #tpu.memory_space<vmem>> -> memref<1x64xi32, #tpu.memory_space<vmem>>
      %dma_wait3A_396 = tpu.memref_squeeze %dma_wait3A_395 : memref<1x64xi32, #tpu.memory_space<vmem>> -> memref<64xi32, #tpu.memory_space<vmem>>
      %dma_wait3A_397 = arith.constant 0 : i32
      %dma_wait3A_398 = tpu.memref_slice %arg9[%dma_wait3A_397] : memref<10008xf32, #tpu.memory_space<vmem_shared>> -> memref<10008xf32, #tpu.memory_space<vmem_shared>>
      tpu.wait_indirect_dma semaphore(%arg20 : memref<!tpu.dma_semaphore, #tpu.memory_space<semaphore_mem>>) src(%arg15 : memref<64xf32, #tpu.memory_space<vmem>>) dst(%dma_wait3A_398 : memref<10008xf32, #tpu.memory_space<vmem_shared>>)
      %dma_wait3A_399 = arith.constant 7 : i32
      %dma_wait3A_400 = arith.constant 0 : i32
      %dma_wait3A_401 = tpu.memref_slice %arg11[%dma_wait3A_399, %dma_wait3A_400] : memref<8x64xi32, #tpu.memory_space<vmem>> -> memref<1x64xi32, #tpu.memory_space<vmem>>
      %dma_wait3A_402 = tpu.memref_squeeze %dma_wait3A_401 : memref<1x64xi32, #tpu.memory_space<vmem>> -> memref<64xi32, #tpu.memory_space<vmem>>
      %dma_wait3A_403 = arith.constant 0 : i32
      %dma_wait3A_404 = arith.constant 0 : i32
      %dma_wait3A_405 = tpu.memref_slice %arg8[%dma_wait3A_403, %dma_wait3A_404] : memref<10008x128xf32, #tpu.memory_space<vmem_shared>> -> memref<10008x128xf32, #tpu.memory_space<vmem_shared>>
      tpu.wait_indirect_dma semaphore(%arg19 : memref<!tpu.dma_semaphore, #tpu.memory_space<semaphore_mem>>) src(%arg14 : memref<64x128xf32, #tpu.memory_space<vmem>>) dst(%dma_wait3A_405 : memref<10008x128xf32, #tpu.memory_space<vmem_shared>>)
      %dma_wait3A_406 = arith.constant 7 : i32
      %dma_wait3A_407 = arith.constant 0 : i32
      %dma_wait3A_408 = tpu.memref_slice %arg11[%dma_wait3A_406, %dma_wait3A_407] : memref<8x64xi32, #tpu.memory_space<vmem>> -> memref<1x64xi32, #tpu.memory_space<vmem>>
      %dma_wait3A_409 = tpu.memref_squeeze %dma_wait3A_408 : memref<1x64xi32, #tpu.memory_space<vmem>> -> memref<64xi32, #tpu.memory_space<vmem>>
      %dma_wait3A_410 = arith.constant 0 : i32
      %dma_wait3A_411 = tpu.memref_slice %arg9[%dma_wait3A_410] : memref<10008xf32, #tpu.memory_space<vmem_shared>> -> memref<10008xf32, #tpu.memory_space<vmem_shared>>
      tpu.wait_indirect_dma semaphore(%arg21 : memref<!tpu.dma_semaphore, #tpu.memory_space<semaphore_mem>>) src(%arg15 : memref<64xf32, #tpu.memory_space<vmem>>) dst(%dma_wait3A_411 : memref<10008xf32, #tpu.memory_space<vmem_shared>>)
    }
    %scan3A_42 = arith.constant 20 : i32
    %barrier3A_43 = arith.constant 0 : index
    tpu.barrier barrier_id(%barrier3A_43)
    %lt3A_44 = arith.constant 10 : i32
    %lt3A_45 = arith.cmpi slt, %arg1, %lt3A_44 : i32
    %convert_element_type3A_46 = arith.extui %lt3A_45 : i1 to i32
    %cond3A_47 = arith.constant 0 : i32
    %cond3A_48 = arith.cmpi ne, %convert_element_type3A_46, %cond3A_47 : i32
    scf.if %cond3A_48 {
      %mul3A_49 = arith.constant 1000 : i32
      %mul3A_50 = arith.muli %arg1, %mul3A_49 : i32
      %add3A_51 = arith.constant 0 : i32
      %add3A_52 = arith.addi %mul3A_50, %add3A_51 : i32
      "tpu.region"() ({
        %run_scoped3A = tpu.sem_alloc : memref<!tpu.dma_semaphore, #tpu.memory_space<semaphore_mem>>
        %dma_start3A = arith.constant 0 : i32
        %dma_start3A_93 = tpu.memref_slice %arg8[%add3A_52, %dma_start3A] : memref<10008x128xf32, #tpu.memory_space<vmem_shared>> -> memref<128x128xf32, #tpu.memory_space<vmem_shared>>
        %dma_start3A_94 = arith.constant 0 : i32
        %dma_start3A_95 = tpu.memref_slice %arg8[%add3A_52, %dma_start3A_94] : memref<10008x128xf32, #tpu.memory_space<vmem_shared>> -> memref<128x128xf32, #tpu.memory_space<vmem_shared>>
        tpu.enqueue_dma source(%dma_start3A_95 : memref<128x128xf32, #tpu.memory_space<vmem_shared>>) target(%arg12 : memref<128x128xf32, #tpu.memory_space<vmem>>) target_semaphore(%run_scoped3A : memref<!tpu.dma_semaphore, #tpu.memory_space<semaphore_mem>>)
        %dma_wait3A = arith.constant 0 : i32
        %dma_wait3A_96 = tpu.memref_slice %arg8[%add3A_52, %dma_wait3A] : memref<10008x128xf32, #tpu.memory_space<vmem_shared>> -> memref<128x128xf32, #tpu.memory_space<vmem_shared>>
        %dma_wait3A_97 = arith.constant 0 : i32
        %dma_wait3A_98 = tpu.memref_slice %arg8[%add3A_52, %dma_wait3A_97] : memref<10008x128xf32, #tpu.memory_space<vmem_shared>> -> memref<128x128xf32, #tpu.memory_space<vmem_shared>>
        tpu.wait_dma2 semaphore(%run_scoped3A : memref<!tpu.dma_semaphore, #tpu.memory_space<semaphore_mem>>) src(%dma_wait3A_98 : memref<128x128xf32, #tpu.memory_space<vmem_shared>>) dst(%arg12 : memref<128x128xf32, #tpu.memory_space<vmem>>)
        tpu.yield
      }) : () -> ()
      "tpu.region"() ({
        %run_scoped3A = tpu.sem_alloc : memref<!tpu.dma_semaphore, #tpu.memory_space<semaphore_mem>>
        %dma_start3A = arith.constant 0 : i32
        %dma_start3A_93 = tpu.memref_slice %arg5[%arg0, %add3A_52, %dma_start3A] : memref<2x10000x128xf32, #tpu.memory_space<hbm>> -> memref<1x128x128xf32, #tpu.memory_space<hbm>>
        %dma_start3A_94 = tpu.memref_squeeze %dma_start3A_93 : memref<1x128x128xf32, #tpu.memory_space<hbm>> -> memref<128x128xf32, #tpu.memory_space<hbm>>
        %dma_start3A_95 = arith.constant 0 : i32
        %dma_start3A_96 = tpu.memref_slice %arg5[%arg0, %add3A_52, %dma_start3A_95] : memref<2x10000x128xf32, #tpu.memory_space<hbm>> -> memref<1x128x128xf32, #tpu.memory_space<hbm>>
        %dma_start3A_97 = tpu.memref_squeeze %dma_start3A_96 : memref<1x128x128xf32, #tpu.memory_space<hbm>> -> memref<128x128xf32, #tpu.memory_space<hbm>>
        tpu.enqueue_dma source(%arg12 : memref<128x128xf32, #tpu.memory_space<vmem>>) target(%dma_start3A_97 : memref<128x128xf32, #tpu.memory_space<hbm>>) target_semaphore(%run_scoped3A : memref<!tpu.dma_semaphore, #tpu.memory_space<semaphore_mem>>)
        %dma_wait3A = arith.constant 0 : i32
        %dma_wait3A_98 = tpu.memref_slice %arg5[%arg0, %add3A_52, %dma_wait3A] : memref<2x10000x128xf32, #tpu.memory_space<hbm>> -> memref<1x128x128xf32, #tpu.memory_space<hbm>>
        %dma_wait3A_99 = tpu.memref_squeeze %dma_wait3A_98 : memref<1x128x128xf32, #tpu.memory_space<hbm>> -> memref<128x128xf32, #tpu.memory_space<hbm>>
        %dma_wait3A_100 = arith.constant 0 : i32
        %dma_wait3A_101 = tpu.memref_slice %arg5[%arg0, %add3A_52, %dma_wait3A_100] : memref<2x10000x128xf32, #tpu.memory_space<hbm>> -> memref<1x128x128xf32, #tpu.memory_space<hbm>>
        %dma_wait3A_102 = tpu.memref_squeeze %dma_wait3A_101 : memref<1x128x128xf32, #tpu.memory_space<hbm>> -> memref<128x128xf32, #tpu.memory_space<hbm>>
        tpu.wait_dma2 semaphore(%run_scoped3A : memref<!tpu.dma_semaphore, #tpu.memory_space<semaphore_mem>>) src(%arg12 : memref<128x128xf32, #tpu.memory_space<vmem>>) dst(%dma_wait3A_102 : memref<128x128xf32, #tpu.memory_space<hbm>>)
        tpu.yield
      }) : () -> ()
      %mul3A_53 = arith.constant 1000 : i32
      %mul3A_54 = arith.muli %arg1, %mul3A_53 : i32
      %add3A_55 = arith.constant 128 : i32
      %add3A_56 = arith.addi %mul3A_54, %add3A_55 : i32
      "tpu.region"() ({
        %run_scoped3A = tpu.sem_alloc : memref<!tpu.dma_semaphore, #tpu.memory_space<semaphore_mem>>
        %dma_start3A = arith.constant 0 : i32
        %dma_start3A_93 = tpu.memref_slice %arg8[%add3A_56, %dma_start3A] : memref<10008x128xf32, #tpu.memory_space<vmem_shared>> -> memref<128x128xf32, #tpu.memory_space<vmem_shared>>
        %dma_start3A_94 = arith.constant 0 : i32
        %dma_start3A_95 = tpu.memref_slice %arg8[%add3A_56, %dma_start3A_94] : memref<10008x128xf32, #tpu.memory_space<vmem_shared>> -> memref<128x128xf32, #tpu.memory_space<vmem_shared>>
        tpu.enqueue_dma source(%dma_start3A_95 : memref<128x128xf32, #tpu.memory_space<vmem_shared>>) target(%arg12 : memref<128x128xf32, #tpu.memory_space<vmem>>) target_semaphore(%run_scoped3A : memref<!tpu.dma_semaphore, #tpu.memory_space<semaphore_mem>>)
        %dma_wait3A = arith.constant 0 : i32
        %dma_wait3A_96 = tpu.memref_slice %arg8[%add3A_56, %dma_wait3A] : memref<10008x128xf32, #tpu.memory_space<vmem_shared>> -> memref<128x128xf32, #tpu.memory_space<vmem_shared>>
        %dma_wait3A_97 = arith.constant 0 : i32
        %dma_wait3A_98 = tpu.memref_slice %arg8[%add3A_56, %dma_wait3A_97] : memref<10008x128xf32, #tpu.memory_space<vmem_shared>> -> memref<128x128xf32, #tpu.memory_space<vmem_shared>>
        tpu.wait_dma2 semaphore(%run_scoped3A : memref<!tpu.dma_semaphore, #tpu.memory_space<semaphore_mem>>) src(%dma_wait3A_98 : memref<128x128xf32, #tpu.memory_space<vmem_shared>>) dst(%arg12 : memref<128x128xf32, #tpu.memory_space<vmem>>)
        tpu.yield
      }) : () -> ()
      "tpu.region"() ({
        %run_scoped3A = tpu.sem_alloc : memref<!tpu.dma_semaphore, #tpu.memory_space<semaphore_mem>>
        %dma_start3A = arith.constant 0 : i32
        %dma_start3A_93 = tpu.memref_slice %arg5[%arg0, %add3A_56, %dma_start3A] : memref<2x10000x128xf32, #tpu.memory_space<hbm>> -> memref<1x128x128xf32, #tpu.memory_space<hbm>>
        %dma_start3A_94 = tpu.memref_squeeze %dma_start3A_93 : memref<1x128x128xf32, #tpu.memory_space<hbm>> -> memref<128x128xf32, #tpu.memory_space<hbm>>
        %dma_start3A_95 = arith.constant 0 : i32
        %dma_start3A_96 = tpu.memref_slice %arg5[%arg0, %add3A_56, %dma_start3A_95] : memref<2x10000x128xf32, #tpu.memory_space<hbm>> -> memref<1x128x128xf32, #tpu.memory_space<hbm>>
        %dma_start3A_97 = tpu.memref_squeeze %dma_start3A_96 : memref<1x128x128xf32, #tpu.memory_space<hbm>> -> memref<128x128xf32, #tpu.memory_space<hbm>>
        tpu.enqueue_dma source(%arg12 : memref<128x128xf32, #tpu.memory_space<vmem>>) target(%dma_start3A_97 : memref<128x128xf32, #tpu.memory_space<hbm>>) target_semaphore(%run_scoped3A : memref<!tpu.dma_semaphore, #tpu.memory_space<semaphore_mem>>)
        %dma_wait3A = arith.constant 0 : i32
        %dma_wait3A_98 = tpu.memref_slice %arg5[%arg0, %add3A_56, %dma_wait3A] : memref<2x10000x128xf32, #tpu.memory_space<hbm>> -> memref<1x128x128xf32, #tpu.memory_space<hbm>>
        %dma_wait3A_99 = tpu.memref_squeeze %dma_wait3A_98 : memref<1x128x128xf32, #tpu.memory_space<hbm>> -> memref<128x128xf32, #tpu.memory_space<hbm>>
        %dma_wait3A_100 = arith.constant 0 : i32
        %dma_wait3A_101 = tpu.memref_slice %arg5[%arg0, %add3A_56, %dma_wait3A_100] : memref<2x10000x128xf32, #tpu.memory_space<hbm>> -> memref<1x128x128xf32, #tpu.memory_space<hbm>>
        %dma_wait3A_102 = tpu.memref_squeeze %dma_wait3A_101 : memref<1x128x128xf32, #tpu.memory_space<hbm>> -> memref<128x128xf32, #tpu.memory_space<hbm>>
        tpu.wait_dma2 semaphore(%run_scoped3A : memref<!tpu.dma_semaphore, #tpu.memory_space<semaphore_mem>>) src(%arg12 : memref<128x128xf32, #tpu.memory_space<vmem>>) dst(%dma_wait3A_102 : memref<128x128xf32, #tpu.memory_space<hbm>>)
        tpu.yield
      }) : () -> ()
      %mul3A_57 = arith.constant 1000 : i32
      %mul3A_58 = arith.muli %arg1, %mul3A_57 : i32
      %add3A_59 = arith.constant 256 : i32
      %add3A_60 = arith.addi %mul3A_58, %add3A_59 : i32
      "tpu.region"() ({
        %run_scoped3A = tpu.sem_alloc : memref<!tpu.dma_semaphore, #tpu.memory_space<semaphore_mem>>
        %dma_start3A = arith.constant 0 : i32
        %dma_start3A_93 = tpu.memref_slice %arg8[%add3A_60, %dma_start3A] : memref<10008x128xf32, #tpu.memory_space<vmem_shared>> -> memref<128x128xf32, #tpu.memory_space<vmem_shared>>
        %dma_start3A_94 = arith.constant 0 : i32
        %dma_start3A_95 = tpu.memref_slice %arg8[%add3A_60, %dma_start3A_94] : memref<10008x128xf32, #tpu.memory_space<vmem_shared>> -> memref<128x128xf32, #tpu.memory_space<vmem_shared>>
        tpu.enqueue_dma source(%dma_start3A_95 : memref<128x128xf32, #tpu.memory_space<vmem_shared>>) target(%arg12 : memref<128x128xf32, #tpu.memory_space<vmem>>) target_semaphore(%run_scoped3A : memref<!tpu.dma_semaphore, #tpu.memory_space<semaphore_mem>>)
        %dma_wait3A = arith.constant 0 : i32
        %dma_wait3A_96 = tpu.memref_slice %arg8[%add3A_60, %dma_wait3A] : memref<10008x128xf32, #tpu.memory_space<vmem_shared>> -> memref<128x128xf32, #tpu.memory_space<vmem_shared>>
        %dma_wait3A_97 = arith.constant 0 : i32
        %dma_wait3A_98 = tpu.memref_slice %arg8[%add3A_60, %dma_wait3A_97] : memref<10008x128xf32, #tpu.memory_space<vmem_shared>> -> memref<128x128xf32, #tpu.memory_space<vmem_shared>>
        tpu.wait_dma2 semaphore(%run_scoped3A : memref<!tpu.dma_semaphore, #tpu.memory_space<semaphore_mem>>) src(%dma_wait3A_98 : memref<128x128xf32, #tpu.memory_space<vmem_shared>>) dst(%arg12 : memref<128x128xf32, #tpu.memory_space<vmem>>)
        tpu.yield
      }) : () -> ()
      "tpu.region"() ({
        %run_scoped3A = tpu.sem_alloc : memref<!tpu.dma_semaphore, #tpu.memory_space<semaphore_mem>>
        %dma_start3A = arith.constant 0 : i32
        %dma_start3A_93 = tpu.memref_slice %arg5[%arg0, %add3A_60, %dma_start3A] : memref<2x10000x128xf32, #tpu.memory_space<hbm>> -> memref<1x128x128xf32, #tpu.memory_space<hbm>>
        %dma_start3A_94 = tpu.memref_squeeze %dma_start3A_93 : memref<1x128x128xf32, #tpu.memory_space<hbm>> -> memref<128x128xf32, #tpu.memory_space<hbm>>
        %dma_start3A_95 = arith.constant 0 : i32
        %dma_start3A_96 = tpu.memref_slice %arg5[%arg0, %add3A_60, %dma_start3A_95] : memref<2x10000x128xf32, #tpu.memory_space<hbm>> -> memref<1x128x128xf32, #tpu.memory_space<hbm>>
        %dma_start3A_97 = tpu.memref_squeeze %dma_start3A_96 : memref<1x128x128xf32, #tpu.memory_space<hbm>> -> memref<128x128xf32, #tpu.memory_space<hbm>>
        tpu.enqueue_dma source(%arg12 : memref<128x128xf32, #tpu.memory_space<vmem>>) target(%dma_start3A_97 : memref<128x128xf32, #tpu.memory_space<hbm>>) target_semaphore(%run_scoped3A : memref<!tpu.dma_semaphore, #tpu.memory_space<semaphore_mem>>)
        %dma_wait3A = arith.constant 0 : i32
        %dma_wait3A_98 = tpu.memref_slice %arg5[%arg0, %add3A_60, %dma_wait3A] : memref<2x10000x128xf32, #tpu.memory_space<hbm>> -> memref<1x128x128xf32, #tpu.memory_space<hbm>>
        %dma_wait3A_99 = tpu.memref_squeeze %dma_wait3A_98 : memref<1x128x128xf32, #tpu.memory_space<hbm>> -> memref<128x128xf32, #tpu.memory_space<hbm>>
        %dma_wait3A_100 = arith.constant 0 : i32
        %dma_wait3A_101 = tpu.memref_slice %arg5[%arg0, %add3A_60, %dma_wait3A_100] : memref<2x10000x128xf32, #tpu.memory_space<hbm>> -> memref<1x128x128xf32, #tpu.memory_space<hbm>>
        %dma_wait3A_102 = tpu.memref_squeeze %dma_wait3A_101 : memref<1x128x128xf32, #tpu.memory_space<hbm>> -> memref<128x128xf32, #tpu.memory_space<hbm>>
        tpu.wait_dma2 semaphore(%run_scoped3A : memref<!tpu.dma_semaphore, #tpu.memory_space<semaphore_mem>>) src(%arg12 : memref<128x128xf32, #tpu.memory_space<vmem>>) dst(%dma_wait3A_102 : memref<128x128xf32, #tpu.memory_space<hbm>>)
        tpu.yield
      }) : () -> ()
      %mul3A_61 = arith.constant 1000 : i32
      %mul3A_62 = arith.muli %arg1, %mul3A_61 : i32
      %add3A_63 = arith.constant 384 : i32
      %add3A_64 = arith.addi %mul3A_62, %add3A_63 : i32
      "tpu.region"() ({
        %run_scoped3A = tpu.sem_alloc : memref<!tpu.dma_semaphore, #tpu.memory_space<semaphore_mem>>
        %dma_start3A = arith.constant 0 : i32
        %dma_start3A_93 = tpu.memref_slice %arg8[%add3A_64, %dma_start3A] : memref<10008x128xf32, #tpu.memory_space<vmem_shared>> -> memref<128x128xf32, #tpu.memory_space<vmem_shared>>
        %dma_start3A_94 = arith.constant 0 : i32
        %dma_start3A_95 = tpu.memref_slice %arg8[%add3A_64, %dma_start3A_94] : memref<10008x128xf32, #tpu.memory_space<vmem_shared>> -> memref<128x128xf32, #tpu.memory_space<vmem_shared>>
        tpu.enqueue_dma source(%dma_start3A_95 : memref<128x128xf32, #tpu.memory_space<vmem_shared>>) target(%arg12 : memref<128x128xf32, #tpu.memory_space<vmem>>) target_semaphore(%run_scoped3A : memref<!tpu.dma_semaphore, #tpu.memory_space<semaphore_mem>>)
        %dma_wait3A = arith.constant 0 : i32
        %dma_wait3A_96 = tpu.memref_slice %arg8[%add3A_64, %dma_wait3A] : memref<10008x128xf32, #tpu.memory_space<vmem_shared>> -> memref<128x128xf32, #tpu.memory_space<vmem_shared>>
        %dma_wait3A_97 = arith.constant 0 : i32
        %dma_wait3A_98 = tpu.memref_slice %arg8[%add3A_64, %dma_wait3A_97] : memref<10008x128xf32, #tpu.memory_space<vmem_shared>> -> memref<128x128xf32, #tpu.memory_space<vmem_shared>>
        tpu.wait_dma2 semaphore(%run_scoped3A : memref<!tpu.dma_semaphore, #tpu.memory_space<semaphore_mem>>) src(%dma_wait3A_98 : memref<128x128xf32, #tpu.memory_space<vmem_shared>>) dst(%arg12 : memref<128x128xf32, #tpu.memory_space<vmem>>)
        tpu.yield
      }) : () -> ()
      "tpu.region"() ({
        %run_scoped3A = tpu.sem_alloc : memref<!tpu.dma_semaphore, #tpu.memory_space<semaphore_mem>>
        %dma_start3A = arith.constant 0 : i32
        %dma_start3A_93 = tpu.memref_slice %arg5[%arg0, %add3A_64, %dma_start3A] : memref<2x10000x128xf32, #tpu.memory_space<hbm>> -> memref<1x128x128xf32, #tpu.memory_space<hbm>>
        %dma_start3A_94 = tpu.memref_squeeze %dma_start3A_93 : memref<1x128x128xf32, #tpu.memory_space<hbm>> -> memref<128x128xf32, #tpu.memory_space<hbm>>
        %dma_start3A_95 = arith.constant 0 : i32
        %dma_start3A_96 = tpu.memref_slice %arg5[%arg0, %add3A_64, %dma_start3A_95] : memref<2x10000x128xf32, #tpu.memory_space<hbm>> -> memref<1x128x128xf32, #tpu.memory_space<hbm>>
        %dma_start3A_97 = tpu.memref_squeeze %dma_start3A_96 : memref<1x128x128xf32, #tpu.memory_space<hbm>> -> memref<128x128xf32, #tpu.memory_space<hbm>>
        tpu.enqueue_dma source(%arg12 : memref<128x128xf32, #tpu.memory_space<vmem>>) target(%dma_start3A_97 : memref<128x128xf32, #tpu.memory_space<hbm>>) target_semaphore(%run_scoped3A : memref<!tpu.dma_semaphore, #tpu.memory_space<semaphore_mem>>)
        %dma_wait3A = arith.constant 0 : i32
        %dma_wait3A_98 = tpu.memref_slice %arg5[%arg0, %add3A_64, %dma_wait3A] : memref<2x10000x128xf32, #tpu.memory_space<hbm>> -> memref<1x128x128xf32, #tpu.memory_space<hbm>>
        %dma_wait3A_99 = tpu.memref_squeeze %dma_wait3A_98 : memref<1x128x128xf32, #tpu.memory_space<hbm>> -> memref<128x128xf32, #tpu.memory_space<hbm>>
        %dma_wait3A_100 = arith.constant 0 : i32
        %dma_wait3A_101 = tpu.memref_slice %arg5[%arg0, %add3A_64, %dma_wait3A_100] : memref<2x10000x128xf32, #tpu.memory_space<hbm>> -> memref<1x128x128xf32, #tpu.memory_space<hbm>>
        %dma_wait3A_102 = tpu.memref_squeeze %dma_wait3A_101 : memref<1x128x128xf32, #tpu.memory_space<hbm>> -> memref<128x128xf32, #tpu.memory_space<hbm>>
        tpu.wait_dma2 semaphore(%run_scoped3A : memref<!tpu.dma_semaphore, #tpu.memory_space<semaphore_mem>>) src(%arg12 : memref<128x128xf32, #tpu.memory_space<vmem>>) dst(%dma_wait3A_102 : memref<128x128xf32, #tpu.memory_space<hbm>>)
        tpu.yield
      }) : () -> ()
      %mul3A_65 = arith.constant 1000 : i32
      %mul3A_66 = arith.muli %arg1, %mul3A_65 : i32
      %add3A_67 = arith.constant 512 : i32
      %add3A_68 = arith.addi %mul3A_66, %add3A_67 : i32
      "tpu.region"() ({
        %run_scoped3A = tpu.sem_alloc : memref<!tpu.dma_semaphore, #tpu.memory_space<semaphore_mem>>
        %dma_start3A = arith.constant 0 : i32
        %dma_start3A_93 = tpu.memref_slice %arg8[%add3A_68, %dma_start3A] : memref<10008x128xf32, #tpu.memory_space<vmem_shared>> -> memref<128x128xf32, #tpu.memory_space<vmem_shared>>
        %dma_start3A_94 = arith.constant 0 : i32
        %dma_start3A_95 = tpu.memref_slice %arg8[%add3A_68, %dma_start3A_94] : memref<10008x128xf32, #tpu.memory_space<vmem_shared>> -> memref<128x128xf32, #tpu.memory_space<vmem_shared>>
        tpu.enqueue_dma source(%dma_start3A_95 : memref<128x128xf32, #tpu.memory_space<vmem_shared>>) target(%arg12 : memref<128x128xf32, #tpu.memory_space<vmem>>) target_semaphore(%run_scoped3A : memref<!tpu.dma_semaphore, #tpu.memory_space<semaphore_mem>>)
        %dma_wait3A = arith.constant 0 : i32
        %dma_wait3A_96 = tpu.memref_slice %arg8[%add3A_68, %dma_wait3A] : memref<10008x128xf32, #tpu.memory_space<vmem_shared>> -> memref<128x128xf32, #tpu.memory_space<vmem_shared>>
        %dma_wait3A_97 = arith.constant 0 : i32
        %dma_wait3A_98 = tpu.memref_slice %arg8[%add3A_68, %dma_wait3A_97] : memref<10008x128xf32, #tpu.memory_space<vmem_shared>> -> memref<128x128xf32, #tpu.memory_space<vmem_shared>>
        tpu.wait_dma2 semaphore(%run_scoped3A : memref<!tpu.dma_semaphore, #tpu.memory_space<semaphore_mem>>) src(%dma_wait3A_98 : memref<128x128xf32, #tpu.memory_space<vmem_shared>>) dst(%arg12 : memref<128x128xf32, #tpu.memory_space<vmem>>)
        tpu.yield
      }) : () -> ()
      "tpu.region"() ({
        %run_scoped3A = tpu.sem_alloc : memref<!tpu.dma_semaphore, #tpu.memory_space<semaphore_mem>>
        %dma_start3A = arith.constant 0 : i32
        %dma_start3A_93 = tpu.memref_slice %arg5[%arg0, %add3A_68, %dma_start3A] : memref<2x10000x128xf32, #tpu.memory_space<hbm>> -> memref<1x128x128xf32, #tpu.memory_space<hbm>>
        %dma_start3A_94 = tpu.memref_squeeze %dma_start3A_93 : memref<1x128x128xf32, #tpu.memory_space<hbm>> -> memref<128x128xf32, #tpu.memory_space<hbm>>
        %dma_start3A_95 = arith.constant 0 : i32
        %dma_start3A_96 = tpu.memref_slice %arg5[%arg0, %add3A_68, %dma_start3A_95] : memref<2x10000x128xf32, #tpu.memory_space<hbm>> -> memref<1x128x128xf32, #tpu.memory_space<hbm>>
        %dma_start3A_97 = tpu.memref_squeeze %dma_start3A_96 : memref<1x128x128xf32, #tpu.memory_space<hbm>> -> memref<128x128xf32, #tpu.memory_space<hbm>>
        tpu.enqueue_dma source(%arg12 : memref<128x128xf32, #tpu.memory_space<vmem>>) target(%dma_start3A_97 : memref<128x128xf32, #tpu.memory_space<hbm>>) target_semaphore(%run_scoped3A : memref<!tpu.dma_semaphore, #tpu.memory_space<semaphore_mem>>)
        %dma_wait3A = arith.constant 0 : i32
        %dma_wait3A_98 = tpu.memref_slice %arg5[%arg0, %add3A_68, %dma_wait3A] : memref<2x10000x128xf32, #tpu.memory_space<hbm>> -> memref<1x128x128xf32, #tpu.memory_space<hbm>>
        %dma_wait3A_99 = tpu.memref_squeeze %dma_wait3A_98 : memref<1x128x128xf32, #tpu.memory_space<hbm>> -> memref<128x128xf32, #tpu.memory_space<hbm>>
        %dma_wait3A_100 = arith.constant 0 : i32
        %dma_wait3A_101 = tpu.memref_slice %arg5[%arg0, %add3A_68, %dma_wait3A_100] : memref<2x10000x128xf32, #tpu.memory_space<hbm>> -> memref<1x128x128xf32, #tpu.memory_space<hbm>>
        %dma_wait3A_102 = tpu.memref_squeeze %dma_wait3A_101 : memref<1x128x128xf32, #tpu.memory_space<hbm>> -> memref<128x128xf32, #tpu.memory_space<hbm>>
        tpu.wait_dma2 semaphore(%run_scoped3A : memref<!tpu.dma_semaphore, #tpu.memory_space<semaphore_mem>>) src(%arg12 : memref<128x128xf32, #tpu.memory_space<vmem>>) dst(%dma_wait3A_102 : memref<128x128xf32, #tpu.memory_space<hbm>>)
        tpu.yield
      }) : () -> ()
      %mul3A_69 = arith.constant 1000 : i32
      %mul3A_70 = arith.muli %arg1, %mul3A_69 : i32
      %add3A_71 = arith.constant 640 : i32
      %add3A_72 = arith.addi %mul3A_70, %add3A_71 : i32
      "tpu.region"() ({
        %run_scoped3A = tpu.sem_alloc : memref<!tpu.dma_semaphore, #tpu.memory_space<semaphore_mem>>
        %dma_start3A = arith.constant 0 : i32
        %dma_start3A_93 = tpu.memref_slice %arg8[%add3A_72, %dma_start3A] : memref<10008x128xf32, #tpu.memory_space<vmem_shared>> -> memref<128x128xf32, #tpu.memory_space<vmem_shared>>
        %dma_start3A_94 = arith.constant 0 : i32
        %dma_start3A_95 = tpu.memref_slice %arg8[%add3A_72, %dma_start3A_94] : memref<10008x128xf32, #tpu.memory_space<vmem_shared>> -> memref<128x128xf32, #tpu.memory_space<vmem_shared>>
        tpu.enqueue_dma source(%dma_start3A_95 : memref<128x128xf32, #tpu.memory_space<vmem_shared>>) target(%arg12 : memref<128x128xf32, #tpu.memory_space<vmem>>) target_semaphore(%run_scoped3A : memref<!tpu.dma_semaphore, #tpu.memory_space<semaphore_mem>>)
        %dma_wait3A = arith.constant 0 : i32
        %dma_wait3A_96 = tpu.memref_slice %arg8[%add3A_72, %dma_wait3A] : memref<10008x128xf32, #tpu.memory_space<vmem_shared>> -> memref<128x128xf32, #tpu.memory_space<vmem_shared>>
        %dma_wait3A_97 = arith.constant 0 : i32
        %dma_wait3A_98 = tpu.memref_slice %arg8[%add3A_72, %dma_wait3A_97] : memref<10008x128xf32, #tpu.memory_space<vmem_shared>> -> memref<128x128xf32, #tpu.memory_space<vmem_shared>>
        tpu.wait_dma2 semaphore(%run_scoped3A : memref<!tpu.dma_semaphore, #tpu.memory_space<semaphore_mem>>) src(%dma_wait3A_98 : memref<128x128xf32, #tpu.memory_space<vmem_shared>>) dst(%arg12 : memref<128x128xf32, #tpu.memory_space<vmem>>)
        tpu.yield
      }) : () -> ()
      "tpu.region"() ({
        %run_scoped3A = tpu.sem_alloc : memref<!tpu.dma_semaphore, #tpu.memory_space<semaphore_mem>>
        %dma_start3A = arith.constant 0 : i32
        %dma_start3A_93 = tpu.memref_slice %arg5[%arg0, %add3A_72, %dma_start3A] : memref<2x10000x128xf32, #tpu.memory_space<hbm>> -> memref<1x128x128xf32, #tpu.memory_space<hbm>>
        %dma_start3A_94 = tpu.memref_squeeze %dma_start3A_93 : memref<1x128x128xf32, #tpu.memory_space<hbm>> -> memref<128x128xf32, #tpu.memory_space<hbm>>
        %dma_start3A_95 = arith.constant 0 : i32
        %dma_start3A_96 = tpu.memref_slice %arg5[%arg0, %add3A_72, %dma_start3A_95] : memref<2x10000x128xf32, #tpu.memory_space<hbm>> -> memref<1x128x128xf32, #tpu.memory_space<hbm>>
        %dma_start3A_97 = tpu.memref_squeeze %dma_start3A_96 : memref<1x128x128xf32, #tpu.memory_space<hbm>> -> memref<128x128xf32, #tpu.memory_space<hbm>>
        tpu.enqueue_dma source(%arg12 : memref<128x128xf32, #tpu.memory_space<vmem>>) target(%dma_start3A_97 : memref<128x128xf32, #tpu.memory_space<hbm>>) target_semaphore(%run_scoped3A : memref<!tpu.dma_semaphore, #tpu.memory_space<semaphore_mem>>)
        %dma_wait3A = arith.constant 0 : i32
        %dma_wait3A_98 = tpu.memref_slice %arg5[%arg0, %add3A_72, %dma_wait3A] : memref<2x10000x128xf32, #tpu.memory_space<hbm>> -> memref<1x128x128xf32, #tpu.memory_space<hbm>>
        %dma_wait3A_99 = tpu.memref_squeeze %dma_wait3A_98 : memref<1x128x128xf32, #tpu.memory_space<hbm>> -> memref<128x128xf32, #tpu.memory_space<hbm>>
        %dma_wait3A_100 = arith.constant 0 : i32
        %dma_wait3A_101 = tpu.memref_slice %arg5[%arg0, %add3A_72, %dma_wait3A_100] : memref<2x10000x128xf32, #tpu.memory_space<hbm>> -> memref<1x128x128xf32, #tpu.memory_space<hbm>>
        %dma_wait3A_102 = tpu.memref_squeeze %dma_wait3A_101 : memref<1x128x128xf32, #tpu.memory_space<hbm>> -> memref<128x128xf32, #tpu.memory_space<hbm>>
        tpu.wait_dma2 semaphore(%run_scoped3A : memref<!tpu.dma_semaphore, #tpu.memory_space<semaphore_mem>>) src(%arg12 : memref<128x128xf32, #tpu.memory_space<vmem>>) dst(%dma_wait3A_102 : memref<128x128xf32, #tpu.memory_space<hbm>>)
        tpu.yield
      }) : () -> ()
      %mul3A_73 = arith.constant 1000 : i32
      %mul3A_74 = arith.muli %arg1, %mul3A_73 : i32
      %add3A_75 = arith.constant 768 : i32
      %add3A_76 = arith.addi %mul3A_74, %add3A_75 : i32
      "tpu.region"() ({
        %run_scoped3A = tpu.sem_alloc : memref<!tpu.dma_semaphore, #tpu.memory_space<semaphore_mem>>
        %dma_start3A = arith.constant 0 : i32
        %dma_start3A_93 = tpu.memref_slice %arg8[%add3A_76, %dma_start3A] : memref<10008x128xf32, #tpu.memory_space<vmem_shared>> -> memref<128x128xf32, #tpu.memory_space<vmem_shared>>
        %dma_start3A_94 = arith.constant 0 : i32
        %dma_start3A_95 = tpu.memref_slice %arg8[%add3A_76, %dma_start3A_94] : memref<10008x128xf32, #tpu.memory_space<vmem_shared>> -> memref<128x128xf32, #tpu.memory_space<vmem_shared>>
        tpu.enqueue_dma source(%dma_start3A_95 : memref<128x128xf32, #tpu.memory_space<vmem_shared>>) target(%arg12 : memref<128x128xf32, #tpu.memory_space<vmem>>) target_semaphore(%run_scoped3A : memref<!tpu.dma_semaphore, #tpu.memory_space<semaphore_mem>>)
        %dma_wait3A = arith.constant 0 : i32
        %dma_wait3A_96 = tpu.memref_slice %arg8[%add3A_76, %dma_wait3A] : memref<10008x128xf32, #tpu.memory_space<vmem_shared>> -> memref<128x128xf32, #tpu.memory_space<vmem_shared>>
        %dma_wait3A_97 = arith.constant 0 : i32
        %dma_wait3A_98 = tpu.memref_slice %arg8[%add3A_76, %dma_wait3A_97] : memref<10008x128xf32, #tpu.memory_space<vmem_shared>> -> memref<128x128xf32, #tpu.memory_space<vmem_shared>>
        tpu.wait_dma2 semaphore(%run_scoped3A : memref<!tpu.dma_semaphore, #tpu.memory_space<semaphore_mem>>) src(%dma_wait3A_98 : memref<128x128xf32, #tpu.memory_space<vmem_shared>>) dst(%arg12 : memref<128x128xf32, #tpu.memory_space<vmem>>)
        tpu.yield
      }) : () -> ()
      "tpu.region"() ({
        %run_scoped3A = tpu.sem_alloc : memref<!tpu.dma_semaphore, #tpu.memory_space<semaphore_mem>>
        %dma_start3A = arith.constant 0 : i32
        %dma_start3A_93 = tpu.memref_slice %arg5[%arg0, %add3A_76, %dma_start3A] : memref<2x10000x128xf32, #tpu.memory_space<hbm>> -> memref<1x128x128xf32, #tpu.memory_space<hbm>>
        %dma_start3A_94 = tpu.memref_squeeze %dma_start3A_93 : memref<1x128x128xf32, #tpu.memory_space<hbm>> -> memref<128x128xf32, #tpu.memory_space<hbm>>
        %dma_start3A_95 = arith.constant 0 : i32
        %dma_start3A_96 = tpu.memref_slice %arg5[%arg0, %add3A_76, %dma_start3A_95] : memref<2x10000x128xf32, #tpu.memory_space<hbm>> -> memref<1x128x128xf32, #tpu.memory_space<hbm>>
        %dma_start3A_97 = tpu.memref_squeeze %dma_start3A_96 : memref<1x128x128xf32, #tpu.memory_space<hbm>> -> memref<128x128xf32, #tpu.memory_space<hbm>>
        tpu.enqueue_dma source(%arg12 : memref<128x128xf32, #tpu.memory_space<vmem>>) target(%dma_start3A_97 : memref<128x128xf32, #tpu.memory_space<hbm>>) target_semaphore(%run_scoped3A : memref<!tpu.dma_semaphore, #tpu.memory_space<semaphore_mem>>)
        %dma_wait3A = arith.constant 0 : i32
        %dma_wait3A_98 = tpu.memref_slice %arg5[%arg0, %add3A_76, %dma_wait3A] : memref<2x10000x128xf32, #tpu.memory_space<hbm>> -> memref<1x128x128xf32, #tpu.memory_space<hbm>>
        %dma_wait3A_99 = tpu.memref_squeeze %dma_wait3A_98 : memref<1x128x128xf32, #tpu.memory_space<hbm>> -> memref<128x128xf32, #tpu.memory_space<hbm>>
        %dma_wait3A_100 = arith.constant 0 : i32
        %dma_wait3A_101 = tpu.memref_slice %arg5[%arg0, %add3A_76, %dma_wait3A_100] : memref<2x10000x128xf32, #tpu.memory_space<hbm>> -> memref<1x128x128xf32, #tpu.memory_space<hbm>>
        %dma_wait3A_102 = tpu.memref_squeeze %dma_wait3A_101 : memref<1x128x128xf32, #tpu.memory_space<hbm>> -> memref<128x128xf32, #tpu.memory_space<hbm>>
        tpu.wait_dma2 semaphore(%run_scoped3A : memref<!tpu.dma_semaphore, #tpu.memory_space<semaphore_mem>>) src(%arg12 : memref<128x128xf32, #tpu.memory_space<vmem>>) dst(%dma_wait3A_102 : memref<128x128xf32, #tpu.memory_space<hbm>>)
        tpu.yield
      }) : () -> ()
      %mul3A_77 = arith.constant 1000 : i32
      %mul3A_78 = arith.muli %arg1, %mul3A_77 : i32
      %add3A_79 = arith.constant 896 : i32
      %add3A_80 = arith.addi %mul3A_78, %add3A_79 : i32
      "tpu.region"() ({
        %run_scoped3A = tpu.sem_alloc : memref<!tpu.dma_semaphore, #tpu.memory_space<semaphore_mem>>
        %dma_start3A = arith.constant 0 : i32
        %dma_start3A_93 = arith.constant 0 : i32
        %dma_start3A_94 = tpu.memref_slice %arg12[%dma_start3A, %dma_start3A_93] : memref<128x128xf32, #tpu.memory_space<vmem>> -> memref<104x128xf32, #tpu.memory_space<vmem>>
        %dma_start3A_95 = arith.constant 0 : i32
        %dma_start3A_96 = tpu.memref_slice %arg8[%add3A_80, %dma_start3A_95] : memref<10008x128xf32, #tpu.memory_space<vmem_shared>> -> memref<104x128xf32, #tpu.memory_space<vmem_shared>>
        %dma_start3A_97 = arith.constant 0 : i32
        %dma_start3A_98 = arith.constant 0 : i32
        %dma_start3A_99 = tpu.memref_slice %arg12[%dma_start3A_97, %dma_start3A_98] : memref<128x128xf32, #tpu.memory_space<vmem>> -> memref<104x128xf32, #tpu.memory_space<vmem>>
        %dma_start3A_100 = arith.constant 0 : i32
        %dma_start3A_101 = tpu.memref_slice %arg8[%add3A_80, %dma_start3A_100] : memref<10008x128xf32, #tpu.memory_space<vmem_shared>> -> memref<104x128xf32, #tpu.memory_space<vmem_shared>>
        tpu.enqueue_dma source(%dma_start3A_101 : memref<104x128xf32, #tpu.memory_space<vmem_shared>>) target(%dma_start3A_99 : memref<104x128xf32, #tpu.memory_space<vmem>>) target_semaphore(%run_scoped3A : memref<!tpu.dma_semaphore, #tpu.memory_space<semaphore_mem>>)
        %dma_wait3A = arith.constant 0 : i32
        %dma_wait3A_102 = arith.constant 0 : i32
        %dma_wait3A_103 = tpu.memref_slice %arg12[%dma_wait3A, %dma_wait3A_102] : memref<128x128xf32, #tpu.memory_space<vmem>> -> memref<104x128xf32, #tpu.memory_space<vmem>>
        %dma_wait3A_104 = arith.constant 0 : i32
        %dma_wait3A_105 = tpu.memref_slice %arg8[%add3A_80, %dma_wait3A_104] : memref<10008x128xf32, #tpu.memory_space<vmem_shared>> -> memref<104x128xf32, #tpu.memory_space<vmem_shared>>
        %dma_wait3A_106 = arith.constant 0 : i32
        %dma_wait3A_107 = arith.constant 0 : i32
        %dma_wait3A_108 = tpu.memref_slice %arg12[%dma_wait3A_106, %dma_wait3A_107] : memref<128x128xf32, #tpu.memory_space<vmem>> -> memref<104x128xf32, #tpu.memory_space<vmem>>
        %dma_wait3A_109 = arith.constant 0 : i32
        %dma_wait3A_110 = tpu.memref_slice %arg8[%add3A_80, %dma_wait3A_109] : memref<10008x128xf32, #tpu.memory_space<vmem_shared>> -> memref<104x128xf32, #tpu.memory_space<vmem_shared>>
        tpu.wait_dma2 semaphore(%run_scoped3A : memref<!tpu.dma_semaphore, #tpu.memory_space<semaphore_mem>>) src(%dma_wait3A_110 : memref<104x128xf32, #tpu.memory_space<vmem_shared>>) dst(%dma_wait3A_108 : memref<104x128xf32, #tpu.memory_space<vmem>>)
        tpu.yield
      }) : () -> ()
      "tpu.region"() ({
        %run_scoped3A = tpu.sem_alloc : memref<!tpu.dma_semaphore, #tpu.memory_space<semaphore_mem>>
        %dma_start3A = arith.constant 0 : i32
        %dma_start3A_93 = arith.constant 0 : i32
        %dma_start3A_94 = tpu.memref_slice %arg12[%dma_start3A, %dma_start3A_93] : memref<128x128xf32, #tpu.memory_space<vmem>> -> memref<104x128xf32, #tpu.memory_space<vmem>>
        %dma_start3A_95 = arith.constant 0 : i32
        %dma_start3A_96 = tpu.memref_slice %arg5[%arg0, %add3A_80, %dma_start3A_95] : memref<2x10000x128xf32, #tpu.memory_space<hbm>> -> memref<1x104x128xf32, #tpu.memory_space<hbm>>
        %dma_start3A_97 = tpu.memref_squeeze %dma_start3A_96 : memref<1x104x128xf32, #tpu.memory_space<hbm>> -> memref<104x128xf32, #tpu.memory_space<hbm>>
        %dma_start3A_98 = arith.constant 0 : i32
        %dma_start3A_99 = tpu.memref_slice %arg5[%arg0, %add3A_80, %dma_start3A_98] : memref<2x10000x128xf32, #tpu.memory_space<hbm>> -> memref<1x104x128xf32, #tpu.memory_space<hbm>>
        %dma_start3A_100 = tpu.memref_squeeze %dma_start3A_99 : memref<1x104x128xf32, #tpu.memory_space<hbm>> -> memref<104x128xf32, #tpu.memory_space<hbm>>
        %dma_start3A_101 = arith.constant 0 : i32
        %dma_start3A_102 = arith.constant 0 : i32
        %dma_start3A_103 = tpu.memref_slice %arg12[%dma_start3A_101, %dma_start3A_102] : memref<128x128xf32, #tpu.memory_space<vmem>> -> memref<104x128xf32, #tpu.memory_space<vmem>>
        tpu.enqueue_dma source(%dma_start3A_103 : memref<104x128xf32, #tpu.memory_space<vmem>>) target(%dma_start3A_100 : memref<104x128xf32, #tpu.memory_space<hbm>>) target_semaphore(%run_scoped3A : memref<!tpu.dma_semaphore, #tpu.memory_space<semaphore_mem>>)
        %dma_wait3A = arith.constant 0 : i32
        %dma_wait3A_104 = arith.constant 0 : i32
        %dma_wait3A_105 = tpu.memref_slice %arg12[%dma_wait3A, %dma_wait3A_104] : memref<128x128xf32, #tpu.memory_space<vmem>> -> memref<104x128xf32, #tpu.memory_space<vmem>>
        %dma_wait3A_106 = arith.constant 0 : i32
        %dma_wait3A_107 = tpu.memref_slice %arg5[%arg0, %add3A_80, %dma_wait3A_106] : memref<2x10000x128xf32, #tpu.memory_space<hbm>> -> memref<1x104x128xf32, #tpu.memory_space<hbm>>
        %dma_wait3A_108 = tpu.memref_squeeze %dma_wait3A_107 : memref<1x104x128xf32, #tpu.memory_space<hbm>> -> memref<104x128xf32, #tpu.memory_space<hbm>>
        %dma_wait3A_109 = arith.constant 0 : i32
        %dma_wait3A_110 = tpu.memref_slice %arg5[%arg0, %add3A_80, %dma_wait3A_109] : memref<2x10000x128xf32, #tpu.memory_space<hbm>> -> memref<1x104x128xf32, #tpu.memory_space<hbm>>
        %dma_wait3A_111 = tpu.memref_squeeze %dma_wait3A_110 : memref<1x104x128xf32, #tpu.memory_space<hbm>> -> memref<104x128xf32, #tpu.memory_space<hbm>>
        %dma_wait3A_112 = arith.constant 0 : i32
        %dma_wait3A_113 = arith.constant 0 : i32
        %dma_wait3A_114 = tpu.memref_slice %arg12[%dma_wait3A_112, %dma_wait3A_113] : memref<128x128xf32, #tpu.memory_space<vmem>> -> memref<104x128xf32, #tpu.memory_space<vmem>>
        tpu.wait_dma2 semaphore(%run_scoped3A : memref<!tpu.dma_semaphore, #tpu.memory_space<semaphore_mem>>) src(%dma_wait3A_114 : memref<104x128xf32, #tpu.memory_space<vmem>>) dst(%dma_wait3A_111 : memref<104x128xf32, #tpu.memory_space<hbm>>)
        tpu.yield
      }) : () -> ()
      %mul3A_81 = arith.constant 1000 : i32
      %mul3A_82 = arith.muli %arg1, %mul3A_81 : i32
      "tpu.region"() ({
        %run_scoped3A = tpu.sem_alloc : memref<!tpu.dma_semaphore, #tpu.memory_space<semaphore_mem>>
        %dma_start3A = arith.constant 0 : i32
        %dma_start3A_93 = tpu.memref_slice %arg16[%dma_start3A] : memref<1008xf32, #tpu.memory_space<vmem>> -> memref<1000xf32, #tpu.memory_space<vmem>>
        %dma_start3A_94 = tpu.memref_slice %arg9[%mul3A_82] : memref<10008xf32, #tpu.memory_space<vmem_shared>> -> memref<1000xf32, #tpu.memory_space<vmem_shared>>
        %dma_start3A_95 = arith.constant 0 : i32
        %dma_start3A_96 = tpu.memref_slice %arg16[%dma_start3A_95] : memref<1008xf32, #tpu.memory_space<vmem>> -> memref<1000xf32, #tpu.memory_space<vmem>>
        %dma_start3A_97 = tpu.memref_slice %arg9[%mul3A_82] : memref<10008xf32, #tpu.memory_space<vmem_shared>> -> memref<1000xf32, #tpu.memory_space<vmem_shared>>
        tpu.enqueue_dma source(%dma_start3A_97 : memref<1000xf32, #tpu.memory_space<vmem_shared>>) target(%dma_start3A_96 : memref<1000xf32, #tpu.memory_space<vmem>>) target_semaphore(%run_scoped3A : memref<!tpu.dma_semaphore, #tpu.memory_space<semaphore_mem>>)
        %dma_wait3A = arith.constant 0 : i32
        %dma_wait3A_98 = tpu.memref_slice %arg16[%dma_wait3A] : memref<1008xf32, #tpu.memory_space<vmem>> -> memref<1000xf32, #tpu.memory_space<vmem>>
        %dma_wait3A_99 = tpu.memref_slice %arg9[%mul3A_82] : memref<10008xf32, #tpu.memory_space<vmem_shared>> -> memref<1000xf32, #tpu.memory_space<vmem_shared>>
        %dma_wait3A_100 = arith.constant 0 : i32
        %dma_wait3A_101 = tpu.memref_slice %arg16[%dma_wait3A_100] : memref<1008xf32, #tpu.memory_space<vmem>> -> memref<1000xf32, #tpu.memory_space<vmem>>
        %dma_wait3A_102 = tpu.memref_slice %arg9[%mul3A_82] : memref<10008xf32, #tpu.memory_space<vmem_shared>> -> memref<1000xf32, #tpu.memory_space<vmem_shared>>
        tpu.wait_dma2 semaphore(%run_scoped3A : memref<!tpu.dma_semaphore, #tpu.memory_space<semaphore_mem>>) src(%dma_wait3A_102 : memref<1000xf32, #tpu.memory_space<vmem_shared>>) dst(%dma_wait3A_101 : memref<1000xf32, #tpu.memory_space<vmem>>)
        tpu.yield
      }) : () -> ()
      %eq3A_83 = arith.constant 0 : i32
      %eq3A_84 = arith.cmpi eq, %arg0, %eq3A_83 : i32
      %convert_element_type3A_85 = arith.extui %eq3A_84 : i1 to i32
      %cond3A_86 = arith.constant 0 : i32
      %cond3A_87 = arith.cmpi ne, %convert_element_type3A_85, %cond3A_86 : i32
      scf.if %cond3A_87 {
        %mul3A_93 = arith.constant 1000 : i32
        %mul3A_94 = arith.muli %arg1, %mul3A_93 : i32
        "tpu.region"() ({
          %run_scoped3A = tpu.sem_alloc : memref<!tpu.dma_semaphore, #tpu.memory_space<semaphore_mem>>
          %dma_start3A = arith.constant 0 : i32
          %dma_start3A_95 = tpu.memref_slice %arg16[%dma_start3A] : memref<1008xf32, #tpu.memory_space<vmem>> -> memref<1000xf32, #tpu.memory_space<vmem>>
          %dma_start3A_96 = tpu.memref_slice %arg6[%mul3A_94] : memref<10000xf32, #tpu.memory_space<hbm>> -> memref<1000xf32, #tpu.memory_space<hbm>>
          %dma_start3A_97 = tpu.memref_slice %arg6[%mul3A_94] : memref<10000xf32, #tpu.memory_space<hbm>> -> memref<1000xf32, #tpu.memory_space<hbm>>
          %dma_start3A_98 = arith.constant 0 : i32
          %dma_start3A_99 = tpu.memref_slice %arg16[%dma_start3A_98] : memref<1008xf32, #tpu.memory_space<vmem>> -> memref<1000xf32, #tpu.memory_space<vmem>>
          tpu.enqueue_dma source(%dma_start3A_99 : memref<1000xf32, #tpu.memory_space<vmem>>) target(%dma_start3A_97 : memref<1000xf32, #tpu.memory_space<hbm>>) target_semaphore(%run_scoped3A : memref<!tpu.dma_semaphore, #tpu.memory_space<semaphore_mem>>)
          %dma_wait3A = arith.constant 0 : i32
          %dma_wait3A_100 = tpu.memref_slice %arg16[%dma_wait3A] : memref<1008xf32, #tpu.memory_space<vmem>> -> memref<1000xf32, #tpu.memory_space<vmem>>
          %dma_wait3A_101 = tpu.memref_slice %arg6[%mul3A_94] : memref<10000xf32, #tpu.memory_space<hbm>> -> memref<1000xf32, #tpu.memory_space<hbm>>
          %dma_wait3A_102 = tpu.memref_slice %arg6[%mul3A_94] : memref<10000xf32, #tpu.memory_space<hbm>> -> memref<1000xf32, #tpu.memory_space<hbm>>
          %dma_wait3A_103 = arith.constant 0 : i32
          %dma_wait3A_104 = tpu.memref_slice %arg16[%dma_wait3A_103] : memref<1008xf32, #tpu.memory_space<vmem>> -> memref<1000xf32, #tpu.memory_space<vmem>>
          tpu.wait_dma2 semaphore(%run_scoped3A : memref<!tpu.dma_semaphore, #tpu.memory_space<semaphore_mem>>) src(%dma_wait3A_104 : memref<1000xf32, #tpu.memory_space<vmem>>) dst(%dma_wait3A_102 : memref<1000xf32, #tpu.memory_space<hbm>>)
          tpu.yield
        }) : () -> ()
      } else {
      }
      %eq3A_88 = arith.constant 1 : i32
      %eq3A_89 = arith.cmpi eq, %arg0, %eq3A_88 : i32
      %convert_element_type3A_90 = arith.extui %eq3A_89 : i1 to i32
      %cond3A_91 = arith.constant 0 : i32
      %cond3A_92 = arith.cmpi ne, %convert_element_type3A_90, %cond3A_91 : i32
      scf.if %cond3A_92 {
        %mul3A_93 = arith.constant 1000 : i32
        %mul3A_94 = arith.muli %arg1, %mul3A_93 : i32
        "tpu.region"() ({
          %run_scoped3A = tpu.sem_alloc : memref<!tpu.dma_semaphore, #tpu.memory_space<semaphore_mem>>
          %dma_start3A = arith.constant 0 : i32
          %dma_start3A_95 = tpu.memref_slice %arg16[%dma_start3A] : memref<1008xf32, #tpu.memory_space<vmem>> -> memref<1000xf32, #tpu.memory_space<vmem>>
          %dma_start3A_96 = tpu.memref_slice %arg7[%mul3A_94] : memref<10000xf32, #tpu.memory_space<hbm>> -> memref<1000xf32, #tpu.memory_space<hbm>>
          %dma_start3A_97 = tpu.memref_slice %arg7[%mul3A_94] : memref<10000xf32, #tpu.memory_space<hbm>> -> memref<1000xf32, #tpu.memory_space<hbm>>
          %dma_start3A_98 = arith.constant 0 : i32
          %dma_start3A_99 = tpu.memref_slice %arg16[%dma_start3A_98] : memref<1008xf32, #tpu.memory_space<vmem>> -> memref<1000xf32, #tpu.memory_space<vmem>>
          tpu.enqueue_dma source(%dma_start3A_99 : memref<1000xf32, #tpu.memory_space<vmem>>) target(%dma_start3A_97 : memref<1000xf32, #tpu.memory_space<hbm>>) target_semaphore(%run_scoped3A : memref<!tpu.dma_semaphore, #tpu.memory_space<semaphore_mem>>)
          %dma_wait3A = arith.constant 0 : i32
          %dma_wait3A_100 = tpu.memref_slice %arg16[%dma_wait3A] : memref<1008xf32, #tpu.memory_space<vmem>> -> memref<1000xf32, #tpu.memory_space<vmem>>
          %dma_wait3A_101 = tpu.memref_slice %arg7[%mul3A_94] : memref<10000xf32, #tpu.memory_space<hbm>> -> memref<1000xf32, #tpu.memory_space<hbm>>
          %dma_wait3A_102 = tpu.memref_slice %arg7[%mul3A_94] : memref<10000xf32, #tpu.memory_space<hbm>> -> memref<1000xf32, #tpu.memory_space<hbm>>
          %dma_wait3A_103 = arith.constant 0 : i32
          %dma_wait3A_104 = tpu.memref_slice %arg16[%dma_wait3A_103] : memref<1008xf32, #tpu.memory_space<vmem>> -> memref<1000xf32, #tpu.memory_space<vmem>>
          tpu.wait_dma2 semaphore(%run_scoped3A : memref<!tpu.dma_semaphore, #tpu.memory_space<semaphore_mem>>) src(%dma_wait3A_104 : memref<1000xf32, #tpu.memory_space<vmem>>) dst(%dma_wait3A_102 : memref<1000xf32, #tpu.memory_space<hbm>>)
          tpu.yield
        }) : () -> ()
      } else {
      }
    } else {
    }
    return
  }
}

module attributes {stable_mosaic.version = 14 : i64} {
  func.func @_matmul_body(%arg0: memref<10008x128xf32, #tpu.memory_space<vmem>>, %arg1: memref<128x128xf32, #tpu.memory_space<vmem>>, %arg2: memref<128x128xf32, #tpu.memory_space<vmem>>, %arg3: memref<1x128xf32, #tpu.memory_space<vmem>>, %arg4: memref<20016x128xf32, #tpu.memory_space<vmem>>) attributes {dimension_semantics = [], scalar_prefetch = 0 : i64, scratch_operands = 0 : i64, tpu.core_type = #tpu.core_type<tc>} {
    %get3A = arith.constant 0 : index
    %get3A_0 = arith.constant 0 : index
    %get3A_1 = vector.load %arg0[%get3A, %get3A_0] : memref<10008x128xf32, #tpu.memory_space<vmem>>, vector<10008x128xf32>
    %get3A_2 = arith.constant 0 : index
    %get3A_3 = arith.constant 0 : index
    %get3A_4 = vector.load %arg1[%get3A_2, %get3A_3] : memref<128x128xf32, #tpu.memory_space<vmem>>, vector<128x128xf32>
    %dot_general3A = arith.constant dense<0.000000e+00> : vector<10008x128xf32>
    %dot_general3A_5 = tpu.matmul %get3A_1, %get3A_4, %dot_general3A {dimension_numbers = #tpu.dot_dimension_numbers<[1], [0], [0], [1], [0, 0, 1, 1], [], []>, transpose_lhs_hint = false} : vector<10008x128xf32>, vector<128x128xf32>, vector<10008x128xf32> -> vector<10008x128xf32>
    %get3A_6 = arith.constant 0 : index
    %get3A_7 = arith.constant 0 : index
    %get3A_8 = vector.load %arg3[%get3A_6, %get3A_7] : memref<1x128xf32, #tpu.memory_space<vmem>>, vector<1x128xf32>
    %add3A = vector.broadcast %get3A_8 : vector<1x128xf32> to vector<10008x128xf32>
    %add3A_9 = arith.addf %dot_general3A_5, %add3A : vector<10008x128xf32>
    %swap3A = arith.constant 0 : index
    %swap3A_10 = arith.constant 0 : index
    %swap3A_11 = vector.load %arg4[%swap3A, %swap3A_10] : memref<20016x128xf32, #tpu.memory_space<vmem>>, vector<10008x128xf32>
    tpu.vector_store %arg4[%swap3A, %swap3A_10], %add3A_9 {strides = array<i32>} : memref<20016x128xf32, #tpu.memory_space<vmem>>, vector<10008x128xf32>,
    %get3A_12 = arith.constant 0 : index
    %get3A_13 = arith.constant 0 : index
    %get3A_14 = vector.load %arg2[%get3A_12, %get3A_13] : memref<128x128xf32, #tpu.memory_space<vmem>>, vector<128x128xf32>
    %dot_general3A_15 = arith.constant dense<0.000000e+00> : vector<10008x128xf32>
    %dot_general3A_16 = tpu.matmul %get3A_1, %get3A_14, %dot_general3A_15 {dimension_numbers = #tpu.dot_dimension_numbers<[1], [0], [0], [1], [0, 0, 1, 1], [], []>, transpose_lhs_hint = false} : vector<10008x128xf32>, vector<128x128xf32>, vector<10008x128xf32> -> vector<10008x128xf32>
    %swap3A_17 = arith.constant 10008 : index
    %swap3A_18 = arith.constant 0 : index
    %swap3A_19 = vector.load %arg4[%swap3A_17, %swap3A_18] : memref<20016x128xf32, #tpu.memory_space<vmem>>, vector<10008x128xf32>
    tpu.vector_store %arg4[%swap3A_17, %swap3A_18], %dot_general3A_16 {strides = array<i32>} : memref<20016x128xf32, #tpu.memory_space<vmem>>, vector<10008x128xf32>,
    return
  }
}

module attributes {stable_mosaic.version = 14 : i64} {
  func.func @_finalize_body(%arg0: memref<2x10000x128xf32, #tpu.memory_space<vmem>>, %arg1: memref<10000xf32, #tpu.memory_space<vmem>>, %arg2: memref<10000xf32, #tpu.memory_space<vmem>>, %arg3: memref<10000x128xf32, #tpu.memory_space<vmem>>) attributes {dimension_semantics = [], scalar_prefetch = 0 : i64, scratch_operands = 0 : i64, tpu.core_type = #tpu.core_type<tc>} {
    %get3A = arith.constant 0 : index
    %get3A_0 = vector.load %arg1[%get3A] : memref<10000xf32, #tpu.memory_space<vmem>>, vector<10000xf32>
    %get3A_1 = arith.constant 0 : index
    %get3A_2 = vector.load %arg2[%get3A_1] : memref<10000xf32, #tpu.memory_space<vmem>>, vector<10000xf32>
    %add3A = arith.addf %get3A_0, %get3A_2 : vector<10000xf32>
    %max3A = arith.constant 1.000000e+00 : f32
    %max3A_3 = vector.broadcast %max3A : f32 to vector<10000xf32>
    %max3A_4 = arith.maximumf %add3A, %max3A_3 : vector<10000xf32>
    %div3A = arith.constant 1.000000e+00 : f32
    %div3A_5 = vector.broadcast %div3A : f32 to vector<10000xf32>
    %div3A_6 = arith.divf %div3A_5, %max3A_4 : vector<10000xf32>
    %get3A_7 = arith.constant 0 : index
    %get3A_8 = arith.constant 0 : index
    %get3A_9 = arith.constant 0 : index
    %get3A_10 = vector.load %arg0[%get3A_7, %get3A_8, %get3A_9] : memref<2x10000x128xf32, #tpu.memory_space<vmem>>, vector<1x10000x128xf32>
    %get3A_11 = vector.shape_cast %get3A_10 : vector<1x10000x128xf32> to vector<10000x128xf32>
    %get3A_12 = arith.constant 1 : index
    %get3A_13 = arith.constant 0 : index
    %get3A_14 = arith.constant 0 : index
    %get3A_15 = vector.load %arg0[%get3A_12, %get3A_13, %get3A_14] : memref<2x10000x128xf32, #tpu.memory_space<vmem>>, vector<1x10000x128xf32>
    %get3A_16 = vector.shape_cast %get3A_15 : vector<1x10000x128xf32> to vector<10000x128xf32>
    %add3A_17 = arith.addf %get3A_11, %get3A_16 : vector<10000x128xf32>
    %broadcast_in_dim3A = vector.shape_cast %div3A_6 : vector<10000xf32> to vector<10000x1xf32>
    %mul3A = vector.broadcast %broadcast_in_dim3A : vector<10000x1xf32> to vector<10000x128xf32>
    %mul3A_18 = arith.mulf %add3A_17, %mul3A : vector<10000x128xf32>
    %swap3A = arith.constant 0 : index
    %swap3A_19 = arith.constant 0 : index
    %swap3A_20 = vector.load %arg3[%swap3A, %swap3A_19] : memref<10000x128xf32, #tpu.memory_space<vmem>>, vector<10000x128xf32>
    tpu.vector_store %arg3[%swap3A, %swap3A_19], %mul3A_18 {strides = array<i32>} : memref<10000x128xf32, #tpu.memory_space<vmem>>, vector<10000x128xf32>,
    return
  }
}

</mosaic_0001>

<sc_bundles>
// kernel: kernel.5.cloned.1.call-start
scs
__scs_entry_jumppad:
0x0: {  	(pc) =	sbr.rel $0x88, $3  }
0x1: {  	(tag) =	ssettag $0x0;
	lr =	simm.s32 $0x1  }
0x2: {  	[smem:$0x3F9D] =	sst lr;
	_ =	strace $0xD0000000  }
0x3: {  	_ = 	snop  }
0x4: {  	_ = 	snop  }
0x5: {  	_ = 	snop  }
0x6: {  	_ = 	snop  }
0x7: {  	_ = 	snop  }
__scs_overlays_trampoline_lowered:
0x8: {  	[smem:$0x3FAC] =	sst s0  }
0x9: {  	[smem:$0x3FAD] =	sst s1  }
0xa: {  	[smem:$0x3FAE] =	sst s2  }
0xb: {  	[smem:$0x3FAF] =	sst s3  }
0xc: {  	[smem:$0x3FB0] =	sst s4  }
0xd: {  	[smem:$0x3FB1] =	sst s5  }
0xe: {  	[smem:$0x3FB2] =	sst s6  }
0xf: {  	[smem:$0x3FB3] =	sst s7  }
0x10: {  	[smem:$0x3FB4] =	sst s8  }
0x11: {  	[smem:$0x3FB5] =	sst s9;
	s0 =	simm.s32 @!p0 $0x0  }
0x12: {  	s1 =	sld [smem:$0x3F9B];
	s0 =	simm.s32 @p0 $0x1  }
0x13: {  	[smem:$0x3FB6] =	sst s0;
	s0 =	simm.s32 @!p1 $0x0  }
0x14: {  	s2 =	sld [smem:$0x3F9A];
	s0 =	simm.s32 @p1 $0x1  }
0x15: {  	[smem:$0x3FB7] =	sst s0;
	s0 =	simm.s32 @!p2 $0x0  }
0x16: {  	s3 =	sld [smem:$0x3FDB];
	s0 =	simm.s32 @p2 $0x1  }
0x17: {  	s4 =	simm.s32 $0x1BF5;
	[smem:$0x3FB9] =	sst s0  }
0x18: {  	s0 =	sld [smem:$0x3F9C];
	_ =	swait.ge [sflag:s4], $0x0  }
0x19: {  	s7 =	sld [smem:$0x3F9D]  }
0x1a: {  	s8 =	sadd.s32 $0xFFFFE003, lr  }
0x1b: {  	s9 =	sadd.s32 $0xFFFFFEF7, lr;
	s5 =	simm.s32 $0xFFFFFFFF;
	p2 =	slt.u32 s8, $0xFFFFF086  }
0x1c: {  	p1 =	slt.u32 s9, $0xF7A;
	s5 =	simm.s32 @!p2 $0x0  }
0x1d: {  	s5 =	simm.s32 @p1 $0x1;
	p0 =	seq.s32 s7, s2  }
0x1e: {  	s7 =	smul.u32 @!p0 $0xF7A, s2;
	p2 =	seq.s32 @!p0 s5, $0x0  }
0x1f: {  	s9 =	smul.u32 $0xF7A, s1;
	s8 =	simm.s32 @!p0 $0x1BF5;
	p2 =	por !p2, p0  }
0x20: {  	[sflag:s8] =	ssyncset.s32 @!p0 $0xFFFFF086;
	s6 =	sadd.s32 @!p0 s3, s7;
	s7 =	simm.s32 @!p0 $0x108  }
0x21: {  	s3 =	sadd.s32 s3, s9;
	s6 =	sadd.s32 @!p0 $0x88, s6;
	s7 =	simm.s32 @p2 $0x1082  }
0x22: {  	[simem:s7], [sflag:s8] =	dma.local @!p0 [hbm:s6], $0xF7A  }
0x23: {  	s9 =	sor.u32 $0xD0000000, s2;
	s6 =	simm.s32 $0x108;
	_ =	swait.ge @!p0 [sflag:s8], $0x0  }
0x24: {  	s3 =	sadd.s32 $0x88, s3;
	s6 =	simm.s32 @!p1 $0x1082;
	[sflag:s4] =	ssyncset.s32 $0xFFFFF086  }
0x25: {  	[simem:s6], [sflag:s4] =	dma.local [hbm:s3], $0xF7A  }
0x26: {  	[smem:$0x3F9D] =	sst s1;
	(tag) =	ssettag s2;
	_ =	strace s9  }
0x27: {  	s1 =	sld [smem:$0x3FAD]  }
0x28: {  	s2 =	sld [smem:$0x3FAE]  }
0x29: {  	s4 =	sld [smem:$0x3FB0]  }
0x2a: {  	p0 =	seq.s32 s5, $0x0;
	s5 =	sld [smem:$0x3FB1]  }
0x2b: {  	s6 =	sld [smem:$0x3FB2]  }
0x2c: {  	s7 =	sld [smem:$0x3FB3]  }
0x2d: {  	s3 =	simm.s32 $0x108;
	s8 =	sld [smem:$0x3FB4]  }
0x2e: {  	s3 =	simm.s32 @!p0 $0x1082;
	s9 =	sld [smem:$0x3FB5]  }
0x2f: {  	lr =	sadd.s32 s0, s3;
	s0 =	sld [smem:$0x3FAC]  }
0x30: {  	s3 =	sld [smem:$0x3FAF]  }
0x31: {  	[smem:$0x3FB8] =	sst s10  }
0x32: {  	s10 =	sld [smem:$0x3FB6];
	_ =	sdelay $0x3  }
0x33: {  	p0 =	seq.s32 s10, $0x1;
	s10 =	sld [smem:$0x3FB8];
	_ =	sdelay $0x3  }
0x34: {  	[smem:$0x3FB8] =	sst s10  }
0x35: {  	s10 =	sld [smem:$0x3FB7];
	_ =	sdelay $0x3  }
0x36: {  	p1 =	seq.s32 s10, $0x1;
	s10 =	sld [smem:$0x3FB8];
	_ =	sdelay $0x3  }
0x37: {  	[smem:$0x3FB8] =	sst s10  }
0x38: {  	s10 =	sld [smem:$0x3FB9]  }
0x39: {  	_ = 	snop;
	(pc) =	sbr.ind lr, $3  }
0x3a: {  	_ = 	snop  }
0x3b: {  	_ = 	snop  }
0x3c: {  	p2 =	seq.s32 s10, $0x1;
	s10 =	sld [smem:$0x3FB8]  }
0x3d: {  	_ =	shalt  }
0x3e: {  	_ =	shalt  }
0x3f: {  	_ =	shalt  }
0x40: {  	_ =	shalt  }
0x41: {  	_ =	shalt  }
0x42: {  	_ =	shalt  }
0x43: {  	_ =	shalt  }
0x44: {  	_ =	shalt  }
0x45: {  	_ =	shalt  }
0x46: {  	_ =	shalt  }
0x47: {  	_ =	shalt  }
0x48: {  	_ =	shalt  }
0x49: {  	_ =	shalt  }
0x4a: {  	_ =	shalt  }
0x4b: {  	_ =	shalt  }
0x4c: {  	_ =	shalt  }
0x4d: {  	_ =	shalt  }
0x4e: {  	_ =	shalt  }
0x4f: {  	_ =	shalt  }
0x50: {  	_ =	shalt  }
0x51: {  	_ =	shalt  }
0x52: {  	_ =	shalt  }
0x53: {  	_ =	shalt  }
0x54: {  	_ =	shalt  }
0x55: {  	_ =	shalt  }
0x56: {  	_ =	shalt  }
0x57: {  	_ =	shalt  }
0x58: {  	_ =	shalt  }
0x59: {  	_ =	shalt  }
0x5a: {  	_ =	shalt  }
0x5b: {  	_ =	shalt  }
0x5c: {  	_ =	shalt  }
0x5d: {  	_ =	shalt  }
0x5e: {  	_ =	shalt  }
0x5f: {  	_ =	shalt  }
0x60: {  	_ =	shalt  }
0x61: {  	_ =	shalt  }
0x62: {  	_ =	shalt  }
0x63: {  	_ =	shalt  }
0x64: {  	_ =	shalt  }
0x65: {  	_ =	shalt  }
0x66: {  	_ =	shalt  }
0x67: {  	_ =	shalt  }
0x68: {  	_ =	shalt  }
0x69: {  	_ =	shalt  }
0x6a: {  	_ =	shalt  }
0x6b: {  	_ =	shalt  }
0x6c: {  	_ =	shalt  }
0x6d: {  	_ =	shalt  }
0x6e: {  	_ =	shalt  }
0x6f: {  	_ =	shalt  }
0x70: {  	_ =	shalt  }
0x71: {  	_ =	shalt  }
0x72: {  	_ =	shalt  }
0x73: {  	_ =	shalt  }
0x74: {  	_ =	shalt  }
0x75: {  	_ =	shalt  }
0x76: {  	_ =	shalt  }
0x77: {  	_ =	shalt  }
0x78: {  	_ =	shalt  }
0x79: {  	_ =	shalt  }
0x7a: {  	_ =	shalt  }
0x7b: {  	_ =	shalt  }
0x7c: {  	_ =	shalt  }
0x7d: {  	_ =	shalt  }
0x7e: {  	_ =	shalt  }
0x7f: {  	_ =	shalt  }
0x80: {  	_ =	shalt  }
0x81: {  	_ =	shalt  }
0x82: {  	_ =	shalt  }
0x83: {  	_ =	shalt  }
0x84: {  	_ =	shalt  }
0x85: {  	_ =	shalt  }
0x86: {  	_ =	shalt  }
0x87: {  	_ =	shalt  }
.Lfunc_end0:
.L_simem_size_0:
called_computation_lowered:
.L_overlay_start_0:
0x88: {  	s2 =	sld [smem:$0x3FD9]  }
0x89: {  	s3 =	sld [smem:$0x3FFE];
	_ =	sdelay $0x1  }
0x8a: {  	s1 =	srdreg.scid  }
0x8b: {  	s0 =	sand.u32 $0x1, s1  }
0x8c: {  	s17 =	sshll.u32 s0, $0xA;
	s2 =	sadd.s32 s3, s2  }
0x8d: {  	s2 =	sadd.s32 s2, s17  }
0x8e: {  	[smem:$0x3FC4] =	sst s2  }
0x8f: {  	_ = 	snop  }
0x90: {  	s2 =	sld [smem:$0x3FD0];
	(tm) =	ssettm $0x1  }
0x91: {  	s18 =	sld [smem:$0x3FFB];
	_ =	sdelay $0x3  }
0x92: {  	_ =	strace s18  }
0x93: {  	s3 =	sld [smem:$0x3FFC];
	_ =	sdelay $0x3  }
0x94: {  	_ =	strace s3  }
0x95: {  	s3 =	sld [smem:$0x3FFD];
	_ =	sdelay $0x3  }
0x96: {  	_ =	strace s3  }
0x97: {  	_ =	strace $0x8FFFFFFF  }
0x98: {  	s19 =	sld [smem:$0x3FDB];
	_ =	sdelay $0x1  }
0x99: {  	s4 =	simm.s32 $_scs_section_size  }
0x9a: {  	s5 =	simm.s32 $_size__tile_overlayer_lowered;
	s6 =	simm.s32 $_tile_overlayer_lowered  }
0x9b: {  	s22 =	simm.s32 $0x1BFF;
	s21 =	sshll.u32 s6, $0x1;
	s3 =	sadd.s32 s4, s19  }
0x9c: {  	s7 =	simm.s32 $0x0;
	s20 =	sshll.u32 s5, $0x1;
	s5 =	sadd.s32 s21, s3  }
0x9d: {  	[timem:s7], [sflag:s22] =	dma.local [hbm:s5], s20  }
0x9e: {  	_ =	swait.ge [sflag:s22], s20  }
0x9f: {  	s4 =	ssub.s32 $0x0, s20;
	[sflag:s22] =	ssyncset.done $0x0  }
0xa0: {  	[sflag:s22] =	ssyncadd.s32 s4;
	_ =	sdelay $0x1  }
0xa1: {  	s23 =	simm.s32 $0x1B8B  }
0xa2: {  	_ =	swait.ge [sflag:s23], $0x1  }
0xa3: {  	[sflag:s23] =	ssyncset.done $0x0  }
0xa4: {  	s25 =	simm.s32 $0x1B8E;
	s24 =	sld [smem:$0x3FFE];
	[sflag:s23] =	ssyncadd.s32 $0xFFFFFFFF  }
0xa5: {  	s26 =	simm.s32 $execute0_lowered;
	[smem:$0x3FD2] =	sst s25  }
0xa6: {  	s5 =	sshll.u32 s26, $0x1;
	_ =	strace $0x80000046;
	[dreg:$0x1] =	wrdreg $0xFFFFFFFF  }
0xa7: {  	s28 =	simm.s32 $_size_execute0_lowered;
	s3 =	sadd.s32 s3, s5;
	[dreg:$0x0] =	wrdreg $0x0  }
0xa8: {  	s5 =	sshll.u32 s28, $0x1;
	[dreg:$0x2] =	wrdreg s3  }
0xa9: {  	[dreg:$0x3] =	wrdreg s5  }
0xaa: {  	[dreg:$0x4] =	wrdreg $0xC0  }
0xab: {  	_ =	task [dreg:s7], $0x5FFFF  }
0xac: {  	[dreg:$0x1] =	wrdreg $0xFFFFFFFF  }
0xad: {  	[dreg:$0x0] =	wrdreg $0x60  }
0xae: {  	[dreg:$0x2] =	wrdreg s24  }
0xaf: {  	[dreg:$0x3] =	wrdreg s2  }
0xb0: {  	[dreg:$0x4] =	wrdreg $0x0  }
0xb1: {  	[dreg:$0x5] =	wrdreg $0x138C00  }
0xb2: {  	[dreg:$0x6] =	wrdreg $0x9  }
0xb3: {  	_ =	task.clear_ibuf [dreg:s7], $0x7FFFF;
	_ =	strace $0x90000046  }
0xb4: {  	s29 =	simm.s32 $0x9;
	_ =	strace $0x80000048  }
0xb5: {  	_ =	swait.ge [sflag:s29], $0x1  }
0xb6: {  	[sflag:s29] =	ssyncadd.s32 $0xFFFFFFFF  }
0xb7: {  	_ =	strace $0x90000048  }
0xb8: {  	_ =	sfence  }
0xb9: {  	s30 =	sld [smem:$0x0];
	_ =	sdelay $0x2  }
0xba: {  	s31 =	sshll.u32 s1, $0xD;
	s1 =	sshrl.u32 s1, $0x2  }
0xbb: {  	s3 =	sand.u32 $0x4000, s31;
	s1 =	sadd.s32 s1, s30  }
0xbc: {  	s0 =	sor.u32 s3, s0;
	s1 =	sshll.u32 s1, $0x11  }
0xbd: {  	s0 =	sor.u32 s1, s0  }
0xbe: {  	s0 =	sadd.s32 $0x8F2B, s0  }
0xbf: {  	[sflag:s0] =	ssyncadd.remote.s32 $0x1  }
0xc0: {  	_ =	sfence.sel $0xFFFF  }
0xc1: {  	[dreg:$0x0] =	wrdreg $0xFFFFFFFF;
	(pc) =	sbr.abs _section_cstart, $3  }
0xc2: {  	[dreg:$0x1] =	wrdreg $0xFFFFFFFF  }
0xc3: {  	_ =	task.clear_ibuf [dreg:s7], $0x2FFFF;
	_ =	strace $0x9FFFFFFF  }
0xc4: {  	(tm) =	ssettm $0x7FFFFFFF  }
0xc5: {  	_ =	shalt  }
tec
execute0_lowered:
.L_overlay_start_1:
0x0: {  	(tag) =	ssettag $0x1  }
0x1: {  	s1 =	rddreg [dreg:$0x0];
	s0 =	srdreg.scid  }
0x2: {  	s18 =	stileid.u32;
	s3 =	rddreg [dreg:$0x2]  }
0x3: {  	s4 =	rddreg [dreg:$0x3];
	s2 =	sand.u32 $0x1, s0;
	s0 =	smul.u32 $0x3E8, s18  }
0x4: {  	s29 =	simm.s32 $0x0;
	s6 =	smul.u32 $0x1F400, s18;
	s7 =	sadd.s32 $0x63A00, s1  }
0x5: {  	[smem:$0x7FF] =	sst s29;
	s5 =	smul.u32 $0x138800, s2;
	s8 =	ssub.s32 $0x2, s2  }
0x6: {  	p0 =	seq.s32 s2, $0x1;
	s9 =	sshll.u32 s0, $0x7;
	s10 =	sshrl.u32 s8, $0x1  }
0x7: {  	s16 =	sshrl.u32 s0, $0x3;
	s6 =	sadd.s32 s6, s5;
	s11 =	sadd.s32 $0x4000, s9  }
0x8: {  	s8 =	ssub.s32 s8, s10;
	s10 =	sadd.s32 $0x8000, s9;
	s12 =	sadd.s32 $0xC000, s9  }
0x9: {  	s14 =	sadd.s32 $0x10000, s9;
	s17 =	sadd.s32 $0x18000, s9;
	s6 =	sshrl.u32 s6, $0x3  }
0xa: {  	s19 =	sadd.s32 s5, s11;
	s21 =	sadd.s32 s5, s10;
	s13 =	sadd.s32 s5, s12  }
0xb: {  	s23 =	sadd.s32 s5, s14;
	s15 =	sadd.s32 s5, s17;
	s6 =	sadd.s32 s7, s6  }
0xc: {  	s20 =	sshrl.u32 s19, $0x3;
	s22 =	sshrl.u32 s13, $0x3;
	s24 =	sshrl.u32 s23, $0x3  }
0xd: {  	s13 =	sadd.s32 $0x14000, s9;
	s9 =	sadd.s32 $0x1C000, s9;
	s26 =	sshrl.u32 s15, $0x3  }
0xe: {  	[dreg:$0x5] =	wrdreg s6;
	s6 =	sadd.s32 s7, s20;
	s25 =	sadd.s32 s5, s13  }
0xf: {  	s5 =	sadd.s32 s5, s9;
	[dreg:$0x6] =	wrdreg s6;
	s6 =	sshrl.u32 s21, $0x3  }
0x10: {  	s15 =	simm.s32 $0xB2200;
	s5 =	sshrl.u32 s5, $0x3;
	s6 =	sadd.s32 s7, s6  }
0x11: {  	s15 =	simm.s32 @!p0 $0xB1C00;
	s5 =	sadd.s32 s7, s5;
	[dreg:$0x7] =	wrdreg s6  }
0x12: {  	s20 =	smul.u32 $0xFA0, s18;
	s6 =	sadd.s32 s7, s22;
	[dreg:$0xc] =	wrdreg s5  }
0x13: {  	s15 =	sadd.s32 s15, s1;
	[dreg:$0x8] =	wrdreg s6;
	s6 =	sadd.s32 s7, s24  }
0x14: {  	s5 =	sadd.s32 s15, s16;
	[dreg:$0x9] =	wrdreg s6;
	s6 =	sshrl.u32 s25, $0x3  }
0x15: {  	s15 =	sadd.s32 $0x15600, s1;
	[dreg:$0xd] =	wrdreg s5;
	s6 =	sadd.s32 s7, s6  }
0x16: {  	s22 =	sshrl.u32 s20, $0x2;
	[dreg:$0xa] =	wrdreg s6;
	s6 =	sadd.s32 s7, s26  }
0x17: {  	s16 =	sadd.s32 $0x1600, s1;
	s1 =	sadd.s32 s22, s4;
	[dreg:$0xb] =	wrdreg s6  }
0x18: {  	s23 =	sadd.s32 s11, s3;
	_ =	strace $0x80000047;
	[dreg:$0xf] =	wrdreg s1  }
0x19: {  	s2 =	sshll.u32 s2, $0x4;
	s24 =	sadd.s32 s10, s3;
	[dreg:$0x10] =	wrdreg s23  }
0x1a: {  	s19 =	smul.u32 $0x7D000, s18;
	s25 =	sadd.s32 s12, s3;
	[dreg:$0x11] =	wrdreg s24  }
0x1b: {  	s2 =	sor.u32 s18, s2;
	s26 =	sadd.s32 s14, s3;
	[dreg:$0x12] =	wrdreg s25  }
0x1c: {  	s29 =	sadd.s32 s13, s3;
	s21 =	sshrl.u32 s19, $0x2;
	[dreg:$0x13] =	wrdreg s26  }
0x1d: {  	s19 =	smul.u32 $0x5000, s2;
	s2 =	sadd.s32 s17, s3;
	[dreg:$0x14] =	wrdreg s29  }
0x1e: {  	s6 =	sadd.s32 s9, s3;
	[dreg:$0x15] =	wrdreg s2  }
0x1f: {  	s0 =	sadd.s32 s0, s4;
	[dreg:$0x16] =	wrdreg s6  }
0x20: {  	s7 =	smax.u32 s8, $0x1;
	[dreg:$0x17] =	wrdreg s0  }
0x21: {  	s8 =	sadd.s32 $0x138800, s3;
	[dreg:$0x18] =	wrdreg s7  }
0x22: {  	s5 =	sadd.s32 s21, s3;
	s9 =	sadd.s32 $0x2710, s4;
	[dreg:$0x19] =	wrdreg s8  }
0x23: {  	s10 =	sadd.s32 $0x2000, s5;
	[dreg:$0x1a] =	wrdreg s9  }
0x24: {  	s11 =	sadd.s32 $0x4000, s5;
	[dreg:$0x1b] =	wrdreg s10  }
0x25: {  	s12 =	sadd.s32 $0x6000, s5;
	[dreg:$0x1c] =	wrdreg s11  }
0x26: {  	s13 =	sadd.s32 $0x8000, s5;
	[dreg:$0x1d] =	wrdreg s12  }
0x27: {  	s14 =	sadd.s32 $0xA000, s5;
	[dreg:$0x1e] =	wrdreg s13  }
0x28: {  	p1 =	sne.s32 s18, $0xA;
	s17 =	sadd.s32 $0xC000, s5;
	[dreg:$0x1f] =	wrdreg s14  }
0x29: {  	p0 =	sgt.u32 s18, $0x9;
	s18 =	sadd.s32 $0xE000, s5;
	[smem:$0x7F4] =	sst s17  }
0x2a: {  	s20 =	sadd.s32 $0x10000, s5;
	[smem:$0x7F5] =	sst s18  }
0x2b: {  	s28 =	simm.s32 $0x13F38;
	s21 =	sadd.s32 $0x12000, s5;
	[smem:$0x7F6] =	sst s20  }
0x2c: {  	s30 =	simm.s32 $0x80;
	s22 =	sadd.s32 $0x14000, s5;
	[smem:$0x7F7] =	sst s21  }
0x2d: {  	s31 =	simm.s32 $0x14338;
	[smem:$0x7F8] =	sst s22;
	s23 =	sadd.s32 $0x16000, s5  }
0x2e: {  	s24 =	sadd.s32 $0x18000, s5;
	s25 =	sadd.s32 $0x1A000, s5;
	s26 =	sadd.s32 $0x1C000, s5  }
0x2f: {  	[dreg:$0xe] =	wrdreg s5;
	s29 =	sadd.s32 $0x1E000, s5;
	s2 =	simm.s32 $0x1  }
0x30: {  	s0 =	simm.s32 $0x40;
	s5 =	simm.s32 $0x1C338;
	s7 =	simm.s32 $0x13FB8  }
0x31: {  	s8 =	simm.s32 $0x1A338;
	s10 =	simm.s32 $0x2;
	s11 =	simm.s32 $0x4  }
0x32: {  	s12 =	simm.s32 $0x14038;
	s18 =	simm.s32 $0x3;
	[smem:$0x7F9] =	sst s23  }
.Ltmp0:
0x33: {  	s20 =	simm.s32 $0x5;
	[smem:$0x7FA] =	sst s24;
	(pc) =	sbr.rel .LBB2_1-.Ltmp0, $4  }
0x34: {  	s21 =	simm.s32 $0x140B8;
	s17 =	simm.s32 $0x141B8;
	[smem:$0x7FB] =	sst s25  }
0x35: {  	s1 =	simm.s32 $0x14238;
	s9 =	simm.s32 $0x142B8;
	[smem:$0x7FC] =	sst s26  }
0x36: {  	s22 =	simm.s32 $0x0;
	[smem:$0x7FD] =	sst s29;
	s23 =	simm.s32 $0x18338  }
0x37: {  	v0 =	vimm.f32 $0.0e+00;
	v1 =	vimm.f32 $1.000000000e+00;
	s24 =	simm.s32 $0x6;
	s26 =	simm.s32 $0x13B38;
	s25 =	simm.s32 $0x14138  }
.LBB2_28:
0x38: {  	s22 =	sadd.s32 $0x1, s22;
	s6 =	rddreg [dreg:$0x18]  }
0x39: {  	p2 =	sne.s32 s22, s6  }
.Ltmp1:
0x3a: {  	_ = 	snop;
	(pc) =	sbr.rel @!p2 .LBB2_29-.Ltmp1, $1  }
0x3b: {  	_ =	sdelay $0x3  }
.LBB2_1:
0x3c: {  	[smem:$0x7F3] =	sst s22;
	s6 =	simm.s32 $0x0;
	s13 =	simm.s32 $0x200  }
.LBB2_2:
0x3d: {  	p2 =	sne.s32 s13, $0x7E00;
	[tilespmem:s6+$0x183A8] =	vst v0  }
0x3e: {  	[tilespmem:s6+$0x18338] =	vst v0  }
0x3f: {  	[tilespmem:s6+$0x18348] =	vst v0  }
.Ltmp2:
0x40: {  	[tilespmem:s6+$0x18358] =	vst v0;
	(pc) =	sbr.rel @p2 .LBB2_2-.Ltmp2, $4  }
0x41: {  	[tilespmem:s6+$0x18368] =	vst v0  }
0x42: {  	[tilespmem:s6+$0x18378] =	vst v0  }
0x43: {  	[tilespmem:s6+$0x18388] =	vst v0  }
0x44: {  	[tilespmem:s6+$0x18398] =	vst v0;
	s6 =	sshra.s32 s13, $0x2;
	s13 =	sadd.s32 $0x200, s13  }
0x45: {  	[tilespmem:s6+$0x183A8] =	vst v0  }
0x46: {  	[tilespmem:s6+$0x18338] =	vst v0  }
0x47: {  	[tilespmem:s6+$0x18348] =	vst v0  }
0x48: {  	[tilespmem:s6+$0x18358] =	vst v0  }
0x49: {  	[tilespmem:s6+$0x18368] =	vst v0  }
0x4a: {  	[tilespmem:s6+$0x18378] =	vst v0  }
0x4b: {  	[tilespmem:s6+$0x18388] =	vst v0  }
0x4c: {  	[tilespmem:s6+$0x18398] =	vst v0;
	s6 =	simm.s32 $0x40;
	s13 =	simm.s32 $0x0  }
.LBB2_4:
0x4d: {  	p2 =	sne.s32 s6, $0xF80;
	[tilespmem:s13+$0x1C3B8] =	vst v0;
	s13 =	smov.u32 s6;
	s6 =	sadd.s32 $0x40, s6  }
.Ltmp3:
0x4e: {  	(pc) =	sbr.rel @p2 .LBB2_4-.Ltmp3, $2  }
0x4f: {  	_ =	sdelay $0x2  }
0x50: {  	s13 =	sshra.s32 s13, $0x2  }
.Ltmp4:
0x51: {  	(pc) =	sbr.rel @p0 .LBB2_7-.Ltmp4, $2  }
0x52: {  	_ =	sdelay $0x2  }
0x53: {  	[tilespmem:s13+$0x1C3B8] =	vst v0  }
0x54: {  	s6 =	rddreg [dreg:$0xe]  }
0x55: {  	[spmem:s6] =	stream.linear.scatter [tilespmem:s23], [sflag:$0x6], $0x2000, $0x38;
	[tilespmem:$0x1C7B8] =	vst v63  }
0x56: {  	_ =	swait.ge [sflag:s24], $0x2000  }
0x57: {  	[sflag:s24] =	ssyncset.done $0x0  }
0x58: {  	s13 =	rddreg [dreg:$0x1b];
	[sflag:s24] =	ssyncadd.s32 $0xFFFFE000  }
0x59: {  	[spmem:s13] =	stream.linear.scatter [tilespmem:s23], [sflag:$0x6], $0x2000, $0x38;
	[tilespmem:$0x1C7B8] =	vst v63  }
0x5a: {  	_ =	swait.ge [sflag:s24], $0x2000  }
0x5b: {  	[sflag:s24] =	ssyncset.done $0x0  }
0x5c: {  	s14 =	rddreg [dreg:$0x1c];
	[sflag:s24] =	ssyncadd.s32 $0xFFFFE000  }
0x5d: {  	[spmem:s14] =	stream.linear.scatter [tilespmem:s23], [sflag:$0x6], $0x2000, $0x38;
	[tilespmem:$0x1C7B8] =	vst v63  }
0x5e: {  	_ =	swait.ge [sflag:s24], $0x2000  }
0x5f: {  	[sflag:s24] =	ssyncset.done $0x0  }
0x60: {  	s22 =	rddreg [dreg:$0x1d];
	[sflag:s24] =	ssyncadd.s32 $0xFFFFE000  }
0x61: {  	[spmem:s22] =	stream.linear.scatter [tilespmem:s23], [sflag:$0x6], $0x2000, $0x38;
	[tilespmem:$0x1C7B8] =	vst v63  }
0x62: {  	_ =	swait.ge [sflag:s24], $0x2000  }
0x63: {  	[sflag:s24] =	ssyncset.done $0x0  }
0x64: {  	s29 =	rddreg [dreg:$0x1e];
	[sflag:s24] =	ssyncadd.s32 $0xFFFFE000  }
0x65: {  	[spmem:s29] =	stream.linear.scatter [tilespmem:s23], [sflag:$0x6], $0x2000, $0x38;
	[tilespmem:$0x1C7B8] =	vst v63  }
0x66: {  	_ =	swait.ge [sflag:s24], $0x2000  }
0x67: {  	[sflag:s24] =	ssyncset.done $0x0  }
0x68: {  	s13 =	rddreg [dreg:$0x1f];
	[sflag:s24] =	ssyncadd.s32 $0xFFFFE000  }
0x69: {  	[spmem:s13] =	stream.linear.scatter [tilespmem:s23], [sflag:$0x6], $0x2000, $0x38;
	[tilespmem:$0x1C7B8] =	vst v63  }
0x6a: {  	_ =	swait.ge [sflag:s24], $0x2000  }
0x6b: {  	s14 =	sld [smem:$0x7F4]  }
0x6c: {  	[sflag:s24] =	ssyncset.done $0x0  }
0x6d: {  	[sflag:s24] =	ssyncadd.s32 $0xFFFFE000  }
0x6e: {  	[spmem:s14] =	stream.linear.scatter [tilespmem:s23], [sflag:$0x6], $0x2000, $0x38;
	[tilespmem:$0x1C7B8] =	vst v63  }
0x6f: {  	_ =	swait.ge [sflag:s24], $0x2000  }
0x70: {  	s22 =	sld [smem:$0x7F5]  }
0x71: {  	[sflag:s24] =	ssyncset.done $0x0  }
0x72: {  	[sflag:s24] =	ssyncadd.s32 $0xFFFFE000  }
0x73: {  	[spmem:s22] =	stream.linear.scatter [tilespmem:s23], [sflag:$0x6], $0x2000, $0x38;
	[tilespmem:$0x1C7B8] =	vst v63  }
0x74: {  	_ =	swait.ge [sflag:s24], $0x2000  }
0x75: {  	s29 =	sld [smem:$0x7F6]  }
0x76: {  	[sflag:s24] =	ssyncset.done $0x0  }
0x77: {  	[sflag:s24] =	ssyncadd.s32 $0xFFFFE000  }
0x78: {  	[spmem:s29] =	stream.linear.scatter [tilespmem:s23], [sflag:$0x6], $0x2000, $0x38;
	[tilespmem:$0x1C7B8] =	vst v63  }
0x79: {  	_ =	swait.ge [sflag:s24], $0x2000  }
0x7a: {  	s13 =	sld [smem:$0x7F7]  }
0x7b: {  	[sflag:s24] =	ssyncset.done $0x0  }
0x7c: {  	[sflag:s24] =	ssyncadd.s32 $0xFFFFE000  }
0x7d: {  	[spmem:s13] =	stream.linear.scatter [tilespmem:s23], [sflag:$0x6], $0x2000, $0x38;
	[tilespmem:$0x1C7B8] =	vst v63  }
0x7e: {  	_ =	swait.ge [sflag:s24], $0x2000  }
0x7f: {  	s14 =	sld [smem:$0x7F8]  }
0x80: {  	[sflag:s24] =	ssyncset.done $0x0  }
0x81: {  	[sflag:s24] =	ssyncadd.s32 $0xFFFFE000  }
0x82: {  	[spmem:s14] =	stream.linear.scatter [tilespmem:s23], [sflag:$0x6], $0x2000, $0x38;
	[tilespmem:$0x1C7B8] =	vst v63  }
0x83: {  	_ =	swait.ge [sflag:s24], $0x2000  }
0x84: {  	s22 =	sld [smem:$0x7F9]  }
0x85: {  	[sflag:s24] =	ssyncset.done $0x0  }
0x86: {  	[sflag:s24] =	ssyncadd.s32 $0xFFFFE000  }
0x87: {  	[spmem:s22] =	stream.linear.scatter [tilespmem:s23], [sflag:$0x6], $0x2000, $0x38;
	[tilespmem:$0x1C7B8] =	vst v63  }
0x88: {  	_ =	swait.ge [sflag:s24], $0x2000  }
0x89: {  	s29 =	sld [smem:$0x7FA]  }
0x8a: {  	[sflag:s24] =	ssyncset.done $0x0  }
0x8b: {  	[sflag:s24] =	ssyncadd.s32 $0xFFFFE000  }
0x8c: {  	[spmem:s29] =	stream.linear.scatter [tilespmem:s23], [sflag:$0x6], $0x2000, $0x38;
	[tilespmem:$0x1C7B8] =	vst v63  }
0x8d: {  	_ =	swait.ge [sflag:s24], $0x2000  }
0x8e: {  	s13 =	sld [smem:$0x7FB]  }
0x8f: {  	[sflag:s24] =	ssyncset.done $0x0  }
0x90: {  	[sflag:s24] =	ssyncadd.s32 $0xFFFFE000  }
0x91: {  	[spmem:s13] =	stream.linear.scatter [tilespmem:s23], [sflag:$0x6], $0x2000, $0x38;
	[tilespmem:$0x1C7B8] =	vst v63  }
0x92: {  	_ =	swait.ge [sflag:s24], $0x2000  }
0x93: {  	s14 =	sld [smem:$0x7FC]  }
0x94: {  	[sflag:s24] =	ssyncset.done $0x0  }
0x95: {  	[sflag:s24] =	ssyncadd.s32 $0xFFFFE000  }
0x96: {  	[spmem:s14] =	stream.linear.scatter [tilespmem:s23], [sflag:$0x6], $0x2000, $0x38;
	[tilespmem:$0x1C7B8] =	vst v63  }
0x97: {  	_ =	swait.ge [sflag:s24], $0x2000  }
0x98: {  	s22 =	sld [smem:$0x7FD]  }
0x99: {  	[sflag:s24] =	ssyncset.done $0x0  }
0x9a: {  	[sflag:s24] =	ssyncadd.s32 $0xFFFFE000  }
0x9b: {  	[spmem:s22] =	stream.linear.scatter [tilespmem:s23], [sflag:$0x6], $0x1400, $0x38;
	[tilespmem:$0x1C7B8] =	vst v63  }
0x9c: {  	_ =	swait.ge [sflag:s24], $0x1400  }
0x9d: {  	s13 =	simm.s32 $0x1C3B8;
	[sflag:s24] =	ssyncset.done $0x0  }
.Ltmp5:
0x9e: {  	s29 =	rddreg [dreg:$0xf];
	[sflag:s24] =	ssyncadd.s32 $0xFFFFEC00;
	(pc) =	sbr.rel .LBB2_8-.Ltmp5, $4  }
0x9f: {  	[spmem:s29] =	stream.linear.scatter [tilespmem:s13], [sflag:$0x6], $0x3E8, $0x38;
	[tilespmem:$0x1C7B8] =	vst v63  }
0xa0: {  	_ =	swait.ge [sflag:s24], $0x3E8  }
0xa1: {  	[sflag:s24] =	ssyncset.done $0x0  }
0xa2: {  	[sflag:s24] =	ssyncadd.s32 $0xFFFFFC18  }
.LBB2_7:
0xa3: {  	s6 =	simm.s32 @!p1 $0x18338;
	s13 =	rddreg [dreg:$0x19]  }
0xa4: {  	[spmem:s13] =	stream.linear.scatter @!p1 [tilespmem:s6], [sflag:$0x6], $0x400, $0x38;
	[tilespmem:$0x1C7B8] =	vst v63  }
0xa5: {  	s6 =	simm.s32 @!p1 $0x6  }
0xa6: {  	_ =	swait.ge @!p1 [sflag:s6], $0x400  }
0xa7: {  	[sflag:s6] =	ssyncset.done @!p1 $0x0  }
0xa8: {  	s13 =	simm.s32 @!p1 $0x1C3B8;
	s14 =	rddreg [dreg:$0x1a];
	[sflag:s6] =	ssyncadd.s32 @!p1 $0xFFFFFC00  }
0xa9: {  	[spmem:s14] =	stream.linear.scatter @!p1 [tilespmem:s13], [sflag:$0x6], $0x8, $0x38;
	[tilespmem:$0x1C7B8] =	vst v63  }
0xaa: {  	_ =	swait.ge @!p1 [sflag:s6], $0x8  }
0xab: {  	[sflag:s6] =	ssyncset.done @!p1 $0x0  }
0xac: {  	[sflag:s6] =	ssyncadd.s32 @!p1 $0xFFFFFFF8  }
.LBB2_8:
0xad: {  	[tilespmem:$0x1C338] =	vst v1  }
0xae: {  	[tilespmem:$0x1C348] =	vst v1  }
0xaf: {  	[tilespmem:$0x1C358] =	vst v1  }
0xb0: {  	[tilespmem:$0x1C368] =	vst v1  }
0xb1: {  	s14 =	simm.s32 $0x0;
	s22 =	simm.s32 $0x0;
	[bflag:$0x0] =	sbarrier.arrive $0xFFFF  }
.LBB2_9:
0xb2: {  	s6 =	sshll.u32 s22, $0xA  }
0xb3: {  	s6 =	sadd.s32 s19, s6  }
0xb4: {  	s13 =	rddreg [dreg:$0x1];
	s6 =	sshrl.u32 s6, $0x3  }
0xb5: {  	s13 =	sadd.s32 s13, s6  }
0xb6: {  	[tilespmem:s26], [sflag:$0x6] =	stream.linear.gather [hbm4b:s13+s14], $0x400, $0x38;
	[tilespmem:$0x1C7B8] =	vst v63  }
0xb7: {  	_ =	swait.ge [sflag:s24], $0x400  }
0xb8: {  	[sflag:s24] =	ssyncset.done $0x0  }
0xb9: {  	s6 =	sadd.s32 s16, s6;
	[sflag:s24] =	ssyncadd.s32 $0xFFFFFC00  }
0xba: {  	[tilespmem:s28], [sflag:$0x6] =	stream.linear.gather [hbm4b:s6+s14], $0x400, $0x38;
	[tilespmem:$0x1C7B8] =	vst v63  }
0xbb: {  	_ =	swait.ge [sflag:s24], $0x400  }
0xbc: {  	[sflag:s24] =	ssyncset.done $0x0  }
0xbd: {  	[sflag:s24] =	ssyncadd.s32 $0xFFFFFC00  }
0xbe: {  	[tilespmem:s31], [sflag:$0x1] =	stream.indirect.gather [hbm4b:s15+s30], $0x80, s26, s30, $0xb8;
	[tilespmem:$0x1C7B8] =	vst v63  }
0xbf: {  	_ =	swait.ge [sflag:s2], $0x4000  }
0xc0: {  	[sflag:s2] =	ssyncset.done $0x0  }
0xc1: {  	s29 =	simm.s32 $0x0;
	[sflag:s2] =	ssyncadd.s32 $0xFFFFC000  }
0xc2: {  	v2 =	vld [tilespmem:s29+$0x143A8]  }
0xc3: {  	v3 =	vld [tilespmem:s29+$0x163A8]  }
0xc4: {  	v4 =	vld [tilespmem:s29+$0x14338]  }
0xc5: {  	v5 =	vld [tilespmem:s29+$0x16338]  }
0xc6: {  	v6 =	vld [tilespmem:s29+$0x14348]  }
0xc7: {  	v7 =	vld [tilespmem:s29+$0x16348]  }
0xc8: {  	v8 =	vld [tilespmem:s29+$0x14358]  }
0xc9: {  	v2 =	vadd.f32 v3, v2;
	v3 =	vld [tilespmem:s29+$0x16358]  }
0xca: {  	v9 =	vld [tilespmem:s29+$0x14368]  }
0xcb: {  	v10 =	vld [tilespmem:s29+$0x16368];
	v4 =	vadd.f32 v5, v4  }
0xcc: {  	v11 =	vld [tilespmem:s29+$0x14378];
	v2 =	vmax.f32 v2, $0.0e+00  }
0xcd: {  	[tilespmem:s29+$0x183A8] =	vst v2;
	v2 =	vmax.f32 v4, $0.0e+00;
	v4 =	vadd.f32 v7, v6;
	v7 =	vld [tilespmem:s29+$0x16378]  }
0xce: {  	v5 =	vld [tilespmem:s29+$0x16388];
	v3 =	vadd.f32 v3, v8  }
0xcf: {  	[tilespmem:s29+$0x18338] =	vst v2;
	v2 =	vld [tilespmem:s29+$0x14388];
	v4 =	vmax.f32 v4, $0.0e+00  }
0xd0: {  	v6 =	vld [tilespmem:s29+$0x16398];
	v8 =	vadd.f32 v10, v9;
	[tilespmem:s29+$0x18348] =	vst v4;
	v4 =	vmax.f32 v3, $0.0e+00  }
0xd1: {  	s13 =	simm.s32 $0x80;
	v3 =	vld [tilespmem:s29+$0x14398];
	[tilespmem:s29+$0x18358] =	vst v4  }
0xd2: {  	s6 =	simm.s32 $0x400;
	v8 =	vmax.f32 v8, $0.0e+00;
	v7 =	vadd.f32 v7, v11;
	v4 =	vld [tilespmem:s13+$0x143A8]  }
.LBB2_10:
0xd3: {  	p2 =	sne.s32 s6, $0x7E00;
	v9 =	vld [tilespmem:s13+$0x163A8];
	[tilespmem:s29+$0x18368] =	vst v8  }
0xd4: {  	v8 =	vld [tilespmem:s13+$0x14338];
	v7 =	vmax.f32 v7, $0.0e+00;
	v2 =	vadd.f32 v5, v2  }
0xd5: {  	v5 =	vld [tilespmem:s13+$0x16338];
	[tilespmem:s29+$0x18378] =	vst v7  }
0xd6: {  	v7 =	vld [tilespmem:s13+$0x14348];
	v2 =	vmax.f32 v2, $0.0e+00;
	v3 =	vadd.f32 v6, v3  }
0xd7: {  	v6 =	vld [tilespmem:s13+$0x16348];
	[tilespmem:s29+$0x18388] =	vst v2  }
0xd8: {  	v2 =	vld [tilespmem:s13+$0x14358];
	v4 =	vadd.f32 v9, v4;
	v3 =	vmax.f32 v3, $0.0e+00  }
0xd9: {  	v9 =	vld [tilespmem:s13+$0x16358];
	[tilespmem:s29+$0x18398] =	vst v3;
	s29 =	smov.u32 s13  }
0xda: {  	v3 =	vadd.f32 v5, v8;
	v8 =	vld [tilespmem:s29+$0x14368];
	v4 =	vmax.f32 v4, $0.0e+00  }
0xdb: {  	v10 =	vld [tilespmem:s29+$0x16368];
	[tilespmem:s29+$0x183A8] =	vst v4  }
0xdc: {  	v3 =	vmax.f32 v3, $0.0e+00;
	v4 =	vadd.f32 v6, v7;
	v7 =	vld [tilespmem:s29+$0x14378]  }
0xdd: {  	[tilespmem:s29+$0x18338] =	vst v3;
	v11 =	vld [tilespmem:s29+$0x16378]  }
.Ltmp6:
0xde: {  	v3 =	vmax.f32 v4, $0.0e+00;
	v4 =	vadd.f32 v9, v2;
	v2 =	vld [tilespmem:s29+$0x14388];
	(pc) =	sbr.rel @p2 .LBB2_10-.Ltmp6, $4  }
0xdf: {  	[tilespmem:s29+$0x18348] =	vst v3;
	v5 =	vld [tilespmem:s29+$0x16388]  }
0xe0: {  	v4 =	vmax.f32 v4, $0.0e+00;
	v8 =	vadd.f32 v10, v8;
	v3 =	vld [tilespmem:s29+$0x14398]  }
0xe1: {  	s13 =	sshra.s32 s6, $0x2;
	[tilespmem:s29+$0x18358] =	vst v4;
	v6 =	vld [tilespmem:s29+$0x16398]  }
0xe2: {  	s6 =	sadd.s32 $0x200, s6;
	v4 =	vld [tilespmem:s13+$0x143A8];
	v8 =	vmax.f32 v8, $0.0e+00;
	v7 =	vadd.f32 v11, v7  }
0xe3: {  	v9 =	vld [tilespmem:s13+$0x163A8];
	[tilespmem:s29+$0x18368] =	vst v8  }
0xe4: {  	v8 =	vld [tilespmem:s13+$0x14338];
	v7 =	vmax.f32 v7, $0.0e+00;
	v2 =	vadd.f32 v5, v2  }
0xe5: {  	v10 =	vld [tilespmem:s13+$0x16338];
	[tilespmem:s29+$0x18378] =	vst v7  }
0xe6: {  	v5 =	vld [tilespmem:s13+$0x14348];
	v2 =	vmax.f32 v2, $0.0e+00;
	v3 =	vadd.f32 v6, v3  }
0xe7: {  	v7 =	vld [tilespmem:s13+$0x16348];
	[tilespmem:s29+$0x18388] =	vst v2  }
0xe8: {  	v2 =	vld [tilespmem:s13+$0x14358];
	v3 =	vmax.f32 v3, $0.0e+00  }
0xe9: {  	v6 =	vld [tilespmem:s13+$0x16358];
	v4 =	vadd.f32 v9, v4;
	[tilespmem:s29+$0x18398] =	vst v3  }
0xea: {  	v8 =	vadd.f32 v10, v8;
	v3 =	vld [tilespmem:s13+$0x14368]  }
0xeb: {  	v4 =	vmax.f32 v4, $0.0e+00;
	v9 =	vld [tilespmem:s13+$0x16368]  }
0xec: {  	[tilespmem:s13+$0x183A8] =	vst v4;
	v4 =	vmax.f32 v8, $0.0e+00;
	v8 =	vld [tilespmem:s13+$0x14378]  }
0xed: {  	v5 =	vadd.f32 v7, v5;
	v7 =	vld [tilespmem:s13+$0x14388]  }
0xee: {  	[tilespmem:s13+$0x18338] =	vst v4;
	v4 =	vld [tilespmem:s13+$0x16378];
	v2 =	vadd.f32 v6, v2  }
0xef: {  	v5 =	vmax.f32 v5, $0.0e+00;
	v6 =	vld [tilespmem:s13+$0x14398]  }
0xf0: {  	[tilespmem:s13+$0x18348] =	vst v5;
	v5 =	vld [tilespmem:s13+$0x16388];
	v2 =	vmax.f32 v2, $0.0e+00  }
0xf1: {  	[tilespmem:s13+$0x18358] =	vst v2;
	v2 =	vld [tilespmem:s13+$0x16398];
	_ =	sdelay $0x1  }
0xf2: {  	v3 =	vadd.f32 v9, v3  }
0xf3: {  	v4 =	vadd.f32 v4, v8  }
0xf4: {  	v3 =	vmax.f32 v3, $0.0e+00;
	v5 =	vadd.f32 v5, v7  }
0xf5: {  	[tilespmem:s13+$0x18368] =	vst v3;
	v3 =	vmax.f32 v4, $0.0e+00;
	v2 =	vadd.f32 v2, v6  }
0xf6: {  	[tilespmem:s13+$0x18378] =	vst v3;
	v3 =	vmax.f32 v5, $0.0e+00  }
0xf7: {  	[tilespmem:s13+$0x18388] =	vst v3;
	v2 =	vmax.f32 v2, $0.0e+00  }
0xf8: {  	[tilespmem:s13+$0x18398] =	vst v2  }
0xf9: {  	[spmem:s3] =	stream.indirect.scatter.add.f32 [tilespmem:s23], [sflag:$0x2], $0x80, s28, s0, $0xb8;
	[tilespmem:$0x1C7B8] =	vst v63  }
0xfa: {  	_ = 	snop  }
0xfb: {  	[spmem:s4] =	stream.indirect.scatter.add.f32 [tilespmem:s5], [sflag:$0x4], $0x1, s28, s0, $0xb8;
	[tilespmem:$0x1C7B8] =	vst v63  }
0xfc: {  	s6 =	simm.s32 $0x13BB8  }
0xfd: {  	[tilespmem:s31], [sflag:$0x1] =	stream.indirect.gather [hbm4b:s15+s30], $0x80, s6, s30, $0xb8;
	[tilespmem:$0x1C7B8] =	vst v63  }
0xfe: {  	_ =	swait.ge [sflag:s2], $0x4000  }
0xff: {  	[sflag:s2] =	ssyncset.done $0x0  }
0x100: {  	s29 =	simm.s32 $0x0;
	[sflag:s2] =	ssyncadd.s32 $0xFFFFC000  }
0x101: {  	v2 =	vld [tilespmem:s29+$0x143A8]  }
0x102: {  	v3 =	vld [tilespmem:s29+$0x163A8]  }
0x103: {  	v4 =	vld [tilespmem:s29+$0x14338]  }
0x104: {  	v5 =	vld [tilespmem:s29+$0x16338]  }
0x105: {  	v6 =	vld [tilespmem:s29+$0x14348]  }
0x106: {  	v7 =	vld [tilespmem:s29+$0x16348]  }
0x107: {  	v8 =	vld [tilespmem:s29+$0x14358]  }
0x108: {  	v2 =	vadd.f32 v3, v2;
	v3 =	vld [tilespmem:s29+$0x16358]  }
0x109: {  	v9 =	vld [tilespmem:s29+$0x14368]  }
0x10a: {  	v10 =	vld [tilespmem:s29+$0x16368];
	v4 =	vadd.f32 v5, v4  }
0x10b: {  	v11 =	vld [tilespmem:s29+$0x14378];
	v2 =	vmax.f32 v2, $0.0e+00  }
0x10c: {  	[tilespmem:s29+$0x1A3A8] =	vst v2;
	v2 =	vmax.f32 v4, $0.0e+00;
	v4 =	vadd.f32 v7, v6;
	v7 =	vld [tilespmem:s29+$0x16378]  }
0x10d: {  	v5 =	vld [tilespmem:s29+$0x16388];
	v3 =	vadd.f32 v3, v8  }
0x10e: {  	[tilespmem:s29+$0x1A338] =	vst v2;
	v2 =	vld [tilespmem:s29+$0x14388];
	v4 =	vmax.f32 v4, $0.0e+00  }
0x10f: {  	v6 =	vld [tilespmem:s29+$0x16398];
	v8 =	vadd.f32 v10, v9;
	[tilespmem:s29+$0x1A348] =	vst v4;
	v4 =	vmax.f32 v3, $0.0e+00  }
0x110: {  	s13 =	simm.s32 $0x80;
	v3 =	vld [tilespmem:s29+$0x14398];
	[tilespmem:s29+$0x1A358] =	vst v4  }
0x111: {  	s6 =	simm.s32 $0x400;
	v8 =	vmax.f32 v8, $0.0e+00;
	v7 =	vadd.f32 v7, v11;
	v4 =	vld [tilespmem:s13+$0x143A8]  }
.LBB2_12:
0x112: {  	p2 =	sne.s32 s6, $0x7E00;
	v9 =	vld [tilespmem:s13+$0x163A8];
	[tilespmem:s29+$0x1A368] =	vst v8  }
0x113: {  	v8 =	vld [tilespmem:s13+$0x14338];
	v7 =	vmax.f32 v7, $0.0e+00;
	v2 =	vadd.f32 v5, v2  }
0x114: {  	v5 =	vld [tilespmem:s13+$0x16338];
	[tilespmem:s29+$0x1A378] =	vst v7  }
0x115: {  	v7 =	vld [tilespmem:s13+$0x14348];
	v2 =	vmax.f32 v2, $0.0e+00;
	v3 =	vadd.f32 v6, v3  }
0x116: {  	v6 =	vld [tilespmem:s13+$0x16348];
	[tilespmem:s29+$0x1A388] =	vst v2  }
0x117: {  	v2 =	vld [tilespmem:s13+$0x14358];
	v4 =	vadd.f32 v9, v4;
	v3 =	vmax.f32 v3, $0.0e+00  }
0x118: {  	v9 =	vld [tilespmem:s13+$0x16358];
	[tilespmem:s29+$0x1A398] =	vst v3;
	s29 =	smov.u32 s13  }
0x119: {  	v3 =	vadd.f32 v5, v8;
	v8 =	vld [tilespmem:s29+$0x14368];
	v4 =	vmax.f32 v4, $0.0e+00  }
0x11a: {  	v10 =	vld [tilespmem:s29+$0x16368];
	[tilespmem:s29+$0x1A3A8] =	vst v4  }
0x11b: {  	v3 =	vmax.f32 v3, $0.0e+00;
	v4 =	vadd.f32 v6, v7;
	v7 =	vld [tilespmem:s29+$0x14378]  }
0x11c: {  	[tilespmem:s29+$0x1A338] =	vst v3;
	v11 =	vld [tilespmem:s29+$0x16378]  }
.Ltmp7:
0x11d: {  	v3 =	vmax.f32 v4, $0.0e+00;
	v4 =	vadd.f32 v9, v2;
	v2 =	vld [tilespmem:s29+$0x14388];
	(pc) =	sbr.rel @p2 .LBB2_12-.Ltmp7, $4  }
0x11e: {  	[tilespmem:s29+$0x1A348] =	vst v3;
	v5 =	vld [tilespmem:s29+$0x16388]  }
0x11f: {  	v4 =	vmax.f32 v4, $0.0e+00;
	v8 =	vadd.f32 v10, v8;
	v3 =	vld [tilespmem:s29+$0x14398]  }
0x120: {  	s13 =	sshra.s32 s6, $0x2;
	[tilespmem:s29+$0x1A358] =	vst v4;
	v6 =	vld [tilespmem:s29+$0x16398]  }
0x121: {  	s6 =	sadd.s32 $0x200, s6;
	v4 =	vld [tilespmem:s13+$0x143A8];
	v8 =	vmax.f32 v8, $0.0e+00;
	v7 =	vadd.f32 v11, v7  }
0x122: {  	v9 =	vld [tilespmem:s13+$0x163A8];
	[tilespmem:s29+$0x1A368] =	vst v8  }
0x123: {  	v8 =	vld [tilespmem:s13+$0x14338];
	v7 =	vmax.f32 v7, $0.0e+00;
	v2 =	vadd.f32 v5, v2  }
0x124: {  	v10 =	vld [tilespmem:s13+$0x16338];
	[tilespmem:s29+$0x1A378] =	vst v7  }
0x125: {  	v5 =	vld [tilespmem:s13+$0x14348];
	v2 =	vmax.f32 v2, $0.0e+00;
	v3 =	vadd.f32 v6, v3  }
0x126: {  	v7 =	vld [tilespmem:s13+$0x16348];
	[tilespmem:s29+$0x1A388] =	vst v2  }
0x127: {  	v2 =	vld [tilespmem:s13+$0x14358];
	v3 =	vmax.f32 v3, $0.0e+00  }
0x128: {  	v6 =	vld [tilespmem:s13+$0x16358];
	v4 =	vadd.f32 v9, v4;
	[tilespmem:s29+$0x1A398] =	vst v3  }
0x129: {  	v8 =	vadd.f32 v10, v8;
	v3 =	vld [tilespmem:s13+$0x14368]  }
0x12a: {  	v4 =	vmax.f32 v4, $0.0e+00;
	v9 =	vld [tilespmem:s13+$0x16368]  }
0x12b: {  	[tilespmem:s13+$0x1A3A8] =	vst v4;
	v4 =	vmax.f32 v8, $0.0e+00;
	v8 =	vld [tilespmem:s13+$0x14378]  }
0x12c: {  	v5 =	vadd.f32 v7, v5;
	v7 =	vld [tilespmem:s13+$0x14388]  }
0x12d: {  	[tilespmem:s13+$0x1A338] =	vst v4;
	v4 =	vld [tilespmem:s13+$0x16378];
	v2 =	vadd.f32 v6, v2  }
0x12e: {  	v5 =	vmax.f32 v5, $0.0e+00;
	v6 =	vld [tilespmem:s13+$0x14398]  }
0x12f: {  	[tilespmem:s13+$0x1A348] =	vst v5;
	v5 =	vld [tilespmem:s13+$0x16388];
	v2 =	vmax.f32 v2, $0.0e+00  }
0x130: {  	[tilespmem:s13+$0x1A358] =	vst v2;
	v2 =	vld [tilespmem:s13+$0x16398];
	_ =	sdelay $0x1  }
0x131: {  	v3 =	vadd.f32 v9, v3  }
0x132: {  	v4 =	vadd.f32 v4, v8  }
0x133: {  	v3 =	vmax.f32 v3, $0.0e+00;
	v5 =	vadd.f32 v5, v7  }
0x134: {  	[tilespmem:s13+$0x1A368] =	vst v3;
	v3 =	vmax.f32 v4, $0.0e+00;
	v2 =	vadd.f32 v2, v6  }
0x135: {  	[tilespmem:s13+$0x1A378] =	vst v3;
	v3 =	vmax.f32 v5, $0.0e+00  }
0x136: {  	[tilespmem:s13+$0x1A388] =	vst v3;
	v2 =	vmax.f32 v2, $0.0e+00  }
0x137: {  	[tilespmem:s13+$0x1A398] =	vst v2  }
0x138: {  	[spmem:s3] =	stream.indirect.scatter.add.f32 [tilespmem:s8], [sflag:$0x3], $0x80, s7, s0, $0xb8;
	[tilespmem:$0x1C7B8] =	vst v63  }
0x139: {  	_ = 	snop  }
0x13a: {  	[spmem:s4] =	stream.indirect.scatter.add.f32 [tilespmem:s5], [sflag:$0x5], $0x1, s7, s0, $0xb8;
	[tilespmem:$0x1C7B8] =	vst v63  }
0x13b: {  	s6 =	simm.s32 $0x13C38  }
0x13c: {  	[tilespmem:s31], [sflag:$0x1] =	stream.indirect.gather [hbm4b:s15+s30], $0x80, s6, s30, $0xb8;
	[tilespmem:$0x1C7B8] =	vst v63  }
0x13d: {  	_ =	swait.ge [sflag:s10], $0x2000  }
0x13e: {  	[sflag:s10] =	ssyncset.done $0x0  }
0x13f: {  	[sflag:s10] =	ssyncadd.s32 $0xFFFFE000  }
0x140: {  	_ =	swait.ge [sflag:s11], $0x40  }
0x141: {  	[sflag:s11] =	ssyncset.done $0x0  }
0x142: {  	[sflag:s11] =	ssyncadd.s32 $0xFFFFFFC0  }
0x143: {  	_ =	swait.ge [sflag:s2], $0x4000  }
0x144: {  	[sflag:s2] =	ssyncset.done $0x0  }
0x145: {  	s29 =	simm.s32 $0x0;
	[sflag:s2] =	ssyncadd.s32 $0xFFFFC000  }
0x146: {  	v2 =	vld [tilespmem:s29+$0x143A8]  }
0x147: {  	v3 =	vld [tilespmem:s29+$0x163A8]  }
0x148: {  	v4 =	vld [tilespmem:s29+$0x14338]  }
0x149: {  	v5 =	vld [tilespmem:s29+$0x16338]  }
0x14a: {  	v6 =	vld [tilespmem:s29+$0x14348]  }
0x14b: {  	v7 =	vld [tilespmem:s29+$0x16348]  }
0x14c: {  	v8 =	vld [tilespmem:s29+$0x14358]  }
0x14d: {  	v2 =	vadd.f32 v3, v2;
	v3 =	vld [tilespmem:s29+$0x16358]  }
0x14e: {  	v9 =	vld [tilespmem:s29+$0x14368]  }
0x14f: {  	v10 =	vld [tilespmem:s29+$0x16368];
	v4 =	vadd.f32 v5, v4  }
0x150: {  	v11 =	vld [tilespmem:s29+$0x14378];
	v2 =	vmax.f32 v2, $0.0e+00  }
0x151: {  	[tilespmem:s29+$0x183A8] =	vst v2;
	v2 =	vmax.f32 v4, $0.0e+00;
	v4 =	vadd.f32 v7, v6;
	v7 =	vld [tilespmem:s29+$0x16378]  }
0x152: {  	v5 =	vld [tilespmem:s29+$0x16388];
	v3 =	vadd.f32 v3, v8  }
0x153: {  	[tilespmem:s29+$0x18338] =	vst v2;
	v2 =	vld [tilespmem:s29+$0x14388];
	v4 =	vmax.f32 v4, $0.0e+00  }
0x154: {  	v6 =	vld [tilespmem:s29+$0x16398];
	v8 =	vadd.f32 v10, v9;
	[tilespmem:s29+$0x18348] =	vst v4;
	v4 =	vmax.f32 v3, $0.0e+00  }
0x155: {  	s13 =	simm.s32 $0x80;
	v3 =	vld [tilespmem:s29+$0x14398];
	[tilespmem:s29+$0x18358] =	vst v4  }
0x156: {  	s6 =	simm.s32 $0x400;
	v8 =	vmax.f32 v8, $0.0e+00;
	v7 =	vadd.f32 v7, v11;
	v4 =	vld [tilespmem:s13+$0x143A8]  }
.LBB2_14:
0x157: {  	p2 =	sne.s32 s6, $0x7E00;
	v9 =	vld [tilespmem:s13+$0x163A8];
	[tilespmem:s29+$0x18368] =	vst v8  }
0x158: {  	v8 =	vld [tilespmem:s13+$0x14338];
	v7 =	vmax.f32 v7, $0.0e+00;
	v2 =	vadd.f32 v5, v2  }
0x159: {  	v5 =	vld [tilespmem:s13+$0x16338];
	[tilespmem:s29+$0x18378] =	vst v7  }
0x15a: {  	v7 =	vld [tilespmem:s13+$0x14348];
	v2 =	vmax.f32 v2, $0.0e+00;
	v3 =	vadd.f32 v6, v3  }
0x15b: {  	v6 =	vld [tilespmem:s13+$0x16348];
	[tilespmem:s29+$0x18388] =	vst v2  }
0x15c: {  	v2 =	vld [tilespmem:s13+$0x14358];
	v4 =	vadd.f32 v9, v4;
	v3 =	vmax.f32 v3, $0.0e+00  }
0x15d: {  	v9 =	vld [tilespmem:s13+$0x16358];
	[tilespmem:s29+$0x18398] =	vst v3;
	s29 =	smov.u32 s13  }
0x15e: {  	v3 =	vadd.f32 v5, v8;
	v8 =	vld [tilespmem:s29+$0x14368];
	v4 =	vmax.f32 v4, $0.0e+00  }
0x15f: {  	v10 =	vld [tilespmem:s29+$0x16368];
	[tilespmem:s29+$0x183A8] =	vst v4  }
0x160: {  	v3 =	vmax.f32 v3, $0.0e+00;
	v4 =	vadd.f32 v6, v7;
	v7 =	vld [tilespmem:s29+$0x14378]  }
0x161: {  	[tilespmem:s29+$0x18338] =	vst v3;
	v11 =	vld [tilespmem:s29+$0x16378]  }
.Ltmp8:
0x162: {  	v3 =	vmax.f32 v4, $0.0e+00;
	v4 =	vadd.f32 v9, v2;
	v2 =	vld [tilespmem:s29+$0x14388];
	(pc) =	sbr.rel @p2 .LBB2_14-.Ltmp8, $4  }
0x163: {  	[tilespmem:s29+$0x18348] =	vst v3;
	v5 =	vld [tilespmem:s29+$0x16388]  }
0x164: {  	v4 =	vmax.f32 v4, $0.0e+00;
	v8 =	vadd.f32 v10, v8;
	v3 =	vld [tilespmem:s29+$0x14398]  }
0x165: {  	s13 =	sshra.s32 s6, $0x2;
	[tilespmem:s29+$0x18358] =	vst v4;
	v6 =	vld [tilespmem:s29+$0x16398]  }
0x166: {  	s6 =	sadd.s32 $0x200, s6;
	v4 =	vld [tilespmem:s13+$0x143A8];
	v8 =	vmax.f32 v8, $0.0e+00;
	v7 =	vadd.f32 v11, v7  }
0x167: {  	v9 =	vld [tilespmem:s13+$0x163A8];
	[tilespmem:s29+$0x18368] =	vst v8  }
0x168: {  	v8 =	vld [tilespmem:s13+$0x14338];
	v7 =	vmax.f32 v7, $0.0e+00;
	v2 =	vadd.f32 v5, v2  }
0x169: {  	v10 =	vld [tilespmem:s13+$0x16338];
	[tilespmem:s29+$0x18378] =	vst v7  }
0x16a: {  	v5 =	vld [tilespmem:s13+$0x14348];
	v2 =	vmax.f32 v2, $0.0e+00;
	v3 =	vadd.f32 v6, v3  }
0x16b: {  	v7 =	vld [tilespmem:s13+$0x16348];
	[tilespmem:s29+$0x18388] =	vst v2  }
0x16c: {  	v2 =	vld [tilespmem:s13+$0x14358];
	v3 =	vmax.f32 v3, $0.0e+00  }
0x16d: {  	v6 =	vld [tilespmem:s13+$0x16358];
	v4 =	vadd.f32 v9, v4;
	[tilespmem:s29+$0x18398] =	vst v3  }
0x16e: {  	v8 =	vadd.f32 v10, v8;
	v3 =	vld [tilespmem:s13+$0x14368]  }
0x16f: {  	v4 =	vmax.f32 v4, $0.0e+00;
	v9 =	vld [tilespmem:s13+$0x16368]  }
0x170: {  	[tilespmem:s13+$0x183A8] =	vst v4;
	v4 =	vmax.f32 v8, $0.0e+00;
	v8 =	vld [tilespmem:s13+$0x14378]  }
0x171: {  	v5 =	vadd.f32 v7, v5;
	v7 =	vld [tilespmem:s13+$0x14388]  }
0x172: {  	[tilespmem:s13+$0x18338] =	vst v4;
	v4 =	vld [tilespmem:s13+$0x16378];
	v2 =	vadd.f32 v6, v2  }
0x173: {  	v5 =	vmax.f32 v5, $0.0e+00;
	v6 =	vld [tilespmem:s13+$0x14398]  }
0x174: {  	[tilespmem:s13+$0x18348] =	vst v5;
	v5 =	vld [tilespmem:s13+$0x16388];
	v2 =	vmax.f32 v2, $0.0e+00  }
0x175: {  	[tilespmem:s13+$0x18358] =	vst v2;
	v2 =	vld [tilespmem:s13+$0x16398];
	_ =	sdelay $0x1  }
0x176: {  	v3 =	vadd.f32 v9, v3  }
0x177: {  	v4 =	vadd.f32 v4, v8  }
0x178: {  	v3 =	vmax.f32 v3, $0.0e+00;
	v5 =	vadd.f32 v5, v7  }
0x179: {  	[tilespmem:s13+$0x18368] =	vst v3;
	v3 =	vmax.f32 v4, $0.0e+00;
	v2 =	vadd.f32 v2, v6  }
0x17a: {  	[tilespmem:s13+$0x18378] =	vst v3;
	v3 =	vmax.f32 v5, $0.0e+00  }
0x17b: {  	[tilespmem:s13+$0x18388] =	vst v3;
	v2 =	vmax.f32 v2, $0.0e+00  }
0x17c: {  	[tilespmem:s13+$0x18398] =	vst v2  }
0x17d: {  	[spmem:s3] =	stream.indirect.scatter.add.f32 [tilespmem:s23], [sflag:$0x2], $0x80, s12, s0, $0xb8;
	[tilespmem:$0x1C7B8] =	vst v63  }
0x17e: {  	_ = 	snop  }
0x17f: {  	[spmem:s4] =	stream.indirect.scatter.add.f32 [tilespmem:s5], [sflag:$0x4], $0x1, s12, s0, $0xb8;
	[tilespmem:$0x1C7B8] =	vst v63  }
0x180: {  	s6 =	simm.s32 $0x13CB8  }
0x181: {  	[tilespmem:s31], [sflag:$0x1] =	stream.indirect.gather [hbm4b:s15+s30], $0x80, s6, s30, $0xb8;
	[tilespmem:$0x1C7B8] =	vst v63  }
0x182: {  	_ =	swait.ge [sflag:s18], $0x2000  }
0x183: {  	[sflag:s18] =	ssyncset.done $0x0  }
0x184: {  	[sflag:s18] =	ssyncadd.s32 $0xFFFFE000  }
0x185: {  	_ =	swait.ge [sflag:s20], $0x40  }
0x186: {  	[sflag:s20] =	ssyncset.done $0x0  }
0x187: {  	[sflag:s20] =	ssyncadd.s32 $0xFFFFFFC0  }
0x188: {  	_ =	swait.ge [sflag:s2], $0x4000  }
0x189: {  	[sflag:s2] =	ssyncset.done $0x0  }
0x18a: {  	s29 =	simm.s32 $0x0;
	[sflag:s2] =	ssyncadd.s32 $0xFFFFC000  }
0x18b: {  	v2 =	vld [tilespmem:s29+$0x143A8]  }
0x18c: {  	v3 =	vld [tilespmem:s29+$0x163A8]  }
0x18d: {  	v4 =	vld [tilespmem:s29+$0x14338]  }
0x18e: {  	v5 =	vld [tilespmem:s29+$0x16338]  }
0x18f: {  	v6 =	vld [tilespmem:s29+$0x14348]  }
0x190: {  	v7 =	vld [tilespmem:s29+$0x16348]  }
0x191: {  	v8 =	vld [tilespmem:s29+$0x14358]  }
0x192: {  	v2 =	vadd.f32 v3, v2;
	v3 =	vld [tilespmem:s29+$0x16358]  }
0x193: {  	v9 =	vld [tilespmem:s29+$0x14368]  }
0x194: {  	v10 =	vld [tilespmem:s29+$0x16368];
	v4 =	vadd.f32 v5, v4  }
0x195: {  	v11 =	vld [tilespmem:s29+$0x14378];
	v2 =	vmax.f32 v2, $0.0e+00  }
0x196: {  	[tilespmem:s29+$0x1A3A8] =	vst v2;
	v2 =	vmax.f32 v4, $0.0e+00;
	v4 =	vadd.f32 v7, v6;
	v7 =	vld [tilespmem:s29+$0x16378]  }
0x197: {  	v5 =	vld [tilespmem:s29+$0x16388];
	v3 =	vadd.f32 v3, v8  }
0x198: {  	[tilespmem:s29+$0x1A338] =	vst v2;
	v2 =	vld [tilespmem:s29+$0x14388];
	v4 =	vmax.f32 v4, $0.0e+00  }
0x199: {  	v6 =	vld [tilespmem:s29+$0x16398];
	v8 =	vadd.f32 v10, v9;
	[tilespmem:s29+$0x1A348] =	vst v4;
	v4 =	vmax.f32 v3, $0.0e+00  }
0x19a: {  	s13 =	simm.s32 $0x80;
	v3 =	vld [tilespmem:s29+$0x14398];
	[tilespmem:s29+$0x1A358] =	vst v4  }
0x19b: {  	s6 =	simm.s32 $0x400;
	v8 =	vmax.f32 v8, $0.0e+00;
	v7 =	vadd.f32 v7, v11;
	v4 =	vld [tilespmem:s13+$0x143A8]  }
.LBB2_16:
0x19c: {  	p2 =	sne.s32 s6, $0x7E00;
	v9 =	vld [tilespmem:s13+$0x163A8];
	[tilespmem:s29+$0x1A368] =	vst v8  }
0x19d: {  	v8 =	vld [tilespmem:s13+$0x14338];
	v7 =	vmax.f32 v7, $0.0e+00;
	v2 =	vadd.f32 v5, v2  }
0x19e: {  	v5 =	vld [tilespmem:s13+$0x16338];
	[tilespmem:s29+$0x1A378] =	vst v7  }
0x19f: {  	v7 =	vld [tilespmem:s13+$0x14348];
	v2 =	vmax.f32 v2, $0.0e+00;
	v3 =	vadd.f32 v6, v3  }
0x1a0: {  	v6 =	vld [tilespmem:s13+$0x16348];
	[tilespmem:s29+$0x1A388] =	vst v2  }
0x1a1: {  	v2 =	vld [tilespmem:s13+$0x14358];
	v4 =	vadd.f32 v9, v4;
	v3 =	vmax.f32 v3, $0.0e+00  }
0x1a2: {  	v9 =	vld [tilespmem:s13+$0x16358];
	[tilespmem:s29+$0x1A398] =	vst v3;
	s29 =	smov.u32 s13  }
0x1a3: {  	v3 =	vadd.f32 v5, v8;
	v8 =	vld [tilespmem:s29+$0x14368];
	v4 =	vmax.f32 v4, $0.0e+00  }
0x1a4: {  	v10 =	vld [tilespmem:s29+$0x16368];
	[tilespmem:s29+$0x1A3A8] =	vst v4  }
0x1a5: {  	v3 =	vmax.f32 v3, $0.0e+00;
	v4 =	vadd.f32 v6, v7;
	v7 =	vld [tilespmem:s29+$0x14378]  }
0x1a6: {  	[tilespmem:s29+$0x1A338] =	vst v3;
	v11 =	vld [tilespmem:s29+$0x16378]  }
.Ltmp9:
0x1a7: {  	v3 =	vmax.f32 v4, $0.0e+00;
	v4 =	vadd.f32 v9, v2;
	v2 =	vld [tilespmem:s29+$0x14388];
	(pc) =	sbr.rel @p2 .LBB2_16-.Ltmp9, $4  }
0x1a8: {  	[tilespmem:s29+$0x1A348] =	vst v3;
	v5 =	vld [tilespmem:s29+$0x16388]  }
0x1a9: {  	v4 =	vmax.f32 v4, $0.0e+00;
	v8 =	vadd.f32 v10, v8;
	v3 =	vld [tilespmem:s29+$0x14398]  }
0x1aa: {  	s13 =	sshra.s32 s6, $0x2;
	[tilespmem:s29+$0x1A358] =	vst v4;
	v6 =	vld [tilespmem:s29+$0x16398]  }
0x1ab: {  	s6 =	sadd.s32 $0x200, s6;
	v4 =	vld [tilespmem:s13+$0x143A8];
	v8 =	vmax.f32 v8, $0.0e+00;
	v7 =	vadd.f32 v11, v7  }
0x1ac: {  	v9 =	vld [tilespmem:s13+$0x163A8];
	[tilespmem:s29+$0x1A368] =	vst v8  }
0x1ad: {  	v8 =	vld [tilespmem:s13+$0x14338];
	v7 =	vmax.f32 v7, $0.0e+00;
	v2 =	vadd.f32 v5, v2  }
0x1ae: {  	v10 =	vld [tilespmem:s13+$0x16338];
	[tilespmem:s29+$0x1A378] =	vst v7  }
0x1af: {  	v5 =	vld [tilespmem:s13+$0x14348];
	v2 =	vmax.f32 v2, $0.0e+00;
	v3 =	vadd.f32 v6, v3  }
0x1b0: {  	v7 =	vld [tilespmem:s13+$0x16348];
	[tilespmem:s29+$0x1A388] =	vst v2  }
0x1b1: {  	v2 =	vld [tilespmem:s13+$0x14358];
	v3 =	vmax.f32 v3, $0.0e+00  }
0x1b2: {  	v6 =	vld [tilespmem:s13+$0x16358];
	v4 =	vadd.f32 v9, v4;
	[tilespmem:s29+$0x1A398] =	vst v3  }
0x1b3: {  	v8 =	vadd.f32 v10, v8;
	v3 =	vld [tilespmem:s13+$0x14368]  }
0x1b4: {  	v4 =	vmax.f32 v4, $0.0e+00;
	v9 =	vld [tilespmem:s13+$0x16368]  }
0x1b5: {  	[tilespmem:s13+$0x1A3A8] =	vst v4;
	v4 =	vmax.f32 v8, $0.0e+00;
	v8 =	vld [tilespmem:s13+$0x14378]  }
0x1b6: {  	v5 =	vadd.f32 v7, v5;
	v7 =	vld [tilespmem:s13+$0x14388]  }
0x1b7: {  	[tilespmem:s13+$0x1A338] =	vst v4;
	v4 =	vld [tilespmem:s13+$0x16378];
	v2 =	vadd.f32 v6, v2  }
0x1b8: {  	v5 =	vmax.f32 v5, $0.0e+00;
	v6 =	vld [tilespmem:s13+$0x14398]  }
0x1b9: {  	[tilespmem:s13+$0x1A348] =	vst v5;
	v5 =	vld [tilespmem:s13+$0x16388];
	v2 =	vmax.f32 v2, $0.0e+00  }
0x1ba: {  	[tilespmem:s13+$0x1A358] =	vst v2;
	v2 =	vld [tilespmem:s13+$0x16398];
	_ =	sdelay $0x1  }
0x1bb: {  	v3 =	vadd.f32 v9, v3  }
0x1bc: {  	v4 =	vadd.f32 v4, v8  }
0x1bd: {  	v3 =	vmax.f32 v3, $0.0e+00;
	v5 =	vadd.f32 v5, v7  }
0x1be: {  	[tilespmem:s13+$0x1A368] =	vst v3;
	v3 =	vmax.f32 v4, $0.0e+00;
	v2 =	vadd.f32 v2, v6  }
0x1bf: {  	[tilespmem:s13+$0x1A378] =	vst v3;
	v3 =	vmax.f32 v5, $0.0e+00  }
0x1c0: {  	[tilespmem:s13+$0x1A388] =	vst v3;
	v2 =	vmax.f32 v2, $0.0e+00  }
0x1c1: {  	[tilespmem:s13+$0x1A398] =	vst v2  }
0x1c2: {  	[spmem:s3] =	stream.indirect.scatter.add.f32 [tilespmem:s8], [sflag:$0x3], $0x80, s21, s0, $0xb8;
	[tilespmem:$0x1C7B8] =	vst v63  }
0x1c3: {  	_ = 	snop  }
0x1c4: {  	[spmem:s4] =	stream.indirect.scatter.add.f32 [tilespmem:s5], [sflag:$0x5], $0x1, s21, s0, $0xb8;
	[tilespmem:$0x1C7B8] =	vst v63  }
0x1c5: {  	s6 =	simm.s32 $0x13D38  }
0x1c6: {  	[tilespmem:s31], [sflag:$0x1] =	stream.indirect.gather [hbm4b:s15+s30], $0x80, s6, s30, $0xb8;
	[tilespmem:$0x1C7B8] =	vst v63  }
0x1c7: {  	_ =	swait.ge [sflag:s10], $0x2000  }
0x1c8: {  	[sflag:s10] =	ssyncset.done $0x0  }
0x1c9: {  	[sflag:s10] =	ssyncadd.s32 $0xFFFFE000  }
0x1ca: {  	_ =	swait.ge [sflag:s11], $0x40  }
0x1cb: {  	[sflag:s11] =	ssyncset.done $0x0  }
0x1cc: {  	[sflag:s11] =	ssyncadd.s32 $0xFFFFFFC0  }
0x1cd: {  	_ =	swait.ge [sflag:s2], $0x4000  }
0x1ce: {  	[sflag:s2] =	ssyncset.done $0x0  }
0x1cf: {  	s29 =	simm.s32 $0x0;
	[sflag:s2] =	ssyncadd.s32 $0xFFFFC000  }
0x1d0: {  	v2 =	vld [tilespmem:s29+$0x143A8]  }
0x1d1: {  	v3 =	vld [tilespmem:s29+$0x163A8]  }
0x1d2: {  	v4 =	vld [tilespmem:s29+$0x14338]  }
0x1d3: {  	v5 =	vld [tilespmem:s29+$0x16338]  }
0x1d4: {  	v6 =	vld [tilespmem:s29+$0x14348]  }
0x1d5: {  	v7 =	vld [tilespmem:s29+$0x16348]  }
0x1d6: {  	v8 =	vld [tilespmem:s29+$0x14358]  }
0x1d7: {  	v2 =	vadd.f32 v3, v2;
	v3 =	vld [tilespmem:s29+$0x16358]  }
0x1d8: {  	v9 =	vld [tilespmem:s29+$0x14368]  }
0x1d9: {  	v10 =	vld [tilespmem:s29+$0x16368];
	v4 =	vadd.f32 v5, v4  }
0x1da: {  	v11 =	vld [tilespmem:s29+$0x14378];
	v2 =	vmax.f32 v2, $0.0e+00  }
0x1db: {  	[tilespmem:s29+$0x183A8] =	vst v2;
	v2 =	vmax.f32 v4, $0.0e+00;
	v4 =	vadd.f32 v7, v6;
	v7 =	vld [tilespmem:s29+$0x16378]  }
0x1dc: {  	v5 =	vld [tilespmem:s29+$0x16388];
	v3 =	vadd.f32 v3, v8  }
0x1dd: {  	[tilespmem:s29+$0x18338] =	vst v2;
	v2 =	vld [tilespmem:s29+$0x14388];
	v4 =	vmax.f32 v4, $0.0e+00  }
0x1de: {  	v6 =	vld [tilespmem:s29+$0x16398];
	v8 =	vadd.f32 v10, v9;
	[tilespmem:s29+$0x18348] =	vst v4;
	v4 =	vmax.f32 v3, $0.0e+00  }
0x1df: {  	s13 =	simm.s32 $0x80;
	v3 =	vld [tilespmem:s29+$0x14398];
	[tilespmem:s29+$0x18358] =	vst v4  }
0x1e0: {  	s6 =	simm.s32 $0x400;
	v8 =	vmax.f32 v8, $0.0e+00;
	v7 =	vadd.f32 v7, v11;
	v4 =	vld [tilespmem:s13+$0x143A8]  }
.LBB2_18:
0x1e1: {  	p2 =	sne.s32 s6, $0x7E00;
	v9 =	vld [tilespmem:s13+$0x163A8];
	[tilespmem:s29+$0x18368] =	vst v8  }
0x1e2: {  	v8 =	vld [tilespmem:s13+$0x14338];
	v7 =	vmax.f32 v7, $0.0e+00;
	v2 =	vadd.f32 v5, v2  }
0x1e3: {  	v5 =	vld [tilespmem:s13+$0x16338];
	[tilespmem:s29+$0x18378] =	vst v7  }
0x1e4: {  	v7 =	vld [tilespmem:s13+$0x14348];
	v2 =	vmax.f32 v2, $0.0e+00;
	v3 =	vadd.f32 v6, v3  }
0x1e5: {  	v6 =	vld [tilespmem:s13+$0x16348];
	[tilespmem:s29+$0x18388] =	vst v2  }
0x1e6: {  	v2 =	vld [tilespmem:s13+$0x14358];
	v4 =	vadd.f32 v9, v4;
	v3 =	vmax.f32 v3, $0.0e+00  }
0x1e7: {  	v9 =	vld [tilespmem:s13+$0x16358];
	[tilespmem:s29+$0x18398] =	vst v3;
	s29 =	smov.u32 s13  }
0x1e8: {  	v3 =	vadd.f32 v5, v8;
	v8 =	vld [tilespmem:s29+$0x14368];
	v4 =	vmax.f32 v4, $0.0e+00  }
0x1e9: {  	v10 =	vld [tilespmem:s29+$0x16368];
	[tilespmem:s29+$0x183A8] =	vst v4  }
0x1ea: {  	v3 =	vmax.f32 v3, $0.0e+00;
	v4 =	vadd.f32 v6, v7;
	v7 =	vld [tilespmem:s29+$0x14378]  }
0x1eb: {  	[tilespmem:s29+$0x18338] =	vst v3;
	v11 =	vld [tilespmem:s29+$0x16378]  }
.Ltmp10:
0x1ec: {  	v3 =	vmax.f32 v4, $0.0e+00;
	v4 =	vadd.f32 v9, v2;
	v2 =	vld [tilespmem:s29+$0x14388];
	(pc) =	sbr.rel @p2 .LBB2_18-.Ltmp10, $4  }
0x1ed: {  	[tilespmem:s29+$0x18348] =	vst v3;
	v5 =	vld [tilespmem:s29+$0x16388]  }
0x1ee: {  	v4 =	vmax.f32 v4, $0.0e+00;
	v8 =	vadd.f32 v10, v8;
	v3 =	vld [tilespmem:s29+$0x14398]  }
0x1ef: {  	s13 =	sshra.s32 s6, $0x2;
	[tilespmem:s29+$0x18358] =	vst v4;
	v6 =	vld [tilespmem:s29+$0x16398]  }
0x1f0: {  	s6 =	sadd.s32 $0x200, s6;
	v4 =	vld [tilespmem:s13+$0x143A8];
	v8 =	vmax.f32 v8, $0.0e+00;
	v7 =	vadd.f32 v11, v7  }
0x1f1: {  	v9 =	vld [tilespmem:s13+$0x163A8];
	[tilespmem:s29+$0x18368] =	vst v8  }
0x1f2: {  	v8 =	vld [tilespmem:s13+$0x14338];
	v7 =	vmax.f32 v7, $0.0e+00;
	v2 =	vadd.f32 v5, v2  }
0x1f3: {  	v10 =	vld [tilespmem:s13+$0x16338];
	[tilespmem:s29+$0x18378] =	vst v7  }
0x1f4: {  	v5 =	vld [tilespmem:s13+$0x14348];
	v2 =	vmax.f32 v2, $0.0e+00;
	v3 =	vadd.f32 v6, v3  }
0x1f5: {  	v7 =	vld [tilespmem:s13+$0x16348];
	[tilespmem:s29+$0x18388] =	vst v2  }
0x1f6: {  	v2 =	vld [tilespmem:s13+$0x14358];
	v3 =	vmax.f32 v3, $0.0e+00  }
0x1f7: {  	v6 =	vld [tilespmem:s13+$0x16358];
	v4 =	vadd.f32 v9, v4;
	[tilespmem:s29+$0x18398] =	vst v3  }
0x1f8: {  	v8 =	vadd.f32 v10, v8;
	v3 =	vld [tilespmem:s13+$0x14368]  }
0x1f9: {  	v4 =	vmax.f32 v4, $0.0e+00;
	v9 =	vld [tilespmem:s13+$0x16368]  }
0x1fa: {  	[tilespmem:s13+$0x183A8] =	vst v4;
	v4 =	vmax.f32 v8, $0.0e+00;
	v8 =	vld [tilespmem:s13+$0x14378]  }
0x1fb: {  	v5 =	vadd.f32 v7, v5;
	v7 =	vld [tilespmem:s13+$0x14388]  }
0x1fc: {  	[tilespmem:s13+$0x18338] =	vst v4;
	v4 =	vld [tilespmem:s13+$0x16378];
	v2 =	vadd.f32 v6, v2  }
0x1fd: {  	v5 =	vmax.f32 v5, $0.0e+00;
	v6 =	vld [tilespmem:s13+$0x14398]  }
0x1fe: {  	[tilespmem:s13+$0x18348] =	vst v5;
	v5 =	vld [tilespmem:s13+$0x16388];
	v2 =	vmax.f32 v2, $0.0e+00  }
0x1ff: {  	[tilespmem:s13+$0x18358] =	vst v2;
	v2 =	vld [tilespmem:s13+$0x16398];
	_ =	sdelay $0x1  }
0x200: {  	v3 =	vadd.f32 v9, v3  }
0x201: {  	v4 =	vadd.f32 v4, v8  }
0x202: {  	v3 =	vmax.f32 v3, $0.0e+00;
	v5 =	vadd.f32 v5, v7  }
0x203: {  	[tilespmem:s13+$0x18368] =	vst v3;
	v3 =	vmax.f32 v4, $0.0e+00;
	v2 =	vadd.f32 v2, v6  }
0x204: {  	[tilespmem:s13+$0x18378] =	vst v3;
	v3 =	vmax.f32 v5, $0.0e+00  }
0x205: {  	[tilespmem:s13+$0x18388] =	vst v3;
	v2 =	vmax.f32 v2, $0.0e+00  }
0x206: {  	[tilespmem:s13+$0x18398] =	vst v2  }
0x207: {  	[spmem:s3] =	stream.indirect.scatter.add.f32 [tilespmem:s23], [sflag:$0x2], $0x80, s25, s0, $0xb8;
	[tilespmem:$0x1C7B8] =	vst v63  }
0x208: {  	_ = 	snop  }
0x209: {  	[spmem:s4] =	stream.indirect.scatter.add.f32 [tilespmem:s5], [sflag:$0x4], $0x1, s25, s0, $0xb8;
	[tilespmem:$0x1C7B8] =	vst v63  }
0x20a: {  	s6 =	simm.s32 $0x13DB8  }
0x20b: {  	[tilespmem:s31], [sflag:$0x1] =	stream.indirect.gather [hbm4b:s15+s30], $0x80, s6, s30, $0xb8;
	[tilespmem:$0x1C7B8] =	vst v63  }
0x20c: {  	_ =	swait.ge [sflag:s18], $0x2000  }
0x20d: {  	[sflag:s18] =	ssyncset.done $0x0  }
0x20e: {  	[sflag:s18] =	ssyncadd.s32 $0xFFFFE000  }
0x20f: {  	_ =	swait.ge [sflag:s20], $0x40  }
0x210: {  	[sflag:s20] =	ssyncset.done $0x0  }
0x211: {  	[sflag:s20] =	ssyncadd.s32 $0xFFFFFFC0  }
0x212: {  	_ =	swait.ge [sflag:s2], $0x4000  }
0x213: {  	[sflag:s2] =	ssyncset.done $0x0  }
0x214: {  	s29 =	simm.s32 $0x0;
	[sflag:s2] =	ssyncadd.s32 $0xFFFFC000  }
0x215: {  	v2 =	vld [tilespmem:s29+$0x143A8]  }
0x216: {  	v3 =	vld [tilespmem:s29+$0x163A8]  }
0x217: {  	v4 =	vld [tilespmem:s29+$0x14338]  }
0x218: {  	v5 =	vld [tilespmem:s29+$0x16338]  }
0x219: {  	v6 =	vld [tilespmem:s29+$0x14348]  }
0x21a: {  	v7 =	vld [tilespmem:s29+$0x16348]  }
0x21b: {  	v8 =	vld [tilespmem:s29+$0x14358]  }
0x21c: {  	v2 =	vadd.f32 v3, v2;
	v3 =	vld [tilespmem:s29+$0x16358]  }
0x21d: {  	v9 =	vld [tilespmem:s29+$0x14368]  }
0x21e: {  	v10 =	vld [tilespmem:s29+$0x16368];
	v4 =	vadd.f32 v5, v4  }
0x21f: {  	v11 =	vld [tilespmem:s29+$0x14378];
	v2 =	vmax.f32 v2, $0.0e+00  }
0x220: {  	[tilespmem:s29+$0x1A3A8] =	vst v2;
	v2 =	vmax.f32 v4, $0.0e+00;
	v4 =	vadd.f32 v7, v6;
	v7 =	vld [tilespmem:s29+$0x16378]  }
0x221: {  	v5 =	vld [tilespmem:s29+$0x16388];
	v3 =	vadd.f32 v3, v8  }
0x222: {  	[tilespmem:s29+$0x1A338] =	vst v2;
	v2 =	vld [tilespmem:s29+$0x14388];
	v4 =	vmax.f32 v4, $0.0e+00  }
0x223: {  	v6 =	vld [tilespmem:s29+$0x16398];
	v8 =	vadd.f32 v10, v9;
	[tilespmem:s29+$0x1A348] =	vst v4;
	v4 =	vmax.f32 v3, $0.0e+00  }
0x224: {  	s13 =	simm.s32 $0x80;
	v3 =	vld [tilespmem:s29+$0x14398];
	[tilespmem:s29+$0x1A358] =	vst v4  }
0x225: {  	s6 =	simm.s32 $0x400;
	v8 =	vmax.f32 v8, $0.0e+00;
	v7 =	vadd.f32 v7, v11;
	v4 =	vld [tilespmem:s13+$0x143A8]  }
.LBB2_20:
0x226: {  	p2 =	sne.s32 s6, $0x7E00;
	v9 =	vld [tilespmem:s13+$0x163A8];
	[tilespmem:s29+$0x1A368] =	vst v8  }
0x227: {  	v8 =	vld [tilespmem:s13+$0x14338];
	v7 =	vmax.f32 v7, $0.0e+00;
	v2 =	vadd.f32 v5, v2  }
0x228: {  	v5 =	vld [tilespmem:s13+$0x16338];
	[tilespmem:s29+$0x1A378] =	vst v7  }
0x229: {  	v7 =	vld [tilespmem:s13+$0x14348];
	v2 =	vmax.f32 v2, $0.0e+00;
	v3 =	vadd.f32 v6, v3  }
0x22a: {  	v6 =	vld [tilespmem:s13+$0x16348];
	[tilespmem:s29+$0x1A388] =	vst v2  }
0x22b: {  	v2 =	vld [tilespmem:s13+$0x14358];
	v4 =	vadd.f32 v9, v4;
	v3 =	vmax.f32 v3, $0.0e+00  }
0x22c: {  	v9 =	vld [tilespmem:s13+$0x16358];
	[tilespmem:s29+$0x1A398] =	vst v3;
	s29 =	smov.u32 s13  }
0x22d: {  	v3 =	vadd.f32 v5, v8;
	v8 =	vld [tilespmem:s29+$0x14368];
	v4 =	vmax.f32 v4, $0.0e+00  }
0x22e: {  	v10 =	vld [tilespmem:s29+$0x16368];
	[tilespmem:s29+$0x1A3A8] =	vst v4  }
0x22f: {  	v3 =	vmax.f32 v3, $0.0e+00;
	v4 =	vadd.f32 v6, v7;
	v7 =	vld [tilespmem:s29+$0x14378]  }
0x230: {  	[tilespmem:s29+$0x1A338] =	vst v3;
	v11 =	vld [tilespmem:s29+$0x16378]  }
.Ltmp11:
0x231: {  	v3 =	vmax.f32 v4, $0.0e+00;
	v4 =	vadd.f32 v9, v2;
	v2 =	vld [tilespmem:s29+$0x14388];
	(pc) =	sbr.rel @p2 .LBB2_20-.Ltmp11, $4  }
0x232: {  	[tilespmem:s29+$0x1A348] =	vst v3;
	v5 =	vld [tilespmem:s29+$0x16388]  }
0x233: {  	v4 =	vmax.f32 v4, $0.0e+00;
	v8 =	vadd.f32 v10, v8;
	v3 =	vld [tilespmem:s29+$0x14398]  }
0x234: {  	s13 =	sshra.s32 s6, $0x2;
	[tilespmem:s29+$0x1A358] =	vst v4;
	v6 =	vld [tilespmem:s29+$0x16398]  }
0x235: {  	s6 =	sadd.s32 $0x200, s6;
	v4 =	vld [tilespmem:s13+$0x143A8];
	v8 =	vmax.f32 v8, $0.0e+00;
	v7 =	vadd.f32 v11, v7  }
0x236: {  	v9 =	vld [tilespmem:s13+$0x163A8];
	[tilespmem:s29+$0x1A368] =	vst v8  }
0x237: {  	v8 =	vld [tilespmem:s13+$0x14338];
	v7 =	vmax.f32 v7, $0.0e+00;
	v2 =	vadd.f32 v5, v2  }
0x238: {  	v10 =	vld [tilespmem:s13+$0x16338];
	[tilespmem:s29+$0x1A378] =	vst v7  }
0x239: {  	v5 =	vld [tilespmem:s13+$0x14348];
	v2 =	vmax.f32 v2, $0.0e+00;
	v3 =	vadd.f32 v6, v3  }
0x23a: {  	v7 =	vld [tilespmem:s13+$0x16348];
	[tilespmem:s29+$0x1A388] =	vst v2  }
0x23b: {  	v2 =	vld [tilespmem:s13+$0x14358];
	v3 =	vmax.f32 v3, $0.0e+00  }
0x23c: {  	v6 =	vld [tilespmem:s13+$0x16358];
	v4 =	vadd.f32 v9, v4;
	[tilespmem:s29+$0x1A398] =	vst v3  }
0x23d: {  	v8 =	vadd.f32 v10, v8;
	v3 =	vld [tilespmem:s13+$0x14368]  }
0x23e: {  	v4 =	vmax.f32 v4, $0.0e+00;
	v9 =	vld [tilespmem:s13+$0x16368]  }
0x23f: {  	[tilespmem:s13+$0x1A3A8] =	vst v4;
	v4 =	vmax.f32 v8, $0.0e+00;
	v8 =	vld [tilespmem:s13+$0x14378]  }
0x240: {  	v5 =	vadd.f32 v7, v5;
	v7 =	vld [tilespmem:s13+$0x14388]  }
0x241: {  	[tilespmem:s13+$0x1A338] =	vst v4;
	v4 =	vld [tilespmem:s13+$0x16378];
	v2 =	vadd.f32 v6, v2  }
0x242: {  	v5 =	vmax.f32 v5, $0.0e+00;
	v6 =	vld [tilespmem:s13+$0x14398]  }
0x243: {  	[tilespmem:s13+$0x1A348] =	vst v5;
	v5 =	vld [tilespmem:s13+$0x16388];
	v2 =	vmax.f32 v2, $0.0e+00  }
0x244: {  	[tilespmem:s13+$0x1A358] =	vst v2;
	v2 =	vld [tilespmem:s13+$0x16398];
	_ =	sdelay $0x1  }
0x245: {  	v3 =	vadd.f32 v9, v3  }
0x246: {  	v4 =	vadd.f32 v4, v8  }
0x247: {  	v3 =	vmax.f32 v3, $0.0e+00;
	v5 =	vadd.f32 v5, v7  }
0x248: {  	[tilespmem:s13+$0x1A368] =	vst v3;
	v3 =	vmax.f32 v4, $0.0e+00;
	v2 =	vadd.f32 v2, v6  }
0x249: {  	[tilespmem:s13+$0x1A378] =	vst v3;
	v3 =	vmax.f32 v5, $0.0e+00  }
0x24a: {  	[tilespmem:s13+$0x1A388] =	vst v3;
	v2 =	vmax.f32 v2, $0.0e+00  }
0x24b: {  	[tilespmem:s13+$0x1A398] =	vst v2  }
0x24c: {  	[spmem:s3] =	stream.indirect.scatter.add.f32 [tilespmem:s8], [sflag:$0x3], $0x80, s17, s0, $0xb8;
	[tilespmem:$0x1C7B8] =	vst v63  }
0x24d: {  	_ = 	snop  }
0x24e: {  	[spmem:s4] =	stream.indirect.scatter.add.f32 [tilespmem:s5], [sflag:$0x5], $0x1, s17, s0, $0xb8;
	[tilespmem:$0x1C7B8] =	vst v63  }
0x24f: {  	s6 =	simm.s32 $0x13E38  }
0x250: {  	[tilespmem:s31], [sflag:$0x1] =	stream.indirect.gather [hbm4b:s15+s30], $0x80, s6, s30, $0xb8;
	[tilespmem:$0x1C7B8] =	vst v63  }
0x251: {  	_ =	swait.ge [sflag:s10], $0x2000  }
0x252: {  	[sflag:s10] =	ssyncset.done $0x0  }
0x253: {  	[sflag:s10] =	ssyncadd.s32 $0xFFFFE000  }
0x254: {  	_ =	swait.ge [sflag:s11], $0x40  }
0x255: {  	[sflag:s11] =	ssyncset.done $0x0  }
0x256: {  	[sflag:s11] =	ssyncadd.s32 $0xFFFFFFC0  }
0x257: {  	_ =	swait.ge [sflag:s2], $0x4000  }
0x258: {  	[sflag:s2] =	ssyncset.done $0x0  }
0x259: {  	s29 =	simm.s32 $0x0;
	[sflag:s2] =	ssyncadd.s32 $0xFFFFC000  }
0x25a: {  	v2 =	vld [tilespmem:s29+$0x143A8]  }
0x25b: {  	v3 =	vld [tilespmem:s29+$0x163A8]  }
0x25c: {  	v4 =	vld [tilespmem:s29+$0x14338]  }
0x25d: {  	v5 =	vld [tilespmem:s29+$0x16338]  }
0x25e: {  	v6 =	vld [tilespmem:s29+$0x14348]  }
0x25f: {  	v7 =	vld [tilespmem:s29+$0x16348]  }
0x260: {  	v8 =	vld [tilespmem:s29+$0x14358]  }
0x261: {  	v2 =	vadd.f32 v3, v2;
	v3 =	vld [tilespmem:s29+$0x16358]  }
0x262: {  	v9 =	vld [tilespmem:s29+$0x14368]  }
0x263: {  	v10 =	vld [tilespmem:s29+$0x16368];
	v4 =	vadd.f32 v5, v4  }
0x264: {  	v11 =	vld [tilespmem:s29+$0x14378];
	v2 =	vmax.f32 v2, $0.0e+00  }
0x265: {  	[tilespmem:s29+$0x183A8] =	vst v2;
	v2 =	vmax.f32 v4, $0.0e+00;
	v4 =	vadd.f32 v7, v6;
	v7 =	vld [tilespmem:s29+$0x16378]  }
0x266: {  	v5 =	vld [tilespmem:s29+$0x16388];
	v3 =	vadd.f32 v3, v8  }
0x267: {  	[tilespmem:s29+$0x18338] =	vst v2;
	v2 =	vld [tilespmem:s29+$0x14388];
	v4 =	vmax.f32 v4, $0.0e+00  }
0x268: {  	v6 =	vld [tilespmem:s29+$0x16398];
	v8 =	vadd.f32 v10, v9;
	[tilespmem:s29+$0x18348] =	vst v4;
	v4 =	vmax.f32 v3, $0.0e+00  }
0x269: {  	s13 =	simm.s32 $0x80;
	v3 =	vld [tilespmem:s29+$0x14398];
	[tilespmem:s29+$0x18358] =	vst v4  }
0x26a: {  	s6 =	simm.s32 $0x400;
	v8 =	vmax.f32 v8, $0.0e+00;
	v7 =	vadd.f32 v7, v11;
	v4 =	vld [tilespmem:s13+$0x143A8]  }
.LBB2_22:
0x26b: {  	p2 =	sne.s32 s6, $0x7E00;
	v9 =	vld [tilespmem:s13+$0x163A8];
	[tilespmem:s29+$0x18368] =	vst v8  }
0x26c: {  	v8 =	vld [tilespmem:s13+$0x14338];
	v7 =	vmax.f32 v7, $0.0e+00;
	v2 =	vadd.f32 v5, v2  }
0x26d: {  	v5 =	vld [tilespmem:s13+$0x16338];
	[tilespmem:s29+$0x18378] =	vst v7  }
0x26e: {  	v7 =	vld [tilespmem:s13+$0x14348];
	v2 =	vmax.f32 v2, $0.0e+00;
	v3 =	vadd.f32 v6, v3  }
0x26f: {  	v6 =	vld [tilespmem:s13+$0x16348];
	[tilespmem:s29+$0x18388] =	vst v2  }
0x270: {  	v2 =	vld [tilespmem:s13+$0x14358];
	v4 =	vadd.f32 v9, v4;
	v3 =	vmax.f32 v3, $0.0e+00  }
0x271: {  	v9 =	vld [tilespmem:s13+$0x16358];
	[tilespmem:s29+$0x18398] =	vst v3;
	s29 =	smov.u32 s13  }
0x272: {  	v3 =	vadd.f32 v5, v8;
	v8 =	vld [tilespmem:s29+$0x14368];
	v4 =	vmax.f32 v4, $0.0e+00  }
0x273: {  	v10 =	vld [tilespmem:s29+$0x16368];
	[tilespmem:s29+$0x183A8] =	vst v4  }
0x274: {  	v3 =	vmax.f32 v3, $0.0e+00;
	v4 =	vadd.f32 v6, v7;
	v7 =	vld [tilespmem:s29+$0x14378]  }
0x275: {  	[tilespmem:s29+$0x18338] =	vst v3;
	v11 =	vld [tilespmem:s29+$0x16378]  }
.Ltmp12:
0x276: {  	v3 =	vmax.f32 v4, $0.0e+00;
	v4 =	vadd.f32 v9, v2;
	v2 =	vld [tilespmem:s29+$0x14388];
	(pc) =	sbr.rel @p2 .LBB2_22-.Ltmp12, $4  }
0x277: {  	[tilespmem:s29+$0x18348] =	vst v3;
	v5 =	vld [tilespmem:s29+$0x16388]  }
0x278: {  	v4 =	vmax.f32 v4, $0.0e+00;
	v8 =	vadd.f32 v10, v8;
	v3 =	vld [tilespmem:s29+$0x14398]  }
0x279: {  	s13 =	sshra.s32 s6, $0x2;
	[tilespmem:s29+$0x18358] =	vst v4;
	v6 =	vld [tilespmem:s29+$0x16398]  }
0x27a: {  	s6 =	sadd.s32 $0x200, s6;
	v4 =	vld [tilespmem:s13+$0x143A8];
	v8 =	vmax.f32 v8, $0.0e+00;
	v7 =	vadd.f32 v11, v7  }
0x27b: {  	v9 =	vld [tilespmem:s13+$0x163A8];
	[tilespmem:s29+$0x18368] =	vst v8  }
0x27c: {  	v8 =	vld [tilespmem:s13+$0x14338];
	v7 =	vmax.f32 v7, $0.0e+00;
	v2 =	vadd.f32 v5, v2  }
0x27d: {  	v10 =	vld [tilespmem:s13+$0x16338];
	[tilespmem:s29+$0x18378] =	vst v7  }
0x27e: {  	v5 =	vld [tilespmem:s13+$0x14348];
	v2 =	vmax.f32 v2, $0.0e+00;
	v3 =	vadd.f32 v6, v3  }
0x27f: {  	v7 =	vld [tilespmem:s13+$0x16348];
	[tilespmem:s29+$0x18388] =	vst v2  }
0x280: {  	v2 =	vld [tilespmem:s13+$0x14358];
	v3 =	vmax.f32 v3, $0.0e+00  }
0x281: {  	v6 =	vld [tilespmem:s13+$0x16358];
	v4 =	vadd.f32 v9, v4;
	[tilespmem:s29+$0x18398] =	vst v3  }
0x282: {  	v8 =	vadd.f32 v10, v8;
	v3 =	vld [tilespmem:s13+$0x14368]  }
0x283: {  	v4 =	vmax.f32 v4, $0.0e+00;
	v9 =	vld [tilespmem:s13+$0x16368]  }
0x284: {  	[tilespmem:s13+$0x183A8] =	vst v4;
	v4 =	vmax.f32 v8, $0.0e+00;
	v8 =	vld [tilespmem:s13+$0x14378]  }
0x285: {  	v5 =	vadd.f32 v7, v5;
	v7 =	vld [tilespmem:s13+$0x14388]  }
0x286: {  	[tilespmem:s13+$0x18338] =	vst v4;
	v4 =	vld [tilespmem:s13+$0x16378];
	v2 =	vadd.f32 v6, v2  }
0x287: {  	v5 =	vmax.f32 v5, $0.0e+00;
	v6 =	vld [tilespmem:s13+$0x14398]  }
0x288: {  	[tilespmem:s13+$0x18348] =	vst v5;
	v5 =	vld [tilespmem:s13+$0x16388];
	v2 =	vmax.f32 v2, $0.0e+00  }
0x289: {  	[tilespmem:s13+$0x18358] =	vst v2;
	v2 =	vld [tilespmem:s13+$0x16398];
	_ =	sdelay $0x1  }
0x28a: {  	v3 =	vadd.f32 v9, v3  }
0x28b: {  	v4 =	vadd.f32 v4, v8  }
0x28c: {  	v3 =	vmax.f32 v3, $0.0e+00;
	v5 =	vadd.f32 v5, v7  }
0x28d: {  	[tilespmem:s13+$0x18368] =	vst v3;
	v3 =	vmax.f32 v4, $0.0e+00;
	v2 =	vadd.f32 v2, v6  }
0x28e: {  	[tilespmem:s13+$0x18378] =	vst v3;
	v3 =	vmax.f32 v5, $0.0e+00  }
0x28f: {  	[tilespmem:s13+$0x18388] =	vst v3;
	v2 =	vmax.f32 v2, $0.0e+00  }
0x290: {  	[tilespmem:s13+$0x18398] =	vst v2  }
0x291: {  	[spmem:s3] =	stream.indirect.scatter.add.f32 [tilespmem:s23], [sflag:$0x2], $0x80, s1, s0, $0xb8;
	[tilespmem:$0x1C7B8] =	vst v63  }
0x292: {  	_ = 	snop  }
0x293: {  	[spmem:s4] =	stream.indirect.scatter.add.f32 [tilespmem:s5], [sflag:$0x4], $0x1, s1, s0, $0xb8;
	[tilespmem:$0x1C7B8] =	vst v63  }
0x294: {  	s6 =	simm.s32 $0x13EB8  }
0x295: {  	[tilespmem:s31], [sflag:$0x1] =	stream.indirect.gather [hbm4b:s15+s30], $0x80, s6, s30, $0xb8;
	[tilespmem:$0x1C7B8] =	vst v63  }
0x296: {  	_ =	swait.ge [sflag:s18], $0x2000  }
0x297: {  	[sflag:s18] =	ssyncset.done $0x0  }
0x298: {  	[sflag:s18] =	ssyncadd.s32 $0xFFFFE000  }
0x299: {  	_ =	swait.ge [sflag:s20], $0x40  }
0x29a: {  	[sflag:s20] =	ssyncset.done $0x0  }
0x29b: {  	[sflag:s20] =	ssyncadd.s32 $0xFFFFFFC0  }
0x29c: {  	_ =	swait.ge [sflag:s2], $0x4000  }
0x29d: {  	[sflag:s2] =	ssyncset.done $0x0  }
0x29e: {  	s29 =	simm.s32 $0x0;
	[sflag:s2] =	ssyncadd.s32 $0xFFFFC000  }
0x29f: {  	v2 =	vld [tilespmem:s29+$0x143A8]  }
0x2a0: {  	v3 =	vld [tilespmem:s29+$0x163A8]  }
0x2a1: {  	v4 =	vld [tilespmem:s29+$0x14338]  }
0x2a2: {  	v5 =	vld [tilespmem:s29+$0x16338]  }
0x2a3: {  	v6 =	vld [tilespmem:s29+$0x14348]  }
0x2a4: {  	v7 =	vld [tilespmem:s29+$0x16348]  }
0x2a5: {  	v8 =	vld [tilespmem:s29+$0x14358]  }
0x2a6: {  	v2 =	vadd.f32 v3, v2;
	v3 =	vld [tilespmem:s29+$0x16358]  }
0x2a7: {  	v9 =	vld [tilespmem:s29+$0x14368]  }
0x2a8: {  	v10 =	vld [tilespmem:s29+$0x16368];
	v4 =	vadd.f32 v5, v4  }
0x2a9: {  	v11 =	vld [tilespmem:s29+$0x14378];
	v2 =	vmax.f32 v2, $0.0e+00  }
0x2aa: {  	[tilespmem:s29+$0x1A3A8] =	vst v2;
	v2 =	vmax.f32 v4, $0.0e+00;
	v4 =	vadd.f32 v7, v6;
	v7 =	vld [tilespmem:s29+$0x16378]  }
0x2ab: {  	v5 =	vld [tilespmem:s29+$0x16388];
	v3 =	vadd.f32 v3, v8  }
0x2ac: {  	[tilespmem:s29+$0x1A338] =	vst v2;
	v2 =	vld [tilespmem:s29+$0x14388];
	v4 =	vmax.f32 v4, $0.0e+00  }
0x2ad: {  	v6 =	vld [tilespmem:s29+$0x16398];
	v8 =	vadd.f32 v10, v9;
	[tilespmem:s29+$0x1A348] =	vst v4;
	v4 =	vmax.f32 v3, $0.0e+00  }
0x2ae: {  	s13 =	simm.s32 $0x80;
	v3 =	vld [tilespmem:s29+$0x14398];
	[tilespmem:s29+$0x1A358] =	vst v4  }
0x2af: {  	s6 =	simm.s32 $0x400;
	v8 =	vmax.f32 v8, $0.0e+00;
	v7 =	vadd.f32 v7, v11;
	v4 =	vld [tilespmem:s13+$0x143A8]  }
.LBB2_24:
0x2b0: {  	p2 =	sne.s32 s6, $0x7E00;
	v9 =	vld [tilespmem:s13+$0x163A8];
	[tilespmem:s29+$0x1A368] =	vst v8  }
0x2b1: {  	v8 =	vld [tilespmem:s13+$0x14338];
	v7 =	vmax.f32 v7, $0.0e+00;
	v2 =	vadd.f32 v5, v2  }
0x2b2: {  	v5 =	vld [tilespmem:s13+$0x16338];
	[tilespmem:s29+$0x1A378] =	vst v7  }
0x2b3: {  	v7 =	vld [tilespmem:s13+$0x14348];
	v2 =	vmax.f32 v2, $0.0e+00;
	v3 =	vadd.f32 v6, v3  }
0x2b4: {  	v6 =	vld [tilespmem:s13+$0x16348];
	[tilespmem:s29+$0x1A388] =	vst v2  }
0x2b5: {  	v2 =	vld [tilespmem:s13+$0x14358];
	v4 =	vadd.f32 v9, v4;
	v3 =	vmax.f32 v3, $0.0e+00  }
0x2b6: {  	v9 =	vld [tilespmem:s13+$0x16358];
	[tilespmem:s29+$0x1A398] =	vst v3;
	s29 =	smov.u32 s13  }
0x2b7: {  	v3 =	vadd.f32 v5, v8;
	v8 =	vld [tilespmem:s29+$0x14368];
	v4 =	vmax.f32 v4, $0.0e+00  }
0x2b8: {  	v10 =	vld [tilespmem:s29+$0x16368];
	[tilespmem:s29+$0x1A3A8] =	vst v4  }
0x2b9: {  	v3 =	vmax.f32 v3, $0.0e+00;
	v4 =	vadd.f32 v6, v7;
	v7 =	vld [tilespmem:s29+$0x14378]  }
0x2ba: {  	[tilespmem:s29+$0x1A338] =	vst v3;
	v11 =	vld [tilespmem:s29+$0x16378]  }
.Ltmp13:
0x2bb: {  	v3 =	vmax.f32 v4, $0.0e+00;
	v4 =	vadd.f32 v9, v2;
	v2 =	vld [tilespmem:s29+$0x14388];
	(pc) =	sbr.rel @p2 .LBB2_24-.Ltmp13, $4  }
0x2bc: {  	[tilespmem:s29+$0x1A348] =	vst v3;
	v5 =	vld [tilespmem:s29+$0x16388]  }
0x2bd: {  	v4 =	vmax.f32 v4, $0.0e+00;
	v8 =	vadd.f32 v10, v8;
	v3 =	vld [tilespmem:s29+$0x14398]  }
0x2be: {  	s13 =	sshra.s32 s6, $0x2;
	[tilespmem:s29+$0x1A358] =	vst v4;
	v6 =	vld [tilespmem:s29+$0x16398]  }
0x2bf: {  	s6 =	sadd.s32 $0x200, s6;
	v4 =	vld [tilespmem:s13+$0x143A8];
	v8 =	vmax.f32 v8, $0.0e+00;
	v7 =	vadd.f32 v11, v7  }
0x2c0: {  	v9 =	vld [tilespmem:s13+$0x163A8];
	[tilespmem:s29+$0x1A368] =	vst v8  }
0x2c1: {  	v8 =	vld [tilespmem:s13+$0x14338];
	v7 =	vmax.f32 v7, $0.0e+00;
	v2 =	vadd.f32 v5, v2  }
0x2c2: {  	v10 =	vld [tilespmem:s13+$0x16338];
	[tilespmem:s29+$0x1A378] =	vst v7  }
0x2c3: {  	v55 =	vld [tilespmem:s13+$0x14348];
	v2 =	vmax.f32 v2, $0.0e+00;
	v3 =	vadd.f32 v6, v3  }
0x2c4: {  	v7 =	vld [tilespmem:s13+$0x16348];
	[tilespmem:s29+$0x1A388] =	vst v2  }
0x2c5: {  	v2 =	vld [tilespmem:s13+$0x14358];
	v3 =	vmax.f32 v3, $0.0e+00  }
0x2c6: {  	v56 =	vld [tilespmem:s13+$0x16358];
	[tilespmem:s29+$0x1A398] =	vst v3  }
0x2c7: {  	v3 =	vld [tilespmem:s13+$0x14368]  }
0x2c8: {  	v57 =	vld [tilespmem:s13+$0x16368]  }
0x2c9: {  	v59 =	vld [tilespmem:s13+$0x14378]  }
0x2ca: {  	v60 =	vld [tilespmem:s13+$0x16378]  }
0x2cb: {  	v61 =	vld [tilespmem:s13+$0x14388];
	v2 =	vadd.f32 v56, v2  }
0x2cc: {  	v62 =	vld [tilespmem:s13+$0x16388]  }
0x2cd: {  	v4 =	vadd.f32 v9, v4;
	v63 =	vld [tilespmem:s13+$0x14398];
	v2 =	vmax.f32 v2, $0.0e+00  }
0x2ce: {  	v8 =	vadd.f32 v10, v8;
	[tilespmem:s13+$0x1A358] =	vst v2;
	v2 =	vld [tilespmem:s13+$0x16398]  }
0x2cf: {  	v4 =	vmax.f32 v4, $0.0e+00;
	v5 =	vadd.f32 v7, v55  }
0x2d0: {  	[tilespmem:s13+$0x1A3A8] =	vst v4;
	v58 =	vmax.f32 v8, $0.0e+00;
	v3 =	vadd.f32 v57, v3  }
0x2d1: {  	[tilespmem:s13+$0x1A338] =	vst v58;
	v5 =	vmax.f32 v5, $0.0e+00;
	v4 =	vadd.f32 v60, v59  }
0x2d2: {  	[tilespmem:s13+$0x1A348] =	vst v5;
	v5 =	vadd.f32 v62, v61;
	v3 =	vmax.f32 v3, $0.0e+00  }
0x2d3: {  	[tilespmem:s13+$0x1A368] =	vst v3;
	v3 =	vmax.f32 v4, $0.0e+00;
	v2 =	vadd.f32 v2, v63  }
0x2d4: {  	[tilespmem:s13+$0x1A378] =	vst v3;
	v3 =	vmax.f32 v5, $0.0e+00  }
0x2d5: {  	[tilespmem:s13+$0x1A388] =	vst v3;
	v2 =	vmax.f32 v2, $0.0e+00  }
0x2d6: {  	[tilespmem:s13+$0x1A398] =	vst v2  }
0x2d7: {  	[spmem:s3] =	stream.indirect.scatter.add.f32 [tilespmem:s8], [sflag:$0x3], $0x80, s9, s0, $0xb8;
	[tilespmem:$0x1C7B8] =	vst v63  }
0x2d8: {  	_ = 	snop  }
0x2d9: {  	[spmem:s4] =	stream.indirect.scatter.add.f32 [tilespmem:s5], [sflag:$0x5], $0x1, s9, s0, $0xb8;
	[tilespmem:$0x1C7B8] =	vst v63  }
0x2da: {  	_ =	swait.ge [sflag:s10], $0x2000  }
0x2db: {  	[sflag:s10] =	ssyncset.done $0x0  }
0x2dc: {  	[sflag:s10] =	ssyncadd.s32 $0xFFFFE000  }
0x2dd: {  	_ =	swait.ge [sflag:s11], $0x40  }
0x2de: {  	[sflag:s11] =	ssyncset.done $0x0  }
0x2df: {  	s22 =	sadd.s32 $0x1, s22;
	[sflag:s11] =	ssyncadd.s32 $0xFFFFFFC0  }
0x2e0: {  	p2 =	sne.s32 s22, $0x14;
	_ =	swait.ge [sflag:s18], $0x2000  }
.Ltmp14:
0x2e1: {  	[sflag:s18] =	ssyncset.done $0x0;
	(pc) =	sbr.rel @p2 .LBB2_9-.Ltmp14, $4  }
0x2e2: {  	[sflag:s18] =	ssyncadd.s32 $0xFFFFE000  }
0x2e3: {  	_ =	swait.ge [sflag:s20], $0x40  }
0x2e4: {  	[sflag:s20] =	ssyncset.done $0x0  }
0x2e5: {  	[sflag:s20] =	ssyncadd.s32 $0xFFFFFFC0  }
.Ltmp15:
0x2e6: {  	(pc) =	sbr.rel @p0 .LBB2_28-.Ltmp15, $2  }
0x2e7: {  	[bflag:$0x0] =	sbarrier.arrive $0xFFFF  }
0x2e8: {  	s22 =	sld [smem:$0x7F3];
	_ =	sdelay $0x2  }
0x2e9: {  	s6 =	rddreg [dreg:$0xe]  }
0x2ea: {  	[tilespmem:s31], [sflag:$0x6] =	stream.linear.gather [spmem:s6], $0x4000, $0x38;
	[tilespmem:$0x1C7B8] =	vst v63  }
0x2eb: {  	_ =	swait.ge [sflag:s24], $0x4000  }
0x2ec: {  	[sflag:s24] =	ssyncset.done $0x0  }
0x2ed: {  	s13 =	simm.s32 $0x0;
	s14 =	rddreg [dreg:$0x5];
	[sflag:s24] =	ssyncadd.s32 $0xFFFFC000  }
0x2ee: {  	[hbm4b:s14+s13] =	stream.linear.scatter [tilespmem:s31], [sflag:$0x6], $0x4000, $0x38;
	[tilespmem:$0x1C7B8] =	vst v63  }
0x2ef: {  	_ =	swait.ge [sflag:s24], $0x4000  }
0x2f0: {  	[sflag:s24] =	ssyncset.done $0x0  }
0x2f1: {  	s29 =	rddreg [dreg:$0x10];
	[sflag:s24] =	ssyncadd.s32 $0xFFFFC000  }
0x2f2: {  	[tilespmem:s31], [sflag:$0x6] =	stream.linear.gather [spmem:s29], $0x4000, $0x38;
	[tilespmem:$0x1C7B8] =	vst v63  }
0x2f3: {  	_ =	swait.ge [sflag:s24], $0x4000  }
0x2f4: {  	[sflag:s24] =	ssyncset.done $0x0  }
0x2f5: {  	s14 =	rddreg [dreg:$0x6];
	[sflag:s24] =	ssyncadd.s32 $0xFFFFC000  }
0x2f6: {  	[hbm4b:s14+s13] =	stream.linear.scatter [tilespmem:s31], [sflag:$0x6], $0x4000, $0x38;
	[tilespmem:$0x1C7B8] =	vst v63  }
0x2f7: {  	_ =	swait.ge [sflag:s24], $0x4000  }
0x2f8: {  	[sflag:s24] =	ssyncset.done $0x0  }
0x2f9: {  	s29 =	rddreg [dreg:$0x11];
	[sflag:s24] =	ssyncadd.s32 $0xFFFFC000  }
0x2fa: {  	[tilespmem:s31], [sflag:$0x6] =	stream.linear.gather [spmem:s29], $0x4000, $0x38;
	[tilespmem:$0x1C7B8] =	vst v63  }
0x2fb: {  	_ =	swait.ge [sflag:s24], $0x4000  }
0x2fc: {  	[sflag:s24] =	ssyncset.done $0x0  }
0x2fd: {  	s14 =	rddreg [dreg:$0x7];
	[sflag:s24] =	ssyncadd.s32 $0xFFFFC000  }
0x2fe: {  	[hbm4b:s14+s13] =	stream.linear.scatter [tilespmem:s31], [sflag:$0x6], $0x4000, $0x38;
	[tilespmem:$0x1C7B8] =	vst v63  }
0x2ff: {  	_ =	swait.ge [sflag:s24], $0x4000  }
0x300: {  	[sflag:s24] =	ssyncset.done $0x0  }
0x301: {  	s29 =	rddreg [dreg:$0x12];
	[sflag:s24] =	ssyncadd.s32 $0xFFFFC000  }
0x302: {  	[tilespmem:s31], [sflag:$0x6] =	stream.linear.gather [spmem:s29], $0x4000, $0x38;
	[tilespmem:$0x1C7B8] =	vst v63  }
0x303: {  	_ =	swait.ge [sflag:s24], $0x4000  }
0x304: {  	[sflag:s24] =	ssyncset.done $0x0  }
0x305: {  	s14 =	rddreg [dreg:$0x8];
	[sflag:s24] =	ssyncadd.s32 $0xFFFFC000  }
0x306: {  	[hbm4b:s14+s13] =	stream.linear.scatter [tilespmem:s31], [sflag:$0x6], $0x4000, $0x38;
	[tilespmem:$0x1C7B8] =	vst v63  }
0x307: {  	_ =	swait.ge [sflag:s24], $0x4000  }
0x308: {  	[sflag:s24] =	ssyncset.done $0x0  }
0x309: {  	s29 =	rddreg [dreg:$0x13];
	[sflag:s24] =	ssyncadd.s32 $0xFFFFC000  }
0x30a: {  	[tilespmem:s31], [sflag:$0x6] =	stream.linear.gather [spmem:s29], $0x4000, $0x38;
	[tilespmem:$0x1C7B8] =	vst v63  }
0x30b: {  	_ =	swait.ge [sflag:s24], $0x4000  }
0x30c: {  	[sflag:s24] =	ssyncset.done $0x0  }
0x30d: {  	s14 =	rddreg [dreg:$0x9];
	[sflag:s24] =	ssyncadd.s32 $0xFFFFC000  }
0x30e: {  	[hbm4b:s14+s13] =	stream.linear.scatter [tilespmem:s31], [sflag:$0x6], $0x4000, $0x38;
	[tilespmem:$0x1C7B8] =	vst v63  }
0x30f: {  	_ =	swait.ge [sflag:s24], $0x4000  }
0x310: {  	[sflag:s24] =	ssyncset.done $0x0  }
0x311: {  	s29 =	rddreg [dreg:$0x14];
	[sflag:s24] =	ssyncadd.s32 $0xFFFFC000  }
0x312: {  	[tilespmem:s31], [sflag:$0x6] =	stream.linear.gather [spmem:s29], $0x4000, $0x38;
	[tilespmem:$0x1C7B8] =	vst v63  }
0x313: {  	_ =	swait.ge [sflag:s24], $0x4000  }
0x314: {  	[sflag:s24] =	ssyncset.done $0x0  }
0x315: {  	s14 =	rddreg [dreg:$0xa];
	[sflag:s24] =	ssyncadd.s32 $0xFFFFC000  }
0x316: {  	[hbm4b:s14+s13] =	stream.linear.scatter [tilespmem:s31], [sflag:$0x6], $0x4000, $0x38;
	[tilespmem:$0x1C7B8] =	vst v63  }
0x317: {  	_ =	swait.ge [sflag:s24], $0x4000  }
0x318: {  	[sflag:s24] =	ssyncset.done $0x0  }
0x319: {  	s29 =	rddreg [dreg:$0x15];
	[sflag:s24] =	ssyncadd.s32 $0xFFFFC000  }
0x31a: {  	[tilespmem:s31], [sflag:$0x6] =	stream.linear.gather [spmem:s29], $0x4000, $0x38;
	[tilespmem:$0x1C7B8] =	vst v63  }
0x31b: {  	_ =	swait.ge [sflag:s24], $0x4000  }
0x31c: {  	[sflag:s24] =	ssyncset.done $0x0  }
0x31d: {  	s14 =	rddreg [dreg:$0xb];
	[sflag:s24] =	ssyncadd.s32 $0xFFFFC000  }
0x31e: {  	[hbm4b:s14+s13] =	stream.linear.scatter [tilespmem:s31], [sflag:$0x6], $0x4000, $0x38;
	[tilespmem:$0x1C7B8] =	vst v63  }
0x31f: {  	_ =	swait.ge [sflag:s24], $0x4000  }
0x320: {  	[sflag:s24] =	ssyncset.done $0x0  }
0x321: {  	s29 =	rddreg [dreg:$0x16];
	[sflag:s24] =	ssyncadd.s32 $0xFFFFC000  }
0x322: {  	[tilespmem:s31], [sflag:$0x6] =	stream.linear.gather [spmem:s29], $0x3400, $0x38;
	[tilespmem:$0x1C7B8] =	vst v63  }
0x323: {  	_ =	swait.ge [sflag:s24], $0x3400  }
0x324: {  	[sflag:s24] =	ssyncset.done $0x0  }
0x325: {  	s14 =	rddreg [dreg:$0xc];
	[sflag:s24] =	ssyncadd.s32 $0xFFFFCC00  }
0x326: {  	[hbm4b:s14+s13] =	stream.linear.scatter [tilespmem:s31], [sflag:$0x6], $0x3400, $0x38;
	[tilespmem:$0x1C7B8] =	vst v63  }
0x327: {  	_ =	swait.ge [sflag:s24], $0x3400  }
0x328: {  	[sflag:s24] =	ssyncset.done $0x0  }
0x329: {  	s14 =	simm.s32 $0x1C3B8;
	s29 =	rddreg [dreg:$0x17];
	[sflag:s24] =	ssyncadd.s32 $0xFFFFCC00  }
0x32a: {  	[tilespmem:s14], [sflag:$0x6] =	stream.linear.gather [spmem:s29], $0x3E8, $0x38;
	[tilespmem:$0x1C7B8] =	vst v63  }
0x32b: {  	_ =	swait.ge [sflag:s24], $0x3E8  }
0x32c: {  	[sflag:s24] =	ssyncset.done $0x0  }
.Ltmp16:
0x32d: {  	s29 =	rddreg [dreg:$0xd];
	[sflag:s24] =	ssyncadd.s32 $0xFFFFFC18;
	(pc) =	sbr.rel .LBB2_28-.Ltmp16, $4  }
0x32e: {  	[hbm4b:s29+s13] =	stream.linear.scatter [tilespmem:s14], [sflag:$0x6], $0x3E8, $0x38;
	[tilespmem:$0x1C7B8] =	vst v63  }
0x32f: {  	_ =	swait.ge [sflag:s24], $0x3E8  }
0x330: {  	[sflag:s24] =	ssyncset.done $0x0  }
0x331: {  	[sflag:s24] =	ssyncadd.s32 $0xFFFFFC18  }
.LBB2_29:
0x332: {  	_ =	sfence.sel $0x180000  }
0x333: {  	[bflag:$0x0] =	sbarrier.arrive $0xFFFF  }
0x334: {  	_ =	strace $0x90000047  }
0x335: {  	s0 =	stileid.u32;
	[bflag:$0x2] =	sbarrier.arrive $0xFFFF  }
0x336: {  	p0 =	sne.s32 s0, $0x0;
	s0 =	rddreg [dreg:$0x4]  }
0x337: {  	s0 =	sadd.s32 @!p0 $0x100000, s0  }
0x338: {  	[sflag:s0] =	ssyncadd.tile.s32 @!p0 $0x1;
	_ =	shalt  }
.Lfunc_end2:
_tile_overlayer_lowered:
.L_overlay_start_2:
0x339: {  	(tag) =	ssettag $0x2  }
0x33a: {  	s0 =	rddreg [dreg:$0x0];
	s2 =	stileid.u32  }
0x33b: {  	s1 =	rddreg [dreg:$0x1];
	p0 =	sne.s32 s2, $0x0  }
0x33c: {  	s3 =	rddreg [dreg:$0x2];
	[bflag:$0x3] =	sbarrier.arrive $0xFFFF;
	s2 =	simm.s32 @!p0 $0x1C06  }
0x33d: {  	[timem:s3], [sflag:s2] =	dma.local @!p0 [hbm:s0], s1  }
0x33e: {  	s0 =	simm.s32 @!p0 $0x6  }
0x33f: {  	_ =	swait.ge @!p0 [sflag:s0], s1  }
0x340: {  	s1 =	ssub.s32 @!p0 $0x0, s1;
	[sflag:s0] =	ssyncset.done @!p0 $0x0  }
0x341: {  	[sflag:s0] =	ssyncadd.s32 @!p0 s1  }
0x342: {  	[bflag:$0x3] =	sbarrier.arrive $0xFFFF  }
0x343: {  	_ =	shalt  }

</sc_bundles>
